<compile_context>
chip_gen: v7x
topology: tpu7x:2x2x1
jax: 0.10.2.dev20260603
libtpu: 0.0.44.dev20260713+nightly
codegen_flags: <defaults>
</compile_context>

<pallas_src>
import functools

import jax
import jax.numpy as jnp
from jax import lax
from jax.experimental import pallas as pl
from jax.experimental.pallas import tpu as pltpu
from jax.experimental.pallas import tpu_sc as plsc

_NORM = 11.0
_INV_NORM = 1.0 / 11.0
_LN2 = 0.6931471805599453

_W = 512
_STRIP = 8 * _W
_NW = 32
_TOTAL = 2 * 1 * 16 * 512 * 512
_N_STRIPS = _TOTAL // _STRIP
_STRIPS_PER_W = _N_STRIPS // _NW
_BLOCKS_PER_STRIP = _W // 8


def _merge16(a, b):
    rb = jnp.flip(b)
    lo = jnp.minimum(a, rb)
    hi = jnp.maximum(a, rb)
    return jnp.sort(lo), jnp.sort(hi)


def _sort64(v0, v1, v2, v3):
    s0, s1, s2, s3 = jnp.sort(v0), jnp.sort(v1), jnp.sort(v2), jnp.sort(v3)
    a0, a1 = _merge16(s0, s1)
    b0, b1 = _merge16(s2, s3)
    rb0, rb1 = jnp.flip(b1), jnp.flip(b0)
    l0 = jnp.minimum(a0, rb0)
    l1 = jnp.minimum(a1, rb1)
    h0 = jnp.maximum(a0, rb0)
    h1 = jnp.maximum(a1, rb1)
    m0 = jnp.minimum(l0, l1)
    m1 = jnp.maximum(l0, l1)
    m2 = jnp.minimum(h0, h1)
    m3 = jnp.maximum(h0, h1)
    return jnp.sort(m0), jnp.sort(m1), jnp.sort(m2), jnp.sort(m3)


def _log1p_over_norm(q):
    y = q + 1.0
    b = lax.bitcast_convert_type(y, jnp.int32)
    e = (b >> 23) - 127
    m = lax.bitcast_convert_type((b & 0x7FFFFF) | 0x3F800000, jnp.float32)
    ef = e.astype(jnp.float32)
    z = (m - 1.0) / (m + 1.0)
    z2 = z * z
    p = (1.0 / 7.0 * z2 + 0.2) * z2 + 1.0 / 3.0
    p = p * z2 + 1.0
    return (ef * _LN2 + 2.0 * z * p) * _INV_NORM


def _expm1_norm(v):
    return jnp.exp(v * _NORM) - 1.0


def _bcast_lane(x, idx):
    return lax.gather(
        x, idx[:, None],
        dimension_numbers=lax.GatherDimensionNumbers(
            offset_dims=(), collapsed_slice_dims=(0,), start_index_map=(0,)),
        slice_sizes=(1,),
        mode=lax.GatherScatterMode.PROMISE_IN_BOUNDS)


@functools.partial(
    pl.kernel,
    out_type=jax.ShapeDtypeStruct((_TOTAL,), jnp.float32),
    mesh=plsc.VectorSubcoreMesh(core_axis_name="c", subcore_axis_name="s"),
    scratch_types=[
        pltpu.VMEM((_STRIP,), jnp.float32),
        pltpu.VMEM((_STRIP,), jnp.float32),
        pltpu.VMEM((_STRIP,), jnp.float32),
        pltpu.VMEM((_STRIP,), jnp.float32),
        pltpu.VMEM((_STRIP,), jnp.float32),
        pltpu.VMEM((_STRIP,), jnp.float32),
        pltpu.SemaphoreType.DMA,
        pltpu.SemaphoreType.DMA,
        pltpu.SemaphoreType.DMA,
        pltpu.SemaphoreType.DMA,
        pltpu.SemaphoreType.DMA,
        pltpu.SemaphoreType.DMA,
        pltpu.VMEM((_STRIP,), jnp.float32),
        pltpu.VMEM((16 * _BLOCKS_PER_STRIP,), jnp.float32),
    ],
    compiler_params=pltpu.CompilerParams(needs_layout_passes=False),
)
def _wf_kernel(pred_hbm, inp_hbm, out_hbm,
               pred_v0, inp_v0, out_v0, pred_v1, inp_v1, out_v1,
               sem_p0, sem_i0, sem_o0, sem_p1, sem_i1, sem_o1,
               p_buf, th_buf):
    nc = 2
    wid = lax.axis_index("s") * nc + lax.axis_index("c")
    base_off = wid * _STRIPS_PER_W * _STRIP
    io = lax.iota(jnp.int32, 16)
    row = io >> 3
    col = io & 7
    base = [(2 * k + row) * 128 + col for k in range(4)]
    kf = (io + 1).astype(jnp.float32)
    inv_k = [1.0 / (kf + (16.0 * j)) for j in range(4)]
    lane15 = jnp.full((16,), 15, jnp.int32)

    slots = (
        (pred_v0, inp_v0, out_v0, sem_p0, sem_i0, sem_o0),
        (pred_v1, inp_v1, out_v1, sem_p1, sem_i1, sem_o1),
    )

    def start_in(s, slot):
        pred_v, inp_v, _, sem_p, sem_i, _ = slot
        off = base_off + s * _STRIP
        pltpu.async_copy(pred_hbm.at[pl.ds(off, _STRIP)], pred_v, sem_p)
        pltpu.async_copy(inp_hbm.at[pl.ds(off, _STRIP)], inp_v, sem_i)

    def wait_in(s, slot):
        pred_v, inp_v, _, sem_p, sem_i, _ = slot
        off = base_off + s * _STRIP
        pltpu.make_async_copy(pred_hbm.at[pl.ds(off, _STRIP)], pred_v, sem_p).wait()
        pltpu.make_async_copy(inp_hbm.at[pl.ds(off, _STRIP)], inp_v, sem_i).wait()

    def wait_out(s, slot):
        _, _, out_v, _, _, sem_o = slot
        off = base_off + s * _STRIP
        pltpu.make_async_copy(out_v, out_hbm.at[pl.ds(off, _STRIP)], sem_o).wait()

    def compute(slot):
        pred_v, inp_v, out_v = slot[0], slot[1], slot[2]

        @plsc.parallel_loop(0, _BLOCKS_PER_STRIP, 1, unroll=3)
        def blk(bi):
            off_b = ((bi >> 4) << 10) + ((bi & 15) << 3)
            idx = [base[k] + off_b for k in range(4)]
            pv = [_expm1_norm(plsc.load_gather(pred_v, [idx[k]])) for k in range(4)]
            for k in range(4):
                p_buf[pl.ds(bi * 64 + k * 16, 16)] = pv[k]
            iv = [_expm1_norm(plsc.load_gather(inp_v, [idx[k]])) for k in range(4)]
            S = _bcast_lane(plsc.cumsum((iv[0] + iv[1]) + (iv[2] + iv[3])),
                            lane15)
            m0, m1, m2, m3 = _sort64(pv[0], pv[1], pv[2], pv[3])
            u = [jnp.flip(m3), jnp.flip(m2), jnp.flip(m1), jnp.flip(m0)]
            acc_m = jnp.zeros((16,), jnp.float32)
            rho_i = jnp.zeros((16,), jnp.int32)
            carry_v = jnp.zeros((16,), jnp.float32)
            for j in range(4):
                cj = plsc.cumsum(u[j]) + carry_v
                carry_v = _bcast_lane(cj, lane15)
                t = (cj - S) * inv_k[j]
                mask = u[j] > t
                acc_m = acc_m + jnp.where(mask, u[j], 0.0)
                rho_i = rho_i + plsc.all_reduce_population_count(mask)
            msum = _bcast_lane(plsc.cumsum(acc_m), lane15)
            rho = rho_i.astype(jnp.float32)
            maxp = _bcast_lane(m3, lane15)
            theta = jnp.where(rho > 0.5, (msum - S) / jnp.maximum(rho, 1.0),
                              maxp - S)
            th_buf[pl.ds(bi * 16, 16)] = theta

        @plsc.parallel_loop(0, _BLOCKS_PER_STRIP, 1, unroll=4)
        def blk_out(bi):
            off_b = ((bi >> 4) << 10) + ((bi & 15) << 3)
            theta = th_buf[pl.ds(bi * 16, 16)]
            for k in range(4):
                pv = p_buf[pl.ds(bi * 64 + k * 16, 16)]
                q = jnp.maximum(pv - theta, 0.0)
                plsc.store_scatter(out_v, [base[k] + off_b], _log1p_over_norm(q))

    def start_out(s, slot):
        _, _, out_v, _, _, sem_o = slot
        off = base_off + s * _STRIP
        pltpu.async_copy(out_v, out_hbm.at[pl.ds(off, _STRIP)], sem_o)

    start_in(0, slots[0])

    def pair_body(ii, carry):
        s0 = ii * 2
        start_in(s0 + 1, slots[1])
        wait_in(s0, slots[0])

        @pl.when(ii > 0)
        def _():
            wait_out(s0 - 2, slots[0])

        compute(slots[0])
        start_out(s0, slots[0])

        @pl.when(ii < _STRIPS_PER_W // 2 - 1)
        def _():
            start_in(s0 + 2, slots[0])

        wait_in(s0 + 1, slots[1])

        @pl.when(ii > 0)
        def _():
            wait_out(s0 - 1, slots[1])

        compute(slots[1])
        start_out(s0 + 1, slots[1])
        return carry

    lax.fori_loop(0, _STRIPS_PER_W // 2, pair_body, 0, unroll=False)
    wait_out(_STRIPS_PER_W - 2, slots[0])
    wait_out(_STRIPS_PER_W - 1, slots[1])


def _to_tile_order(x):
    return (x.reshape(32, 64, 8, 4, 128)
             .transpose(0, 1, 3, 2, 4)
             .reshape(-1))


def kernel(pred_log_norm, input_mosaic_log_norm):
    shape = pred_log_norm.shape
    pf = _to_tile_order(pred_log_norm)
    nf = _to_tile_order(input_mosaic_log_norm)
    out = _wf_kernel(pf, nf)
    return (out.reshape(32, 64, 4, 8, 128)
               .transpose(0, 1, 3, 2, 4)
               .reshape(shape))

# --- scband reference (transcript-rebuilt; emitter-appended) ---
"""Pipeline reference for scband-physics-constraint-layer-9053791060077 (READ-ONLY COPY).

The authoritative reference and input builder live on the scoring server;
editing this copy changes nothing except your own understanding.
"""

import jax, jax.numpy as jnp
import numpy as np

NORM_CONST = 11.0
SCALE = 8

def setup_inputs(seed: int = 0) -> dict:
    key = jax.random.key(seed)
    k1, k2 = jax.random.split(key)
    shape = (2, 1, 16, 512, 512)
    pred_log_norm = jax.random.uniform(k1, shape, dtype=jnp.float32)
    input_mosaic_log_norm = jax.random.uniform(k2, shape, dtype=jnp.float32)
    return {"pred_log_norm": pred_log_norm, "input_mosaic_log_norm": input_mosaic_log_norm}

def reference(pred_log_norm, input_mosaic_log_norm):
    s = SCALE
    norm_const = NORM_CONST
    pred_linear = jnp.clip(jnp.expm1(pred_log_norm * norm_const), 0.0, None)
    input_linear = jnp.clip(jnp.expm1(input_mosaic_log_norm * norm_const), 0.0, None)
    B, C, T, H, W = pred_linear.shape
    h_grid, w_grid = H // s, W // s
    # avg_pool3d with kernel (1, s, s) stride (1, s, s)
    input_down = input_linear.reshape(B, C, T, h_grid, s, w_grid, s).mean(axis=(4, 6))
    n = s * s
    S = input_down * n
    p_blocks = pred_linear.reshape(B, C, T, h_grid, s, w_grid, s).transpose(0, 1, 2, 3, 5, 4, 6).reshape(B, C, T, h_grid, w_grid, n)
    p_flat = p_blocks.reshape(-1, n)
    S_flat = S.reshape(-1, 1)
    u = jnp.flip(jnp.sort(p_flat, axis=-1), axis=-1)  # descending sort
    cssv = jnp.cumsum(u, axis=-1)
    k = jnp.arange(1, n + 1, dtype=p_flat.dtype).reshape(1, n)
    t = (cssv - S_flat) / k
    mask = u > t
    rho = jnp.clip(mask.sum(axis=-1, keepdims=True), 1, None)
    theta = jnp.take_along_axis(t, rho - 1, axis=-1)
    q_flat = jnp.clip(p_flat - theta, 0.0, None)
    q_blocks = q_flat.reshape(B, C, T, h_grid, w_grid, n)
    q_out = q_blocks.reshape(B, C, T, h_grid, w_grid, s, s).transpose(0, 1, 2, 3, 5, 4, 6).reshape(B, C, T, H, W)
    corrected_log_norm = jnp.log1p(q_out) / norm_const
    return corrected_log_norm

if __name__ == "__main__":
    import jax
    _d = setup_inputs()
    print(jax.jit(kernel)(*tuple(_d.values())))

</pallas_src>

<mosaic_0001>
#map = affine_map<(d0, d1) -> (0)>
module attributes {stable_mosaic.version = 14 : i64} {
  func.func @_wf_kernel(%arg0: i32, %arg1: i32, %arg2: memref<8388608xf32, #tpu.memory_space<hbm>>, %arg3: memref<8388608xf32, #tpu.memory_space<hbm>>, %arg4: memref<8388608xf32, #tpu.memory_space<hbm>>, %arg5: memref<4096xf32, #tpu.memory_space<vmem>>, %arg6: memref<4096xf32, #tpu.memory_space<vmem>>, %arg7: memref<4096xf32, #tpu.memory_space<vmem>>, %arg8: memref<4096xf32, #tpu.memory_space<vmem>>, %arg9: memref<4096xf32, #tpu.memory_space<vmem>>, %arg10: memref<4096xf32, #tpu.memory_space<vmem>>, %arg11: memref<!tpu.dma_semaphore, #tpu.memory_space<semaphore_mem>>, %arg12: memref<!tpu.dma_semaphore, #tpu.memory_space<semaphore_mem>>, %arg13: memref<!tpu.dma_semaphore, #tpu.memory_space<semaphore_mem>>, %arg14: memref<!tpu.dma_semaphore, #tpu.memory_space<semaphore_mem>>, %arg15: memref<!tpu.dma_semaphore, #tpu.memory_space<semaphore_mem>>, %arg16: memref<!tpu.dma_semaphore, #tpu.memory_space<semaphore_mem>>, %arg17: memref<4096xf32, #tpu.memory_space<vmem>>, %arg18: memref<1024xf32, #tpu.memory_space<vmem>>) attributes {dimension_semantics = [#tpu.dimension_semantics<core_parallel>, #tpu.dimension_semantics<subcore_parallel>], iteration_bounds = array<i64: 2, 16>, scalar_prefetch = 0 : i64, scratch_operands = 14 : i64, tpu.core_type = #tpu.core_type<sc_vector_subcore>, window_params = [{transform_indices = #map}, {transform_indices = #map}, {transform_indices = #map}]} {
    %mul3A = arith.constant 2 : i32
    %mul3A_0 = arith.muli %arg1, %mul3A : i32
    %add3A = arith.addi %mul3A_0, %arg0 : i32
    %mul3A_1 = arith.constant 64 : i32
    %mul3A_2 = arith.muli %add3A, %mul3A_1 : i32
    %mul3A_3 = arith.constant 4096 : i32
    %mul3A_4 = arith.muli %mul3A_2, %mul3A_3 : i32
    %iota3A = tpu.iota {dimensions = array<i32: 0>} : vector<16xi32>
    %shift_right_arithmetic3A = arith.constant 3 : i32
    %shift_right_arithmetic3A_5 = vector.broadcast %shift_right_arithmetic3A : i32 to vector<16xi32>
    %shift_right_arithmetic3A_6 = arith.shrsi %iota3A, %shift_right_arithmetic3A_5 : vector<16xi32>
    %and3A = arith.constant 7 : i32
    %and3A_7 = vector.broadcast %and3A : i32 to vector<16xi32>
    %and3A_8 = arith.andi %iota3A, %and3A_7 : vector<16xi32>
    %add3A_9 = arith.constant 0 : i32
    %add3A_10 = vector.broadcast %add3A_9 : i32 to vector<16xi32>
    %add3A_11 = arith.addi %add3A_10, %shift_right_arithmetic3A_6 : vector<16xi32>
    %mul3A_12 = arith.constant 128 : i32
    %mul3A_13 = vector.broadcast %mul3A_12 : i32 to vector<16xi32>
    %mul3A_14 = arith.muli %add3A_11, %mul3A_13 : vector<16xi32>
    %add3A_15 = arith.addi %mul3A_14, %and3A_8 : vector<16xi32>
    %add3A_16 = arith.constant 2 : i32
    %add3A_17 = vector.broadcast %add3A_16 : i32 to vector<16xi32>
    %add3A_18 = arith.addi %add3A_17, %shift_right_arithmetic3A_6 : vector<16xi32>
    %mul3A_19 = arith.constant 128 : i32
    %mul3A_20 = vector.broadcast %mul3A_19 : i32 to vector<16xi32>
    %mul3A_21 = arith.muli %add3A_18, %mul3A_20 : vector<16xi32>
    %add3A_22 = arith.addi %mul3A_21, %and3A_8 : vector<16xi32>
    %add3A_23 = arith.constant 4 : i32
    %add3A_24 = vector.broadcast %add3A_23 : i32 to vector<16xi32>
    %add3A_25 = arith.addi %add3A_24, %shift_right_arithmetic3A_6 : vector<16xi32>
    %mul3A_26 = arith.constant 128 : i32
    %mul3A_27 = vector.broadcast %mul3A_26 : i32 to vector<16xi32>
    %mul3A_28 = arith.muli %add3A_25, %mul3A_27 : vector<16xi32>
    %add3A_29 = arith.addi %mul3A_28, %and3A_8 : vector<16xi32>
    %add3A_30 = arith.constant 6 : i32
    %add3A_31 = vector.broadcast %add3A_30 : i32 to vector<16xi32>
    %add3A_32 = arith.addi %add3A_31, %shift_right_arithmetic3A_6 : vector<16xi32>
    %mul3A_33 = arith.constant 128 : i32
    %mul3A_34 = vector.broadcast %mul3A_33 : i32 to vector<16xi32>
    %mul3A_35 = arith.muli %add3A_32, %mul3A_34 : vector<16xi32>
    %add3A_36 = arith.addi %mul3A_35, %and3A_8 : vector<16xi32>
    %add3A_37 = arith.constant 1 : i32
    %add3A_38 = vector.broadcast %add3A_37 : i32 to vector<16xi32>
    %add3A_39 = arith.addi %iota3A, %add3A_38 : vector<16xi32>
    %convert_element_type3A = arith.sitofp %add3A_39 : vector<16xi32> to vector<16xf32>
    %add3A_40 = arith.constant 0.000000e+00 : f32
    %add3A_41 = vector.broadcast %add3A_40 : f32 to vector<16xf32>
    %add3A_42 = arith.addf %convert_element_type3A, %add3A_41 : vector<16xf32>
    %div3A = arith.constant 1.000000e+00 : f32
    %div3A_43 = vector.broadcast %div3A : f32 to vector<16xf32>
    %div3A_44 = arith.divf %div3A_43, %add3A_42 : vector<16xf32>
    %add3A_45 = arith.constant 1.600000e+01 : f32
    %add3A_46 = vector.broadcast %add3A_45 : f32 to vector<16xf32>
    %add3A_47 = arith.addf %convert_element_type3A, %add3A_46 : vector<16xf32>
    %div3A_48 = arith.constant 1.000000e+00 : f32
    %div3A_49 = vector.broadcast %div3A_48 : f32 to vector<16xf32>
    %div3A_50 = arith.divf %div3A_49, %add3A_47 : vector<16xf32>
    %add3A_51 = arith.constant 3.200000e+01 : f32
    %add3A_52 = vector.broadcast %add3A_51 : f32 to vector<16xf32>
    %add3A_53 = arith.addf %convert_element_type3A, %add3A_52 : vector<16xf32>
    %div3A_54 = arith.constant 1.000000e+00 : f32
    %div3A_55 = vector.broadcast %div3A_54 : f32 to vector<16xf32>
    %div3A_56 = arith.divf %div3A_55, %add3A_53 : vector<16xf32>
    %add3A_57 = arith.constant 4.800000e+01 : f32
    %add3A_58 = vector.broadcast %add3A_57 : f32 to vector<16xf32>
    %add3A_59 = arith.addf %convert_element_type3A, %add3A_58 : vector<16xf32>
    %div3A_60 = arith.constant 1.000000e+00 : f32
    %div3A_61 = vector.broadcast %div3A_60 : f32 to vector<16xf32>
    %div3A_62 = arith.divf %div3A_61, %add3A_59 : vector<16xf32>
    %broadcast_in_dim3A = arith.constant 15 : i32
    %broadcast_in_dim3A_63 = vector.broadcast %broadcast_in_dim3A : i32 to vector<16xi32>
    %add3A_64 = arith.constant 0 : i32
    %add3A_65 = arith.addi %mul3A_4, %add3A_64 : i32
    %dma_start3A = tpu.memref_slice %arg2[%add3A_65] : memref<8388608xf32, #tpu.memory_space<hbm>> -> memref<4096xf32, #tpu.memory_space<hbm>>
    %dma_start3A_66 = tpu.memref_slice %arg2[%add3A_65] : memref<8388608xf32, #tpu.memory_space<hbm>> -> memref<4096xf32, #tpu.memory_space<hbm>>
    tpu.enqueue_dma source(%dma_start3A_66 : memref<4096xf32, #tpu.memory_space<hbm>>) target(%arg5 : memref<4096xf32, #tpu.memory_space<vmem>>) target_semaphore(%arg11 : memref<!tpu.dma_semaphore, #tpu.memory_space<semaphore_mem>>)
    %dma_start3A_67 = tpu.memref_slice %arg3[%add3A_65] : memref<8388608xf32, #tpu.memory_space<hbm>> -> memref<4096xf32, #tpu.memory_space<hbm>>
    %dma_start3A_68 = tpu.memref_slice %arg3[%add3A_65] : memref<8388608xf32, #tpu.memory_space<hbm>> -> memref<4096xf32, #tpu.memory_space<hbm>>
    tpu.enqueue_dma source(%dma_start3A_68 : memref<4096xf32, #tpu.memory_space<hbm>>) target(%arg6 : memref<4096xf32, #tpu.memory_space<vmem>>) target_semaphore(%arg12 : memref<!tpu.dma_semaphore, #tpu.memory_space<semaphore_mem>>)
    %scan3A = arith.constant 0 : i32
    %scan3A_69 = arith.constant 0 : i32
    %scan3A_70 = arith.constant 32 : i32
    %scan3A_71 = arith.addi %scan3A_69, %scan3A_70 : i32
    %scan3A_72 = arith.constant 1 : i32
    scf.for %scan3A_81 = %scan3A_69 to %scan3A_71 step %scan3A_72  : i32 {
      %mul3A_82 = arith.constant 2 : i32
      %mul3A_83 = arith.muli %scan3A_81, %mul3A_82 : i32
      %add3A_84 = arith.constant 1 : i32
      %add3A_85 = arith.addi %mul3A_83, %add3A_84 : i32
      %mul3A_86 = arith.constant 4096 : i32
      %mul3A_87 = arith.muli %add3A_85, %mul3A_86 : i32
      %add3A_88 = arith.addi %mul3A_4, %mul3A_87 : i32
      %dma_start3A_89 = tpu.memref_slice %arg2[%add3A_88] : memref<8388608xf32, #tpu.memory_space<hbm>> -> memref<4096xf32, #tpu.memory_space<hbm>>
      %dma_start3A_90 = tpu.memref_slice %arg2[%add3A_88] : memref<8388608xf32, #tpu.memory_space<hbm>> -> memref<4096xf32, #tpu.memory_space<hbm>>
      tpu.enqueue_dma source(%dma_start3A_90 : memref<4096xf32, #tpu.memory_space<hbm>>) target(%arg8 : memref<4096xf32, #tpu.memory_space<vmem>>) target_semaphore(%arg14 : memref<!tpu.dma_semaphore, #tpu.memory_space<semaphore_mem>>)
      %dma_start3A_91 = tpu.memref_slice %arg3[%add3A_88] : memref<8388608xf32, #tpu.memory_space<hbm>> -> memref<4096xf32, #tpu.memory_space<hbm>>
      %dma_start3A_92 = tpu.memref_slice %arg3[%add3A_88] : memref<8388608xf32, #tpu.memory_space<hbm>> -> memref<4096xf32, #tpu.memory_space<hbm>>
      tpu.enqueue_dma source(%dma_start3A_92 : memref<4096xf32, #tpu.memory_space<hbm>>) target(%arg9 : memref<4096xf32, #tpu.memory_space<vmem>>) target_semaphore(%arg15 : memref<!tpu.dma_semaphore, #tpu.memory_space<semaphore_mem>>)
      %mul3A_93 = arith.constant 4096 : i32
      %mul3A_94 = arith.muli %mul3A_83, %mul3A_93 : i32
      %add3A_95 = arith.addi %mul3A_4, %mul3A_94 : i32
      %dma_wait3A_96 = tpu.memref_slice %arg2[%add3A_95] : memref<8388608xf32, #tpu.memory_space<hbm>> -> memref<4096xf32, #tpu.memory_space<hbm>>
      %dma_wait3A_97 = tpu.memref_slice %arg2[%add3A_95] : memref<8388608xf32, #tpu.memory_space<hbm>> -> memref<4096xf32, #tpu.memory_space<hbm>>
      tpu.wait_dma2 semaphore(%arg11 : memref<!tpu.dma_semaphore, #tpu.memory_space<semaphore_mem>>) src(%dma_wait3A_97 : memref<4096xf32, #tpu.memory_space<hbm>>) dst(%arg5 : memref<4096xf32, #tpu.memory_space<vmem>>)
      %dma_wait3A_98 = tpu.memref_slice %arg3[%add3A_95] : memref<8388608xf32, #tpu.memory_space<hbm>> -> memref<4096xf32, #tpu.memory_space<hbm>>
      %dma_wait3A_99 = tpu.memref_slice %arg3[%add3A_95] : memref<8388608xf32, #tpu.memory_space<hbm>> -> memref<4096xf32, #tpu.memory_space<hbm>>
      tpu.wait_dma2 semaphore(%arg12 : memref<!tpu.dma_semaphore, #tpu.memory_space<semaphore_mem>>) src(%dma_wait3A_99 : memref<4096xf32, #tpu.memory_space<hbm>>) dst(%arg6 : memref<4096xf32, #tpu.memory_space<vmem>>)
      %gt3A = arith.constant 0 : i32
      %gt3A_100 = arith.cmpi sgt, %scan3A_81, %gt3A : i32
      %convert_element_type3A_101 = arith.extui %gt3A_100 : i1 to i32
      %cond3A = arith.constant 0 : i32
      %cond3A_102 = arith.cmpi ne, %convert_element_type3A_101, %cond3A : i32
      scf.if %cond3A_102 {
        %sub3A = arith.constant 2 : i32
        %sub3A_144 = arith.subi %mul3A_83, %sub3A : i32
        %mul3A_145 = arith.constant 4096 : i32
        %mul3A_146 = arith.muli %sub3A_144, %mul3A_145 : i32
        %add3A_147 = arith.addi %mul3A_4, %mul3A_146 : i32
        %dma_wait3A_148 = tpu.memref_slice %arg4[%add3A_147] : memref<8388608xf32, #tpu.memory_space<hbm>> -> memref<4096xf32, #tpu.memory_space<hbm>>
        %dma_wait3A_149 = tpu.memref_slice %arg4[%add3A_147] : memref<8388608xf32, #tpu.memory_space<hbm>> -> memref<4096xf32, #tpu.memory_space<hbm>>
        tpu.wait_dma2 semaphore(%arg13 : memref<!tpu.dma_semaphore, #tpu.memory_space<semaphore_mem>>) src(%arg7 : memref<4096xf32, #tpu.memory_space<vmem>>) dst(%dma_wait3A_149 : memref<4096xf32, #tpu.memory_space<hbm>>)
      } else {
      }
      %parallel_loop3A = arith.constant 0 : i32
      %parallel_loop3A_103 = arith.constant 64 : i32
      %parallel_loop3A_104 = arith.constant 1 : i32
      scf.for %parallel_loop3A_144 = %parallel_loop3A to %parallel_loop3A_103 step %parallel_loop3A_104  : i32 {
        %parallel_loop3A_145 = arith.constant 4 : i32
        %parallel_loop3A_146 = arith.shrsi %parallel_loop3A_144, %parallel_loop3A_145 : i32
        %parallel_loop3A_147 = arith.constant 10 : i32
        %parallel_loop3A_148 = arith.shli %parallel_loop3A_146, %parallel_loop3A_147 : i32
        %parallel_loop3A_149 = arith.constant 15 : i32
        %parallel_loop3A_150 = arith.andi %parallel_loop3A_144, %parallel_loop3A_149 : i32
        %parallel_loop3A_151 = arith.constant 3 : i32
        %parallel_loop3A_152 = arith.shli %parallel_loop3A_150, %parallel_loop3A_151 : i32
        %parallel_loop3A_153 = arith.addi %parallel_loop3A_148, %parallel_loop3A_152 : i32
        %parallel_loop3A_154 = vector.broadcast %parallel_loop3A_153 : i32 to vector<16xi32>
        %parallel_loop3A_155 = arith.addi %add3A_15, %parallel_loop3A_154 : vector<16xi32>
        %parallel_loop3A_156 = vector.broadcast %parallel_loop3A_153 : i32 to vector<16xi32>
        %parallel_loop3A_157 = arith.addi %add3A_22, %parallel_loop3A_156 : vector<16xi32>
        %parallel_loop3A_158 = vector.broadcast %parallel_loop3A_153 : i32 to vector<16xi32>
        %parallel_loop3A_159 = arith.addi %add3A_29, %parallel_loop3A_158 : vector<16xi32>
        %parallel_loop3A_160 = vector.broadcast %parallel_loop3A_153 : i32 to vector<16xi32>
        %parallel_loop3A_161 = arith.addi %add3A_36, %parallel_loop3A_160 : vector<16xi32>
        %parallel_loop3A_162 = tpu.vector_load_idx %arg5[%parallel_loop3A_155] : memref<4096xf32, #tpu.memory_space<vmem>>[vector<16xi32>], vector<16xf32>,
        %parallel_loop3A_163 = arith.constant 1.100000e+01 : f32
        %parallel_loop3A_164 = vector.broadcast %parallel_loop3A_163 : f32 to vector<16xf32>
        %parallel_loop3A_165 = arith.mulf %parallel_loop3A_162, %parallel_loop3A_164 : vector<16xf32>
        %parallel_loop3A_166 = math.exp %parallel_loop3A_165 : vector<16xf32>
        %parallel_loop3A_167 = arith.constant 1.000000e+00 : f32
        %parallel_loop3A_168 = vector.broadcast %parallel_loop3A_167 : f32 to vector<16xf32>
        %parallel_loop3A_169 = arith.subf %parallel_loop3A_166, %parallel_loop3A_168 : vector<16xf32>
        %parallel_loop3A_170 = tpu.vector_load_idx %arg5[%parallel_loop3A_157] : memref<4096xf32, #tpu.memory_space<vmem>>[vector<16xi32>], vector<16xf32>,
        %parallel_loop3A_171 = arith.constant 1.100000e+01 : f32
        %parallel_loop3A_172 = vector.broadcast %parallel_loop3A_171 : f32 to vector<16xf32>
        %parallel_loop3A_173 = arith.mulf %parallel_loop3A_170, %parallel_loop3A_172 : vector<16xf32>
        %parallel_loop3A_174 = math.exp %parallel_loop3A_173 : vector<16xf32>
        %parallel_loop3A_175 = arith.constant 1.000000e+00 : f32
        %parallel_loop3A_176 = vector.broadcast %parallel_loop3A_175 : f32 to vector<16xf32>
        %parallel_loop3A_177 = arith.subf %parallel_loop3A_174, %parallel_loop3A_176 : vector<16xf32>
        %parallel_loop3A_178 = tpu.vector_load_idx %arg5[%parallel_loop3A_159] : memref<4096xf32, #tpu.memory_space<vmem>>[vector<16xi32>], vector<16xf32>,
        %parallel_loop3A_179 = arith.constant 1.100000e+01 : f32
        %parallel_loop3A_180 = vector.broadcast %parallel_loop3A_179 : f32 to vector<16xf32>
        %parallel_loop3A_181 = arith.mulf %parallel_loop3A_178, %parallel_loop3A_180 : vector<16xf32>
        %parallel_loop3A_182 = math.exp %parallel_loop3A_181 : vector<16xf32>
        %parallel_loop3A_183 = arith.constant 1.000000e+00 : f32
        %parallel_loop3A_184 = vector.broadcast %parallel_loop3A_183 : f32 to vector<16xf32>
        %parallel_loop3A_185 = arith.subf %parallel_loop3A_182, %parallel_loop3A_184 : vector<16xf32>
        %parallel_loop3A_186 = tpu.vector_load_idx %arg5[%parallel_loop3A_161] : memref<4096xf32, #tpu.memory_space<vmem>>[vector<16xi32>], vector<16xf32>,
        %parallel_loop3A_187 = arith.constant 1.100000e+01 : f32
        %parallel_loop3A_188 = vector.broadcast %parallel_loop3A_187 : f32 to vector<16xf32>
        %parallel_loop3A_189 = arith.mulf %parallel_loop3A_186, %parallel_loop3A_188 : vector<16xf32>
        %parallel_loop3A_190 = math.exp %parallel_loop3A_189 : vector<16xf32>
        %parallel_loop3A_191 = arith.constant 1.000000e+00 : f32
        %parallel_loop3A_192 = vector.broadcast %parallel_loop3A_191 : f32 to vector<16xf32>
        %parallel_loop3A_193 = arith.subf %parallel_loop3A_190, %parallel_loop3A_192 : vector<16xf32>
        %parallel_loop3A_194 = arith.constant 64 : i32
        %parallel_loop3A_195 = arith.muli %parallel_loop3A_144, %parallel_loop3A_194 : i32
        %parallel_loop3A_196 = arith.constant 0 : i32
        %parallel_loop3A_197 = arith.addi %parallel_loop3A_195, %parallel_loop3A_196 : i32
        %parallel_loop3A_198 = arith.index_cast %parallel_loop3A_197 : i32 to index
        %parallel_loop3A_199 = tpu.vector_load %arg17[%parallel_loop3A_198] {strides = array<i32>} : memref<4096xf32, #tpu.memory_space<vmem>>, vector<16xf32>,
        tpu.vector_store %arg17[%parallel_loop3A_198], %parallel_loop3A_169 {strides = array<i32>} : memref<4096xf32, #tpu.memory_space<vmem>>, vector<16xf32>,
        %parallel_loop3A_200 = arith.constant 64 : i32
        %parallel_loop3A_201 = arith.muli %parallel_loop3A_144, %parallel_loop3A_200 : i32
        %parallel_loop3A_202 = arith.constant 16 : i32
        %parallel_loop3A_203 = arith.addi %parallel_loop3A_201, %parallel_loop3A_202 : i32
        %parallel_loop3A_204 = arith.index_cast %parallel_loop3A_203 : i32 to index
        %parallel_loop3A_205 = tpu.vector_load %arg17[%parallel_loop3A_204] {strides = array<i32>} : memref<4096xf32, #tpu.memory_space<vmem>>, vector<16xf32>,
        tpu.vector_store %arg17[%parallel_loop3A_204], %parallel_loop3A_177 {strides = array<i32>} : memref<4096xf32, #tpu.memory_space<vmem>>, vector<16xf32>,
        %parallel_loop3A_206 = arith.constant 64 : i32
        %parallel_loop3A_207 = arith.muli %parallel_loop3A_144, %parallel_loop3A_206 : i32
        %parallel_loop3A_208 = arith.constant 32 : i32
        %parallel_loop3A_209 = arith.addi %parallel_loop3A_207, %parallel_loop3A_208 : i32
        %parallel_loop3A_210 = arith.index_cast %parallel_loop3A_209 : i32 to index
        %parallel_loop3A_211 = tpu.vector_load %arg17[%parallel_loop3A_210] {strides = array<i32>} : memref<4096xf32, #tpu.memory_space<vmem>>, vector<16xf32>,
        tpu.vector_store %arg17[%parallel_loop3A_210], %parallel_loop3A_185 {strides = array<i32>} : memref<4096xf32, #tpu.memory_space<vmem>>, vector<16xf32>,
        %parallel_loop3A_212 = arith.constant 64 : i32
        %parallel_loop3A_213 = arith.muli %parallel_loop3A_144, %parallel_loop3A_212 : i32
        %parallel_loop3A_214 = arith.constant 48 : i32
        %parallel_loop3A_215 = arith.addi %parallel_loop3A_213, %parallel_loop3A_214 : i32
        %parallel_loop3A_216 = arith.index_cast %parallel_loop3A_215 : i32 to index
        %parallel_loop3A_217 = tpu.vector_load %arg17[%parallel_loop3A_216] {strides = array<i32>} : memref<4096xf32, #tpu.memory_space<vmem>>, vector<16xf32>,
        tpu.vector_store %arg17[%parallel_loop3A_216], %parallel_loop3A_193 {strides = array<i32>} : memref<4096xf32, #tpu.memory_space<vmem>>, vector<16xf32>,
        %parallel_loop3A_218 = tpu.vector_load_idx %arg6[%parallel_loop3A_155] : memref<4096xf32, #tpu.memory_space<vmem>>[vector<16xi32>], vector<16xf32>,
        %parallel_loop3A_219 = arith.constant 1.100000e+01 : f32
        %parallel_loop3A_220 = vector.broadcast %parallel_loop3A_219 : f32 to vector<16xf32>
        %parallel_loop3A_221 = arith.mulf %parallel_loop3A_218, %parallel_loop3A_220 : vector<16xf32>
        %parallel_loop3A_222 = math.exp %parallel_loop3A_221 : vector<16xf32>
        %parallel_loop3A_223 = arith.constant 1.000000e+00 : f32
        %parallel_loop3A_224 = vector.broadcast %parallel_loop3A_223 : f32 to vector<16xf32>
        %parallel_loop3A_225 = arith.subf %parallel_loop3A_222, %parallel_loop3A_224 : vector<16xf32>
        %parallel_loop3A_226 = tpu.vector_load_idx %arg6[%parallel_loop3A_157] : memref<4096xf32, #tpu.memory_space<vmem>>[vector<16xi32>], vector<16xf32>,
        %parallel_loop3A_227 = arith.constant 1.100000e+01 : f32
        %parallel_loop3A_228 = vector.broadcast %parallel_loop3A_227 : f32 to vector<16xf32>
        %parallel_loop3A_229 = arith.mulf %parallel_loop3A_226, %parallel_loop3A_228 : vector<16xf32>
        %parallel_loop3A_230 = math.exp %parallel_loop3A_229 : vector<16xf32>
        %parallel_loop3A_231 = arith.constant 1.000000e+00 : f32
        %parallel_loop3A_232 = vector.broadcast %parallel_loop3A_231 : f32 to vector<16xf32>
        %parallel_loop3A_233 = arith.subf %parallel_loop3A_230, %parallel_loop3A_232 : vector<16xf32>
        %parallel_loop3A_234 = tpu.vector_load_idx %arg6[%parallel_loop3A_159] : memref<4096xf32, #tpu.memory_space<vmem>>[vector<16xi32>], vector<16xf32>,
        %parallel_loop3A_235 = arith.constant 1.100000e+01 : f32
        %parallel_loop3A_236 = vector.broadcast %parallel_loop3A_235 : f32 to vector<16xf32>
        %parallel_loop3A_237 = arith.mulf %parallel_loop3A_234, %parallel_loop3A_236 : vector<16xf32>
        %parallel_loop3A_238 = math.exp %parallel_loop3A_237 : vector<16xf32>
        %parallel_loop3A_239 = arith.constant 1.000000e+00 : f32
        %parallel_loop3A_240 = vector.broadcast %parallel_loop3A_239 : f32 to vector<16xf32>
        %parallel_loop3A_241 = arith.subf %parallel_loop3A_238, %parallel_loop3A_240 : vector<16xf32>
        %parallel_loop3A_242 = tpu.vector_load_idx %arg6[%parallel_loop3A_161] : memref<4096xf32, #tpu.memory_space<vmem>>[vector<16xi32>], vector<16xf32>,
        %parallel_loop3A_243 = arith.constant 1.100000e+01 : f32
        %parallel_loop3A_244 = vector.broadcast %parallel_loop3A_243 : f32 to vector<16xf32>
        %parallel_loop3A_245 = arith.mulf %parallel_loop3A_242, %parallel_loop3A_244 : vector<16xf32>
        %parallel_loop3A_246 = math.exp %parallel_loop3A_245 : vector<16xf32>
        %parallel_loop3A_247 = arith.constant 1.000000e+00 : f32
        %parallel_loop3A_248 = vector.broadcast %parallel_loop3A_247 : f32 to vector<16xf32>
        %parallel_loop3A_249 = arith.subf %parallel_loop3A_246, %parallel_loop3A_248 : vector<16xf32>
        %parallel_loop3A_250 = arith.addf %parallel_loop3A_225, %parallel_loop3A_233 : vector<16xf32>
        %parallel_loop3A_251 = arith.addf %parallel_loop3A_241, %parallel_loop3A_249 : vector<16xf32>
        %parallel_loop3A_252 = arith.addf %parallel_loop3A_250, %parallel_loop3A_251 : vector<16xf32>
        %parallel_loop3A_253 = arith.constant true
        %parallel_loop3A_254 = vector.broadcast %parallel_loop3A_253 : i1 to vector<16xi1>
        %parallel_loop3A_255 = tpu.scan <sum>, %parallel_loop3A_252 masked %parallel_loop3A_254 : vector<16xf32>, vector<16xi1> -> vector<16xf32>
        %parallel_loop3A_256 = vector.shape_cast %broadcast_in_dim3A_63 : vector<16xi32> to vector<16x1xi32>
        %parallel_loop3A_257 = vector.shape_cast %parallel_loop3A_256 : vector<16x1xi32> to vector<16xi32>
        %parallel_loop3A_258 = tpu.dynamic_gather %parallel_loop3A_255[%parallel_loop3A_257] in [0] : vector<16xf32>, vector<16xi32> -> vector<16xf32>
        %parallel_loop3A_259 = arith.constant dense<true> : vector<16xi1>
        %parallel_loop3A_260, %parallel_loop3A_261, %parallel_loop3A_262 = tpu.sort %parallel_loop3A_169, %parallel_loop3A_169 masked %parallel_loop3A_259 : (vector<16xf32>, vector<16xf32>, vector<16xi1>) -> (vector<16xi1>, vector<16xf32>, vector<16xf32>)
        %parallel_loop3A_263 = arith.constant dense<true> : vector<16xi1>
        %parallel_loop3A_264, %parallel_loop3A_265, %parallel_loop3A_266 = tpu.sort %parallel_loop3A_177, %parallel_loop3A_177 masked %parallel_loop3A_263 : (vector<16xf32>, vector<16xf32>, vector<16xi1>) -> (vector<16xi1>, vector<16xf32>, vector<16xf32>)
        %parallel_loop3A_267 = arith.constant dense<true> : vector<16xi1>
        %parallel_loop3A_268, %parallel_loop3A_269, %parallel_loop3A_270 = tpu.sort %parallel_loop3A_185, %parallel_loop3A_185 masked %parallel_loop3A_267 : (vector<16xf32>, vector<16xf32>, vector<16xi1>) -> (vector<16xi1>, vector<16xf32>, vector<16xf32>)
        %parallel_loop3A_271 = arith.constant dense<true> : vector<16xi1>
        %parallel_loop3A_272, %parallel_loop3A_273, %parallel_loop3A_274 = tpu.sort %parallel_loop3A_193, %parallel_loop3A_193 masked %parallel_loop3A_271 : (vector<16xf32>, vector<16xf32>, vector<16xi1>) -> (vector<16xi1>, vector<16xf32>, vector<16xf32>)
        %parallel_loop3A_275 = arith.constant 15 : i32
        %parallel_loop3A_276 = vector.broadcast %parallel_loop3A_275 : i32 to vector<16xi32>
        %parallel_loop3A_277 = tpu.iota {dimensions = array<i32: 0>} : vector<16xi32>
        %parallel_loop3A_278 = arith.subi %parallel_loop3A_276, %parallel_loop3A_277 : vector<16xi32>
        %parallel_loop3A_279 = tpu.dynamic_gather %parallel_loop3A_265[%parallel_loop3A_278] in [0] : vector<16xf32>, vector<16xi32> -> vector<16xf32>
        %parallel_loop3A_280 = arith.minimumf %parallel_loop3A_261, %parallel_loop3A_279 : vector<16xf32>
        %parallel_loop3A_281 = arith.maximumf %parallel_loop3A_261, %parallel_loop3A_279 : vector<16xf32>
        %parallel_loop3A_282 = arith.constant dense<true> : vector<16xi1>
        %parallel_loop3A_283, %parallel_loop3A_284, %parallel_loop3A_285 = tpu.sort %parallel_loop3A_280, %parallel_loop3A_280 masked %parallel_loop3A_282 : (vector<16xf32>, vector<16xf32>, vector<16xi1>) -> (vector<16xi1>, vector<16xf32>, vector<16xf32>)
        %parallel_loop3A_286 = arith.constant dense<true> : vector<16xi1>
        %parallel_loop3A_287, %parallel_loop3A_288, %parallel_loop3A_289 = tpu.sort %parallel_loop3A_281, %parallel_loop3A_281 masked %parallel_loop3A_286 : (vector<16xf32>, vector<16xf32>, vector<16xi1>) -> (vector<16xi1>, vector<16xf32>, vector<16xf32>)
        %parallel_loop3A_290 = arith.constant 15 : i32
        %parallel_loop3A_291 = vector.broadcast %parallel_loop3A_290 : i32 to vector<16xi32>
        %parallel_loop3A_292 = tpu.iota {dimensions = array<i32: 0>} : vector<16xi32>
        %parallel_loop3A_293 = arith.subi %parallel_loop3A_291, %parallel_loop3A_292 : vector<16xi32>
        %parallel_loop3A_294 = tpu.dynamic_gather %parallel_loop3A_273[%parallel_loop3A_293] in [0] : vector<16xf32>, vector<16xi32> -> vector<16xf32>
        %parallel_loop3A_295 = arith.minimumf %parallel_loop3A_269, %parallel_loop3A_294 : vector<16xf32>
        %parallel_loop3A_296 = arith.maximumf %parallel_loop3A_269, %parallel_loop3A_294 : vector<16xf32>
        %parallel_loop3A_297 = arith.constant dense<true> : vector<16xi1>
        %parallel_loop3A_298, %parallel_loop3A_299, %parallel_loop3A_300 = tpu.sort %parallel_loop3A_295, %parallel_loop3A_295 masked %parallel_loop3A_297 : (vector<16xf32>, vector<16xf32>, vector<16xi1>) -> (vector<16xi1>, vector<16xf32>, vector<16xf32>)
        %parallel_loop3A_301 = arith.constant dense<true> : vector<16xi1>
        %parallel_loop3A_302, %parallel_loop3A_303, %parallel_loop3A_304 = tpu.sort %parallel_loop3A_296, %parallel_loop3A_296 masked %parallel_loop3A_301 : (vector<16xf32>, vector<16xf32>, vector<16xi1>) -> (vector<16xi1>, vector<16xf32>, vector<16xf32>)
        %parallel_loop3A_305 = arith.constant 15 : i32
        %parallel_loop3A_306 = vector.broadcast %parallel_loop3A_305 : i32 to vector<16xi32>
        %parallel_loop3A_307 = tpu.iota {dimensions = array<i32: 0>} : vector<16xi32>
        %parallel_loop3A_308 = arith.subi %parallel_loop3A_306, %parallel_loop3A_307 : vector<16xi32>
        %parallel_loop3A_309 = tpu.dynamic_gather %parallel_loop3A_303[%parallel_loop3A_308] in [0] : vector<16xf32>, vector<16xi32> -> vector<16xf32>
        %parallel_loop3A_310 = arith.constant 15 : i32
        %parallel_loop3A_311 = vector.broadcast %parallel_loop3A_310 : i32 to vector<16xi32>
        %parallel_loop3A_312 = tpu.iota {dimensions = array<i32: 0>} : vector<16xi32>
        %parallel_loop3A_313 = arith.subi %parallel_loop3A_311, %parallel_loop3A_312 : vector<16xi32>
        %parallel_loop3A_314 = tpu.dynamic_gather %parallel_loop3A_299[%parallel_loop3A_313] in [0] : vector<16xf32>, vector<16xi32> -> vector<16xf32>
        %parallel_loop3A_315 = arith.minimumf %parallel_loop3A_284, %parallel_loop3A_309 : vector<16xf32>
        %parallel_loop3A_316 = arith.minimumf %parallel_loop3A_288, %parallel_loop3A_314 : vector<16xf32>
        %parallel_loop3A_317 = arith.maximumf %parallel_loop3A_284, %parallel_loop3A_309 : vector<16xf32>
        %parallel_loop3A_318 = arith.maximumf %parallel_loop3A_288, %parallel_loop3A_314 : vector<16xf32>
        %parallel_loop3A_319 = arith.minimumf %parallel_loop3A_315, %parallel_loop3A_316 : vector<16xf32>
        %parallel_loop3A_320 = arith.maximumf %parallel_loop3A_315, %parallel_loop3A_316 : vector<16xf32>
        %parallel_loop3A_321 = arith.minimumf %parallel_loop3A_317, %parallel_loop3A_318 : vector<16xf32>
        %parallel_loop3A_322 = arith.maximumf %parallel_loop3A_317, %parallel_loop3A_318 : vector<16xf32>
        %parallel_loop3A_323 = arith.constant dense<true> : vector<16xi1>
        %parallel_loop3A_324, %parallel_loop3A_325, %parallel_loop3A_326 = tpu.sort %parallel_loop3A_319, %parallel_loop3A_319 masked %parallel_loop3A_323 : (vector<16xf32>, vector<16xf32>, vector<16xi1>) -> (vector<16xi1>, vector<16xf32>, vector<16xf32>)
        %parallel_loop3A_327 = arith.constant dense<true> : vector<16xi1>
        %parallel_loop3A_328, %parallel_loop3A_329, %parallel_loop3A_330 = tpu.sort %parallel_loop3A_320, %parallel_loop3A_320 masked %parallel_loop3A_327 : (vector<16xf32>, vector<16xf32>, vector<16xi1>) -> (vector<16xi1>, vector<16xf32>, vector<16xf32>)
        %parallel_loop3A_331 = arith.constant dense<true> : vector<16xi1>
        %parallel_loop3A_332, %parallel_loop3A_333, %parallel_loop3A_334 = tpu.sort %parallel_loop3A_321, %parallel_loop3A_321 masked %parallel_loop3A_331 : (vector<16xf32>, vector<16xf32>, vector<16xi1>) -> (vector<16xi1>, vector<16xf32>, vector<16xf32>)
        %parallel_loop3A_335 = arith.constant dense<true> : vector<16xi1>
        %parallel_loop3A_336, %parallel_loop3A_337, %parallel_loop3A_338 = tpu.sort %parallel_loop3A_322, %parallel_loop3A_322 masked %parallel_loop3A_335 : (vector<16xf32>, vector<16xf32>, vector<16xi1>) -> (vector<16xi1>, vector<16xf32>, vector<16xf32>)
        %parallel_loop3A_339 = arith.constant 15 : i32
        %parallel_loop3A_340 = vector.broadcast %parallel_loop3A_339 : i32 to vector<16xi32>
        %parallel_loop3A_341 = tpu.iota {dimensions = array<i32: 0>} : vector<16xi32>
        %parallel_loop3A_342 = arith.subi %parallel_loop3A_340, %parallel_loop3A_341 : vector<16xi32>
        %parallel_loop3A_343 = tpu.dynamic_gather %parallel_loop3A_337[%parallel_loop3A_342] in [0] : vector<16xf32>, vector<16xi32> -> vector<16xf32>
        %parallel_loop3A_344 = arith.constant 15 : i32
        %parallel_loop3A_345 = vector.broadcast %parallel_loop3A_344 : i32 to vector<16xi32>
        %parallel_loop3A_346 = tpu.iota {dimensions = array<i32: 0>} : vector<16xi32>
        %parallel_loop3A_347 = arith.subi %parallel_loop3A_345, %parallel_loop3A_346 : vector<16xi32>
        %parallel_loop3A_348 = tpu.dynamic_gather %parallel_loop3A_333[%parallel_loop3A_347] in [0] : vector<16xf32>, vector<16xi32> -> vector<16xf32>
        %parallel_loop3A_349 = arith.constant 15 : i32
        %parallel_loop3A_350 = vector.broadcast %parallel_loop3A_349 : i32 to vector<16xi32>
        %parallel_loop3A_351 = tpu.iota {dimensions = array<i32: 0>} : vector<16xi32>
        %parallel_loop3A_352 = arith.subi %parallel_loop3A_350, %parallel_loop3A_351 : vector<16xi32>
        %parallel_loop3A_353 = tpu.dynamic_gather %parallel_loop3A_329[%parallel_loop3A_352] in [0] : vector<16xf32>, vector<16xi32> -> vector<16xf32>
        %parallel_loop3A_354 = arith.constant 15 : i32
        %parallel_loop3A_355 = vector.broadcast %parallel_loop3A_354 : i32 to vector<16xi32>
        %parallel_loop3A_356 = tpu.iota {dimensions = array<i32: 0>} : vector<16xi32>
        %parallel_loop3A_357 = arith.subi %parallel_loop3A_355, %parallel_loop3A_356 : vector<16xi32>
        %parallel_loop3A_358 = tpu.dynamic_gather %parallel_loop3A_325[%parallel_loop3A_357] in [0] : vector<16xf32>, vector<16xi32> -> vector<16xf32>
        %parallel_loop3A_359 = arith.constant 0.000000e+00 : f32
        %parallel_loop3A_360 = vector.broadcast %parallel_loop3A_359 : f32 to vector<16xf32>
        %parallel_loop3A_361 = arith.constant 0 : i32
        %parallel_loop3A_362 = vector.broadcast %parallel_loop3A_361 : i32 to vector<16xi32>
        %parallel_loop3A_363 = arith.constant 0.000000e+00 : f32
        %parallel_loop3A_364 = vector.broadcast %parallel_loop3A_363 : f32 to vector<16xf32>
        %parallel_loop3A_365 = arith.constant true
        %parallel_loop3A_366 = vector.broadcast %parallel_loop3A_365 : i1 to vector<16xi1>
        %parallel_loop3A_367 = tpu.scan <sum>, %parallel_loop3A_343 masked %parallel_loop3A_366 : vector<16xf32>, vector<16xi1> -> vector<16xf32>
        %parallel_loop3A_368 = arith.addf %parallel_loop3A_367, %parallel_loop3A_364 : vector<16xf32>
        %parallel_loop3A_369 = vector.shape_cast %broadcast_in_dim3A_63 : vector<16xi32> to vector<16x1xi32>
        %parallel_loop3A_370 = vector.shape_cast %parallel_loop3A_369 : vector<16x1xi32> to vector<16xi32>
        %parallel_loop3A_371 = tpu.dynamic_gather %parallel_loop3A_368[%parallel_loop3A_370] in [0] : vector<16xf32>, vector<16xi32> -> vector<16xf32>
        %parallel_loop3A_372 = arith.subf %parallel_loop3A_368, %parallel_loop3A_258 : vector<16xf32>
        %parallel_loop3A_373 = arith.mulf %parallel_loop3A_372, %div3A_44 : vector<16xf32>
        %parallel_loop3A_374 = arith.cmpf ogt, %parallel_loop3A_343, %parallel_loop3A_373 : vector<16xf32>
        %parallel_loop3A_375 = arith.constant 0.000000e+00 : f32
        %parallel_loop3A_376 = vector.broadcast %parallel_loop3A_375 : f32 to vector<16xf32>
        %parallel_loop3A_377 = arith.select %parallel_loop3A_374, %parallel_loop3A_343, %parallel_loop3A_376 : vector<16xi1>, vector<16xf32>
        %parallel_loop3A_378 = arith.addf %parallel_loop3A_360, %parallel_loop3A_377 : vector<16xf32>
        %parallel_loop3A_379 = tpu.all_reduce %parallel_loop3A_374 {dim = 0 : i64, kind = #tpu.reduction_kind<sum>} : vector<16xi1> -> vector<16xi32>
        %parallel_loop3A_380 = arith.addi %parallel_loop3A_362, %parallel_loop3A_379 : vector<16xi32>
        %parallel_loop3A_381 = arith.constant true
        %parallel_loop3A_382 = vector.broadcast %parallel_loop3A_381 : i1 to vector<16xi1>
        %parallel_loop3A_383 = tpu.scan <sum>, %parallel_loop3A_348 masked %parallel_loop3A_382 : vector<16xf32>, vector<16xi1> -> vector<16xf32>
        %parallel_loop3A_384 = arith.addf %parallel_loop3A_383, %parallel_loop3A_371 : vector<16xf32>
        %parallel_loop3A_385 = vector.shape_cast %broadcast_in_dim3A_63 : vector<16xi32> to vector<16x1xi32>
        %parallel_loop3A_386 = vector.shape_cast %parallel_loop3A_385 : vector<16x1xi32> to vector<16xi32>
        %parallel_loop3A_387 = tpu.dynamic_gather %parallel_loop3A_384[%parallel_loop3A_386] in [0] : vector<16xf32>, vector<16xi32> -> vector<16xf32>
        %parallel_loop3A_388 = arith.subf %parallel_loop3A_384, %parallel_loop3A_258 : vector<16xf32>
        %parallel_loop3A_389 = arith.mulf %parallel_loop3A_388, %div3A_50 : vector<16xf32>
        %parallel_loop3A_390 = arith.cmpf ogt, %parallel_loop3A_348, %parallel_loop3A_389 : vector<16xf32>
        %parallel_loop3A_391 = arith.constant 0.000000e+00 : f32
        %parallel_loop3A_392 = vector.broadcast %parallel_loop3A_391 : f32 to vector<16xf32>
        %parallel_loop3A_393 = arith.select %parallel_loop3A_390, %parallel_loop3A_348, %parallel_loop3A_392 : vector<16xi1>, vector<16xf32>
        %parallel_loop3A_394 = arith.addf %parallel_loop3A_378, %parallel_loop3A_393 : vector<16xf32>
        %parallel_loop3A_395 = tpu.all_reduce %parallel_loop3A_390 {dim = 0 : i64, kind = #tpu.reduction_kind<sum>} : vector<16xi1> -> vector<16xi32>
        %parallel_loop3A_396 = arith.addi %parallel_loop3A_380, %parallel_loop3A_395 : vector<16xi32>
        %parallel_loop3A_397 = arith.constant true
        %parallel_loop3A_398 = vector.broadcast %parallel_loop3A_397 : i1 to vector<16xi1>
        %parallel_loop3A_399 = tpu.scan <sum>, %parallel_loop3A_353 masked %parallel_loop3A_398 : vector<16xf32>, vector<16xi1> -> vector<16xf32>
        %parallel_loop3A_400 = arith.addf %parallel_loop3A_399, %parallel_loop3A_387 : vector<16xf32>
        %parallel_loop3A_401 = vector.shape_cast %broadcast_in_dim3A_63 : vector<16xi32> to vector<16x1xi32>
        %parallel_loop3A_402 = vector.shape_cast %parallel_loop3A_401 : vector<16x1xi32> to vector<16xi32>
        %parallel_loop3A_403 = tpu.dynamic_gather %parallel_loop3A_400[%parallel_loop3A_402] in [0] : vector<16xf32>, vector<16xi32> -> vector<16xf32>
        %parallel_loop3A_404 = arith.subf %parallel_loop3A_400, %parallel_loop3A_258 : vector<16xf32>
        %parallel_loop3A_405 = arith.mulf %parallel_loop3A_404, %div3A_56 : vector<16xf32>
        %parallel_loop3A_406 = arith.cmpf ogt, %parallel_loop3A_353, %parallel_loop3A_405 : vector<16xf32>
        %parallel_loop3A_407 = arith.constant 0.000000e+00 : f32
        %parallel_loop3A_408 = vector.broadcast %parallel_loop3A_407 : f32 to vector<16xf32>
        %parallel_loop3A_409 = arith.select %parallel_loop3A_406, %parallel_loop3A_353, %parallel_loop3A_408 : vector<16xi1>, vector<16xf32>
        %parallel_loop3A_410 = arith.addf %parallel_loop3A_394, %parallel_loop3A_409 : vector<16xf32>
        %parallel_loop3A_411 = tpu.all_reduce %parallel_loop3A_406 {dim = 0 : i64, kind = #tpu.reduction_kind<sum>} : vector<16xi1> -> vector<16xi32>
        %parallel_loop3A_412 = arith.addi %parallel_loop3A_396, %parallel_loop3A_411 : vector<16xi32>
        %parallel_loop3A_413 = arith.constant true
        %parallel_loop3A_414 = vector.broadcast %parallel_loop3A_413 : i1 to vector<16xi1>
        %parallel_loop3A_415 = tpu.scan <sum>, %parallel_loop3A_358 masked %parallel_loop3A_414 : vector<16xf32>, vector<16xi1> -> vector<16xf32>
        %parallel_loop3A_416 = arith.addf %parallel_loop3A_415, %parallel_loop3A_403 : vector<16xf32>
        %parallel_loop3A_417 = vector.shape_cast %broadcast_in_dim3A_63 : vector<16xi32> to vector<16x1xi32>
        %parallel_loop3A_418 = vector.shape_cast %parallel_loop3A_417 : vector<16x1xi32> to vector<16xi32>
        %parallel_loop3A_419 = tpu.dynamic_gather %parallel_loop3A_416[%parallel_loop3A_418] in [0] : vector<16xf32>, vector<16xi32> -> vector<16xf32>
        %parallel_loop3A_420 = arith.subf %parallel_loop3A_416, %parallel_loop3A_258 : vector<16xf32>
        %parallel_loop3A_421 = arith.mulf %parallel_loop3A_420, %div3A_62 : vector<16xf32>
        %parallel_loop3A_422 = arith.cmpf ogt, %parallel_loop3A_358, %parallel_loop3A_421 : vector<16xf32>
        %parallel_loop3A_423 = arith.constant 0.000000e+00 : f32
        %parallel_loop3A_424 = vector.broadcast %parallel_loop3A_423 : f32 to vector<16xf32>
        %parallel_loop3A_425 = arith.select %parallel_loop3A_422, %parallel_loop3A_358, %parallel_loop3A_424 : vector<16xi1>, vector<16xf32>
        %parallel_loop3A_426 = arith.addf %parallel_loop3A_410, %parallel_loop3A_425 : vector<16xf32>
        %parallel_loop3A_427 = tpu.all_reduce %parallel_loop3A_422 {dim = 0 : i64, kind = #tpu.reduction_kind<sum>} : vector<16xi1> -> vector<16xi32>
        %parallel_loop3A_428 = arith.addi %parallel_loop3A_412, %parallel_loop3A_427 : vector<16xi32>
        %parallel_loop3A_429 = arith.constant true
        %parallel_loop3A_430 = vector.broadcast %parallel_loop3A_429 : i1 to vector<16xi1>
        %parallel_loop3A_431 = tpu.scan <sum>, %parallel_loop3A_426 masked %parallel_loop3A_430 : vector<16xf32>, vector<16xi1> -> vector<16xf32>
        %parallel_loop3A_432 = vector.shape_cast %broadcast_in_dim3A_63 : vector<16xi32> to vector<16x1xi32>
        %parallel_loop3A_433 = vector.shape_cast %parallel_loop3A_432 : vector<16x1xi32> to vector<16xi32>
        %parallel_loop3A_434 = tpu.dynamic_gather %parallel_loop3A_431[%parallel_loop3A_433] in [0] : vector<16xf32>, vector<16xi32> -> vector<16xf32>
        %parallel_loop3A_435 = arith.sitofp %parallel_loop3A_428 : vector<16xi32> to vector<16xf32>
        %parallel_loop3A_436 = vector.shape_cast %broadcast_in_dim3A_63 : vector<16xi32> to vector<16x1xi32>
        %parallel_loop3A_437 = vector.shape_cast %parallel_loop3A_436 : vector<16x1xi32> to vector<16xi32>
        %parallel_loop3A_438 = tpu.dynamic_gather %parallel_loop3A_337[%parallel_loop3A_437] in [0] : vector<16xf32>, vector<16xi32> -> vector<16xf32>
        %parallel_loop3A_439 = arith.constant 5.000000e-01 : f32
        %parallel_loop3A_440 = vector.broadcast %parallel_loop3A_439 : f32 to vector<16xf32>
        %parallel_loop3A_441 = arith.cmpf ogt, %parallel_loop3A_435, %parallel_loop3A_440 : vector<16xf32>
        %parallel_loop3A_442 = arith.subf %parallel_loop3A_434, %parallel_loop3A_258 : vector<16xf32>
        %parallel_loop3A_443 = arith.constant 1.000000e+00 : f32
        %parallel_loop3A_444 = vector.broadcast %parallel_loop3A_443 : f32 to vector<16xf32>
        %parallel_loop3A_445 = arith.maximumf %parallel_loop3A_435, %parallel_loop3A_444 : vector<16xf32>
        %parallel_loop3A_446 = arith.divf %parallel_loop3A_442, %parallel_loop3A_445 : vector<16xf32>
        %parallel_loop3A_447 = arith.subf %parallel_loop3A_438, %parallel_loop3A_258 : vector<16xf32>
        %parallel_loop3A_448 = arith.select %parallel_loop3A_441, %parallel_loop3A_446, %parallel_loop3A_447 : vector<16xi1>, vector<16xf32>
        %parallel_loop3A_449 = arith.constant 16 : i32
        %parallel_loop3A_450 = arith.muli %parallel_loop3A_144, %parallel_loop3A_449 : i32
        %parallel_loop3A_451 = arith.index_cast %parallel_loop3A_450 : i32 to index
        %parallel_loop3A_452 = tpu.vector_load %arg18[%parallel_loop3A_451] {strides = array<i32>} : memref<1024xf32, #tpu.memory_space<vmem>>, vector<16xf32>,
        tpu.vector_store %arg18[%parallel_loop3A_451], %parallel_loop3A_448 {strides = array<i32>} : memref<1024xf32, #tpu.memory_space<vmem>>, vector<16xf32>,
      } {sc.loop_unroll_factor = 3 : i64, sc.parallel_access}
      %parallel_loop3A_105 = arith.constant 0 : i32
      %parallel_loop3A_106 = arith.constant 64 : i32
      %parallel_loop3A_107 = arith.constant 1 : i32
      scf.for %parallel_loop3A_144 = %parallel_loop3A_105 to %parallel_loop3A_106 step %parallel_loop3A_107  : i32 {
        %parallel_loop3A_145 = arith.constant 4 : i32
        %parallel_loop3A_146 = arith.shrsi %parallel_loop3A_144, %parallel_loop3A_145 : i32
        %parallel_loop3A_147 = arith.constant 10 : i32
        %parallel_loop3A_148 = arith.shli %parallel_loop3A_146, %parallel_loop3A_147 : i32
        %parallel_loop3A_149 = arith.constant 15 : i32
        %parallel_loop3A_150 = arith.andi %parallel_loop3A_144, %parallel_loop3A_149 : i32
        %parallel_loop3A_151 = arith.constant 3 : i32
        %parallel_loop3A_152 = arith.shli %parallel_loop3A_150, %parallel_loop3A_151 : i32
        %parallel_loop3A_153 = arith.addi %parallel_loop3A_148, %parallel_loop3A_152 : i32
        %parallel_loop3A_154 = arith.constant 16 : i32
        %parallel_loop3A_155 = arith.muli %parallel_loop3A_144, %parallel_loop3A_154 : i32
        %parallel_loop3A_156 = arith.index_cast %parallel_loop3A_155 : i32 to index
        %parallel_loop3A_157 = tpu.vector_load %arg18[%parallel_loop3A_156] {strides = array<i32>} : memref<1024xf32, #tpu.memory_space<vmem>>, vector<16xf32>,
        %parallel_loop3A_158 = arith.constant 64 : i32
        %parallel_loop3A_159 = arith.muli %parallel_loop3A_144, %parallel_loop3A_158 : i32
        %parallel_loop3A_160 = arith.constant 0 : i32
        %parallel_loop3A_161 = arith.addi %parallel_loop3A_159, %parallel_loop3A_160 : i32
        %parallel_loop3A_162 = arith.index_cast %parallel_loop3A_161 : i32 to index
        %parallel_loop3A_163 = tpu.vector_load %arg17[%parallel_loop3A_162] {strides = array<i32>} : memref<4096xf32, #tpu.memory_space<vmem>>, vector<16xf32>,
        %parallel_loop3A_164 = arith.subf %parallel_loop3A_163, %parallel_loop3A_157 : vector<16xf32>
        %parallel_loop3A_165 = arith.constant 0.000000e+00 : f32
        %parallel_loop3A_166 = vector.broadcast %parallel_loop3A_165 : f32 to vector<16xf32>
        %parallel_loop3A_167 = arith.maximumf %parallel_loop3A_164, %parallel_loop3A_166 : vector<16xf32>
        %parallel_loop3A_168 = vector.broadcast %parallel_loop3A_153 : i32 to vector<16xi32>
        %parallel_loop3A_169 = arith.addi %add3A_15, %parallel_loop3A_168 : vector<16xi32>
        %parallel_loop3A_170 = arith.constant 1.000000e+00 : f32
        %parallel_loop3A_171 = vector.broadcast %parallel_loop3A_170 : f32 to vector<16xf32>
        %parallel_loop3A_172 = arith.addf %parallel_loop3A_167, %parallel_loop3A_171 : vector<16xf32>
        %parallel_loop3A_173 = tpu.bitcast %parallel_loop3A_172 : vector<16xf32> -> vector<16xi32>
        %parallel_loop3A_174 = arith.constant 23 : i32
        %parallel_loop3A_175 = vector.broadcast %parallel_loop3A_174 : i32 to vector<16xi32>
        %parallel_loop3A_176 = arith.shrsi %parallel_loop3A_173, %parallel_loop3A_175 : vector<16xi32>
        %parallel_loop3A_177 = arith.constant 127 : i32
        %parallel_loop3A_178 = vector.broadcast %parallel_loop3A_177 : i32 to vector<16xi32>
        %parallel_loop3A_179 = arith.subi %parallel_loop3A_176, %parallel_loop3A_178 : vector<16xi32>
        %parallel_loop3A_180 = arith.constant 8388607 : i32
        %parallel_loop3A_181 = vector.broadcast %parallel_loop3A_180 : i32 to vector<16xi32>
        %parallel_loop3A_182 = arith.andi %parallel_loop3A_173, %parallel_loop3A_181 : vector<16xi32>
        %parallel_loop3A_183 = arith.constant 1065353216 : i32
        %parallel_loop3A_184 = vector.broadcast %parallel_loop3A_183 : i32 to vector<16xi32>
        %parallel_loop3A_185 = arith.ori %parallel_loop3A_182, %parallel_loop3A_184 : vector<16xi32>
        %parallel_loop3A_186 = tpu.bitcast %parallel_loop3A_185 : vector<16xi32> -> vector<16xf32>
        %parallel_loop3A_187 = arith.sitofp %parallel_loop3A_179 : vector<16xi32> to vector<16xf32>
        %parallel_loop3A_188 = arith.constant 1.000000e+00 : f32
        %parallel_loop3A_189 = vector.broadcast %parallel_loop3A_188 : f32 to vector<16xf32>
        %parallel_loop3A_190 = arith.subf %parallel_loop3A_186, %parallel_loop3A_189 : vector<16xf32>
        %parallel_loop3A_191 = arith.constant 1.000000e+00 : f32
        %parallel_loop3A_192 = vector.broadcast %parallel_loop3A_191 : f32 to vector<16xf32>
        %parallel_loop3A_193 = arith.addf %parallel_loop3A_186, %parallel_loop3A_192 : vector<16xf32>
        %parallel_loop3A_194 = arith.divf %parallel_loop3A_190, %parallel_loop3A_193 : vector<16xf32>
        %parallel_loop3A_195 = arith.mulf %parallel_loop3A_194, %parallel_loop3A_194 : vector<16xf32>
        %parallel_loop3A_196 = arith.constant 0.142857149 : f32
        %parallel_loop3A_197 = vector.broadcast %parallel_loop3A_196 : f32 to vector<16xf32>
        %parallel_loop3A_198 = arith.mulf %parallel_loop3A_197, %parallel_loop3A_195 : vector<16xf32>
        %parallel_loop3A_199 = arith.constant 2.000000e-01 : f32
        %parallel_loop3A_200 = vector.broadcast %parallel_loop3A_199 : f32 to vector<16xf32>
        %parallel_loop3A_201 = arith.addf %parallel_loop3A_198, %parallel_loop3A_200 : vector<16xf32>
        %parallel_loop3A_202 = arith.mulf %parallel_loop3A_201, %parallel_loop3A_195 : vector<16xf32>
        %parallel_loop3A_203 = arith.constant 0.333333343 : f32
        %parallel_loop3A_204 = vector.broadcast %parallel_loop3A_203 : f32 to vector<16xf32>
        %parallel_loop3A_205 = arith.addf %parallel_loop3A_202, %parallel_loop3A_204 : vector<16xf32>
        %parallel_loop3A_206 = arith.mulf %parallel_loop3A_205, %parallel_loop3A_195 : vector<16xf32>
        %parallel_loop3A_207 = arith.constant 1.000000e+00 : f32
        %parallel_loop3A_208 = vector.broadcast %parallel_loop3A_207 : f32 to vector<16xf32>
        %parallel_loop3A_209 = arith.addf %parallel_loop3A_206, %parallel_loop3A_208 : vector<16xf32>
        %parallel_loop3A_210 = arith.constant 0.693147182 : f32
        %parallel_loop3A_211 = vector.broadcast %parallel_loop3A_210 : f32 to vector<16xf32>
        %parallel_loop3A_212 = arith.mulf %parallel_loop3A_187, %parallel_loop3A_211 : vector<16xf32>
        %parallel_loop3A_213 = arith.constant 2.000000e+00 : f32
        %parallel_loop3A_214 = vector.broadcast %parallel_loop3A_213 : f32 to vector<16xf32>
        %parallel_loop3A_215 = arith.mulf %parallel_loop3A_214, %parallel_loop3A_194 : vector<16xf32>
        %parallel_loop3A_216 = arith.mulf %parallel_loop3A_215, %parallel_loop3A_209 : vector<16xf32>
        %parallel_loop3A_217 = arith.addf %parallel_loop3A_212, %parallel_loop3A_216 : vector<16xf32>
        %parallel_loop3A_218 = arith.constant 0.0909090936 : f32
        %parallel_loop3A_219 = vector.broadcast %parallel_loop3A_218 : f32 to vector<16xf32>
        %parallel_loop3A_220 = arith.mulf %parallel_loop3A_217, %parallel_loop3A_219 : vector<16xf32>
        tpu.vector_store_idx %arg7[%parallel_loop3A_169], %parallel_loop3A_220 : memref<4096xf32, #tpu.memory_space<vmem>>[vector<16xi32>], vector<16xf32>,
        %parallel_loop3A_221 = arith.constant 64 : i32
        %parallel_loop3A_222 = arith.muli %parallel_loop3A_144, %parallel_loop3A_221 : i32
        %parallel_loop3A_223 = arith.constant 16 : i32
        %parallel_loop3A_224 = arith.addi %parallel_loop3A_222, %parallel_loop3A_223 : i32
        %parallel_loop3A_225 = arith.index_cast %parallel_loop3A_224 : i32 to index
        %parallel_loop3A_226 = tpu.vector_load %arg17[%parallel_loop3A_225] {strides = array<i32>} : memref<4096xf32, #tpu.memory_space<vmem>>, vector<16xf32>,
        %parallel_loop3A_227 = arith.subf %parallel_loop3A_226, %parallel_loop3A_157 : vector<16xf32>
        %parallel_loop3A_228 = arith.constant 0.000000e+00 : f32
        %parallel_loop3A_229 = vector.broadcast %parallel_loop3A_228 : f32 to vector<16xf32>
        %parallel_loop3A_230 = arith.maximumf %parallel_loop3A_227, %parallel_loop3A_229 : vector<16xf32>
        %parallel_loop3A_231 = vector.broadcast %parallel_loop3A_153 : i32 to vector<16xi32>
        %parallel_loop3A_232 = arith.addi %add3A_22, %parallel_loop3A_231 : vector<16xi32>
        %parallel_loop3A_233 = arith.constant 1.000000e+00 : f32
        %parallel_loop3A_234 = vector.broadcast %parallel_loop3A_233 : f32 to vector<16xf32>
        %parallel_loop3A_235 = arith.addf %parallel_loop3A_230, %parallel_loop3A_234 : vector<16xf32>
        %parallel_loop3A_236 = tpu.bitcast %parallel_loop3A_235 : vector<16xf32> -> vector<16xi32>
        %parallel_loop3A_237 = arith.constant 23 : i32
        %parallel_loop3A_238 = vector.broadcast %parallel_loop3A_237 : i32 to vector<16xi32>
        %parallel_loop3A_239 = arith.shrsi %parallel_loop3A_236, %parallel_loop3A_238 : vector<16xi32>
        %parallel_loop3A_240 = arith.constant 127 : i32
        %parallel_loop3A_241 = vector.broadcast %parallel_loop3A_240 : i32 to vector<16xi32>
        %parallel_loop3A_242 = arith.subi %parallel_loop3A_239, %parallel_loop3A_241 : vector<16xi32>
        %parallel_loop3A_243 = arith.constant 8388607 : i32
        %parallel_loop3A_244 = vector.broadcast %parallel_loop3A_243 : i32 to vector<16xi32>
        %parallel_loop3A_245 = arith.andi %parallel_loop3A_236, %parallel_loop3A_244 : vector<16xi32>
        %parallel_loop3A_246 = arith.constant 1065353216 : i32
        %parallel_loop3A_247 = vector.broadcast %parallel_loop3A_246 : i32 to vector<16xi32>
        %parallel_loop3A_248 = arith.ori %parallel_loop3A_245, %parallel_loop3A_247 : vector<16xi32>
        %parallel_loop3A_249 = tpu.bitcast %parallel_loop3A_248 : vector<16xi32> -> vector<16xf32>
        %parallel_loop3A_250 = arith.sitofp %parallel_loop3A_242 : vector<16xi32> to vector<16xf32>
        %parallel_loop3A_251 = arith.constant 1.000000e+00 : f32
        %parallel_loop3A_252 = vector.broadcast %parallel_loop3A_251 : f32 to vector<16xf32>
        %parallel_loop3A_253 = arith.subf %parallel_loop3A_249, %parallel_loop3A_252 : vector<16xf32>
        %parallel_loop3A_254 = arith.constant 1.000000e+00 : f32
        %parallel_loop3A_255 = vector.broadcast %parallel_loop3A_254 : f32 to vector<16xf32>
        %parallel_loop3A_256 = arith.addf %parallel_loop3A_249, %parallel_loop3A_255 : vector<16xf32>
        %parallel_loop3A_257 = arith.divf %parallel_loop3A_253, %parallel_loop3A_256 : vector<16xf32>
        %parallel_loop3A_258 = arith.mulf %parallel_loop3A_257, %parallel_loop3A_257 : vector<16xf32>
        %parallel_loop3A_259 = arith.constant 0.142857149 : f32
        %parallel_loop3A_260 = vector.broadcast %parallel_loop3A_259 : f32 to vector<16xf32>
        %parallel_loop3A_261 = arith.mulf %parallel_loop3A_260, %parallel_loop3A_258 : vector<16xf32>
        %parallel_loop3A_262 = arith.constant 2.000000e-01 : f32
        %parallel_loop3A_263 = vector.broadcast %parallel_loop3A_262 : f32 to vector<16xf32>
        %parallel_loop3A_264 = arith.addf %parallel_loop3A_261, %parallel_loop3A_263 : vector<16xf32>
        %parallel_loop3A_265 = arith.mulf %parallel_loop3A_264, %parallel_loop3A_258 : vector<16xf32>
        %parallel_loop3A_266 = arith.constant 0.333333343 : f32
        %parallel_loop3A_267 = vector.broadcast %parallel_loop3A_266 : f32 to vector<16xf32>
        %parallel_loop3A_268 = arith.addf %parallel_loop3A_265, %parallel_loop3A_267 : vector<16xf32>
        %parallel_loop3A_269 = arith.mulf %parallel_loop3A_268, %parallel_loop3A_258 : vector<16xf32>
        %parallel_loop3A_270 = arith.constant 1.000000e+00 : f32
        %parallel_loop3A_271 = vector.broadcast %parallel_loop3A_270 : f32 to vector<16xf32>
        %parallel_loop3A_272 = arith.addf %parallel_loop3A_269, %parallel_loop3A_271 : vector<16xf32>
        %parallel_loop3A_273 = arith.constant 0.693147182 : f32
        %parallel_loop3A_274 = vector.broadcast %parallel_loop3A_273 : f32 to vector<16xf32>
        %parallel_loop3A_275 = arith.mulf %parallel_loop3A_250, %parallel_loop3A_274 : vector<16xf32>
        %parallel_loop3A_276 = arith.constant 2.000000e+00 : f32
        %parallel_loop3A_277 = vector.broadcast %parallel_loop3A_276 : f32 to vector<16xf32>
        %parallel_loop3A_278 = arith.mulf %parallel_loop3A_277, %parallel_loop3A_257 : vector<16xf32>
        %parallel_loop3A_279 = arith.mulf %parallel_loop3A_278, %parallel_loop3A_272 : vector<16xf32>
        %parallel_loop3A_280 = arith.addf %parallel_loop3A_275, %parallel_loop3A_279 : vector<16xf32>
        %parallel_loop3A_281 = arith.constant 0.0909090936 : f32
        %parallel_loop3A_282 = vector.broadcast %parallel_loop3A_281 : f32 to vector<16xf32>
        %parallel_loop3A_283 = arith.mulf %parallel_loop3A_280, %parallel_loop3A_282 : vector<16xf32>
        tpu.vector_store_idx %arg7[%parallel_loop3A_232], %parallel_loop3A_283 : memref<4096xf32, #tpu.memory_space<vmem>>[vector<16xi32>], vector<16xf32>,
        %parallel_loop3A_284 = arith.constant 64 : i32
        %parallel_loop3A_285 = arith.muli %parallel_loop3A_144, %parallel_loop3A_284 : i32
        %parallel_loop3A_286 = arith.constant 32 : i32
        %parallel_loop3A_287 = arith.addi %parallel_loop3A_285, %parallel_loop3A_286 : i32
        %parallel_loop3A_288 = arith.index_cast %parallel_loop3A_287 : i32 to index
        %parallel_loop3A_289 = tpu.vector_load %arg17[%parallel_loop3A_288] {strides = array<i32>} : memref<4096xf32, #tpu.memory_space<vmem>>, vector<16xf32>,
        %parallel_loop3A_290 = arith.subf %parallel_loop3A_289, %parallel_loop3A_157 : vector<16xf32>
        %parallel_loop3A_291 = arith.constant 0.000000e+00 : f32
        %parallel_loop3A_292 = vector.broadcast %parallel_loop3A_291 : f32 to vector<16xf32>
        %parallel_loop3A_293 = arith.maximumf %parallel_loop3A_290, %parallel_loop3A_292 : vector<16xf32>
        %parallel_loop3A_294 = vector.broadcast %parallel_loop3A_153 : i32 to vector<16xi32>
        %parallel_loop3A_295 = arith.addi %add3A_29, %parallel_loop3A_294 : vector<16xi32>
        %parallel_loop3A_296 = arith.constant 1.000000e+00 : f32
        %parallel_loop3A_297 = vector.broadcast %parallel_loop3A_296 : f32 to vector<16xf32>
        %parallel_loop3A_298 = arith.addf %parallel_loop3A_293, %parallel_loop3A_297 : vector<16xf32>
        %parallel_loop3A_299 = tpu.bitcast %parallel_loop3A_298 : vector<16xf32> -> vector<16xi32>
        %parallel_loop3A_300 = arith.constant 23 : i32
        %parallel_loop3A_301 = vector.broadcast %parallel_loop3A_300 : i32 to vector<16xi32>
        %parallel_loop3A_302 = arith.shrsi %parallel_loop3A_299, %parallel_loop3A_301 : vector<16xi32>
        %parallel_loop3A_303 = arith.constant 127 : i32
        %parallel_loop3A_304 = vector.broadcast %parallel_loop3A_303 : i32 to vector<16xi32>
        %parallel_loop3A_305 = arith.subi %parallel_loop3A_302, %parallel_loop3A_304 : vector<16xi32>
        %parallel_loop3A_306 = arith.constant 8388607 : i32
        %parallel_loop3A_307 = vector.broadcast %parallel_loop3A_306 : i32 to vector<16xi32>
        %parallel_loop3A_308 = arith.andi %parallel_loop3A_299, %parallel_loop3A_307 : vector<16xi32>
        %parallel_loop3A_309 = arith.constant 1065353216 : i32
        %parallel_loop3A_310 = vector.broadcast %parallel_loop3A_309 : i32 to vector<16xi32>
        %parallel_loop3A_311 = arith.ori %parallel_loop3A_308, %parallel_loop3A_310 : vector<16xi32>
        %parallel_loop3A_312 = tpu.bitcast %parallel_loop3A_311 : vector<16xi32> -> vector<16xf32>
        %parallel_loop3A_313 = arith.sitofp %parallel_loop3A_305 : vector<16xi32> to vector<16xf32>
        %parallel_loop3A_314 = arith.constant 1.000000e+00 : f32
        %parallel_loop3A_315 = vector.broadcast %parallel_loop3A_314 : f32 to vector<16xf32>
        %parallel_loop3A_316 = arith.subf %parallel_loop3A_312, %parallel_loop3A_315 : vector<16xf32>
        %parallel_loop3A_317 = arith.constant 1.000000e+00 : f32
        %parallel_loop3A_318 = vector.broadcast %parallel_loop3A_317 : f32 to vector<16xf32>
        %parallel_loop3A_319 = arith.addf %parallel_loop3A_312, %parallel_loop3A_318 : vector<16xf32>
        %parallel_loop3A_320 = arith.divf %parallel_loop3A_316, %parallel_loop3A_319 : vector<16xf32>
        %parallel_loop3A_321 = arith.mulf %parallel_loop3A_320, %parallel_loop3A_320 : vector<16xf32>
        %parallel_loop3A_322 = arith.constant 0.142857149 : f32
        %parallel_loop3A_323 = vector.broadcast %parallel_loop3A_322 : f32 to vector<16xf32>
        %parallel_loop3A_324 = arith.mulf %parallel_loop3A_323, %parallel_loop3A_321 : vector<16xf32>
        %parallel_loop3A_325 = arith.constant 2.000000e-01 : f32
        %parallel_loop3A_326 = vector.broadcast %parallel_loop3A_325 : f32 to vector<16xf32>
        %parallel_loop3A_327 = arith.addf %parallel_loop3A_324, %parallel_loop3A_326 : vector<16xf32>
        %parallel_loop3A_328 = arith.mulf %parallel_loop3A_327, %parallel_loop3A_321 : vector<16xf32>
        %parallel_loop3A_329 = arith.constant 0.333333343 : f32
        %parallel_loop3A_330 = vector.broadcast %parallel_loop3A_329 : f32 to vector<16xf32>
        %parallel_loop3A_331 = arith.addf %parallel_loop3A_328, %parallel_loop3A_330 : vector<16xf32>
        %parallel_loop3A_332 = arith.mulf %parallel_loop3A_331, %parallel_loop3A_321 : vector<16xf32>
        %parallel_loop3A_333 = arith.constant 1.000000e+00 : f32
        %parallel_loop3A_334 = vector.broadcast %parallel_loop3A_333 : f32 to vector<16xf32>
        %parallel_loop3A_335 = arith.addf %parallel_loop3A_332, %parallel_loop3A_334 : vector<16xf32>
        %parallel_loop3A_336 = arith.constant 0.693147182 : f32
        %parallel_loop3A_337 = vector.broadcast %parallel_loop3A_336 : f32 to vector<16xf32>
        %parallel_loop3A_338 = arith.mulf %parallel_loop3A_313, %parallel_loop3A_337 : vector<16xf32>
        %parallel_loop3A_339 = arith.constant 2.000000e+00 : f32
        %parallel_loop3A_340 = vector.broadcast %parallel_loop3A_339 : f32 to vector<16xf32>
        %parallel_loop3A_341 = arith.mulf %parallel_loop3A_340, %parallel_loop3A_320 : vector<16xf32>
        %parallel_loop3A_342 = arith.mulf %parallel_loop3A_341, %parallel_loop3A_335 : vector<16xf32>
        %parallel_loop3A_343 = arith.addf %parallel_loop3A_338, %parallel_loop3A_342 : vector<16xf32>
        %parallel_loop3A_344 = arith.constant 0.0909090936 : f32
        %parallel_loop3A_345 = vector.broadcast %parallel_loop3A_344 : f32 to vector<16xf32>
        %parallel_loop3A_346 = arith.mulf %parallel_loop3A_343, %parallel_loop3A_345 : vector<16xf32>
        tpu.vector_store_idx %arg7[%parallel_loop3A_295], %parallel_loop3A_346 : memref<4096xf32, #tpu.memory_space<vmem>>[vector<16xi32>], vector<16xf32>,
        %parallel_loop3A_347 = arith.constant 64 : i32
        %parallel_loop3A_348 = arith.muli %parallel_loop3A_144, %parallel_loop3A_347 : i32
        %parallel_loop3A_349 = arith.constant 48 : i32
        %parallel_loop3A_350 = arith.addi %parallel_loop3A_348, %parallel_loop3A_349 : i32
        %parallel_loop3A_351 = arith.index_cast %parallel_loop3A_350 : i32 to index
        %parallel_loop3A_352 = tpu.vector_load %arg17[%parallel_loop3A_351] {strides = array<i32>} : memref<4096xf32, #tpu.memory_space<vmem>>, vector<16xf32>,
        %parallel_loop3A_353 = arith.subf %parallel_loop3A_352, %parallel_loop3A_157 : vector<16xf32>
        %parallel_loop3A_354 = arith.constant 0.000000e+00 : f32
        %parallel_loop3A_355 = vector.broadcast %parallel_loop3A_354 : f32 to vector<16xf32>
        %parallel_loop3A_356 = arith.maximumf %parallel_loop3A_353, %parallel_loop3A_355 : vector<16xf32>
        %parallel_loop3A_357 = vector.broadcast %parallel_loop3A_153 : i32 to vector<16xi32>
        %parallel_loop3A_358 = arith.addi %add3A_36, %parallel_loop3A_357 : vector<16xi32>
        %parallel_loop3A_359 = arith.constant 1.000000e+00 : f32
        %parallel_loop3A_360 = vector.broadcast %parallel_loop3A_359 : f32 to vector<16xf32>
        %parallel_loop3A_361 = arith.addf %parallel_loop3A_356, %parallel_loop3A_360 : vector<16xf32>
        %parallel_loop3A_362 = tpu.bitcast %parallel_loop3A_361 : vector<16xf32> -> vector<16xi32>
        %parallel_loop3A_363 = arith.constant 23 : i32
        %parallel_loop3A_364 = vector.broadcast %parallel_loop3A_363 : i32 to vector<16xi32>
        %parallel_loop3A_365 = arith.shrsi %parallel_loop3A_362, %parallel_loop3A_364 : vector<16xi32>
        %parallel_loop3A_366 = arith.constant 127 : i32
        %parallel_loop3A_367 = vector.broadcast %parallel_loop3A_366 : i32 to vector<16xi32>
        %parallel_loop3A_368 = arith.subi %parallel_loop3A_365, %parallel_loop3A_367 : vector<16xi32>
        %parallel_loop3A_369 = arith.constant 8388607 : i32
        %parallel_loop3A_370 = vector.broadcast %parallel_loop3A_369 : i32 to vector<16xi32>
        %parallel_loop3A_371 = arith.andi %parallel_loop3A_362, %parallel_loop3A_370 : vector<16xi32>
        %parallel_loop3A_372 = arith.constant 1065353216 : i32
        %parallel_loop3A_373 = vector.broadcast %parallel_loop3A_372 : i32 to vector<16xi32>
        %parallel_loop3A_374 = arith.ori %parallel_loop3A_371, %parallel_loop3A_373 : vector<16xi32>
        %parallel_loop3A_375 = tpu.bitcast %parallel_loop3A_374 : vector<16xi32> -> vector<16xf32>
        %parallel_loop3A_376 = arith.sitofp %parallel_loop3A_368 : vector<16xi32> to vector<16xf32>
        %parallel_loop3A_377 = arith.constant 1.000000e+00 : f32
        %parallel_loop3A_378 = vector.broadcast %parallel_loop3A_377 : f32 to vector<16xf32>
        %parallel_loop3A_379 = arith.subf %parallel_loop3A_375, %parallel_loop3A_378 : vector<16xf32>
        %parallel_loop3A_380 = arith.constant 1.000000e+00 : f32
        %parallel_loop3A_381 = vector.broadcast %parallel_loop3A_380 : f32 to vector<16xf32>
        %parallel_loop3A_382 = arith.addf %parallel_loop3A_375, %parallel_loop3A_381 : vector<16xf32>
        %parallel_loop3A_383 = arith.divf %parallel_loop3A_379, %parallel_loop3A_382 : vector<16xf32>
        %parallel_loop3A_384 = arith.mulf %parallel_loop3A_383, %parallel_loop3A_383 : vector<16xf32>
        %parallel_loop3A_385 = arith.constant 0.142857149 : f32
        %parallel_loop3A_386 = vector.broadcast %parallel_loop3A_385 : f32 to vector<16xf32>
        %parallel_loop3A_387 = arith.mulf %parallel_loop3A_386, %parallel_loop3A_384 : vector<16xf32>
        %parallel_loop3A_388 = arith.constant 2.000000e-01 : f32
        %parallel_loop3A_389 = vector.broadcast %parallel_loop3A_388 : f32 to vector<16xf32>
        %parallel_loop3A_390 = arith.addf %parallel_loop3A_387, %parallel_loop3A_389 : vector<16xf32>
        %parallel_loop3A_391 = arith.mulf %parallel_loop3A_390, %parallel_loop3A_384 : vector<16xf32>
        %parallel_loop3A_392 = arith.constant 0.333333343 : f32
        %parallel_loop3A_393 = vector.broadcast %parallel_loop3A_392 : f32 to vector<16xf32>
        %parallel_loop3A_394 = arith.addf %parallel_loop3A_391, %parallel_loop3A_393 : vector<16xf32>
        %parallel_loop3A_395 = arith.mulf %parallel_loop3A_394, %parallel_loop3A_384 : vector<16xf32>
        %parallel_loop3A_396 = arith.constant 1.000000e+00 : f32
        %parallel_loop3A_397 = vector.broadcast %parallel_loop3A_396 : f32 to vector<16xf32>
        %parallel_loop3A_398 = arith.addf %parallel_loop3A_395, %parallel_loop3A_397 : vector<16xf32>
        %parallel_loop3A_399 = arith.constant 0.693147182 : f32
        %parallel_loop3A_400 = vector.broadcast %parallel_loop3A_399 : f32 to vector<16xf32>
        %parallel_loop3A_401 = arith.mulf %parallel_loop3A_376, %parallel_loop3A_400 : vector<16xf32>
        %parallel_loop3A_402 = arith.constant 2.000000e+00 : f32
        %parallel_loop3A_403 = vector.broadcast %parallel_loop3A_402 : f32 to vector<16xf32>
        %parallel_loop3A_404 = arith.mulf %parallel_loop3A_403, %parallel_loop3A_383 : vector<16xf32>
        %parallel_loop3A_405 = arith.mulf %parallel_loop3A_404, %parallel_loop3A_398 : vector<16xf32>
        %parallel_loop3A_406 = arith.addf %parallel_loop3A_401, %parallel_loop3A_405 : vector<16xf32>
        %parallel_loop3A_407 = arith.constant 0.0909090936 : f32
        %parallel_loop3A_408 = vector.broadcast %parallel_loop3A_407 : f32 to vector<16xf32>
        %parallel_loop3A_409 = arith.mulf %parallel_loop3A_406, %parallel_loop3A_408 : vector<16xf32>
        tpu.vector_store_idx %arg7[%parallel_loop3A_358], %parallel_loop3A_409 : memref<4096xf32, #tpu.memory_space<vmem>>[vector<16xi32>], vector<16xf32>,
      } {sc.loop_unroll_factor = 4 : i64, sc.parallel_access}
      %mul3A_108 = arith.constant 4096 : i32
      %mul3A_109 = arith.muli %mul3A_83, %mul3A_108 : i32
      %add3A_110 = arith.addi %mul3A_4, %mul3A_109 : i32
      %dma_start3A_111 = tpu.memref_slice %arg4[%add3A_110] : memref<8388608xf32, #tpu.memory_space<hbm>> -> memref<4096xf32, #tpu.memory_space<hbm>>
      %dma_start3A_112 = tpu.memref_slice %arg4[%add3A_110] : memref<8388608xf32, #tpu.memory_space<hbm>> -> memref<4096xf32, #tpu.memory_space<hbm>>
      tpu.enqueue_dma source(%arg7 : memref<4096xf32, #tpu.memory_space<vmem>>) target(%dma_start3A_112 : memref<4096xf32, #tpu.memory_space<hbm>>) target_semaphore(%arg13 : memref<!tpu.dma_semaphore, #tpu.memory_space<semaphore_mem>>)
      %lt3A = arith.constant 31 : i32
      %lt3A_113 = arith.cmpi slt, %scan3A_81, %lt3A : i32
      %convert_element_type3A_114 = arith.extui %lt3A_113 : i1 to i32
      %cond3A_115 = arith.constant 0 : i32
      %cond3A_116 = arith.cmpi ne, %convert_element_type3A_114, %cond3A_115 : i32
      scf.if %cond3A_116 {
        %add3A_144 = arith.constant 2 : i32
        %add3A_145 = arith.addi %mul3A_83, %add3A_144 : i32
        %mul3A_146 = arith.constant 4096 : i32
        %mul3A_147 = arith.muli %add3A_145, %mul3A_146 : i32
        %add3A_148 = arith.addi %mul3A_4, %mul3A_147 : i32
        %dma_start3A_149 = tpu.memref_slice %arg2[%add3A_148] : memref<8388608xf32, #tpu.memory_space<hbm>> -> memref<4096xf32, #tpu.memory_space<hbm>>
        %dma_start3A_150 = tpu.memref_slice %arg2[%add3A_148] : memref<8388608xf32, #tpu.memory_space<hbm>> -> memref<4096xf32, #tpu.memory_space<hbm>>
        tpu.enqueue_dma source(%dma_start3A_150 : memref<4096xf32, #tpu.memory_space<hbm>>) target(%arg5 : memref<4096xf32, #tpu.memory_space<vmem>>) target_semaphore(%arg11 : memref<!tpu.dma_semaphore, #tpu.memory_space<semaphore_mem>>)
        %dma_start3A_151 = tpu.memref_slice %arg3[%add3A_148] : memref<8388608xf32, #tpu.memory_space<hbm>> -> memref<4096xf32, #tpu.memory_space<hbm>>
        %dma_start3A_152 = tpu.memref_slice %arg3[%add3A_148] : memref<8388608xf32, #tpu.memory_space<hbm>> -> memref<4096xf32, #tpu.memory_space<hbm>>
        tpu.enqueue_dma source(%dma_start3A_152 : memref<4096xf32, #tpu.memory_space<hbm>>) target(%arg6 : memref<4096xf32, #tpu.memory_space<vmem>>) target_semaphore(%arg12 : memref<!tpu.dma_semaphore, #tpu.memory_space<semaphore_mem>>)
      } else {
      }
      %add3A_117 = arith.constant 1 : i32
      %add3A_118 = arith.addi %mul3A_83, %add3A_117 : i32
      %mul3A_119 = arith.constant 4096 : i32
      %mul3A_120 = arith.muli %add3A_118, %mul3A_119 : i32
      %add3A_121 = arith.addi %mul3A_4, %mul3A_120 : i32
      %dma_wait3A_122 = tpu.memref_slice %arg2[%add3A_121] : memref<8388608xf32, #tpu.memory_space<hbm>> -> memref<4096xf32, #tpu.memory_space<hbm>>
      %dma_wait3A_123 = tpu.memref_slice %arg2[%add3A_121] : memref<8388608xf32, #tpu.memory_space<hbm>> -> memref<4096xf32, #tpu.memory_space<hbm>>
      tpu.wait_dma2 semaphore(%arg14 : memref<!tpu.dma_semaphore, #tpu.memory_space<semaphore_mem>>) src(%dma_wait3A_123 : memref<4096xf32, #tpu.memory_space<hbm>>) dst(%arg8 : memref<4096xf32, #tpu.memory_space<vmem>>)
      %dma_wait3A_124 = tpu.memref_slice %arg3[%add3A_121] : memref<8388608xf32, #tpu.memory_space<hbm>> -> memref<4096xf32, #tpu.memory_space<hbm>>
      %dma_wait3A_125 = tpu.memref_slice %arg3[%add3A_121] : memref<8388608xf32, #tpu.memory_space<hbm>> -> memref<4096xf32, #tpu.memory_space<hbm>>
      tpu.wait_dma2 semaphore(%arg15 : memref<!tpu.dma_semaphore, #tpu.memory_space<semaphore_mem>>) src(%dma_wait3A_125 : memref<4096xf32, #tpu.memory_space<hbm>>) dst(%arg9 : memref<4096xf32, #tpu.memory_space<vmem>>)
      %gt3A_126 = arith.constant 0 : i32
      %gt3A_127 = arith.cmpi sgt, %scan3A_81, %gt3A_126 : i32
      %convert_element_type3A_128 = arith.extui %gt3A_127 : i1 to i32
      %cond3A_129 = arith.constant 0 : i32
      %cond3A_130 = arith.cmpi ne, %convert_element_type3A_128, %cond3A_129 : i32
      scf.if %cond3A_130 {
        %sub3A = arith.constant 1 : i32
        %sub3A_144 = arith.subi %mul3A_83, %sub3A : i32
        %mul3A_145 = arith.constant 4096 : i32
        %mul3A_146 = arith.muli %sub3A_144, %mul3A_145 : i32
        %add3A_147 = arith.addi %mul3A_4, %mul3A_146 : i32
        %dma_wait3A_148 = tpu.memref_slice %arg4[%add3A_147] : memref<8388608xf32, #tpu.memory_space<hbm>> -> memref<4096xf32, #tpu.memory_space<hbm>>
        %dma_wait3A_149 = tpu.memref_slice %arg4[%add3A_147] : memref<8388608xf32, #tpu.memory_space<hbm>> -> memref<4096xf32, #tpu.memory_space<hbm>>
        tpu.wait_dma2 semaphore(%arg16 : memref<!tpu.dma_semaphore, #tpu.memory_space<semaphore_mem>>) src(%arg10 : memref<4096xf32, #tpu.memory_space<vmem>>) dst(%dma_wait3A_149 : memref<4096xf32, #tpu.memory_space<hbm>>)
      } else {
      }
      %parallel_loop3A_131 = arith.constant 0 : i32
      %parallel_loop3A_132 = arith.constant 64 : i32
      %parallel_loop3A_133 = arith.constant 1 : i32
      scf.for %parallel_loop3A_144 = %parallel_loop3A_131 to %parallel_loop3A_132 step %parallel_loop3A_133  : i32 {
        %parallel_loop3A_145 = arith.constant 4 : i32
        %parallel_loop3A_146 = arith.shrsi %parallel_loop3A_144, %parallel_loop3A_145 : i32
        %parallel_loop3A_147 = arith.constant 10 : i32
        %parallel_loop3A_148 = arith.shli %parallel_loop3A_146, %parallel_loop3A_147 : i32
        %parallel_loop3A_149 = arith.constant 15 : i32
        %parallel_loop3A_150 = arith.andi %parallel_loop3A_144, %parallel_loop3A_149 : i32
        %parallel_loop3A_151 = arith.constant 3 : i32
        %parallel_loop3A_152 = arith.shli %parallel_loop3A_150, %parallel_loop3A_151 : i32
        %parallel_loop3A_153 = arith.addi %parallel_loop3A_148, %parallel_loop3A_152 : i32
        %parallel_loop3A_154 = vector.broadcast %parallel_loop3A_153 : i32 to vector<16xi32>
        %parallel_loop3A_155 = arith.addi %add3A_15, %parallel_loop3A_154 : vector<16xi32>
        %parallel_loop3A_156 = vector.broadcast %parallel_loop3A_153 : i32 to vector<16xi32>
        %parallel_loop3A_157 = arith.addi %add3A_22, %parallel_loop3A_156 : vector<16xi32>
        %parallel_loop3A_158 = vector.broadcast %parallel_loop3A_153 : i32 to vector<16xi32>
        %parallel_loop3A_159 = arith.addi %add3A_29, %parallel_loop3A_158 : vector<16xi32>
        %parallel_loop3A_160 = vector.broadcast %parallel_loop3A_153 : i32 to vector<16xi32>
        %parallel_loop3A_161 = arith.addi %add3A_36, %parallel_loop3A_160 : vector<16xi32>
        %parallel_loop3A_162 = tpu.vector_load_idx %arg8[%parallel_loop3A_155] : memref<4096xf32, #tpu.memory_space<vmem>>[vector<16xi32>], vector<16xf32>,
        %parallel_loop3A_163 = arith.constant 1.100000e+01 : f32
        %parallel_loop3A_164 = vector.broadcast %parallel_loop3A_163 : f32 to vector<16xf32>
        %parallel_loop3A_165 = arith.mulf %parallel_loop3A_162, %parallel_loop3A_164 : vector<16xf32>
        %parallel_loop3A_166 = math.exp %parallel_loop3A_165 : vector<16xf32>
        %parallel_loop3A_167 = arith.constant 1.000000e+00 : f32
        %parallel_loop3A_168 = vector.broadcast %parallel_loop3A_167 : f32 to vector<16xf32>
        %parallel_loop3A_169 = arith.subf %parallel_loop3A_166, %parallel_loop3A_168 : vector<16xf32>
        %parallel_loop3A_170 = tpu.vector_load_idx %arg8[%parallel_loop3A_157] : memref<4096xf32, #tpu.memory_space<vmem>>[vector<16xi32>], vector<16xf32>,
        %parallel_loop3A_171 = arith.constant 1.100000e+01 : f32
        %parallel_loop3A_172 = vector.broadcast %parallel_loop3A_171 : f32 to vector<16xf32>
        %parallel_loop3A_173 = arith.mulf %parallel_loop3A_170, %parallel_loop3A_172 : vector<16xf32>
        %parallel_loop3A_174 = math.exp %parallel_loop3A_173 : vector<16xf32>
        %parallel_loop3A_175 = arith.constant 1.000000e+00 : f32
        %parallel_loop3A_176 = vector.broadcast %parallel_loop3A_175 : f32 to vector<16xf32>
        %parallel_loop3A_177 = arith.subf %parallel_loop3A_174, %parallel_loop3A_176 : vector<16xf32>
        %parallel_loop3A_178 = tpu.vector_load_idx %arg8[%parallel_loop3A_159] : memref<4096xf32, #tpu.memory_space<vmem>>[vector<16xi32>], vector<16xf32>,
        %parallel_loop3A_179 = arith.constant 1.100000e+01 : f32
        %parallel_loop3A_180 = vector.broadcast %parallel_loop3A_179 : f32 to vector<16xf32>
        %parallel_loop3A_181 = arith.mulf %parallel_loop3A_178, %parallel_loop3A_180 : vector<16xf32>
        %parallel_loop3A_182 = math.exp %parallel_loop3A_181 : vector<16xf32>
        %parallel_loop3A_183 = arith.constant 1.000000e+00 : f32
        %parallel_loop3A_184 = vector.broadcast %parallel_loop3A_183 : f32 to vector<16xf32>
        %parallel_loop3A_185 = arith.subf %parallel_loop3A_182, %parallel_loop3A_184 : vector<16xf32>
        %parallel_loop3A_186 = tpu.vector_load_idx %arg8[%parallel_loop3A_161] : memref<4096xf32, #tpu.memory_space<vmem>>[vector<16xi32>], vector<16xf32>,
        %parallel_loop3A_187 = arith.constant 1.100000e+01 : f32
        %parallel_loop3A_188 = vector.broadcast %parallel_loop3A_187 : f32 to vector<16xf32>
        %parallel_loop3A_189 = arith.mulf %parallel_loop3A_186, %parallel_loop3A_188 : vector<16xf32>
        %parallel_loop3A_190 = math.exp %parallel_loop3A_189 : vector<16xf32>
        %parallel_loop3A_191 = arith.constant 1.000000e+00 : f32
        %parallel_loop3A_192 = vector.broadcast %parallel_loop3A_191 : f32 to vector<16xf32>
        %parallel_loop3A_193 = arith.subf %parallel_loop3A_190, %parallel_loop3A_192 : vector<16xf32>
        %parallel_loop3A_194 = arith.constant 64 : i32
        %parallel_loop3A_195 = arith.muli %parallel_loop3A_144, %parallel_loop3A_194 : i32
        %parallel_loop3A_196 = arith.constant 0 : i32
        %parallel_loop3A_197 = arith.addi %parallel_loop3A_195, %parallel_loop3A_196 : i32
        %parallel_loop3A_198 = arith.index_cast %parallel_loop3A_197 : i32 to index
        %parallel_loop3A_199 = tpu.vector_load %arg17[%parallel_loop3A_198] {strides = array<i32>} : memref<4096xf32, #tpu.memory_space<vmem>>, vector<16xf32>,
        tpu.vector_store %arg17[%parallel_loop3A_198], %parallel_loop3A_169 {strides = array<i32>} : memref<4096xf32, #tpu.memory_space<vmem>>, vector<16xf32>,
        %parallel_loop3A_200 = arith.constant 64 : i32
        %parallel_loop3A_201 = arith.muli %parallel_loop3A_144, %parallel_loop3A_200 : i32
        %parallel_loop3A_202 = arith.constant 16 : i32
        %parallel_loop3A_203 = arith.addi %parallel_loop3A_201, %parallel_loop3A_202 : i32
        %parallel_loop3A_204 = arith.index_cast %parallel_loop3A_203 : i32 to index
        %parallel_loop3A_205 = tpu.vector_load %arg17[%parallel_loop3A_204] {strides = array<i32>} : memref<4096xf32, #tpu.memory_space<vmem>>, vector<16xf32>,
        tpu.vector_store %arg17[%parallel_loop3A_204], %parallel_loop3A_177 {strides = array<i32>} : memref<4096xf32, #tpu.memory_space<vmem>>, vector<16xf32>,
        %parallel_loop3A_206 = arith.constant 64 : i32
        %parallel_loop3A_207 = arith.muli %parallel_loop3A_144, %parallel_loop3A_206 : i32
        %parallel_loop3A_208 = arith.constant 32 : i32
        %parallel_loop3A_209 = arith.addi %parallel_loop3A_207, %parallel_loop3A_208 : i32
        %parallel_loop3A_210 = arith.index_cast %parallel_loop3A_209 : i32 to index
        %parallel_loop3A_211 = tpu.vector_load %arg17[%parallel_loop3A_210] {strides = array<i32>} : memref<4096xf32, #tpu.memory_space<vmem>>, vector<16xf32>,
        tpu.vector_store %arg17[%parallel_loop3A_210], %parallel_loop3A_185 {strides = array<i32>} : memref<4096xf32, #tpu.memory_space<vmem>>, vector<16xf32>,
        %parallel_loop3A_212 = arith.constant 64 : i32
        %parallel_loop3A_213 = arith.muli %parallel_loop3A_144, %parallel_loop3A_212 : i32
        %parallel_loop3A_214 = arith.constant 48 : i32
        %parallel_loop3A_215 = arith.addi %parallel_loop3A_213, %parallel_loop3A_214 : i32
        %parallel_loop3A_216 = arith.index_cast %parallel_loop3A_215 : i32 to index
        %parallel_loop3A_217 = tpu.vector_load %arg17[%parallel_loop3A_216] {strides = array<i32>} : memref<4096xf32, #tpu.memory_space<vmem>>, vector<16xf32>,
        tpu.vector_store %arg17[%parallel_loop3A_216], %parallel_loop3A_193 {strides = array<i32>} : memref<4096xf32, #tpu.memory_space<vmem>>, vector<16xf32>,
        %parallel_loop3A_218 = tpu.vector_load_idx %arg9[%parallel_loop3A_155] : memref<4096xf32, #tpu.memory_space<vmem>>[vector<16xi32>], vector<16xf32>,
        %parallel_loop3A_219 = arith.constant 1.100000e+01 : f32
        %parallel_loop3A_220 = vector.broadcast %parallel_loop3A_219 : f32 to vector<16xf32>
        %parallel_loop3A_221 = arith.mulf %parallel_loop3A_218, %parallel_loop3A_220 : vector<16xf32>
        %parallel_loop3A_222 = math.exp %parallel_loop3A_221 : vector<16xf32>
        %parallel_loop3A_223 = arith.constant 1.000000e+00 : f32
        %parallel_loop3A_224 = vector.broadcast %parallel_loop3A_223 : f32 to vector<16xf32>
        %parallel_loop3A_225 = arith.subf %parallel_loop3A_222, %parallel_loop3A_224 : vector<16xf32>
        %parallel_loop3A_226 = tpu.vector_load_idx %arg9[%parallel_loop3A_157] : memref<4096xf32, #tpu.memory_space<vmem>>[vector<16xi32>], vector<16xf32>,
        %parallel_loop3A_227 = arith.constant 1.100000e+01 : f32
        %parallel_loop3A_228 = vector.broadcast %parallel_loop3A_227 : f32 to vector<16xf32>
        %parallel_loop3A_229 = arith.mulf %parallel_loop3A_226, %parallel_loop3A_228 : vector<16xf32>
        %parallel_loop3A_230 = math.exp %parallel_loop3A_229 : vector<16xf32>
        %parallel_loop3A_231 = arith.constant 1.000000e+00 : f32
        %parallel_loop3A_232 = vector.broadcast %parallel_loop3A_231 : f32 to vector<16xf32>
        %parallel_loop3A_233 = arith.subf %parallel_loop3A_230, %parallel_loop3A_232 : vector<16xf32>
        %parallel_loop3A_234 = tpu.vector_load_idx %arg9[%parallel_loop3A_159] : memref<4096xf32, #tpu.memory_space<vmem>>[vector<16xi32>], vector<16xf32>,
        %parallel_loop3A_235 = arith.constant 1.100000e+01 : f32
        %parallel_loop3A_236 = vector.broadcast %parallel_loop3A_235 : f32 to vector<16xf32>
        %parallel_loop3A_237 = arith.mulf %parallel_loop3A_234, %parallel_loop3A_236 : vector<16xf32>
        %parallel_loop3A_238 = math.exp %parallel_loop3A_237 : vector<16xf32>
        %parallel_loop3A_239 = arith.constant 1.000000e+00 : f32
        %parallel_loop3A_240 = vector.broadcast %parallel_loop3A_239 : f32 to vector<16xf32>
        %parallel_loop3A_241 = arith.subf %parallel_loop3A_238, %parallel_loop3A_240 : vector<16xf32>
        %parallel_loop3A_242 = tpu.vector_load_idx %arg9[%parallel_loop3A_161] : memref<4096xf32, #tpu.memory_space<vmem>>[vector<16xi32>], vector<16xf32>,
        %parallel_loop3A_243 = arith.constant 1.100000e+01 : f32
        %parallel_loop3A_244 = vector.broadcast %parallel_loop3A_243 : f32 to vector<16xf32>
        %parallel_loop3A_245 = arith.mulf %parallel_loop3A_242, %parallel_loop3A_244 : vector<16xf32>
        %parallel_loop3A_246 = math.exp %parallel_loop3A_245 : vector<16xf32>
        %parallel_loop3A_247 = arith.constant 1.000000e+00 : f32
        %parallel_loop3A_248 = vector.broadcast %parallel_loop3A_247 : f32 to vector<16xf32>
        %parallel_loop3A_249 = arith.subf %parallel_loop3A_246, %parallel_loop3A_248 : vector<16xf32>
        %parallel_loop3A_250 = arith.addf %parallel_loop3A_225, %parallel_loop3A_233 : vector<16xf32>
        %parallel_loop3A_251 = arith.addf %parallel_loop3A_241, %parallel_loop3A_249 : vector<16xf32>
        %parallel_loop3A_252 = arith.addf %parallel_loop3A_250, %parallel_loop3A_251 : vector<16xf32>
        %parallel_loop3A_253 = arith.constant true
        %parallel_loop3A_254 = vector.broadcast %parallel_loop3A_253 : i1 to vector<16xi1>
        %parallel_loop3A_255 = tpu.scan <sum>, %parallel_loop3A_252 masked %parallel_loop3A_254 : vector<16xf32>, vector<16xi1> -> vector<16xf32>
        %parallel_loop3A_256 = vector.shape_cast %broadcast_in_dim3A_63 : vector<16xi32> to vector<16x1xi32>
        %parallel_loop3A_257 = vector.shape_cast %parallel_loop3A_256 : vector<16x1xi32> to vector<16xi32>
        %parallel_loop3A_258 = tpu.dynamic_gather %parallel_loop3A_255[%parallel_loop3A_257] in [0] : vector<16xf32>, vector<16xi32> -> vector<16xf32>
        %parallel_loop3A_259 = arith.constant dense<true> : vector<16xi1>
        %parallel_loop3A_260, %parallel_loop3A_261, %parallel_loop3A_262 = tpu.sort %parallel_loop3A_169, %parallel_loop3A_169 masked %parallel_loop3A_259 : (vector<16xf32>, vector<16xf32>, vector<16xi1>) -> (vector<16xi1>, vector<16xf32>, vector<16xf32>)
        %parallel_loop3A_263 = arith.constant dense<true> : vector<16xi1>
        %parallel_loop3A_264, %parallel_loop3A_265, %parallel_loop3A_266 = tpu.sort %parallel_loop3A_177, %parallel_loop3A_177 masked %parallel_loop3A_263 : (vector<16xf32>, vector<16xf32>, vector<16xi1>) -> (vector<16xi1>, vector<16xf32>, vector<16xf32>)
        %parallel_loop3A_267 = arith.constant dense<true> : vector<16xi1>
        %parallel_loop3A_268, %parallel_loop3A_269, %parallel_loop3A_270 = tpu.sort %parallel_loop3A_185, %parallel_loop3A_185 masked %parallel_loop3A_267 : (vector<16xf32>, vector<16xf32>, vector<16xi1>) -> (vector<16xi1>, vector<16xf32>, vector<16xf32>)
        %parallel_loop3A_271 = arith.constant dense<true> : vector<16xi1>
        %parallel_loop3A_272, %parallel_loop3A_273, %parallel_loop3A_274 = tpu.sort %parallel_loop3A_193, %parallel_loop3A_193 masked %parallel_loop3A_271 : (vector<16xf32>, vector<16xf32>, vector<16xi1>) -> (vector<16xi1>, vector<16xf32>, vector<16xf32>)
        %parallel_loop3A_275 = arith.constant 15 : i32
        %parallel_loop3A_276 = vector.broadcast %parallel_loop3A_275 : i32 to vector<16xi32>
        %parallel_loop3A_277 = tpu.iota {dimensions = array<i32: 0>} : vector<16xi32>
        %parallel_loop3A_278 = arith.subi %parallel_loop3A_276, %parallel_loop3A_277 : vector<16xi32>
        %parallel_loop3A_279 = tpu.dynamic_gather %parallel_loop3A_265[%parallel_loop3A_278] in [0] : vector<16xf32>, vector<16xi32> -> vector<16xf32>
        %parallel_loop3A_280 = arith.minimumf %parallel_loop3A_261, %parallel_loop3A_279 : vector<16xf32>
        %parallel_loop3A_281 = arith.maximumf %parallel_loop3A_261, %parallel_loop3A_279 : vector<16xf32>
        %parallel_loop3A_282 = arith.constant dense<true> : vector<16xi1>
        %parallel_loop3A_283, %parallel_loop3A_284, %parallel_loop3A_285 = tpu.sort %parallel_loop3A_280, %parallel_loop3A_280 masked %parallel_loop3A_282 : (vector<16xf32>, vector<16xf32>, vector<16xi1>) -> (vector<16xi1>, vector<16xf32>, vector<16xf32>)
        %parallel_loop3A_286 = arith.constant dense<true> : vector<16xi1>
        %parallel_loop3A_287, %parallel_loop3A_288, %parallel_loop3A_289 = tpu.sort %parallel_loop3A_281, %parallel_loop3A_281 masked %parallel_loop3A_286 : (vector<16xf32>, vector<16xf32>, vector<16xi1>) -> (vector<16xi1>, vector<16xf32>, vector<16xf32>)
        %parallel_loop3A_290 = arith.constant 15 : i32
        %parallel_loop3A_291 = vector.broadcast %parallel_loop3A_290 : i32 to vector<16xi32>
        %parallel_loop3A_292 = tpu.iota {dimensions = array<i32: 0>} : vector<16xi32>
        %parallel_loop3A_293 = arith.subi %parallel_loop3A_291, %parallel_loop3A_292 : vector<16xi32>
        %parallel_loop3A_294 = tpu.dynamic_gather %parallel_loop3A_273[%parallel_loop3A_293] in [0] : vector<16xf32>, vector<16xi32> -> vector<16xf32>
        %parallel_loop3A_295 = arith.minimumf %parallel_loop3A_269, %parallel_loop3A_294 : vector<16xf32>
        %parallel_loop3A_296 = arith.maximumf %parallel_loop3A_269, %parallel_loop3A_294 : vector<16xf32>
        %parallel_loop3A_297 = arith.constant dense<true> : vector<16xi1>
        %parallel_loop3A_298, %parallel_loop3A_299, %parallel_loop3A_300 = tpu.sort %parallel_loop3A_295, %parallel_loop3A_295 masked %parallel_loop3A_297 : (vector<16xf32>, vector<16xf32>, vector<16xi1>) -> (vector<16xi1>, vector<16xf32>, vector<16xf32>)
        %parallel_loop3A_301 = arith.constant dense<true> : vector<16xi1>
        %parallel_loop3A_302, %parallel_loop3A_303, %parallel_loop3A_304 = tpu.sort %parallel_loop3A_296, %parallel_loop3A_296 masked %parallel_loop3A_301 : (vector<16xf32>, vector<16xf32>, vector<16xi1>) -> (vector<16xi1>, vector<16xf32>, vector<16xf32>)
        %parallel_loop3A_305 = arith.constant 15 : i32
        %parallel_loop3A_306 = vector.broadcast %parallel_loop3A_305 : i32 to vector<16xi32>
        %parallel_loop3A_307 = tpu.iota {dimensions = array<i32: 0>} : vector<16xi32>
        %parallel_loop3A_308 = arith.subi %parallel_loop3A_306, %parallel_loop3A_307 : vector<16xi32>
        %parallel_loop3A_309 = tpu.dynamic_gather %parallel_loop3A_303[%parallel_loop3A_308] in [0] : vector<16xf32>, vector<16xi32> -> vector<16xf32>
        %parallel_loop3A_310 = arith.constant 15 : i32
        %parallel_loop3A_311 = vector.broadcast %parallel_loop3A_310 : i32 to vector<16xi32>
        %parallel_loop3A_312 = tpu.iota {dimensions = array<i32: 0>} : vector<16xi32>
        %parallel_loop3A_313 = arith.subi %parallel_loop3A_311, %parallel_loop3A_312 : vector<16xi32>
        %parallel_loop3A_314 = tpu.dynamic_gather %parallel_loop3A_299[%parallel_loop3A_313] in [0] : vector<16xf32>, vector<16xi32> -> vector<16xf32>
        %parallel_loop3A_315 = arith.minimumf %parallel_loop3A_284, %parallel_loop3A_309 : vector<16xf32>
        %parallel_loop3A_316 = arith.minimumf %parallel_loop3A_288, %parallel_loop3A_314 : vector<16xf32>
        %parallel_loop3A_317 = arith.maximumf %parallel_loop3A_284, %parallel_loop3A_309 : vector<16xf32>
        %parallel_loop3A_318 = arith.maximumf %parallel_loop3A_288, %parallel_loop3A_314 : vector<16xf32>
        %parallel_loop3A_319 = arith.minimumf %parallel_loop3A_315, %parallel_loop3A_316 : vector<16xf32>
        %parallel_loop3A_320 = arith.maximumf %parallel_loop3A_315, %parallel_loop3A_316 : vector<16xf32>
        %parallel_loop3A_321 = arith.minimumf %parallel_loop3A_317, %parallel_loop3A_318 : vector<16xf32>
        %parallel_loop3A_322 = arith.maximumf %parallel_loop3A_317, %parallel_loop3A_318 : vector<16xf32>
        %parallel_loop3A_323 = arith.constant dense<true> : vector<16xi1>
        %parallel_loop3A_324, %parallel_loop3A_325, %parallel_loop3A_326 = tpu.sort %parallel_loop3A_319, %parallel_loop3A_319 masked %parallel_loop3A_323 : (vector<16xf32>, vector<16xf32>, vector<16xi1>) -> (vector<16xi1>, vector<16xf32>, vector<16xf32>)
        %parallel_loop3A_327 = arith.constant dense<true> : vector<16xi1>
        %parallel_loop3A_328, %parallel_loop3A_329, %parallel_loop3A_330 = tpu.sort %parallel_loop3A_320, %parallel_loop3A_320 masked %parallel_loop3A_327 : (vector<16xf32>, vector<16xf32>, vector<16xi1>) -> (vector<16xi1>, vector<16xf32>, vector<16xf32>)
        %parallel_loop3A_331 = arith.constant dense<true> : vector<16xi1>
        %parallel_loop3A_332, %parallel_loop3A_333, %parallel_loop3A_334 = tpu.sort %parallel_loop3A_321, %parallel_loop3A_321 masked %parallel_loop3A_331 : (vector<16xf32>, vector<16xf32>, vector<16xi1>) -> (vector<16xi1>, vector<16xf32>, vector<16xf32>)
        %parallel_loop3A_335 = arith.constant dense<true> : vector<16xi1>
        %parallel_loop3A_336, %parallel_loop3A_337, %parallel_loop3A_338 = tpu.sort %parallel_loop3A_322, %parallel_loop3A_322 masked %parallel_loop3A_335 : (vector<16xf32>, vector<16xf32>, vector<16xi1>) -> (vector<16xi1>, vector<16xf32>, vector<16xf32>)
        %parallel_loop3A_339 = arith.constant 15 : i32
        %parallel_loop3A_340 = vector.broadcast %parallel_loop3A_339 : i32 to vector<16xi32>
        %parallel_loop3A_341 = tpu.iota {dimensions = array<i32: 0>} : vector<16xi32>
        %parallel_loop3A_342 = arith.subi %parallel_loop3A_340, %parallel_loop3A_341 : vector<16xi32>
        %parallel_loop3A_343 = tpu.dynamic_gather %parallel_loop3A_337[%parallel_loop3A_342] in [0] : vector<16xf32>, vector<16xi32> -> vector<16xf32>
        %parallel_loop3A_344 = arith.constant 15 : i32
        %parallel_loop3A_345 = vector.broadcast %parallel_loop3A_344 : i32 to vector<16xi32>
        %parallel_loop3A_346 = tpu.iota {dimensions = array<i32: 0>} : vector<16xi32>
        %parallel_loop3A_347 = arith.subi %parallel_loop3A_345, %parallel_loop3A_346 : vector<16xi32>
        %parallel_loop3A_348 = tpu.dynamic_gather %parallel_loop3A_333[%parallel_loop3A_347] in [0] : vector<16xf32>, vector<16xi32> -> vector<16xf32>
        %parallel_loop3A_349 = arith.constant 15 : i32
        %parallel_loop3A_350 = vector.broadcast %parallel_loop3A_349 : i32 to vector<16xi32>
        %parallel_loop3A_351 = tpu.iota {dimensions = array<i32: 0>} : vector<16xi32>
        %parallel_loop3A_352 = arith.subi %parallel_loop3A_350, %parallel_loop3A_351 : vector<16xi32>
        %parallel_loop3A_353 = tpu.dynamic_gather %parallel_loop3A_329[%parallel_loop3A_352] in [0] : vector<16xf32>, vector<16xi32> -> vector<16xf32>
        %parallel_loop3A_354 = arith.constant 15 : i32
        %parallel_loop3A_355 = vector.broadcast %parallel_loop3A_354 : i32 to vector<16xi32>
        %parallel_loop3A_356 = tpu.iota {dimensions = array<i32: 0>} : vector<16xi32>
        %parallel_loop3A_357 = arith.subi %parallel_loop3A_355, %parallel_loop3A_356 : vector<16xi32>
        %parallel_loop3A_358 = tpu.dynamic_gather %parallel_loop3A_325[%parallel_loop3A_357] in [0] : vector<16xf32>, vector<16xi32> -> vector<16xf32>
        %parallel_loop3A_359 = arith.constant 0.000000e+00 : f32
        %parallel_loop3A_360 = vector.broadcast %parallel_loop3A_359 : f32 to vector<16xf32>
        %parallel_loop3A_361 = arith.constant 0 : i32
        %parallel_loop3A_362 = vector.broadcast %parallel_loop3A_361 : i32 to vector<16xi32>
        %parallel_loop3A_363 = arith.constant 0.000000e+00 : f32
        %parallel_loop3A_364 = vector.broadcast %parallel_loop3A_363 : f32 to vector<16xf32>
        %parallel_loop3A_365 = arith.constant true
        %parallel_loop3A_366 = vector.broadcast %parallel_loop3A_365 : i1 to vector<16xi1>
        %parallel_loop3A_367 = tpu.scan <sum>, %parallel_loop3A_343 masked %parallel_loop3A_366 : vector<16xf32>, vector<16xi1> -> vector<16xf32>
        %parallel_loop3A_368 = arith.addf %parallel_loop3A_367, %parallel_loop3A_364 : vector<16xf32>
        %parallel_loop3A_369 = vector.shape_cast %broadcast_in_dim3A_63 : vector<16xi32> to vector<16x1xi32>
        %parallel_loop3A_370 = vector.shape_cast %parallel_loop3A_369 : vector<16x1xi32> to vector<16xi32>
        %parallel_loop3A_371 = tpu.dynamic_gather %parallel_loop3A_368[%parallel_loop3A_370] in [0] : vector<16xf32>, vector<16xi32> -> vector<16xf32>
        %parallel_loop3A_372 = arith.subf %parallel_loop3A_368, %parallel_loop3A_258 : vector<16xf32>
        %parallel_loop3A_373 = arith.mulf %parallel_loop3A_372, %div3A_44 : vector<16xf32>
        %parallel_loop3A_374 = arith.cmpf ogt, %parallel_loop3A_343, %parallel_loop3A_373 : vector<16xf32>
        %parallel_loop3A_375 = arith.constant 0.000000e+00 : f32
        %parallel_loop3A_376 = vector.broadcast %parallel_loop3A_375 : f32 to vector<16xf32>
        %parallel_loop3A_377 = arith.select %parallel_loop3A_374, %parallel_loop3A_343, %parallel_loop3A_376 : vector<16xi1>, vector<16xf32>
        %parallel_loop3A_378 = arith.addf %parallel_loop3A_360, %parallel_loop3A_377 : vector<16xf32>
        %parallel_loop3A_379 = tpu.all_reduce %parallel_loop3A_374 {dim = 0 : i64, kind = #tpu.reduction_kind<sum>} : vector<16xi1> -> vector<16xi32>
        %parallel_loop3A_380 = arith.addi %parallel_loop3A_362, %parallel_loop3A_379 : vector<16xi32>
        %parallel_loop3A_381 = arith.constant true
        %parallel_loop3A_382 = vector.broadcast %parallel_loop3A_381 : i1 to vector<16xi1>
        %parallel_loop3A_383 = tpu.scan <sum>, %parallel_loop3A_348 masked %parallel_loop3A_382 : vector<16xf32>, vector<16xi1> -> vector<16xf32>
        %parallel_loop3A_384 = arith.addf %parallel_loop3A_383, %parallel_loop3A_371 : vector<16xf32>
        %parallel_loop3A_385 = vector.shape_cast %broadcast_in_dim3A_63 : vector<16xi32> to vector<16x1xi32>
        %parallel_loop3A_386 = vector.shape_cast %parallel_loop3A_385 : vector<16x1xi32> to vector<16xi32>
        %parallel_loop3A_387 = tpu.dynamic_gather %parallel_loop3A_384[%parallel_loop3A_386] in [0] : vector<16xf32>, vector<16xi32> -> vector<16xf32>
        %parallel_loop3A_388 = arith.subf %parallel_loop3A_384, %parallel_loop3A_258 : vector<16xf32>
        %parallel_loop3A_389 = arith.mulf %parallel_loop3A_388, %div3A_50 : vector<16xf32>
        %parallel_loop3A_390 = arith.cmpf ogt, %parallel_loop3A_348, %parallel_loop3A_389 : vector<16xf32>
        %parallel_loop3A_391 = arith.constant 0.000000e+00 : f32
        %parallel_loop3A_392 = vector.broadcast %parallel_loop3A_391 : f32 to vector<16xf32>
        %parallel_loop3A_393 = arith.select %parallel_loop3A_390, %parallel_loop3A_348, %parallel_loop3A_392 : vector<16xi1>, vector<16xf32>
        %parallel_loop3A_394 = arith.addf %parallel_loop3A_378, %parallel_loop3A_393 : vector<16xf32>
        %parallel_loop3A_395 = tpu.all_reduce %parallel_loop3A_390 {dim = 0 : i64, kind = #tpu.reduction_kind<sum>} : vector<16xi1> -> vector<16xi32>
        %parallel_loop3A_396 = arith.addi %parallel_loop3A_380, %parallel_loop3A_395 : vector<16xi32>
        %parallel_loop3A_397 = arith.constant true
        %parallel_loop3A_398 = vector.broadcast %parallel_loop3A_397 : i1 to vector<16xi1>
        %parallel_loop3A_399 = tpu.scan <sum>, %parallel_loop3A_353 masked %parallel_loop3A_398 : vector<16xf32>, vector<16xi1> -> vector<16xf32>
        %parallel_loop3A_400 = arith.addf %parallel_loop3A_399, %parallel_loop3A_387 : vector<16xf32>
        %parallel_loop3A_401 = vector.shape_cast %broadcast_in_dim3A_63 : vector<16xi32> to vector<16x1xi32>
        %parallel_loop3A_402 = vector.shape_cast %parallel_loop3A_401 : vector<16x1xi32> to vector<16xi32>
        %parallel_loop3A_403 = tpu.dynamic_gather %parallel_loop3A_400[%parallel_loop3A_402] in [0] : vector<16xf32>, vector<16xi32> -> vector<16xf32>
        %parallel_loop3A_404 = arith.subf %parallel_loop3A_400, %parallel_loop3A_258 : vector<16xf32>
        %parallel_loop3A_405 = arith.mulf %parallel_loop3A_404, %div3A_56 : vector<16xf32>
        %parallel_loop3A_406 = arith.cmpf ogt, %parallel_loop3A_353, %parallel_loop3A_405 : vector<16xf32>
        %parallel_loop3A_407 = arith.constant 0.000000e+00 : f32
        %parallel_loop3A_408 = vector.broadcast %parallel_loop3A_407 : f32 to vector<16xf32>
        %parallel_loop3A_409 = arith.select %parallel_loop3A_406, %parallel_loop3A_353, %parallel_loop3A_408 : vector<16xi1>, vector<16xf32>
        %parallel_loop3A_410 = arith.addf %parallel_loop3A_394, %parallel_loop3A_409 : vector<16xf32>
        %parallel_loop3A_411 = tpu.all_reduce %parallel_loop3A_406 {dim = 0 : i64, kind = #tpu.reduction_kind<sum>} : vector<16xi1> -> vector<16xi32>
        %parallel_loop3A_412 = arith.addi %parallel_loop3A_396, %parallel_loop3A_411 : vector<16xi32>
        %parallel_loop3A_413 = arith.constant true
        %parallel_loop3A_414 = vector.broadcast %parallel_loop3A_413 : i1 to vector<16xi1>
        %parallel_loop3A_415 = tpu.scan <sum>, %parallel_loop3A_358 masked %parallel_loop3A_414 : vector<16xf32>, vector<16xi1> -> vector<16xf32>
        %parallel_loop3A_416 = arith.addf %parallel_loop3A_415, %parallel_loop3A_403 : vector<16xf32>
        %parallel_loop3A_417 = vector.shape_cast %broadcast_in_dim3A_63 : vector<16xi32> to vector<16x1xi32>
        %parallel_loop3A_418 = vector.shape_cast %parallel_loop3A_417 : vector<16x1xi32> to vector<16xi32>
        %parallel_loop3A_419 = tpu.dynamic_gather %parallel_loop3A_416[%parallel_loop3A_418] in [0] : vector<16xf32>, vector<16xi32> -> vector<16xf32>
        %parallel_loop3A_420 = arith.subf %parallel_loop3A_416, %parallel_loop3A_258 : vector<16xf32>
        %parallel_loop3A_421 = arith.mulf %parallel_loop3A_420, %div3A_62 : vector<16xf32>
        %parallel_loop3A_422 = arith.cmpf ogt, %parallel_loop3A_358, %parallel_loop3A_421 : vector<16xf32>
        %parallel_loop3A_423 = arith.constant 0.000000e+00 : f32
        %parallel_loop3A_424 = vector.broadcast %parallel_loop3A_423 : f32 to vector<16xf32>
        %parallel_loop3A_425 = arith.select %parallel_loop3A_422, %parallel_loop3A_358, %parallel_loop3A_424 : vector<16xi1>, vector<16xf32>
        %parallel_loop3A_426 = arith.addf %parallel_loop3A_410, %parallel_loop3A_425 : vector<16xf32>
        %parallel_loop3A_427 = tpu.all_reduce %parallel_loop3A_422 {dim = 0 : i64, kind = #tpu.reduction_kind<sum>} : vector<16xi1> -> vector<16xi32>
        %parallel_loop3A_428 = arith.addi %parallel_loop3A_412, %parallel_loop3A_427 : vector<16xi32>
        %parallel_loop3A_429 = arith.constant true
        %parallel_loop3A_430 = vector.broadcast %parallel_loop3A_429 : i1 to vector<16xi1>
        %parallel_loop3A_431 = tpu.scan <sum>, %parallel_loop3A_426 masked %parallel_loop3A_430 : vector<16xf32>, vector<16xi1> -> vector<16xf32>
        %parallel_loop3A_432 = vector.shape_cast %broadcast_in_dim3A_63 : vector<16xi32> to vector<16x1xi32>
        %parallel_loop3A_433 = vector.shape_cast %parallel_loop3A_432 : vector<16x1xi32> to vector<16xi32>
        %parallel_loop3A_434 = tpu.dynamic_gather %parallel_loop3A_431[%parallel_loop3A_433] in [0] : vector<16xf32>, vector<16xi32> -> vector<16xf32>
        %parallel_loop3A_435 = arith.sitofp %parallel_loop3A_428 : vector<16xi32> to vector<16xf32>
        %parallel_loop3A_436 = vector.shape_cast %broadcast_in_dim3A_63 : vector<16xi32> to vector<16x1xi32>
        %parallel_loop3A_437 = vector.shape_cast %parallel_loop3A_436 : vector<16x1xi32> to vector<16xi32>
        %parallel_loop3A_438 = tpu.dynamic_gather %parallel_loop3A_337[%parallel_loop3A_437] in [0] : vector<16xf32>, vector<16xi32> -> vector<16xf32>
        %parallel_loop3A_439 = arith.constant 5.000000e-01 : f32
        %parallel_loop3A_440 = vector.broadcast %parallel_loop3A_439 : f32 to vector<16xf32>
        %parallel_loop3A_441 = arith.cmpf ogt, %parallel_loop3A_435, %parallel_loop3A_440 : vector<16xf32>
        %parallel_loop3A_442 = arith.subf %parallel_loop3A_434, %parallel_loop3A_258 : vector<16xf32>
        %parallel_loop3A_443 = arith.constant 1.000000e+00 : f32
        %parallel_loop3A_444 = vector.broadcast %parallel_loop3A_443 : f32 to vector<16xf32>
        %parallel_loop3A_445 = arith.maximumf %parallel_loop3A_435, %parallel_loop3A_444 : vector<16xf32>
        %parallel_loop3A_446 = arith.divf %parallel_loop3A_442, %parallel_loop3A_445 : vector<16xf32>
        %parallel_loop3A_447 = arith.subf %parallel_loop3A_438, %parallel_loop3A_258 : vector<16xf32>
        %parallel_loop3A_448 = arith.select %parallel_loop3A_441, %parallel_loop3A_446, %parallel_loop3A_447 : vector<16xi1>, vector<16xf32>
        %parallel_loop3A_449 = arith.constant 16 : i32
        %parallel_loop3A_450 = arith.muli %parallel_loop3A_144, %parallel_loop3A_449 : i32
        %parallel_loop3A_451 = arith.index_cast %parallel_loop3A_450 : i32 to index
        %parallel_loop3A_452 = tpu.vector_load %arg18[%parallel_loop3A_451] {strides = array<i32>} : memref<1024xf32, #tpu.memory_space<vmem>>, vector<16xf32>,
        tpu.vector_store %arg18[%parallel_loop3A_451], %parallel_loop3A_448 {strides = array<i32>} : memref<1024xf32, #tpu.memory_space<vmem>>, vector<16xf32>,
      } {sc.loop_unroll_factor = 3 : i64, sc.parallel_access}
      %parallel_loop3A_134 = arith.constant 0 : i32
      %parallel_loop3A_135 = arith.constant 64 : i32
      %parallel_loop3A_136 = arith.constant 1 : i32
      scf.for %parallel_loop3A_144 = %parallel_loop3A_134 to %parallel_loop3A_135 step %parallel_loop3A_136  : i32 {
        %parallel_loop3A_145 = arith.constant 4 : i32
        %parallel_loop3A_146 = arith.shrsi %parallel_loop3A_144, %parallel_loop3A_145 : i32
        %parallel_loop3A_147 = arith.constant 10 : i32
        %parallel_loop3A_148 = arith.shli %parallel_loop3A_146, %parallel_loop3A_147 : i32
        %parallel_loop3A_149 = arith.constant 15 : i32
        %parallel_loop3A_150 = arith.andi %parallel_loop3A_144, %parallel_loop3A_149 : i32
        %parallel_loop3A_151 = arith.constant 3 : i32
        %parallel_loop3A_152 = arith.shli %parallel_loop3A_150, %parallel_loop3A_151 : i32
        %parallel_loop3A_153 = arith.addi %parallel_loop3A_148, %parallel_loop3A_152 : i32
        %parallel_loop3A_154 = arith.constant 16 : i32
        %parallel_loop3A_155 = arith.muli %parallel_loop3A_144, %parallel_loop3A_154 : i32
        %parallel_loop3A_156 = arith.index_cast %parallel_loop3A_155 : i32 to index
        %parallel_loop3A_157 = tpu.vector_load %arg18[%parallel_loop3A_156] {strides = array<i32>} : memref<1024xf32, #tpu.memory_space<vmem>>, vector<16xf32>,
        %parallel_loop3A_158 = arith.constant 64 : i32
        %parallel_loop3A_159 = arith.muli %parallel_loop3A_144, %parallel_loop3A_158 : i32
        %parallel_loop3A_160 = arith.constant 0 : i32
        %parallel_loop3A_161 = arith.addi %parallel_loop3A_159, %parallel_loop3A_160 : i32
        %parallel_loop3A_162 = arith.index_cast %parallel_loop3A_161 : i32 to index
        %parallel_loop3A_163 = tpu.vector_load %arg17[%parallel_loop3A_162] {strides = array<i32>} : memref<4096xf32, #tpu.memory_space<vmem>>, vector<16xf32>,
        %parallel_loop3A_164 = arith.subf %parallel_loop3A_163, %parallel_loop3A_157 : vector<16xf32>
        %parallel_loop3A_165 = arith.constant 0.000000e+00 : f32
        %parallel_loop3A_166 = vector.broadcast %parallel_loop3A_165 : f32 to vector<16xf32>
        %parallel_loop3A_167 = arith.maximumf %parallel_loop3A_164, %parallel_loop3A_166 : vector<16xf32>
        %parallel_loop3A_168 = vector.broadcast %parallel_loop3A_153 : i32 to vector<16xi32>
        %parallel_loop3A_169 = arith.addi %add3A_15, %parallel_loop3A_168 : vector<16xi32>
        %parallel_loop3A_170 = arith.constant 1.000000e+00 : f32
        %parallel_loop3A_171 = vector.broadcast %parallel_loop3A_170 : f32 to vector<16xf32>
        %parallel_loop3A_172 = arith.addf %parallel_loop3A_167, %parallel_loop3A_171 : vector<16xf32>
        %parallel_loop3A_173 = tpu.bitcast %parallel_loop3A_172 : vector<16xf32> -> vector<16xi32>
        %parallel_loop3A_174 = arith.constant 23 : i32
        %parallel_loop3A_175 = vector.broadcast %parallel_loop3A_174 : i32 to vector<16xi32>
        %parallel_loop3A_176 = arith.shrsi %parallel_loop3A_173, %parallel_loop3A_175 : vector<16xi32>
        %parallel_loop3A_177 = arith.constant 127 : i32
        %parallel_loop3A_178 = vector.broadcast %parallel_loop3A_177 : i32 to vector<16xi32>
        %parallel_loop3A_179 = arith.subi %parallel_loop3A_176, %parallel_loop3A_178 : vector<16xi32>
        %parallel_loop3A_180 = arith.constant 8388607 : i32
        %parallel_loop3A_181 = vector.broadcast %parallel_loop3A_180 : i32 to vector<16xi32>
        %parallel_loop3A_182 = arith.andi %parallel_loop3A_173, %parallel_loop3A_181 : vector<16xi32>
        %parallel_loop3A_183 = arith.constant 1065353216 : i32
        %parallel_loop3A_184 = vector.broadcast %parallel_loop3A_183 : i32 to vector<16xi32>
        %parallel_loop3A_185 = arith.ori %parallel_loop3A_182, %parallel_loop3A_184 : vector<16xi32>
        %parallel_loop3A_186 = tpu.bitcast %parallel_loop3A_185 : vector<16xi32> -> vector<16xf32>
        %parallel_loop3A_187 = arith.sitofp %parallel_loop3A_179 : vector<16xi32> to vector<16xf32>
        %parallel_loop3A_188 = arith.constant 1.000000e+00 : f32
        %parallel_loop3A_189 = vector.broadcast %parallel_loop3A_188 : f32 to vector<16xf32>
        %parallel_loop3A_190 = arith.subf %parallel_loop3A_186, %parallel_loop3A_189 : vector<16xf32>
        %parallel_loop3A_191 = arith.constant 1.000000e+00 : f32
        %parallel_loop3A_192 = vector.broadcast %parallel_loop3A_191 : f32 to vector<16xf32>
        %parallel_loop3A_193 = arith.addf %parallel_loop3A_186, %parallel_loop3A_192 : vector<16xf32>
        %parallel_loop3A_194 = arith.divf %parallel_loop3A_190, %parallel_loop3A_193 : vector<16xf32>
        %parallel_loop3A_195 = arith.mulf %parallel_loop3A_194, %parallel_loop3A_194 : vector<16xf32>
        %parallel_loop3A_196 = arith.constant 0.142857149 : f32
        %parallel_loop3A_197 = vector.broadcast %parallel_loop3A_196 : f32 to vector<16xf32>
        %parallel_loop3A_198 = arith.mulf %parallel_loop3A_197, %parallel_loop3A_195 : vector<16xf32>
        %parallel_loop3A_199 = arith.constant 2.000000e-01 : f32
        %parallel_loop3A_200 = vector.broadcast %parallel_loop3A_199 : f32 to vector<16xf32>
        %parallel_loop3A_201 = arith.addf %parallel_loop3A_198, %parallel_loop3A_200 : vector<16xf32>
        %parallel_loop3A_202 = arith.mulf %parallel_loop3A_201, %parallel_loop3A_195 : vector<16xf32>
        %parallel_loop3A_203 = arith.constant 0.333333343 : f32
        %parallel_loop3A_204 = vector.broadcast %parallel_loop3A_203 : f32 to vector<16xf32>
        %parallel_loop3A_205 = arith.addf %parallel_loop3A_202, %parallel_loop3A_204 : vector<16xf32>
        %parallel_loop3A_206 = arith.mulf %parallel_loop3A_205, %parallel_loop3A_195 : vector<16xf32>
        %parallel_loop3A_207 = arith.constant 1.000000e+00 : f32
        %parallel_loop3A_208 = vector.broadcast %parallel_loop3A_207 : f32 to vector<16xf32>
        %parallel_loop3A_209 = arith.addf %parallel_loop3A_206, %parallel_loop3A_208 : vector<16xf32>
        %parallel_loop3A_210 = arith.constant 0.693147182 : f32
        %parallel_loop3A_211 = vector.broadcast %parallel_loop3A_210 : f32 to vector<16xf32>
        %parallel_loop3A_212 = arith.mulf %parallel_loop3A_187, %parallel_loop3A_211 : vector<16xf32>
        %parallel_loop3A_213 = arith.constant 2.000000e+00 : f32
        %parallel_loop3A_214 = vector.broadcast %parallel_loop3A_213 : f32 to vector<16xf32>
        %parallel_loop3A_215 = arith.mulf %parallel_loop3A_214, %parallel_loop3A_194 : vector<16xf32>
        %parallel_loop3A_216 = arith.mulf %parallel_loop3A_215, %parallel_loop3A_209 : vector<16xf32>
        %parallel_loop3A_217 = arith.addf %parallel_loop3A_212, %parallel_loop3A_216 : vector<16xf32>
        %parallel_loop3A_218 = arith.constant 0.0909090936 : f32
        %parallel_loop3A_219 = vector.broadcast %parallel_loop3A_218 : f32 to vector<16xf32>
        %parallel_loop3A_220 = arith.mulf %parallel_loop3A_217, %parallel_loop3A_219 : vector<16xf32>
        tpu.vector_store_idx %arg10[%parallel_loop3A_169], %parallel_loop3A_220 : memref<4096xf32, #tpu.memory_space<vmem>>[vector<16xi32>], vector<16xf32>,
        %parallel_loop3A_221 = arith.constant 64 : i32
        %parallel_loop3A_222 = arith.muli %parallel_loop3A_144, %parallel_loop3A_221 : i32
        %parallel_loop3A_223 = arith.constant 16 : i32
        %parallel_loop3A_224 = arith.addi %parallel_loop3A_222, %parallel_loop3A_223 : i32
        %parallel_loop3A_225 = arith.index_cast %parallel_loop3A_224 : i32 to index
        %parallel_loop3A_226 = tpu.vector_load %arg17[%parallel_loop3A_225] {strides = array<i32>} : memref<4096xf32, #tpu.memory_space<vmem>>, vector<16xf32>,
        %parallel_loop3A_227 = arith.subf %parallel_loop3A_226, %parallel_loop3A_157 : vector<16xf32>
        %parallel_loop3A_228 = arith.constant 0.000000e+00 : f32
        %parallel_loop3A_229 = vector.broadcast %parallel_loop3A_228 : f32 to vector<16xf32>
        %parallel_loop3A_230 = arith.maximumf %parallel_loop3A_227, %parallel_loop3A_229 : vector<16xf32>
        %parallel_loop3A_231 = vector.broadcast %parallel_loop3A_153 : i32 to vector<16xi32>
        %parallel_loop3A_232 = arith.addi %add3A_22, %parallel_loop3A_231 : vector<16xi32>
        %parallel_loop3A_233 = arith.constant 1.000000e+00 : f32
        %parallel_loop3A_234 = vector.broadcast %parallel_loop3A_233 : f32 to vector<16xf32>
        %parallel_loop3A_235 = arith.addf %parallel_loop3A_230, %parallel_loop3A_234 : vector<16xf32>
        %parallel_loop3A_236 = tpu.bitcast %parallel_loop3A_235 : vector<16xf32> -> vector<16xi32>
        %parallel_loop3A_237 = arith.constant 23 : i32
        %parallel_loop3A_238 = vector.broadcast %parallel_loop3A_237 : i32 to vector<16xi32>
        %parallel_loop3A_239 = arith.shrsi %parallel_loop3A_236, %parallel_loop3A_238 : vector<16xi32>
        %parallel_loop3A_240 = arith.constant 127 : i32
        %parallel_loop3A_241 = vector.broadcast %parallel_loop3A_240 : i32 to vector<16xi32>
        %parallel_loop3A_242 = arith.subi %parallel_loop3A_239, %parallel_loop3A_241 : vector<16xi32>
        %parallel_loop3A_243 = arith.constant 8388607 : i32
        %parallel_loop3A_244 = vector.broadcast %parallel_loop3A_243 : i32 to vector<16xi32>
        %parallel_loop3A_245 = arith.andi %parallel_loop3A_236, %parallel_loop3A_244 : vector<16xi32>
        %parallel_loop3A_246 = arith.constant 1065353216 : i32
        %parallel_loop3A_247 = vector.broadcast %parallel_loop3A_246 : i32 to vector<16xi32>
        %parallel_loop3A_248 = arith.ori %parallel_loop3A_245, %parallel_loop3A_247 : vector<16xi32>
        %parallel_loop3A_249 = tpu.bitcast %parallel_loop3A_248 : vector<16xi32> -> vector<16xf32>
        %parallel_loop3A_250 = arith.sitofp %parallel_loop3A_242 : vector<16xi32> to vector<16xf32>
        %parallel_loop3A_251 = arith.constant 1.000000e+00 : f32
        %parallel_loop3A_252 = vector.broadcast %parallel_loop3A_251 : f32 to vector<16xf32>
        %parallel_loop3A_253 = arith.subf %parallel_loop3A_249, %parallel_loop3A_252 : vector<16xf32>
        %parallel_loop3A_254 = arith.constant 1.000000e+00 : f32
        %parallel_loop3A_255 = vector.broadcast %parallel_loop3A_254 : f32 to vector<16xf32>
        %parallel_loop3A_256 = arith.addf %parallel_loop3A_249, %parallel_loop3A_255 : vector<16xf32>
        %parallel_loop3A_257 = arith.divf %parallel_loop3A_253, %parallel_loop3A_256 : vector<16xf32>
        %parallel_loop3A_258 = arith.mulf %parallel_loop3A_257, %parallel_loop3A_257 : vector<16xf32>
        %parallel_loop3A_259 = arith.constant 0.142857149 : f32
        %parallel_loop3A_260 = vector.broadcast %parallel_loop3A_259 : f32 to vector<16xf32>
        %parallel_loop3A_261 = arith.mulf %parallel_loop3A_260, %parallel_loop3A_258 : vector<16xf32>
        %parallel_loop3A_262 = arith.constant 2.000000e-01 : f32
        %parallel_loop3A_263 = vector.broadcast %parallel_loop3A_262 : f32 to vector<16xf32>
        %parallel_loop3A_264 = arith.addf %parallel_loop3A_261, %parallel_loop3A_263 : vector<16xf32>
        %parallel_loop3A_265 = arith.mulf %parallel_loop3A_264, %parallel_loop3A_258 : vector<16xf32>
        %parallel_loop3A_266 = arith.constant 0.333333343 : f32
        %parallel_loop3A_267 = vector.broadcast %parallel_loop3A_266 : f32 to vector<16xf32>
        %parallel_loop3A_268 = arith.addf %parallel_loop3A_265, %parallel_loop3A_267 : vector<16xf32>
        %parallel_loop3A_269 = arith.mulf %parallel_loop3A_268, %parallel_loop3A_258 : vector<16xf32>
        %parallel_loop3A_270 = arith.constant 1.000000e+00 : f32
        %parallel_loop3A_271 = vector.broadcast %parallel_loop3A_270 : f32 to vector<16xf32>
        %parallel_loop3A_272 = arith.addf %parallel_loop3A_269, %parallel_loop3A_271 : vector<16xf32>
        %parallel_loop3A_273 = arith.constant 0.693147182 : f32
        %parallel_loop3A_274 = vector.broadcast %parallel_loop3A_273 : f32 to vector<16xf32>
        %parallel_loop3A_275 = arith.mulf %parallel_loop3A_250, %parallel_loop3A_274 : vector<16xf32>
        %parallel_loop3A_276 = arith.constant 2.000000e+00 : f32
        %parallel_loop3A_277 = vector.broadcast %parallel_loop3A_276 : f32 to vector<16xf32>
        %parallel_loop3A_278 = arith.mulf %parallel_loop3A_277, %parallel_loop3A_257 : vector<16xf32>
        %parallel_loop3A_279 = arith.mulf %parallel_loop3A_278, %parallel_loop3A_272 : vector<16xf32>
        %parallel_loop3A_280 = arith.addf %parallel_loop3A_275, %parallel_loop3A_279 : vector<16xf32>
        %parallel_loop3A_281 = arith.constant 0.0909090936 : f32
        %parallel_loop3A_282 = vector.broadcast %parallel_loop3A_281 : f32 to vector<16xf32>
        %parallel_loop3A_283 = arith.mulf %parallel_loop3A_280, %parallel_loop3A_282 : vector<16xf32>
        tpu.vector_store_idx %arg10[%parallel_loop3A_232], %parallel_loop3A_283 : memref<4096xf32, #tpu.memory_space<vmem>>[vector<16xi32>], vector<16xf32>,
        %parallel_loop3A_284 = arith.constant 64 : i32
        %parallel_loop3A_285 = arith.muli %parallel_loop3A_144, %parallel_loop3A_284 : i32
        %parallel_loop3A_286 = arith.constant 32 : i32
        %parallel_loop3A_287 = arith.addi %parallel_loop3A_285, %parallel_loop3A_286 : i32
        %parallel_loop3A_288 = arith.index_cast %parallel_loop3A_287 : i32 to index
        %parallel_loop3A_289 = tpu.vector_load %arg17[%parallel_loop3A_288] {strides = array<i32>} : memref<4096xf32, #tpu.memory_space<vmem>>, vector<16xf32>,
        %parallel_loop3A_290 = arith.subf %parallel_loop3A_289, %parallel_loop3A_157 : vector<16xf32>
        %parallel_loop3A_291 = arith.constant 0.000000e+00 : f32
        %parallel_loop3A_292 = vector.broadcast %parallel_loop3A_291 : f32 to vector<16xf32>
        %parallel_loop3A_293 = arith.maximumf %parallel_loop3A_290, %parallel_loop3A_292 : vector<16xf32>
        %parallel_loop3A_294 = vector.broadcast %parallel_loop3A_153 : i32 to vector<16xi32>
        %parallel_loop3A_295 = arith.addi %add3A_29, %parallel_loop3A_294 : vector<16xi32>
        %parallel_loop3A_296 = arith.constant 1.000000e+00 : f32
        %parallel_loop3A_297 = vector.broadcast %parallel_loop3A_296 : f32 to vector<16xf32>
        %parallel_loop3A_298 = arith.addf %parallel_loop3A_293, %parallel_loop3A_297 : vector<16xf32>
        %parallel_loop3A_299 = tpu.bitcast %parallel_loop3A_298 : vector<16xf32> -> vector<16xi32>
        %parallel_loop3A_300 = arith.constant 23 : i32
        %parallel_loop3A_301 = vector.broadcast %parallel_loop3A_300 : i32 to vector<16xi32>
        %parallel_loop3A_302 = arith.shrsi %parallel_loop3A_299, %parallel_loop3A_301 : vector<16xi32>
        %parallel_loop3A_303 = arith.constant 127 : i32
        %parallel_loop3A_304 = vector.broadcast %parallel_loop3A_303 : i32 to vector<16xi32>
        %parallel_loop3A_305 = arith.subi %parallel_loop3A_302, %parallel_loop3A_304 : vector<16xi32>
        %parallel_loop3A_306 = arith.constant 8388607 : i32
        %parallel_loop3A_307 = vector.broadcast %parallel_loop3A_306 : i32 to vector<16xi32>
        %parallel_loop3A_308 = arith.andi %parallel_loop3A_299, %parallel_loop3A_307 : vector<16xi32>
        %parallel_loop3A_309 = arith.constant 1065353216 : i32
        %parallel_loop3A_310 = vector.broadcast %parallel_loop3A_309 : i32 to vector<16xi32>
        %parallel_loop3A_311 = arith.ori %parallel_loop3A_308, %parallel_loop3A_310 : vector<16xi32>
        %parallel_loop3A_312 = tpu.bitcast %parallel_loop3A_311 : vector<16xi32> -> vector<16xf32>
        %parallel_loop3A_313 = arith.sitofp %parallel_loop3A_305 : vector<16xi32> to vector<16xf32>
        %parallel_loop3A_314 = arith.constant 1.000000e+00 : f32
        %parallel_loop3A_315 = vector.broadcast %parallel_loop3A_314 : f32 to vector<16xf32>
        %parallel_loop3A_316 = arith.subf %parallel_loop3A_312, %parallel_loop3A_315 : vector<16xf32>
        %parallel_loop3A_317 = arith.constant 1.000000e+00 : f32
        %parallel_loop3A_318 = vector.broadcast %parallel_loop3A_317 : f32 to vector<16xf32>
        %parallel_loop3A_319 = arith.addf %parallel_loop3A_312, %parallel_loop3A_318 : vector<16xf32>
        %parallel_loop3A_320 = arith.divf %parallel_loop3A_316, %parallel_loop3A_319 : vector<16xf32>
        %parallel_loop3A_321 = arith.mulf %parallel_loop3A_320, %parallel_loop3A_320 : vector<16xf32>
        %parallel_loop3A_322 = arith.constant 0.142857149 : f32
        %parallel_loop3A_323 = vector.broadcast %parallel_loop3A_322 : f32 to vector<16xf32>
        %parallel_loop3A_324 = arith.mulf %parallel_loop3A_323, %parallel_loop3A_321 : vector<16xf32>
        %parallel_loop3A_325 = arith.constant 2.000000e-01 : f32
        %parallel_loop3A_326 = vector.broadcast %parallel_loop3A_325 : f32 to vector<16xf32>
        %parallel_loop3A_327 = arith.addf %parallel_loop3A_324, %parallel_loop3A_326 : vector<16xf32>
        %parallel_loop3A_328 = arith.mulf %parallel_loop3A_327, %parallel_loop3A_321 : vector<16xf32>
        %parallel_loop3A_329 = arith.constant 0.333333343 : f32
        %parallel_loop3A_330 = vector.broadcast %parallel_loop3A_329 : f32 to vector<16xf32>
        %parallel_loop3A_331 = arith.addf %parallel_loop3A_328, %parallel_loop3A_330 : vector<16xf32>
        %parallel_loop3A_332 = arith.mulf %parallel_loop3A_331, %parallel_loop3A_321 : vector<16xf32>
        %parallel_loop3A_333 = arith.constant 1.000000e+00 : f32
        %parallel_loop3A_334 = vector.broadcast %parallel_loop3A_333 : f32 to vector<16xf32>
        %parallel_loop3A_335 = arith.addf %parallel_loop3A_332, %parallel_loop3A_334 : vector<16xf32>
        %parallel_loop3A_336 = arith.constant 0.693147182 : f32
        %parallel_loop3A_337 = vector.broadcast %parallel_loop3A_336 : f32 to vector<16xf32>
        %parallel_loop3A_338 = arith.mulf %parallel_loop3A_313, %parallel_loop3A_337 : vector<16xf32>
        %parallel_loop3A_339 = arith.constant 2.000000e+00 : f32
        %parallel_loop3A_340 = vector.broadcast %parallel_loop3A_339 : f32 to vector<16xf32>
        %parallel_loop3A_341 = arith.mulf %parallel_loop3A_340, %parallel_loop3A_320 : vector<16xf32>
        %parallel_loop3A_342 = arith.mulf %parallel_loop3A_341, %parallel_loop3A_335 : vector<16xf32>
        %parallel_loop3A_343 = arith.addf %parallel_loop3A_338, %parallel_loop3A_342 : vector<16xf32>
        %parallel_loop3A_344 = arith.constant 0.0909090936 : f32
        %parallel_loop3A_345 = vector.broadcast %parallel_loop3A_344 : f32 to vector<16xf32>
        %parallel_loop3A_346 = arith.mulf %parallel_loop3A_343, %parallel_loop3A_345 : vector<16xf32>
        tpu.vector_store_idx %arg10[%parallel_loop3A_295], %parallel_loop3A_346 : memref<4096xf32, #tpu.memory_space<vmem>>[vector<16xi32>], vector<16xf32>,
        %parallel_loop3A_347 = arith.constant 64 : i32
        %parallel_loop3A_348 = arith.muli %parallel_loop3A_144, %parallel_loop3A_347 : i32
        %parallel_loop3A_349 = arith.constant 48 : i32
        %parallel_loop3A_350 = arith.addi %parallel_loop3A_348, %parallel_loop3A_349 : i32
        %parallel_loop3A_351 = arith.index_cast %parallel_loop3A_350 : i32 to index
        %parallel_loop3A_352 = tpu.vector_load %arg17[%parallel_loop3A_351] {strides = array<i32>} : memref<4096xf32, #tpu.memory_space<vmem>>, vector<16xf32>,
        %parallel_loop3A_353 = arith.subf %parallel_loop3A_352, %parallel_loop3A_157 : vector<16xf32>
        %parallel_loop3A_354 = arith.constant 0.000000e+00 : f32
        %parallel_loop3A_355 = vector.broadcast %parallel_loop3A_354 : f32 to vector<16xf32>
        %parallel_loop3A_356 = arith.maximumf %parallel_loop3A_353, %parallel_loop3A_355 : vector<16xf32>
        %parallel_loop3A_357 = vector.broadcast %parallel_loop3A_153 : i32 to vector<16xi32>
        %parallel_loop3A_358 = arith.addi %add3A_36, %parallel_loop3A_357 : vector<16xi32>
        %parallel_loop3A_359 = arith.constant 1.000000e+00 : f32
        %parallel_loop3A_360 = vector.broadcast %parallel_loop3A_359 : f32 to vector<16xf32>
        %parallel_loop3A_361 = arith.addf %parallel_loop3A_356, %parallel_loop3A_360 : vector<16xf32>
        %parallel_loop3A_362 = tpu.bitcast %parallel_loop3A_361 : vector<16xf32> -> vector<16xi32>
        %parallel_loop3A_363 = arith.constant 23 : i32
        %parallel_loop3A_364 = vector.broadcast %parallel_loop3A_363 : i32 to vector<16xi32>
        %parallel_loop3A_365 = arith.shrsi %parallel_loop3A_362, %parallel_loop3A_364 : vector<16xi32>
        %parallel_loop3A_366 = arith.constant 127 : i32
        %parallel_loop3A_367 = vector.broadcast %parallel_loop3A_366 : i32 to vector<16xi32>
        %parallel_loop3A_368 = arith.subi %parallel_loop3A_365, %parallel_loop3A_367 : vector<16xi32>
        %parallel_loop3A_369 = arith.constant 8388607 : i32
        %parallel_loop3A_370 = vector.broadcast %parallel_loop3A_369 : i32 to vector<16xi32>
        %parallel_loop3A_371 = arith.andi %parallel_loop3A_362, %parallel_loop3A_370 : vector<16xi32>
        %parallel_loop3A_372 = arith.constant 1065353216 : i32
        %parallel_loop3A_373 = vector.broadcast %parallel_loop3A_372 : i32 to vector<16xi32>
        %parallel_loop3A_374 = arith.ori %parallel_loop3A_371, %parallel_loop3A_373 : vector<16xi32>
        %parallel_loop3A_375 = tpu.bitcast %parallel_loop3A_374 : vector<16xi32> -> vector<16xf32>
        %parallel_loop3A_376 = arith.sitofp %parallel_loop3A_368 : vector<16xi32> to vector<16xf32>
        %parallel_loop3A_377 = arith.constant 1.000000e+00 : f32
        %parallel_loop3A_378 = vector.broadcast %parallel_loop3A_377 : f32 to vector<16xf32>
        %parallel_loop3A_379 = arith.subf %parallel_loop3A_375, %parallel_loop3A_378 : vector<16xf32>
        %parallel_loop3A_380 = arith.constant 1.000000e+00 : f32
        %parallel_loop3A_381 = vector.broadcast %parallel_loop3A_380 : f32 to vector<16xf32>
        %parallel_loop3A_382 = arith.addf %parallel_loop3A_375, %parallel_loop3A_381 : vector<16xf32>
        %parallel_loop3A_383 = arith.divf %parallel_loop3A_379, %parallel_loop3A_382 : vector<16xf32>
        %parallel_loop3A_384 = arith.mulf %parallel_loop3A_383, %parallel_loop3A_383 : vector<16xf32>
        %parallel_loop3A_385 = arith.constant 0.142857149 : f32
        %parallel_loop3A_386 = vector.broadcast %parallel_loop3A_385 : f32 to vector<16xf32>
        %parallel_loop3A_387 = arith.mulf %parallel_loop3A_386, %parallel_loop3A_384 : vector<16xf32>
        %parallel_loop3A_388 = arith.constant 2.000000e-01 : f32
        %parallel_loop3A_389 = vector.broadcast %parallel_loop3A_388 : f32 to vector<16xf32>
        %parallel_loop3A_390 = arith.addf %parallel_loop3A_387, %parallel_loop3A_389 : vector<16xf32>
        %parallel_loop3A_391 = arith.mulf %parallel_loop3A_390, %parallel_loop3A_384 : vector<16xf32>
        %parallel_loop3A_392 = arith.constant 0.333333343 : f32
        %parallel_loop3A_393 = vector.broadcast %parallel_loop3A_392 : f32 to vector<16xf32>
        %parallel_loop3A_394 = arith.addf %parallel_loop3A_391, %parallel_loop3A_393 : vector<16xf32>
        %parallel_loop3A_395 = arith.mulf %parallel_loop3A_394, %parallel_loop3A_384 : vector<16xf32>
        %parallel_loop3A_396 = arith.constant 1.000000e+00 : f32
        %parallel_loop3A_397 = vector.broadcast %parallel_loop3A_396 : f32 to vector<16xf32>
        %parallel_loop3A_398 = arith.addf %parallel_loop3A_395, %parallel_loop3A_397 : vector<16xf32>
        %parallel_loop3A_399 = arith.constant 0.693147182 : f32
        %parallel_loop3A_400 = vector.broadcast %parallel_loop3A_399 : f32 to vector<16xf32>
        %parallel_loop3A_401 = arith.mulf %parallel_loop3A_376, %parallel_loop3A_400 : vector<16xf32>
        %parallel_loop3A_402 = arith.constant 2.000000e+00 : f32
        %parallel_loop3A_403 = vector.broadcast %parallel_loop3A_402 : f32 to vector<16xf32>
        %parallel_loop3A_404 = arith.mulf %parallel_loop3A_403, %parallel_loop3A_383 : vector<16xf32>
        %parallel_loop3A_405 = arith.mulf %parallel_loop3A_404, %parallel_loop3A_398 : vector<16xf32>
        %parallel_loop3A_406 = arith.addf %parallel_loop3A_401, %parallel_loop3A_405 : vector<16xf32>
        %parallel_loop3A_407 = arith.constant 0.0909090936 : f32
        %parallel_loop3A_408 = vector.broadcast %parallel_loop3A_407 : f32 to vector<16xf32>
        %parallel_loop3A_409 = arith.mulf %parallel_loop3A_406, %parallel_loop3A_408 : vector<16xf32>
        tpu.vector_store_idx %arg10[%parallel_loop3A_358], %parallel_loop3A_409 : memref<4096xf32, #tpu.memory_space<vmem>>[vector<16xi32>], vector<16xf32>,
      } {sc.loop_unroll_factor = 4 : i64, sc.parallel_access}
      %add3A_137 = arith.constant 1 : i32
      %add3A_138 = arith.addi %mul3A_83, %add3A_137 : i32
      %mul3A_139 = arith.constant 4096 : i32
      %mul3A_140 = arith.muli %add3A_138, %mul3A_139 : i32
      %add3A_141 = arith.addi %mul3A_4, %mul3A_140 : i32
      %dma_start3A_142 = tpu.memref_slice %arg4[%add3A_141] : memref<8388608xf32, #tpu.memory_space<hbm>> -> memref<4096xf32, #tpu.memory_space<hbm>>
      %dma_start3A_143 = tpu.memref_slice %arg4[%add3A_141] : memref<8388608xf32, #tpu.memory_space<hbm>> -> memref<4096xf32, #tpu.memory_space<hbm>>
      tpu.enqueue_dma source(%arg10 : memref<4096xf32, #tpu.memory_space<vmem>>) target(%dma_start3A_143 : memref<4096xf32, #tpu.memory_space<hbm>>) target_semaphore(%arg16 : memref<!tpu.dma_semaphore, #tpu.memory_space<semaphore_mem>>)
    }
    %scan3A_73 = arith.constant 32 : i32
    %add3A_74 = arith.constant 253952 : i32
    %add3A_75 = arith.addi %mul3A_4, %add3A_74 : i32
    %dma_wait3A = tpu.memref_slice %arg4[%add3A_75] : memref<8388608xf32, #tpu.memory_space<hbm>> -> memref<4096xf32, #tpu.memory_space<hbm>>
    %dma_wait3A_76 = tpu.memref_slice %arg4[%add3A_75] : memref<8388608xf32, #tpu.memory_space<hbm>> -> memref<4096xf32, #tpu.memory_space<hbm>>
    tpu.wait_dma2 semaphore(%arg13 : memref<!tpu.dma_semaphore, #tpu.memory_space<semaphore_mem>>) src(%arg7 : memref<4096xf32, #tpu.memory_space<vmem>>) dst(%dma_wait3A_76 : memref<4096xf32, #tpu.memory_space<hbm>>)
    %add3A_77 = arith.constant 258048 : i32
    %add3A_78 = arith.addi %mul3A_4, %add3A_77 : i32
    %dma_wait3A_79 = tpu.memref_slice %arg4[%add3A_78] : memref<8388608xf32, #tpu.memory_space<hbm>> -> memref<4096xf32, #tpu.memory_space<hbm>>
    %dma_wait3A_80 = tpu.memref_slice %arg4[%add3A_78] : memref<8388608xf32, #tpu.memory_space<hbm>> -> memref<4096xf32, #tpu.memory_space<hbm>>
    tpu.wait_dma2 semaphore(%arg16 : memref<!tpu.dma_semaphore, #tpu.memory_space<semaphore_mem>>) src(%arg10 : memref<4096xf32, #tpu.memory_space<vmem>>) dst(%dma_wait3A_80 : memref<4096xf32, #tpu.memory_space<hbm>>)
    return
  }
}

</mosaic_0001>

<sc_bundles>
// kernel: kernel.3.cloned.1.call-start
scs
__scs_entry_jumppad:
0x0: {  	(pc) =	sbr.rel $0x88, $3  }
0x1: {  	(tag) =	ssettag $0x0;
	lr =	simm.s32 $0x1  }
0x2: {  	[smem:$0x3F9F] =	sst lr;
	_ =	strace $0xD0000000  }
0x3: {  	_ = 	snop  }
0x4: {  	_ = 	snop  }
0x5: {  	_ = 	snop  }
0x6: {  	_ = 	snop  }
0x7: {  	_ = 	snop  }
__scs_overlays_trampoline_lowered:
0x8: {  	[smem:$0x3FAE] =	sst s0  }
0x9: {  	[smem:$0x3FAF] =	sst s1  }
0xa: {  	[smem:$0x3FB0] =	sst s2  }
0xb: {  	[smem:$0x3FB1] =	sst s3  }
0xc: {  	[smem:$0x3FB2] =	sst s4  }
0xd: {  	[smem:$0x3FB3] =	sst s5  }
0xe: {  	[smem:$0x3FB4] =	sst s6  }
0xf: {  	[smem:$0x3FB5] =	sst s7  }
0x10: {  	[smem:$0x3FB6] =	sst s8  }
0x11: {  	[smem:$0x3FB7] =	sst s9;
	s0 =	simm.s32 @!p0 $0x0  }
0x12: {  	s1 =	sld [smem:$0x3F9D];
	s0 =	simm.s32 @p0 $0x1  }
0x13: {  	[smem:$0x3FB8] =	sst s0;
	s0 =	simm.s32 @!p1 $0x0  }
0x14: {  	s2 =	sld [smem:$0x3F9C];
	s0 =	simm.s32 @p1 $0x1  }
0x15: {  	[smem:$0x3FB9] =	sst s0;
	s0 =	simm.s32 @!p2 $0x0  }
0x16: {  	s3 =	sld [smem:$0x3FDB];
	s0 =	simm.s32 @p2 $0x1  }
0x17: {  	s4 =	simm.s32 $0x1BF5;
	[smem:$0x3FBB] =	sst s0  }
0x18: {  	s0 =	sld [smem:$0x3F9E];
	_ =	swait.ge [sflag:s4], $0x0  }
0x19: {  	s7 =	sld [smem:$0x3F9F]  }
0x1a: {  	s8 =	sadd.s32 $0xFFFFE003, lr  }
0x1b: {  	s9 =	sadd.s32 $0xFFFFFEF7, lr;
	s5 =	simm.s32 $0xFFFFFFFF;
	p2 =	slt.u32 s8, $0xFFFFF086  }
0x1c: {  	p1 =	slt.u32 s9, $0xF7A;
	s5 =	simm.s32 @!p2 $0x0  }
0x1d: {  	s5 =	simm.s32 @p1 $0x1;
	p0 =	seq.s32 s7, s2  }
0x1e: {  	s7 =	smul.u32 @!p0 $0xF7A, s2;
	p2 =	seq.s32 @!p0 s5, $0x0  }
0x1f: {  	s9 =	smul.u32 $0xF7A, s1;
	s8 =	simm.s32 @!p0 $0x1BF5;
	p2 =	por !p2, p0  }
0x20: {  	[sflag:s8] =	ssyncset.s32 @!p0 $0xFFFFF086;
	s6 =	sadd.s32 @!p0 s3, s7;
	s7 =	simm.s32 @!p0 $0x108  }
0x21: {  	s3 =	sadd.s32 s3, s9;
	s6 =	sadd.s32 @!p0 $0x88, s6;
	s7 =	simm.s32 @p2 $0x1082  }
0x22: {  	[simem:s7], [sflag:s8] =	dma.local @!p0 [hbm:s6], $0xF7A  }
0x23: {  	s9 =	sor.u32 $0xD0000000, s2;
	s6 =	simm.s32 $0x108;
	_ =	swait.ge @!p0 [sflag:s8], $0x0  }
0x24: {  	s3 =	sadd.s32 $0x88, s3;
	s6 =	simm.s32 @!p1 $0x1082;
	[sflag:s4] =	ssyncset.s32 $0xFFFFF086  }
0x25: {  	[simem:s6], [sflag:s4] =	dma.local [hbm:s3], $0xF7A  }
0x26: {  	[smem:$0x3F9F] =	sst s1;
	(tag) =	ssettag s2;
	_ =	strace s9  }
0x27: {  	s1 =	sld [smem:$0x3FAF]  }
0x28: {  	s2 =	sld [smem:$0x3FB0]  }
0x29: {  	s4 =	sld [smem:$0x3FB2]  }
0x2a: {  	p0 =	seq.s32 s5, $0x0;
	s5 =	sld [smem:$0x3FB3]  }
0x2b: {  	s6 =	sld [smem:$0x3FB4]  }
0x2c: {  	s7 =	sld [smem:$0x3FB5]  }
0x2d: {  	s3 =	simm.s32 $0x108;
	s8 =	sld [smem:$0x3FB6]  }
0x2e: {  	s3 =	simm.s32 @!p0 $0x1082;
	s9 =	sld [smem:$0x3FB7]  }
0x2f: {  	lr =	sadd.s32 s0, s3;
	s0 =	sld [smem:$0x3FAE]  }
0x30: {  	s3 =	sld [smem:$0x3FB1]  }
0x31: {  	[smem:$0x3FBA] =	sst s10  }
0x32: {  	s10 =	sld [smem:$0x3FB8];
	_ =	sdelay $0x3  }
0x33: {  	p0 =	seq.s32 s10, $0x1;
	s10 =	sld [smem:$0x3FBA];
	_ =	sdelay $0x3  }
0x34: {  	[smem:$0x3FBA] =	sst s10  }
0x35: {  	s10 =	sld [smem:$0x3FB9];
	_ =	sdelay $0x3  }
0x36: {  	p1 =	seq.s32 s10, $0x1;
	s10 =	sld [smem:$0x3FBA];
	_ =	sdelay $0x3  }
0x37: {  	[smem:$0x3FBA] =	sst s10  }
0x38: {  	s10 =	sld [smem:$0x3FBB]  }
0x39: {  	_ = 	snop;
	(pc) =	sbr.ind lr, $3  }
0x3a: {  	_ = 	snop  }
0x3b: {  	_ = 	snop  }
0x3c: {  	p2 =	seq.s32 s10, $0x1;
	s10 =	sld [smem:$0x3FBA]  }
0x3d: {  	_ =	shalt  }
0x3e: {  	_ =	shalt  }
0x3f: {  	_ =	shalt  }
0x40: {  	_ =	shalt  }
0x41: {  	_ =	shalt  }
0x42: {  	_ =	shalt  }
0x43: {  	_ =	shalt  }
0x44: {  	_ =	shalt  }
0x45: {  	_ =	shalt  }
0x46: {  	_ =	shalt  }
0x47: {  	_ =	shalt  }
0x48: {  	_ =	shalt  }
0x49: {  	_ =	shalt  }
0x4a: {  	_ =	shalt  }
0x4b: {  	_ =	shalt  }
0x4c: {  	_ =	shalt  }
0x4d: {  	_ =	shalt  }
0x4e: {  	_ =	shalt  }
0x4f: {  	_ =	shalt  }
0x50: {  	_ =	shalt  }
0x51: {  	_ =	shalt  }
0x52: {  	_ =	shalt  }
0x53: {  	_ =	shalt  }
0x54: {  	_ =	shalt  }
0x55: {  	_ =	shalt  }
0x56: {  	_ =	shalt  }
0x57: {  	_ =	shalt  }
0x58: {  	_ =	shalt  }
0x59: {  	_ =	shalt  }
0x5a: {  	_ =	shalt  }
0x5b: {  	_ =	shalt  }
0x5c: {  	_ =	shalt  }
0x5d: {  	_ =	shalt  }
0x5e: {  	_ =	shalt  }
0x5f: {  	_ =	shalt  }
0x60: {  	_ =	shalt  }
0x61: {  	_ =	shalt  }
0x62: {  	_ =	shalt  }
0x63: {  	_ =	shalt  }
0x64: {  	_ =	shalt  }
0x65: {  	_ =	shalt  }
0x66: {  	_ =	shalt  }
0x67: {  	_ =	shalt  }
0x68: {  	_ =	shalt  }
0x69: {  	_ =	shalt  }
0x6a: {  	_ =	shalt  }
0x6b: {  	_ =	shalt  }
0x6c: {  	_ =	shalt  }
0x6d: {  	_ =	shalt  }
0x6e: {  	_ =	shalt  }
0x6f: {  	_ =	shalt  }
0x70: {  	_ =	shalt  }
0x71: {  	_ =	shalt  }
0x72: {  	_ =	shalt  }
0x73: {  	_ =	shalt  }
0x74: {  	_ =	shalt  }
0x75: {  	_ =	shalt  }
0x76: {  	_ =	shalt  }
0x77: {  	_ =	shalt  }
0x78: {  	_ =	shalt  }
0x79: {  	_ =	shalt  }
0x7a: {  	_ =	shalt  }
0x7b: {  	_ =	shalt  }
0x7c: {  	_ =	shalt  }
0x7d: {  	_ =	shalt  }
0x7e: {  	_ =	shalt  }
0x7f: {  	_ =	shalt  }
0x80: {  	_ =	shalt  }
0x81: {  	_ =	shalt  }
0x82: {  	_ =	shalt  }
0x83: {  	_ =	shalt  }
0x84: {  	_ =	shalt  }
0x85: {  	_ =	shalt  }
0x86: {  	_ =	shalt  }
0x87: {  	_ =	shalt  }
.Lfunc_end0:
.L_simem_size_0:
called_computation_lowered:
.L_overlay_start_0:
0x88: {  	s2 =	sld [smem:$0x3FD9]  }
0x89: {  	s3 =	sld [smem:$0x3FFE];
	_ =	sdelay $0x1  }
0x8a: {  	s1 =	srdreg.scid  }
0x8b: {  	s0 =	sand.u32 $0x1, s1  }
0x8c: {  	s18 =	sshll.u32 s0, $0xA;
	s2 =	sadd.s32 s3, s2  }
0x8d: {  	s2 =	sadd.s32 s2, s18  }
0x8e: {  	[smem:$0x3FC6] =	sst s2  }
0x8f: {  	_ = 	snop  }
0x90: {  	s2 =	sld [smem:$0x3FC9]  }
0x91: {  	s19 =	sld [smem:$0x3FC8]  }
0x92: {  	s4 =	sld [smem:$0x3FD0];
	(tm) =	ssettm $0x1  }
0x93: {  	s5 =	sld [smem:$0x3FFB];
	_ =	sdelay $0x3  }
0x94: {  	_ =	strace s5  }
0x95: {  	s5 =	sld [smem:$0x3FFC];
	_ =	sdelay $0x3  }
0x96: {  	_ =	strace s5  }
0x97: {  	s5 =	sld [smem:$0x3FFD];
	_ =	sdelay $0x3  }
0x98: {  	_ =	strace s5  }
0x99: {  	_ =	strace $0x8FFFFFFF  }
0x9a: {  	s20 =	sld [smem:$0x3FDB];
	_ =	sdelay $0x1  }
0x9b: {  	s6 =	simm.s32 $_scs_section_size  }
0x9c: {  	s7 =	simm.s32 $_size__tile_overlayer_lowered;
	s8 =	simm.s32 $_tile_overlayer_lowered  }
0x9d: {  	s23 =	simm.s32 $0x1BFF;
	s22 =	sshll.u32 s8, $0x1;
	s5 =	sadd.s32 s6, s20  }
0x9e: {  	s9 =	simm.s32 $0x0;
	s21 =	sshll.u32 s7, $0x1;
	s7 =	sadd.s32 s22, s5  }
0x9f: {  	[timem:s9], [sflag:s23] =	dma.local [hbm:s7], s21  }
0xa0: {  	_ =	swait.ge [sflag:s23], s21  }
0xa1: {  	s6 =	ssub.s32 $0x0, s21;
	[sflag:s23] =	ssyncset.done $0x0  }
0xa2: {  	[sflag:s23] =	ssyncadd.s32 s6;
	_ =	sdelay $0x1  }
0xa3: {  	s24 =	simm.s32 $0x1B8B  }
0xa4: {  	_ =	swait.ge [sflag:s24], $0x1  }
0xa5: {  	[sflag:s24] =	ssyncset.done $0x0  }
0xa6: {  	s25 =	simm.s32 $0x1B8E;
	[sflag:s24] =	ssyncadd.s32 $0xFFFFFFFF  }
0xa7: {  	s26 =	simm.s32 $execute0_lowered;
	[smem:$0x3FD2] =	sst s25  }
0xa8: {  	s6 =	sshll.u32 s26, $0x1;
	_ =	strace $0x80000046;
	[dreg:$0x1] =	wrdreg $0xFFFFFFFF  }
0xa9: {  	s28 =	simm.s32 $_size_execute0_lowered;
	s5 =	sadd.s32 s5, s6;
	[dreg:$0x0] =	wrdreg $0x0  }
0xaa: {  	s6 =	sshll.u32 s28, $0x1;
	[dreg:$0x2] =	wrdreg s5  }
0xab: {  	[dreg:$0x3] =	wrdreg s6  }
0xac: {  	[dreg:$0x4] =	wrdreg $0xC0  }
0xad: {  	_ =	task [dreg:s9], $0x5FFFF  }
0xae: {  	[dreg:$0x1] =	wrdreg $0xFFFFFFFF  }
0xaf: {  	[dreg:$0x0] =	wrdreg $0x60  }
0xb0: {  	[dreg:$0x2] =	wrdreg s2  }
0xb1: {  	[dreg:$0x3] =	wrdreg s19  }
0xb2: {  	[dreg:$0x4] =	wrdreg s4  }
0xb3: {  	[dreg:$0x5] =	wrdreg $0x9  }
0xb4: {  	_ =	task.clear_ibuf [dreg:s9], $0x6FFFF;
	_ =	strace $0x90000046  }
0xb5: {  	s29 =	simm.s32 $0x9;
	_ =	strace $0x80000048  }
0xb6: {  	_ =	swait.ge [sflag:s29], $0x1  }
0xb7: {  	[sflag:s29] =	ssyncadd.s32 $0xFFFFFFFF  }
0xb8: {  	_ =	strace $0x90000048  }
0xb9: {  	_ =	sfence  }
0xba: {  	s30 =	sld [smem:$0x0];
	_ =	sdelay $0x2  }
0xbb: {  	s31 =	sshll.u32 s1, $0xD;
	s1 =	sshrl.u32 s1, $0x2  }
0xbc: {  	s3 =	sand.u32 $0x4000, s31;
	s1 =	sadd.s32 s1, s30  }
0xbd: {  	s0 =	sor.u32 s3, s0;
	s1 =	sshll.u32 s1, $0x11  }
0xbe: {  	s0 =	sor.u32 s1, s0  }
0xbf: {  	s0 =	sadd.s32 $0x8F2B, s0  }
0xc0: {  	[sflag:s0] =	ssyncadd.remote.s32 $0x1  }
0xc1: {  	_ =	sfence.sel $0xFFFF  }
0xc2: {  	[dreg:$0x0] =	wrdreg $0xFFFFFFFF;
	(pc) =	sbr.abs _section_cstart, $3  }
0xc3: {  	[dreg:$0x1] =	wrdreg $0xFFFFFFFF  }
0xc4: {  	_ =	task.clear_ibuf [dreg:s9], $0x2FFFF;
	_ =	strace $0x9FFFFFFF  }
0xc5: {  	(tm) =	ssettm $0x7FFFFFFF  }
tec
execute0_lowered:
.L_overlay_start_1:
0x0: {  	(tag) =	ssettag $0x1  }
0x1: {  	v0 =	vimm.f32 $1.600000000e+01;
	vm14 =	vcmask $0x300;
	vm13 =	vcmask $0x704  }
0x2: {  	vm12 =	vcmask $0xB08;
	vm11 =	vcmask $0xF0C;
	vm10 =	vcmask $0x1310  }
0x3: {  	vm9 =	vcmask $0x1714;
	vm8 =	vcmask $0x1B18;
	vm7 =	vcmask $0x1F1C  }
0x4: {  	vm6 =	vcmask $0x2320;
	v1 =	vimm.f32 $3.200000000e+01;
	vm5 =	vcmask $0x2724  }
0x5: {  	vm4 =	vcmask $0x2B28;
	vm3 =	vcmask $0x2F2C;
	vm2 =	vcmask $0x3330  }
0x6: {  	vm0 =	vcmask $0x3734;
	vm1 =	vcmask $0x3B38;
	v2 =	vimm.f32 $4.800000000e+01  }
0x7: {  	v3 =	vimm.s32 $0x76543210;
	v4 =	vimm.s32 $0x87868584;
	vm15 =	vcmask $0x1F10  }
0x8: {  	v5 =	vlaneseq.u32;
	v7 =	vimm.s32 $0xDFF;
	v8 =	vimm.s32 $0xEFF  }
0x9: {  	v9 =	vimm.s32 $0xFFF;
	v0 =	vsel vm14, $0x3F800000, v0;
	v1 =	vsel vm14, $0x41880000, v1  }
0xa: {  	v2 =	vsel vm14, $0x42040000, v2;
	v3 =	vunpack.c.l.s4.s8 v3;
	v4 =	vunpack.c.0.s8.s32 v4  }
0xb: {  	v5 =	vmul.u32 $0xFFFFFFFF, v5;
	v7 =	vsel vm14, $0xD78, v7;
	v8 =	vsel vm14, $0xE78, v8  }
0xc: {  	v9 =	vsel vm14, $0xF78, v9;
	v0 =	vsel vm13, $0x40000000, v0;
	v1 =	vsel vm13, $0x41900000, v1  }
0xd: {  	v7 =	vsel vm13, $0xD79, v7;
	v8 =	vsel vm13, $0xE79, v8;
	v9 =	vsel vm13, $0xF79, v9  }
0xe: {  	v0 =	vsel vm12, $0x40400000, v0;
	v1 =	vsel vm12, $0x41980000, v1;
	v3 =	vunpack.c.0.s8.s32 v3  }
0xf: {  	v5 =	vadd.s32 $0xF, v5;
	v7 =	vsel vm12, $0xD7A, v7;
	v8 =	vsel vm12, $0xE7A, v8  }
0x10: {  	v9 =	vsel vm12, $0xF7A, v9;
	v0 =	vsel vm11, $0x40800000, v0;
	v1 =	vsel vm11, $0x41A00000, v1  }
0x11: {  	v7 =	vsel vm11, $0xD7B, v7;
	v8 =	vsel vm11, $0xE7B, v8;
	v9 =	vsel vm11, $0xF7B, v9  }
0x12: {  	v0 =	vsel vm10, $0x40A00000, v0;
	v1 =	vsel vm10, $0x41A80000, v1;
	v7 =	vsel vm10, $0xD7C, v7  }
0x13: {  	v8 =	vsel vm10, $0xE7C, v8;
	v9 =	vsel vm10, $0xF7C, v9;
	v0 =	vsel vm9, $0x40C00000, v0  }
0x14: {  	v1 =	vsel vm9, $0x41B00000, v1;
	v7 =	vsel vm9, $0xD7D, v7;
	v8 =	vsel vm9, $0xE7D, v8  }
0x15: {  	v9 =	vsel vm9, $0xF7D, v9;
	v0 =	vsel vm8, $0x40E00000, v0;
	v1 =	vsel vm8, $0x41B80000, v1  }
0x16: {  	v7 =	vsel vm8, $0xD7E, v7;
	v8 =	vsel vm8, $0xE7E, v8;
	v9 =	vsel vm8, $0xF7E, v9  }
0x17: {  	v0 =	vsel vm7, $0x41000000, v0;
	v1 =	vsel vm7, $0x41C00000, v1;
	v7 =	vsel vm7, $0xD7F, v7  }
0x18: {  	v8 =	vsel vm7, $0xE7F, v8;
	v9 =	vsel vm7, $0xF7F, v9;
	v0 =	vsel vm6, $0x41100000, v0  }
0x19: {  	v7 =	vsel vm6, $0xDF8, v7;
	v8 =	vsel vm6, $0xEF8, v8;
	v9 =	vsel vm6, $0xFF8, v9  }
0x1a: {  	v0 =	vsel vm5, $0x41200000, v0;
	v7 =	vsel vm5, $0xDF9, v7;
	v8 =	vsel vm5, $0xEF9, v8  }
0x1b: {  	v9 =	vsel vm5, $0xFF9, v9;
	v0 =	vsel vm4, $0x41300000, v0;
	v10 =	vsel vm4, $0xDFA, v7  }
0x1c: {  	v8 =	vsel vm4, $0xEFA, v8;
	v9 =	vsel vm4, $0xFFA, v9;
	v0 =	vsel vm3, $0x41400000, v0  }
0x1d: {  	v10 =	vsel vm3, $0xDFB, v10;
	v11 =	vsel vm3, $0xEFB, v8;
	v9 =	vsel vm3, $0xFFB, v9  }
0x1e: {  	s31 =	rddreg [dreg:$0x0];
	s4 =	simm.s32 $0x0;
	v0 =	vsel vm2, $0x41500000, v0;
	v10 =	vsel vm2, $0xDFC, v10;
	v11 =	vsel vm2, $0xEFC, v11  }
0x1f: {  	[smem:$0x7FF] =	sst s4;
	v12 =	vsel vm2, $0xFFC, v9;
	v0 =	vsel vm0, $0x41600000, v0;
	v13 =	vsel vm0, $0xDFD, v10  }
0x20: {  	s3 =	rddreg [dreg:$0x1];
	_ =	strace $0x80000047;
	v14 =	vsel vm0, $0xEFD, v11;
	v15 =	vsel vm0, $0xFFD, v12;
	v0 =	vsel vm1, $0x41700000, v0  }
0x21: {  	(erf) = vrcp.f32 v0;
	v0 =	vsel vm6, $0x41C80000, v1;
	v1 =	vsel vm13, $0x42080000, v2  }
0x22: {  	v11 =	vsel vm1, $0xDFE, v13;
	v0 =	vsel vm5, $0x41D00000, v0;
	v1 =	vsel vm12, $0x420C0000, v1  }
0x23: {  	v2 =	vimm.f32 $6.400000000e+01;
	v0 =	vsel vm4, $0x41D80000, v0;
	v1 =	vsel vm11, $0x42100000, v1  }
0x24: {  	v2 =	vsel vm14, $0x42440000, v2;
	v0 =	vsel vm3, $0x41E00000, v0;
	v1 =	vsel vm10, $0x42140000, v1  }
0x25: {  	v2 =	vsel vm13, $0x42480000, v2;
	v0 =	vsel vm2, $0x41E80000, v0;
	v1 =	vsel vm9, $0x42180000, v1  }
0x26: {  	v2 =	vsel vm12, $0x424C0000, v2;
	v0 =	vsel vm0, $0x41F00000, v0;
	v1 =	vsel vm8, $0x421C0000, v1  }
0x27: {  	v2 =	vsel vm11, $0x42500000, v2;
	v0 =	vsel vm1, $0x41F80000, v0;
	v1 =	vsel vm7, $0x42200000, v1  }
0x28: {  	v2 =	vsel vm10, $0x42540000, v2;
	(erf) = vrcp.f32 v0;
	v0 =	vsel vm6, $0x42240000, v1  }
0x29: {  	v12 =	vsel vm1, $0xEFE, v14;
	v1 =	vsel vm9, $0x42580000, v2;
	v0 =	vsel vm5, $0x42280000, v0  }
0x2a: {  	v2 =	vimm.s32 $0x187;
	v1 =	vsel vm8, $0x425C0000, v1;
	v0 =	vsel vm4, $0x422C0000, v0  }
0x2b: {  	v2 =	vsel vm14, $0x100, v2;
	v1 =	vsel vm7, $0x42600000, v1;
	v0 =	vsel vm3, $0x42300000, v0  }
0x2c: {  	v2 =	vsel vm13, $0x101, v2;
	v1 =	vsel vm6, $0x42640000, v1;
	v0 =	vsel vm2, $0x42340000, v0  }
0x2d: {  	v2 =	vsel vm12, $0x102, v2;
	v1 =	vsel vm5, $0x42680000, v1;
	v0 =	vsel vm0, $0x42380000, v0  }
0x2e: {  	v2 =	vsel vm11, $0x103, v2;
	v1 =	vsel vm4, $0x426C0000, v1;
	v0 =	vsel vm1, $0x423C0000, v0  }
0x2f: {  	v2 =	vsel vm10, $0x104, v2;
	v1 =	vsel vm3, $0x42700000, v1;
	(erf) = vrcp.f32 v0  }
0x30: {  	v0 =	vsel vm2, $0x42740000, v1;
	v1 =	vsel vm9, $0x105, v2;
	v2 =	vimm.s32 $0x83828180  }
0x31: {  	v1 =	vsel vm8, $0x106, v1;
	v2 =	vunpack.c.0.s8.s32 v2;
	v0 =	vsel vm0, $0x42780000, v0  }
0x32: {  	v13 =	vsel vm1, $0xFFE, v15;
	v1 =	vsel vm7, $0x107, v1;
	v0 =	vsel vm1, $0x427C0000, v0  }
0x33: {  	v1 =	vsel vm6, $0x180, v1;
	v2 =	vsel vm15, v4, v2;
	(erf) = vrcp.f32 v0  }
0x34: {  	v4 =	vimm.s32 $0xCFF;
	v1 =	vsel vm5, $0x181, v1;
	v2 =	vcombine.low v3, v2  }
0x35: {  	v3 =	vimm.s32 $0x287;
	v4 =	vsel vm14, $0xC78, v4;
	v1 =	vsel vm4, $0x182, v1  }
0x36: {  	v4 =	vsel vm13, $0xC79, v4;
	v1 =	vsel vm3, $0x183, v1;
	v0 =	vand.u32 $0xFF, v2  }
0x37: {  	v2 =	vsel vm14, $0x200, v3;
	v3 =	vimm.s32 $0x387;
	v4 =	vsel vm12, $0xC7A, v4  }
0x38: {  	v1 =	vsel vm2, $0x184, v1;
	v2 =	vsel vm13, $0x201, v2;
	v3 =	vsel vm14, $0x300, v3  }
0x39: {  	v4 =	vsel vm11, $0xC7B, v4;
	v1 =	vsel vm0, $0x185, v1;
	v3 =	vsel vm13, $0x301, v3  }
0x3a: {  	v2 =	vsel vm12, $0x202, v2;
	v4 =	vsel vm10, $0xC7C, v4;
	v3 =	vsel vm12, $0x302, v3  }
0x3b: {  	v1 =	vsel vm1, $0x186, v1;
	v2 =	vsel vm11, $0x203, v2;
	v3 =	vsel vm11, $0x303, v3  }
0x3c: {  	v4 =	vsel vm9, $0xC7D, v4;
	v2 =	vsel vm10, $0x204, v2;
	v3 =	vsel vm10, $0x304, v3  }
0x3d: {  	s0 =	srdreg.scid;
	v4 =	vsel vm8, $0xC7E, v4;
	v2 =	vsel vm9, $0x205, v2;
	v3 =	vsel vm9, $0x305, v3  }
0x3e: {  	s1 =	stileid.u32;
	s11 =	simm.s32 $0x1000;
	s12 =	simm.s32 $0x3000;
	v4 =	vsel vm7, $0xC7F, v4;
	v2 =	vsel vm8, $0x206, v2;
	v3 =	vsel vm8, $0x306, v3  }
0x3f: {  	s13 =	simm.s32 $0x4000;
	s15 =	simm.s32 $0x2;
	s0 =	sand.u32 $0x1, s0;
	v4 =	vsel vm6, $0xCF8, v4;
	v2 =	vsel vm7, $0x207, v2;
	v3 =	vsel vm7, $0x307, v3  }
0x40: {  	s16 =	simm.s32 $0x2000;
	s1 =	sshll.u32 s1, $0x13;
	s2 =	sshll.u32 s0, $0x12;
	v4 =	vsel vm5, $0xCF9, v4;
	v2 =	vsel vm6, $0x280, v2;
	v3 =	vsel vm6, $0x380, v3  }
0x41: {  	s17 =	simm.s32 $0x4;
	s0 =	ssub.s32 $0x2, s0;
	s5 =	sor.u32 s2, s1;
	v4 =	vsel vm4, $0xCFA, v4;
	v2 =	vsel vm5, $0x281, v2;
	v3 =	vsel vm5, $0x381, v3  }
0x42: {  	s2 =	sshrl.u32 s5, $0x3;
	[dreg:$0x4] =	wrdreg s5;
	s30 =	sor.u32 $0x2000, s5;
	v4 =	vsel vm3, $0xCFB, v4;
	v2 =	vsel vm4, $0x282, v2;
	v3 =	vsel vm4, $0x382, v3  }
0x43: {  	s26 =	sshrl.u32 s0, $0x1;
	s28 =	sadd.s32 s31, s2;
	[dreg:$0x7] =	wrdreg s30;
	v7 =	vpop (erf);
	v4 =	vsel vm2, $0xCFC, v4;
	v2 =	vsel vm3, $0x283, v2;
	v3 =	vsel vm3, $0x383, v3  }
0x44: {  	s0 =	ssub.s32 s0, s26;
	s29 =	sadd.s32 s3, s2;
	[dreg:$0x5] =	wrdreg s28;
	v8 =	vpop (erf);
	v6 =	vsel vm0, $0xCFD, v4;
	v2 =	vsel vm2, $0x284, v2;
	v3 =	vsel vm2, $0x384, v3  }
0x45: {  	s18 =	simm.s32 $0x5;
	s0 =	smax.u32 s0, $0x1;
	[dreg:$0x6] =	wrdreg s29;
	v9 =	vpop (erf);
	v6 =	vsel vm1, $0xCFE, v6;
	v2 =	vsel vm0, $0x285, v2;
	v3 =	vsel vm0, $0x385, v3  }
0x46: {  	s19 =	simm.s32 $0x5000;
	s2 =	simm.s32 $0x0;
	[dreg:$0x8] =	wrdreg s0;
	v10 =	vpop (erf);
	v4 =	vimm.s32 $0xF;
	[tilespmem:$0x1FFF0] =	vst v6;
	v2 =	vsel vm1, $0x286, v2;
	v3 =	vsel vm1, $0x386, v3  }
.LBB2_1:
0x47: {  	[dreg:$0x9] =	wrdreg s2  }
0x48: {  	s0 =	rddreg [dreg:$0x5]  }
0x49: {  	[tilespmem:s4], [sflag:$0x1] =	stream.linear.gather [hbm4b:s0+s4], $0x1000, $0x38;
	[tilespmem:$0x7400] =	vst v63  }
0x4a: {  	s30 =	rddreg [dreg:$0x6];
	s23 =	simm.s32 $0x0  }
0x4b: {  	[tilespmem:s11], [sflag:$0x2] =	stream.linear.gather [hbm4b:s30+s4], $0x1000, $0x38;
	[tilespmem:$0x7400] =	vst v63  }
.LBB2_2:
0x4c: {  	s25 =	sshll.u32 s23, $0xD;
	s0 =	rddreg [dreg:$0x4]  }
0x4d: {  	s0 =	sor.u32 s25, s0  }
0x4e: {  	s26 =	sshrl.u32 s0, $0x3  }
0x4f: {  	s24 =	sor.u32 $0x200, s26  }
0x50: {  	s21 =	rddreg [dreg:$0x1];
	s20 =	sadd.s32 s31, s24  }
0x51: {  	[tilespmem:s12], [sflag:$0x4] =	stream.linear.gather [hbm4b:s20+s4], $0x1000, $0x38;
	[tilespmem:$0x7400] =	vst v63  }
0x52: {  	s2 =	simm.s32 $0x1;
	s0 =	sadd.s32 s21, s24  }
0x53: {  	[tilespmem:s13], [sflag:$0x5] =	stream.linear.gather [hbm4b:s0+s4], $0x1000, $0x38;
	[tilespmem:$0x7400] =	vst v63  }
0x54: {  	_ =	swait.ge [sflag:s2], $0x1000  }
0x55: {  	s22 =	simm.s32 $0x10;
	s1 =	simm.s32 $0x80;
	[sflag:s2] =	ssyncset.done $0x0  }
0x56: {  	s1 =	sand.u32 $0x1C00, s1;
	s0 =	sand.u32 $0x78, s22;
	[sflag:s2] =	ssyncadd.s32 $0xFFFFF000  }
0x57: {  	s0 =	sor.u32 s0, s1;
	_ =	swait.ge [sflag:s15], $0x1000  }
0x58: {  	p0 =	seq.s32 s23, $0x0;
	v23 =	vor.u32 s0, v3;
	[sflag:s15] =	ssyncset.done $0x0  }
0x59: {  	s1 =	simm.s32 @!p0 $0x3;
	v25 =	vor.u32 s0, v1;
	[sflag:s15] =	ssyncadd.s32 $0xFFFFF000  }
0x5a: {  	v24 =	vor.u32 s0, v2;
	_ =	swait.ge @!p0 [sflag:s1], $0x1000  }
0x5b: {  	v26 =	vor.u32 s0, v0;
	[sflag:s1] =	ssyncset.done @!p0 $0x0  }
0x5c: {  	[sflag:s1] =	ssyncadd.s32 @!p0 $0xFFFFF000  }
0x5d: {  	s3 =	simm.s32 $0x40;
	s6 =	simm.s32 $0x0;
	s1 =	simm.s32 $0x0;
	v15 =	vld.idx.msk [tilespmem:v23+s4+$0x0], $0xffff  }
0x5e: {  	s5 =	simm.s32 $0x8;
	s2 =	sand.u32 $0x78, s6;
	s0 =	sand.u32 $0xC00, s1;
	v17 =	vld.idx.msk [tilespmem:v25+s4+$0x0], $0xffff  }
0x5f: {  	s5 =	sand.u32 $0x78, s5;
	s1 =	sand.u32 $0x1C00, s3;
	v20 =	vld.idx.msk [tilespmem:v24+s4+$0x0], $0xffff;
	s0 =	sor.u32 s2, s0  }
0x60: {  	v21 =	vld.idx.msk [tilespmem:v26+s4+$0x0], $0xffff;
	s1 =	sor.u32 s5, s1;
	v18 =	vor.u32 s0, v3  }
0x61: {  	v14 =	vor.u32 s1, v3  }
0x62: {  	v16 =	vor.u32 s0, v2;
	v22 =	vmul.f32 $1.100000000e+01, v15  }
0x63: {  	v19 =	vor.u32 s0, v1  }
0x64: {  	v27 =	vmul.f32 $1.100000000e+01, v17;
	v17 =	vor.u32 s1, v2;
	v22 =	vmul.f32 $1.442695020e+00, v22  }
0x65: {  	v20 =	vmul.f32 $1.100000000e+01, v20;
	v29 =	vmul.f32 $1.100000000e+01, v21;
	v28 =	vld.idx.msk [tilespmem:v18+s4+$0x0], $0xffff  }
0x66: {  	v15 =	vor.u32 s1, v1;
	v21 =	vmul.f32 $1.442695020e+00, v27;
	v27 =	vld.idx.msk [tilespmem:v14+s4+$0x0], $0xffff;
	(erf) = vpow2.f32 v22  }
0x67: {  	v20 =	vmul.f32 $1.442695020e+00, v20;
	v30 =	vld.idx.msk [tilespmem:v16+s4+$0x0], $0xffff  }
0x68: {  	v29 =	vmul.f32 $1.442695020e+00, v29;
	v22 =	vld.idx.msk [tilespmem:v19+s4+$0x0], $0xffff;
	(erf) = vpow2.f32 v21  }
0x69: {  	v21 =	vor.u32 s0, v0;
	v31 =	vld.idx.msk [tilespmem:v17+s4+$0x0], $0xffff;
	(erf) = vpow2.f32 v20  }
0x6a: {  	(erf) = vpow2.f32 v29  }
0x6b: {  	v20 =	vld.idx.msk [tilespmem:v15+s4+$0x0], $0xffff;
	v28 =	vmul.f32 $1.100000000e+01, v28;
	v27 =	vmul.f32 $1.100000000e+01, v27  }
0x6c: {  	v30 =	vmul.f32 $1.100000000e+01, v30  }
0x6d: {  	v28 =	vmul.f32 $1.442695020e+00, v28;
	v27 =	vmul.f32 $1.442695020e+00, v27  }
0x6e: {  	v22 =	vmul.f32 $1.100000000e+01, v22;
	v29 =	vld.idx.msk [tilespmem:v21+s4+$0x0], $0xffff;
	v31 =	vmul.f32 $1.100000000e+01, v31  }
0x6f: {  	v33 =	vpop (erf);
	(erf) = vpow2.f32 v28;
	v28 =	vmul.f32 $1.442695020e+00, v30  }
0x70: {  	v32 =	vmul.f32 $1.100000000e+01, v20;
	v22 =	vmul.f32 $1.442695020e+00, v22  }
0x71: {  	v20 =	vor.u32 s1, v0;
	v30 =	vadd.f32 $-1.000000000e+00, v33;
	v54 =	vpop (erf);
	(erf) = vpow2.f32 v27  }
0x72: {  	v27 =	vmul.f32 $1.442695020e+00, v32;
	v55 =	vadd.f32 $-1.000000000e+00, v54;
	v56 =	vpop (erf);
	(erf) = vpow2.f32 v22  }
0x73: {  	v29 =	vmul.f32 $1.100000000e+01, v29;
	v33 =	vadd.f32 $-1.000000000e+00, v56;
	(xrf1) =	vsort.ascd.msk.f32 $0xffff, v30, v30;
	(erf) = vpow2.f32 v28;
	v28 =	vpop (erf)  }
0x74: {  	v22 =	vmul.f32 $1.442695020e+00, v31;
	(xrf1) =	vsort.ascd.msk.f32 $0xffff, v55, v55;
	v28 =	vadd.f32 $-1.000000000e+00, v28  }
0x75: {  	v29 =	vmul.f32 $1.442695020e+00, v29;
	(erf) = vpow2.f32 v27;
	(xrf1) =	vsort.ascd.msk.f32 $0xffff, v33, v33  }
0x76: {  	v27 =	vld.idx.msk [tilespmem:v20+s4+$0x0], $0xffff;
	(erf) = vpow2.f32 v22;
	(xrf1) =	vsort.ascd.msk.f32 $0xffff, v28, v28  }
0x77: {  	(erf) = vpow2.f32 v29;
	_ =	sdelay $0x2  }
0x78: {  	v22 =	vpop (erf)  }
0x79: {  	v27 =	vmul.f32 $1.100000000e+01, v27;
	v29 =	vpop (erf)  }
0x7a: {  	v34 =	vpop (erf)  }
0x7b: {  	v31 =	vadd.f32 $-1.000000000e+00, v22;
	v27 =	vmul.f32 $1.442695020e+00, v27;
	v22 =	vadd.f32 $-1.000000000e+00, v29;
	v29 =	vpop (erf)  }
0x7c: {  	v35 =	vpop (erf)  }
0x7d: {  	(xrf1) =	vsort.ascd.msk.f32 $0xffff, v31, v31;
	v34 =	vadd.f32 $-1.000000000e+00, v34;
	(erf) = vpow2.f32 v27;
	v27 =	vadd.f32 $-1.000000000e+00, v29;
	v29 =	vpop (erf)  }
0x7e: {  	(xrf1) =	vsort.ascd.msk.f32 $0xffff, v22, v22;
	v36 =	vpop (erf)  }
0x7f: {  	s7 =	simm.s32 $0x6060;
	v35 =	vadd.f32 $-1.000000000e+00, v35;
	(xrf1) =	vsort.ascd.msk.f32 $0xffff, v34, v34;
	v37, _, _ =	vpop (xrf1)  }
0x80: {  	[tilespmem:s7+$0x50] =	vst v30;
	v29 =	vadd.f32 $-1.000000000e+00, v29;
	(xrf1) =	vsort.ascd.msk.f32 $0xffff, v27, v27;
	v38, _, _ =	vpop (xrf1)  }
0x81: {  	v36 =	vadd.f32 $-1.000000000e+00, v36;
	(xrf1) =	vsort.ascd.msk.f32 $0xffff, v35, v35;
	v37 =	vperm.xlane v37, v5;
	v39, _, _ =	vpop (xrf1);
	v38 =	vperm.xlane v38, v5  }
0x82: {  	[tilespmem:s7+$0x30] =	vst v55;
	(xrf1) =	vsort.ascd.msk.f32 $0xffff, v29, v29;
	v57, _, _ =	vpop (xrf1)  }
0x83: {  	[tilespmem:s7+$0x20] =	vst v28;
	(xrf1) =	vsort.ascd.msk.f32 $0xffff, v36, v36;
	v40 =	vmin.f32 v39, v37;
	v28 =	vmin.f32 v57, v38  }
0x84: {  	[tilespmem:s7+$0x40] =	vst v33;
	v37 =	vmax.f32 v39, v37;
	(xrf1) =	vsort.ascd.msk.f32 $0xffff, v40, v40  }
0x85: {  	v26 =	vld.idx.msk [tilespmem:v26+s11+$0x0], $0xffff;
	(xrf1) =	vsort.ascd.msk.f32 $0xffff, v37, v37  }
0x86: {  	v25 =	vld.idx.msk [tilespmem:v25+s11+$0x0], $0xffff;
	v58 =	vmax.f32 v57, v38;
	(xrf1) =	vsort.ascd.msk.f32 $0xffff, v28, v28;
	v28 =	vpop (erf)  }
0x87: {  	v24 =	vld.idx.msk [tilespmem:v24+s11+$0x0], $0xffff;
	(xrf1) =	vsort.ascd.msk.f32 $0xffff, v58, v58;
	v28 =	vadd.f32 $-1.000000000e+00, v28  }
0x88: {  	v23 =	vld.idx.msk [tilespmem:v23+s11+$0x0], $0xffff  }
0x89: {  	(xrf1) =	vsort.ascd.msk.f32 $0xffff, v28, v28;
	_ =	sdelay $0x1  }
0x8a: {  	v26 =	vmul.f32 $1.100000000e+01, v26;
	v30, _, _ =	vpop (xrf1)  }
0x8b: {  	v25 =	vmul.f32 $1.100000000e+01, v25;
	v24 =	vmul.f32 $1.100000000e+01, v24;
	v59, _, _ =	vpop (xrf1)  }
0x8c: {  	v23 =	vmul.f32 $1.100000000e+01, v23;
	v26 =	vmul.f32 $1.442695020e+00, v26;
	v60, _, _ =	vpop (xrf1)  }
0x8d: {  	v25 =	vmul.f32 $1.442695020e+00, v25;
	v24 =	vmul.f32 $1.442695020e+00, v24;
	v61, _, _ =	vpop (xrf1)  }
0x8e: {  	(erf) = vpow2.f32 v26;
	v30 =	vperm.xlane v30, v5;
	v63, _, _ =	vpop (xrf1)  }
0x8f: {  	v23 =	vmul.f32 $1.442695020e+00, v23;
	(erf) = vpow2.f32 v25;
	v44, _, _ =	vpop (xrf1)  }
0x90: {  	v32 =	vperm.xlane v59, v5;
	v62 =	vmin.f32 v61, v30;
	v30 =	vmax.f32 v61, v30;
	v45, _, _ =	vpop (xrf1)  }
0x91: {  	v33 =	vperm.xlane v60, v5;
	(xrf1) =	vsort.ascd.msk.f32 $0xffff, v62, v62;
	v50 =	vperm.xlane v63, v5;
	v26, _, _ =	vpop (xrf1)  }
0x92: {  	(erf) = vpow2.f32 v24;
	v46 =	vmin.f32 v44, v32;
	v32 =	vmax.f32 v44, v32;
	(xrf1) =	vsort.ascd.msk.f32 $0xffff, v30, v30;
	v25, _, _ =	vpop (xrf1)  }
0x93: {  	(xrf1) =	vsort.ascd.msk.f32 $0xffff, v46, v46;
	v26 =	vperm.xlane v26, v5;
	v25 =	vperm.xlane v25, v5;
	v30, _, _ =	vpop (xrf1)  }
0x94: {  	(erf) = vpow2.f32 v23;
	v47 =	vmin.f32 v45, v33;
	v33 =	vmax.f32 v45, v33;
	(xrf1) =	vsort.ascd.msk.f32 $0xffff, v32, v32;
	v48, _, _ =	vpop (xrf1)  }
0x95: {  	(xrf1) =	vsort.ascd.msk.f32 $0xffff, v47, v47;
	v24 =	vmax.f32 v30, v25;
	v49 =	vmax.f32 v48, v26  }
0x96: {  	(xrf1) =	vsort.ascd.msk.f32 $0xffff, v33, v33;
	v23 =	vmax.f32 v24, v49;
	v51, _, _ =	vpop (xrf1)  }
0x97: {  	(xrf1) =	vsort.ascd.msk.f32 $0xffff, v23, v23;
	v23 =	vmin.f32 v51, v50  }
0x98: {  	(xrf1) =	vsort.ascd.msk.f32 $0xffff, v23, v23;
	v23 =	vmin.f32 v24, v49  }
0x99: {  	v33 =	vmax.f32 v51, v50  }
0x9a: {  	v24 =	vpop (erf);
	(xrf1) =	vsort.ascd.msk.f32 $0xffff, v33, v33  }
0x9b: {  	(xrf1) =	vsort.ascd.msk.f32 $0xffff, v23, v23;
	v23 =	vpop (erf)  }
0x9c: {  	[tilespmem:s7+$0xFFFFFFD0] =	vst v31;
	v25 =	vmin.f32 v30, v25;
	v30 =	vpop (erf)  }
0x9d: {  	[tilespmem:s7+$0xFFFFFFB0] =	vst v34;
	v26 =	vmin.f32 v48, v26;
	v24 =	vadd.f32 $-1.000000000e+00, v24;
	v23 =	vadd.f32 $-1.000000000e+00, v23;
	v53 =	vpop (erf)  }
0x9e: {  	[tilespmem:s7+$0xFFFFFFC0] =	vst v27;
	v32 =	vmax.f32 v25, v26;
	v27 =	vadd.f32 $-1.000000000e+00, v30;
	v30 =	vadd.f32 $-1.000000000e+00, v53  }
0x9f: {  	[tilespmem:s7+$0xFFFFFFA0] =	vst v36;
	v52, _, _ =	vpop (xrf1);
	(xrf1) =	vsort.ascd.msk.f32 $0xffff, v32, v32  }
0xa0: {  	v21 =	vld.idx.msk [tilespmem:v21+s11+$0x0], $0xffff;
	v54, _, _ =	vpop (xrf1);
	v23 =	vadd.f32 v23, v24;
	v24 =	vadd.f32 v30, v27  }
0xa1: {  	v31, _, _ =	vpop (xrf1)  }
0xa2: {  	v19 =	vld.idx.msk [tilespmem:v19+s11+$0x0], $0xffff;
	v25 =	vmin.f32 v25, v26;
	v27, _, _ =	vpop (xrf1)  }
0xa3: {  	(xrf1) =	vsort.ascd.msk.f32 $0xffff, v25, v25;
	v25 =	vld.idx.msk [tilespmem:v16+s11+$0x0], $0xffff;
	v26, _, _ =	vpop (xrf1)  }
0xa4: {  	v23 =	vadd.f32 v24, v23;
	v24, _, _ =	vpop (xrf1)  }
0xa5: {  	v21 =	vmul.f32 $1.100000000e+01, v21;
	[tilespmem:s7+$0xFFFFFFE0] =	vst v28;
	v28 =	vperm.xlane v52, v5;
	v16, _, _ =	vpop (xrf1)  }
0xa6: {  	[tilespmem:s7+$0x10] =	vst v22;
	v30 =	vperm.xlane v54, v5;
	(xrf2) =	vadd.scan.msk.f32 $0xffff, v23;
	v23 =	vperm.xlane v16, v5  }
0xa7: {  	[tilespmem:s7+$0xFFFFFFF0] =	vst v35;
	v18 =	vld.idx.msk [tilespmem:v18+s11+$0x0], $0xffff;
	v19 =	vmul.f32 $1.100000000e+01, v19;
	v21 =	vmul.f32 $1.442695020e+00, v21  }
0xa8: {  	v22 =	vmul.f32 $1.100000000e+01, v25;
	v25 =	vmax.f32 v26, v30;
	v33 =	vmax.f32 v24, v28;
	v55, _, _ =	vpop (xrf1);
	(xrf2) =	vadd.scan.msk.f32 $0xffff, v23  }
0xa9: {  	[tilespmem:s7+$0x0] =	vst v29;
	v57 =	vmax.f32 v25, v33;
	v29, _, _ =	vpop (xrf1)  }
0xaa: {  	v19 =	vmul.f32 $1.442695020e+00, v19;
	v20 =	vld.idx.msk [tilespmem:v20+s11+$0x0], $0xffff;
	(erf) = vpow2.f32 v21;
	v21 =	vmin.f32 v25, v33;
	(xrf1) =	vsort.ascd.msk.f32 $0xffff, v57, v57;
	v56, _, _ =	vpop (xrf1)  }
0xab: {  	v15 =	vld.idx.msk [tilespmem:v15+s11+$0x0], $0xffff;
	v34 =	vperm.xlane v56, v5  }
0xac: {  	v18 =	vmul.f32 $1.100000000e+01, v18;
	v17 =	vld.idx.msk [tilespmem:v17+s11+$0x0], $0xffff;
	(erf) = vpow2.f32 v19;
	(xrf1) =	vsort.ascd.msk.f32 $0xffff, v21, v21  }
0xad: {  	v14 =	vld.idx.msk [tilespmem:v14+s11+$0x0], $0xffff;
	v27 =	vperm.xlane v27, v5;
	v25 =	vperm.xlane v31, v5;
	v21, _, _ =	vpop (xrf1);
	(xrf2) =	vadd.scan.msk.f32 $0xffff, v34  }
0xae: {  	s8 =	simm.s32 $0x140;
	s29 =	simm.s32 $0x28;
	v22 =	vmul.f32 $1.442695020e+00, v22;
	v31 =	vperm.xlane v21, v5  }
0xaf: {  	s9 =	sand.u32 $0x78, s29;
	s0 =	sand.u32 $0x1C00, s8;
	v19 =	vmax.f32 v55, v27;
	v21 =	vmax.f32 v29, v25  }
0xb0: {  	s0 =	sor.u32 s9, s0;
	v18 =	vmul.f32 $1.442695020e+00, v18;
	(erf) = vpow2.f32 v22;
	v22 =	vmax.f32 v19, v21;
	(xrf2) =	vadd.scan.msk.f32 $0xffff, v31  }
0xb1: {  	v35 =	vor.u32 s0, v0;
	v20 =	vmul.f32 $1.100000000e+01, v20;
	v15 =	vmul.f32 $1.100000000e+01, v15;
	(xrf1) =	vsort.ascd.msk.f32 $0xffff, v22, v22;
	v58, _, _ =	vpop (xrf2)  }
0xb2: {  	s28 =	simm.s32 $0xC0;
	s20 =	simm.s32 $0x18;
	v17 =	vmul.f32 $1.100000000e+01, v17;
	v14 =	vmul.f32 $1.100000000e+01, v14;
	v19 =	vmin.f32 v19, v21;
	v21, _, _ =	vpop (xrf2)  }
0xb3: {  	s22 =	sand.u32 $0xC00, s28;
	s1 =	sand.u32 $0x78, s20;
	v26 =	vmin.f32 v26, v30;
	v24 =	vmin.f32 v24, v28;
	(xrf1) =	vsort.ascd.msk.f32 $0xffff, v19, v19;
	v22, _, _ =	vpop (xrf1);
	v21 =	vadd.f32 $0.0e+00, v21  }
0xb4: {  	s1 =	sor.u32 s1, s22;
	(erf) = vpow2.f32 v18;
	v19 =	vmax.f32 v26, v24;
	v22 =	vperm.xlane v22, v5  }
0xb5: {  	v36 =	vor.u32 s1, v1;
	v18 =	vmul.f32 $1.442695020e+00, v20;
	v20 =	vpop (erf);
	(xrf1) =	vsort.ascd.msk.f32 $0xffff, v19, v19;
	v19 =	vperm.xlane v21, v4  }
0xb6: {  	v15 =	vmul.f32 $1.442695020e+00, v15;
	v14 =	vmul.f32 $1.442695020e+00, v14;
	v25 =	vmin.f32 v29, v25;
	v29 =	vpop (erf);
	(xrf2) =	vadd.scan.msk.f32 $0xffff, v22  }
0xb7: {  	v28 =	vmul.f32 $1.442695020e+00, v17;
	v27 =	vmin.f32 v55, v27;
	v20 =	vadd.f32 $-1.000000000e+00, v20;
	v17, _, _ =	vpop (xrf2)  }
0xb8: {  	(erf) = vpow2.f32 v18;
	v60 =	vadd.f32 $-1.000000000e+00, v29;
	v59, _, _ =	vpop (xrf1);
	v30 =	vadd.f32 v19, v17  }
0xb9: {  	v29 =	vor.u32 s0, v2;
	v24 =	vmin.f32 v26, v24;
	v17 =	vmax.f32 v27, v25;
	v19 =	vpop (erf)  }
0xba: {  	v18, _, _ =	vpop (xrf1);
	v26 =	vperm.xlane v30, v4;
	v61 =	vadd.f32 $-1.000000000e+00, v19;
	v19 =	vperm.xlane v58, v4  }
0xbb: {  	v25 =	vmin.f32 v27, v25;
	v27, _, _ =	vpop (xrf2);
	v18 =	vperm.xlane v18, v5;
	(erf) = vpow2.f32 v15  }
0xbc: {  	(xrf1) =	vsort.ascd.msk.f32 $0xffff, v17, v17;
	(erf) = vpow2.f32 v28;
	v26 =	vadd.f32 v26, v27;
	v15 =	vsub.f32 v21, v19  }
0xbd: {  	v17 =	vperm.xlane v59, v5;
	(erf) = vpow2.f32 v14;
	v27 =	vsub.f32 v30, v19  }
0xbe: {  	v20 =	vadd.f32 v60, v20;
	v21 =	vpop (erf);
	v28 =	vperm.xlane v26, v4;
	v14 =	vmul.f32 v15, v7  }
0xbf: {  	v62, _, _ =	vpop (xrf1);
	v30 =	vadd.f32 $-1.000000000e+00, v21;
	v26 =	vsub.f32 v26, v19;
	v21 =	vmul.f32 v27, v8  }
0xc0: {  	v46 =	vld.idx.msk [tilespmem:v35+s4+$0x0], $0xffff;
	(xrf1) =	vsort.ascd.msk.f32 $0xffff, v24, v24;
	v24 =	vperm.xlane v62, v5;
	v15, _, _ =	vpop (xrf2);
	vm0 =	vgt.f32 v23, v14  }
0xc1: {  	v44 =	vld.idx.msk [tilespmem:v29+s4+$0x0], $0xffff;
	(xrf2) =	vadd.scan.msk.f32 $0xffff, v17;
	v14 =	vadd.f32 $0.0e+00, v23;
	v23, _, _ =	vpop (xrf1);
	vm1 =	vgt.f32 v34, v21;
	v21 =	vmul.f32 v26, v9  }
0xc2: {  	(xrf1) =	vsort.ascd.msk.f32 $0xffff, v25, v25;
	v27 =	vor.u32 s0, v1;
	v15 =	vadd.f32 v28, v15;
	v26 =	vperm.xlane v23, v5  }
0xc3: {  	v23 =	vnsel vm1, $0x0, v34;
	v25, _, _ =	vpop (xrf1);
	(xrf2) =	vadd.scan.msk.f32 $0xffff, v24;
	v14 =	vnsel vm0, $0x0, v14;
	vm2 =	vgt.f32 v31, v21  }
0xc4: {  	v21 =	vperm.xlane v25, v5;
	v25 =	vor.u32 s0, v3;
	v15 =	vsub.f32 v15, v19  }
0xc5: {  	v46 =	vmul.f32 $1.100000000e+01, v46;
	v30 =	vadd.f32 v30, v61;
	(xrf2) =	vadd.scan.msk.f32 $0xffff, v18;
	v14 =	vadd.f32 v23, v14  }
0xc6: {  	v16 =	vperm.xlane v16, v4;
	v23 =	vnsel vm2, $0x0, v31;
	v15 =	vmul.f32 v15, v10  }
0xc7: {  	v44 =	vmul.f32 $1.100000000e+01, v44;
	v39 =	vadd.f32 v30, v20;
	v55 =	vld.idx.msk [tilespmem:v27+s4+$0x0], $0xffff;
	v14 =	vadd.f32 v23, v14  }
0xc8: {  	(xrf2) =	vadd.scan.msk.f32 $0xffff, v26;
	v23 =	vmpcnt.ones.xlane vm1;
	vm3 =	vgt.f32 v22, v15;
	v15 =	vmpcnt.ones.xlane vm0  }
0xc9: {  	v30 =	vor.u32 s1, v3;
	v31 =	vmpcnt.ones.xlane vm2;
	v54 =	vld.idx.msk [tilespmem:v25+s4+$0x0], $0xffff;
	v22 =	vnsel vm3, $0x0, v22  }
0xca: {  	s10 =	simm.s32 $0x100;
	s21 =	simm.s32 $0x20;
	v28, _, _ =	vpop (xrf1);
	v14 =	vadd.f32 v22, v14;
	v15 =	vadd.s32 v15, v23;
	v23 =	vmpcnt.ones.xlane vm3  }
0xcb: {  	s2 =	sand.u32 $0x78, s21;
	v57 =	vmul.f32 $1.442695020e+00, v44;
	v61 =	vmul.f32 $1.442695020e+00, v46;
	s0 =	sand.u32 $0x1C00, s10;
	(xrf2) =	vadd.scan.msk.f32 $0xffff, v21;
	v63, _, _ =	vpop (xrf2);
	v31 =	vadd.s32 v31, v15  }
0xcc: {  	s0 =	sor.u32 s2, s0;
	v33 =	vperm.xlane v28, v5;
	v40 =	vmul.f32 $1.100000000e+01, v55;
	v22 =	vpop (erf);
	(xrf2) =	vadd.scan.msk.f32 $0xffff, v14;
	v23 =	vadd.s32 v23, v31  }
0xcd: {  	v32 =	vor.u32 s0, v2;
	v15 =	vperm.xlane v59, v4;
	v47, _, _ =	vpop (xrf2);
	v28 =	vcvt.s32.f32 v23  }
0xce: {  	v51 =	vld.idx.msk [tilespmem:v30+s4+$0x0], $0xffff;
	v53 =	vpop (erf);
	v41 =	vadd.f32 $-1.000000000e+00, v22;
	v22 =	vor.u32 s0, v3;
	v48 =	vmul.f32 $1.100000000e+01, v54  }
0xcf: {  	v34 =	vor.u32 s1, v2;
	v40 =	vmul.f32 $1.442695020e+00, v40;
	v14 =	vperm.xlane v62, v4;
	v49, _, _ =	vpop (xrf2)  }
0xd0: {  	v31 =	vor.u32 s0, v1;
	v20 =	vpop (erf);
	v28 =	vmax.f32 v28, $1.000000000e+00;
	v48 =	vmul.f32 $1.442695020e+00, v48  }
0xd1: {  	v54 =	vld.idx.msk [tilespmem:v36+s4+$0x0], $0xffff;
	v42 =	vadd.f32 $-1.000000000e+00, v53;
	v43 =	vpop (erf);
	v45 =	vadd.f32 $-1.000000000e+00, v20;
	(erf) = vrcp.f32 v28  }
0xd2: {  	v50, _, _ =	vpop (xrf2);
	v43 =	vadd.f32 $-1.000000000e+00, v43;
	(erf) = vpow2.f32 v48;
	v48 =	vadd.f32 $0.0e+00, v63;
	v63 =	vld.idx.msk [tilespmem:v32+s4+$0x0], $0xffff  }
0xd3: {  	v37 =	vor.u32 s1, v0;
	v62 =	vmul.f32 $1.100000000e+01, v51;
	v20, _, _ =	vpop (xrf1);
	v52 =	vld.idx.msk [tilespmem:v22+s4+$0x0], $0xffff;
	(erf) = vpow2.f32 v40  }
0xd4: {  	v56, _, _ =	vpop (xrf1);
	v41 =	vadd.f32 v42, v41;
	v60 =	vadd.f32 v43, v45;
	v43 =	vld.idx.msk [tilespmem:v34+s4+$0x0], $0xffff;
	(erf) = vpow2.f32 v57  }
0xd5: {  	v53, _, _ =	vpop (xrf2);
	v28 =	vperm.xlane v20, v5;
	v20 =	vperm.xlane v56, v5;
	v45 =	vld.idx.msk [tilespmem:v31+s4+$0x0], $0xffff  }
0xd6: {  	(xrf2) =	vadd.scan.msk.f32 $0xffff, v33;
	v42 =	vperm.xlane v48, v4;
	v40 =	vadd.f32 v60, v41;
	(erf) = vpow2.f32 v61;
	v58, _, _ =	vpop (xrf2)  }
0xd7: {  	(xrf2) =	vadd.scan.msk.f32 $0xffff, v39;
	v61 =	vmul.f32 $1.100000000e+01, v54;
	v59 =	vperm.xlane v58, v4  }
0xd8: {  	(xrf2) =	vadd.scan.msk.f32 $0xffff, v40;
	v41 =	vmul.f32 $1.100000000e+01, v63;
	v56 =	vmul.f32 $1.100000000e+01, v52  }
0xd9: {  	v60 =	vld.idx.msk [tilespmem:v37+s4+$0x0], $0xffff;
	v58 =	vmul.f32 $1.442695020e+00, v62;
	v43 =	vmul.f32 $1.100000000e+01, v43;
	(xrf2) =	vadd.scan.msk.f32 $0xffff, v28;
	v38 =	vsub.f32 v59, v19  }
0xda: {  	v42 =	vadd.f32 v42, v49;
	v45 =	vmul.f32 $1.100000000e+01, v45;
	v57 =	vpop (erf);
	v59 =	vmul.f32 $1.442695020e+00, v56  }
0xdb: {  	(xrf2) =	vadd.scan.msk.f32 $0xffff, v20;
	(erf) = vpow2.f32 v58;
	v62 =	vpop (erf);
	v39 =	vmul.f32 v57, v38;
	v38 =	vor.u32 s0, v0  }
0xdc: {  	v63 =	vmul.f32 $1.442695020e+00, v61;
	v43 =	vmul.f32 $1.442695020e+00, v43;
	v44 =	vadd.f32 $-1.000000000e+00, v62;
	v57 =	vpop (erf)  }
0xdd: {  	v45 =	vmul.f32 $1.442695020e+00, v45;
	(erf) = vpow2.f32 v59;
	v51 =	vadd.f32 $-1.000000000e+00, v57;
	v58 =	vpop (erf)  }
0xde: {  	v46 =	vmul.f32 $1.100000000e+01, v60;
	(erf) = vpow2.f32 v63;
	v52 =	vadd.f32 $-1.000000000e+00, v58;
	(xrf1) =	vsort.ascd.msk.f32 $0xffff, v44, v44  }
0xdf: {  	v40 =	vadd.f32 $0.0e+00, v47;
	v41 =	vmul.f32 $1.442695020e+00, v41;
	(erf) = vpow2.f32 v43;
	v61 =	vpop (erf);
	(xrf1) =	vsort.ascd.msk.f32 $0xffff, v51, v51  }
0xe0: {  	v62, _, _ =	vpop (xrf2);
	v46 =	vmul.f32 $1.442695020e+00, v46;
	v43 =	vadd.f32 $-1.000000000e+00, v61;
	(erf) = vpow2.f32 v45;
	(xrf1) =	vsort.ascd.msk.f32 $0xffff, v52, v52;
	v59 =	vld.idx.msk [tilespmem:v38+s4+$0x0], $0xffff  }
0xe1: {  	v16 =	vsub.f32 v16, v19;
	v60 =	vperm.xlane v40, v4;
	v19, _, _ =	vpop (xrf2);
	(erf) = vpow2.f32 v41  }
0xe2: {  	v56 =	vperm.xlane v42, v4;
	v63, _, _ =	vpop (xrf2);
	(erf) = vpow2.f32 v46;
	(xrf1) =	vsort.ascd.msk.f32 $0xffff, v43, v43  }
0xe3: {  	vm0 =	vgt.s32 v23, $0x0;
	v47 =	vadd.f32 v60, v50;
	v54, _, _ =	vpop (xrf2)  }
0xe4: {  	s30 =	simm.s32 $0x6120;
	v23 =	vsel vm0, v39, v16;
	v16 =	vperm.xlane v19, v4;
	v45 =	vadd.f32 v56, v53;
	v19 =	vpop (erf)  }
0xe5: {  	v58 =	vperm.xlane v47, v4;
	[tilespmem:s30+$0x50] =	vst v44;
	v53, _, _ =	vpop (xrf2);
	v57 =	vmul.f32 $1.100000000e+01, v59  }
0xe6: {  	[tilespmem:s30+$0x30] =	vst v51;
	v60 =	vsub.f32 v42, v16;
	v48 =	vsub.f32 v48, v16;
	v55 =	vperm.xlane v45, v4;
	v59 =	vpop (erf)  }
0xe7: {  	[tilespmem:s30+$0x40] =	vst v52;
	v46 =	vadd.f32 v58, v62;
	v50 =	vadd.f32 $-1.000000000e+00, v19;
	v19 =	vperm.xlane v63, v4;
	v61 =	vpop (erf)  }
0xe8: {  	v45 =	vsub.f32 v45, v16;
	[tilespmem:s30+$0x20] =	vst v43;
	v42 =	vadd.f32 $-1.000000000e+00, v59;
	v39 =	vmul.f32 $1.442695020e+00, v57;
	v63 =	vpop (erf)  }
0xe9: {  	v41 =	vmul.f32 v60, v8;
	(xrf1) =	vsort.ascd.msk.f32 $0xffff, v50, v50;
	v62 =	vsub.f32 v40, v19;
	v40 =	vadd.f32 $-1.000000000e+00, v61;
	v57 =	vpop (erf)  }
0xea: {  	v48 =	vmul.f32 v48, v7;
	(xrf1) =	vsort.ascd.msk.f32 $0xffff, v42, v42;
	v49 =	vadd.f32 $-1.000000000e+00, v63;
	(erf) = vpow2.f32 v39;
	v60 =	vpop (erf)  }
0xeb: {  	v56 =	vperm.xlane v46, v4;
	v54 =	vadd.f32 v55, v54;
	(xrf1) =	vsort.ascd.msk.f32 $0xffff, v40, v40;
	v55 =	vadd.f32 $-1.000000000e+00, v57;
	v61 =	vpop (erf)  }
0xec: {  	v35 =	vld.idx.msk [tilespmem:v35+s11+$0x0], $0xffff;
	v45 =	vmul.f32 v45, v9;
	(xrf1) =	vsort.ascd.msk.f32 $0xffff, v49, v49;
	v57 =	vadd.f32 $-1.000000000e+00, v60;
	v58, _, _ =	vpop (xrf1)  }
0xed: {  	v53 =	vadd.f32 v56, v53;
	(xrf1) =	vsort.ascd.msk.f32 $0xffff, v55, v55;
	v56 =	vadd.f32 $-1.000000000e+00, v61;
	v58 =	vperm.xlane v58, v5;
	v59, _, _ =	vpop (xrf1)  }
0xee: {  	v27 =	vld.idx.msk [tilespmem:v27+s11+$0x0], $0xffff;
	vm3 =	vgt.f32 v18, v41;
	v39 =	vmul.f32 v62, v7;
	(xrf1) =	vsort.ascd.msk.f32 $0xffff, v57, v57;
	v61, _, _ =	vpop (xrf1)  }
0xef: {  	v29 =	vld.idx.msk [tilespmem:v29+s11+$0x0], $0xffff;
	v59 =	vperm.xlane v59, v5;
	(xrf1) =	vsort.ascd.msk.f32 $0xffff, v56, v56;
	v62 =	vmin.f32 v61, v58  }
0xf0: {  	v25 =	vld.idx.msk [tilespmem:v25+s11+$0x0], $0xffff;
	vm1 =	vgt.f32 v17, v48;
	v58 =	vmax.f32 v61, v58;
	v61, _, _ =	vpop (xrf1);
	(xrf1) =	vsort.ascd.msk.f32 $0xffff, v62, v62  }
0xf1: {  	v54 =	vsub.f32 v54, v16;
	v62 =	vmin.f32 v61, v59;
	(xrf1) =	vsort.ascd.msk.f32 $0xffff, v58, v58  }
0xf2: {  	v43 =	vadd.f32 $0.0e+00, v24;
	vm4 =	vgt.f32 v21, v45;
	v58 =	vmax.f32 v61, v59;
	(xrf1) =	vsort.ascd.msk.f32 $0xffff, v62, v62  }
0xf3: {  	v47 =	vsub.f32 v47, v19;
	v46 =	vsub.f32 v46, v19;
	v63 =	vpop (erf);
	(xrf1) =	vsort.ascd.msk.f32 $0xffff, v58, v58  }
0xf4: {  	v35 =	vmul.f32 $1.100000000e+01, v35;
	v27 =	vmul.f32 $1.100000000e+01, v27;
	v59 =	vadd.f32 $-1.000000000e+00, v63  }
0xf5: {  	v53 =	vsub.f32 v53, v19;
	v29 =	vmul.f32 $1.100000000e+01, v29;
	v25 =	vmul.f32 $1.100000000e+01, v25  }
0xf6: {  	v21 =	vnsel vm4, $0x0, v21;
	v47 =	vmul.f32 v47, v8;
	v46 =	vmul.f32 v46, v9;
	(xrf1) =	vsort.ascd.msk.f32 $0xffff, v59, v59  }
0xf7: {  	v35 =	vmul.f32 $1.442695020e+00, v35;
	v60 =	vadd.f32 $0.0e+00, v17;
	v17 =	vnsel vm3, $0x0, v18;
	v18, _, _ =	vpop (xrf1)  }
0xf8: {  	[tilespmem:s30+$0xFFFFFFD0] =	vst v50;
	v27 =	vmul.f32 $1.442695020e+00, v27;
	v29 =	vmul.f32 $1.442695020e+00, v29;
	vm0 =	vgt.f32 v24, v39;
	v24, _, _ =	vpop (xrf1)  }
0xf9: {  	vm2 =	vgt.f32 v26, v47;
	[tilespmem:s30+$0xFFFFFFB0] =	vst v40;
	(erf) = vpow2.f32 v35;
	v18 =	vperm.xlane v18, v5;
	v48, _, _ =	vpop (xrf1)  }
0xfa: {  	v25 =	vmul.f32 $1.442695020e+00, v25;
	v26 =	vnsel vm2, $0x0, v26;
	[tilespmem:s30+$0xFFFFFFC0] =	vst v49;
	(erf) = vpow2.f32 v27;
	v50, _, _ =	vpop (xrf1)  }
0xfb: {  	v43 =	vnsel vm0, $0x0, v43;
	[tilespmem:s30+$0xFFFFFFF0] =	vst v55;
	v51 =	vmin.f32 v50, v18;
	v18 =	vmax.f32 v50, v18;
	v52, _, _ =	vpop (xrf1)  }
0xfc: {  	(erf) = vpow2.f32 v29;
	v26 =	vadd.f32 v26, v43;
	[tilespmem:s30+$0xFFFFFFA0] =	vst v56;
	v63 =	vmul.f32 v53, v10;
	v53, _, _ =	vpop (xrf1)  }
0xfd: {  	v60 =	vnsel vm1, $0x0, v60;
	[tilespmem:s30+$0x0] =	vst v57;
	v37 =	vld.idx.msk [tilespmem:v37+s11+$0x0], $0xffff;
	v62 =	vperm.xlane v24, v5;
	(xrf1) =	vsort.ascd.msk.f32 $0xffff, v51, v51;
	v55, _, _ =	vpop (xrf1)  }
0xfe: {  	v17 =	vadd.f32 v17, v60;
	v36 =	vld.idx.msk [tilespmem:v36+s11+$0x0], $0xffff;
	v61 =	vmul.f32 v54, v10;
	(xrf1) =	vsort.ascd.msk.f32 $0xffff, v18, v18;
	v18, _, _ =	vpop (xrf1)  }
0xff: {  	v34 =	vld.idx.msk [tilespmem:v34+s11+$0x0], $0xffff;
	v49 =	vperm.xlane v48, v5;
	v54 =	vmin.f32 v53, v62;
	v40 =	vmax.f32 v53, v62;
	v27, _, _ =	vpop (xrf1)  }
0x100: {  	v30 =	vld.idx.msk [tilespmem:v30+s11+$0x0], $0xffff;
	(xrf1) =	vsort.ascd.msk.f32 $0xffff, v54, v54;
	v18 =	vperm.xlane v18, v5;
	v27 =	vperm.xlane v27, v5;
	v58, _, _ =	vpop (xrf1)  }
0x101: {  	(erf) = vpow2.f32 v25;
	v57 =	vmin.f32 v55, v49;
	v39 =	vmax.f32 v55, v49;
	(xrf1) =	vsort.ascd.msk.f32 $0xffff, v40, v40;
	v29, _, _ =	vpop (xrf1)  }
0x102: {  	[tilespmem:s30+$0xFFFFFFE0] =	vst v59;
	(xrf1) =	vsort.ascd.msk.f32 $0xffff, v57, v57;
	v59 =	vmax.f32 v58, v27;
	v60 =	vmax.f32 v29, v18  }
0x103: {  	v17 =	vadd.f32 v21, v17;
	v25 =	vmul.f32 $1.100000000e+01, v37;
	(xrf1) =	vsort.ascd.msk.f32 $0xffff, v39, v39;
	v62 =	vmax.f32 v59, v60  }
0x104: {  	vm5 =	vgt.f32 v28, v61;
	v36 =	vmul.f32 $1.100000000e+01, v36;
	v43 =	vperm.xlane v52, v5;
	v61, _, _ =	vpop (xrf1);
	(xrf1) =	vsort.ascd.msk.f32 $0xffff, v62, v62  }
0x105: {  	v28 =	vnsel vm5, $0x0, v28;
	v34 =	vmul.f32 $1.100000000e+01, v34;
	v21 =	vmul.f32 $1.100000000e+01, v30  }
0x106: {  	[tilespmem:s30+$0x10] =	vst v42;
	v44 =	vpop (erf);
	v17 =	vadd.f32 v28, v17;
	vm6 =	vgt.f32 v20, v63;
	v63 =	vmin.f32 v61, v43  }
0x107: {  	v47 =	vadd.f32 $-1.000000000e+00, v44;
	v31 =	vld.idx.msk [tilespmem:v31+s11+$0x0], $0xffff;
	v25 =	vmul.f32 $1.442695020e+00, v25;
	v37 =	vmax.f32 v61, v43;
	(xrf1) =	vsort.ascd.msk.f32 $0xffff, v63, v63  }
0x108: {  	v20 =	vnsel vm6, $0x0, v20;
	v36 =	vmul.f32 $1.442695020e+00, v36;
	v21 =	vmul.f32 $1.442695020e+00, v21;
	(xrf1) =	vsort.ascd.msk.f32 $0xffff, v37, v37  }
0x109: {  	v45 =	vpop (erf);
	v24 =	vmpcnt.ones.xlane vm3;
	vm3 =	vgt.f32 v33, v46;
	v43 =	vmin.f32 v59, v60  }
0x10a: {  	v46 =	vmul.f32 $1.442695020e+00, v34;
	v33 =	vnsel vm3, $0x0, v33;
	v18 =	vmin.f32 v29, v18;
	v29 =	vpop (erf);
	(xrf1) =	vsort.ascd.msk.f32 $0xffff, v43, v43  }
0x10b: {  	v56 =	vld.idx.msk [tilespmem:v38+s11+$0x0], $0xffff;
	v48 =	vadd.f32 $-1.000000000e+00, v45;
	(erf) = vpow2.f32 v25;
	v27 =	vmin.f32 v58, v27;
	v50 =	vpop (erf)  }
0x10c: {  	v32 =	vld.idx.msk [tilespmem:v32+s11+$0x0], $0xffff;
	v26 =	vadd.f32 v33, v26;
	v31 =	vmul.f32 $1.100000000e+01, v31;
	v49 =	vmax.f32 v27, v18;
	v28, _, _ =	vpop (xrf1)  }
0x10d: {  	(erf) = vpow2.f32 v36;
	v29 =	vadd.f32 $-1.000000000e+00, v29;
	v38 =	vadd.f32 $-1.000000000e+00, v50;
	v51, _, _ =	vpop (xrf1);
	(xrf1) =	vsort.ascd.msk.f32 $0xffff, v49, v49  }
0x10e: {  	v20 =	vadd.f32 v20, v26;
	v26 =	vmul.f32 $1.442695020e+00, v31;
	v54 =	vadd.f32 v48, v47;
	v52, _, _ =	vpop (xrf1)  }
0x10f: {  	v18 =	vmin.f32 v27, v18;
	v29 =	vadd.f32 v38, v29;
	v31 =	vperm.xlane v51, v5;
	v55, _, _ =	vpop (xrf1)  }
0x110: {  	(xrf2) =	vadd.scan.msk.f32 $0xffff, v17;
	v30 =	vmul.f32 $1.100000000e+01, v56;
	v28 =	vperm.xlane v28, v5;
	v27, _, _ =	vpop (xrf1)  }
0x111: {  	v32 =	vmul.f32 $1.100000000e+01, v32;
	v29 =	vadd.f32 v29, v54;
	v56 =	vmax.f32 v27, v31;
	v25, _, _ =	vpop (xrf1);
	(xrf1) =	vsort.ascd.msk.f32 $0xffff, v18, v18  }
0x112: {  	(xrf2) =	vadd.scan.msk.f32 $0xffff, v20;
	v20 =	vmin.f32 v27, v31;
	v27 =	vmin.f32 v25, v28;
	v25 =	vmax.f32 v25, v28;
	v18, _, _ =	vpop (xrf1)  }
0x113: {  	(xrf2) =	vadd.scan.msk.f32 $0xffff, v29;
	v31 =	vmax.f32 v56, v25;
	v25 =	vmin.f32 v56, v25;
	v34 =	vperm.xlane v18, v5  }
0x114: {  	v17 =	vsub.f32 v15, v16;
	v53 =	vmul.f32 $1.442695020e+00, v32;
	v28 =	vperm.xlane v55, v5;
	(xrf1) =	vsort.ascd.msk.f32 $0xffff, v31, v31  }
0x115: {  	v15 =	vperm.xlane v52, v5;
	v57 =	vmax.f32 v20, v27;
	v27 =	vmin.f32 v20, v27;
	v29, _, _ =	vpop (xrf1);
	(xrf2) =	vadd.scan.msk.f32 $0xffff, v34  }
0x116: {  	(erf) = vpow2.f32 v46;
	(xrf1) =	vsort.ascd.msk.f32 $0xffff, v25, v25;
	v25, _, _ =	vpop (xrf1);
	v58 =	vmin.f32 v29, v28;
	v28 =	vmax.f32 v29, v28  }
0x117: {  	v29 =	vmax.f32 v25, v15;
	v15 =	vmin.f32 v25, v15;
	v25 =	vmpcnt.ones.xlane vm1  }
0x118: {  	v20 =	vmpcnt.ones.xlane vm2;
	v31, _, _ =	vpop (xrf1);
	v59 =	vmax.f32 v28, v29;
	v28 =	vmin.f32 v28, v29  }
0x119: {  	v61 =	vpop (erf);
	v31 =	vperm.xlane v31, v5;
	(xrf1) =	vsort.ascd.msk.f32 $0xffff, v59, v59;
	v24 =	vadd.s32 v25, v24;
	v25 =	vmpcnt.ones.xlane vm0  }
0x11a: {  	(erf) = vpow2.f32 v21;
	v29, _, _ =	vpop (xrf2);
	(xrf1) =	vsort.ascd.msk.f32 $0xffff, v28, v28;
	v28 =	vmpcnt.ones.xlane vm4  }
0x11b: {  	v22 =	vld.idx.msk [tilespmem:v22+s11+$0x0], $0xffff;
	v63 =	vmpcnt.ones.xlane vm3;
	(xrf2) =	vadd.scan.msk.f32 $0xffff, v31;
	v44, _, _ =	vpop (xrf1);
	v20 =	vadd.s32 v25, v20;
	v25 =	vperm.xlane v29, v4  }
0x11c: {  	v45, _, _ =	vpop (xrf2);
	v32 =	vperm.xlane v44, v5;
	v21 =	vadd.s32 v28, v24;
	v24 =	vmpcnt.ones.xlane vm6  }
0x11d: {  	v30 =	vmul.f32 $1.442695020e+00, v30;
	v62 =	vmpcnt.ones.xlane vm5;
	(xrf1) =	vsort.ascd.msk.f32 $0xffff, v57, v57;
	v46, _, _ =	vpop (xrf2);
	v20 =	vadd.s32 v63, v20  }
0x11e: {  	v60 =	vmax.f32 v58, v15;
	(xrf2) =	vadd.scan.msk.f32 $0xffff, v32;
	v28 =	vpop (erf);
	v20 =	vadd.s32 v24, v20;
	v24 =	vperm.xlane v45, v4  }
0x11f: {  	(xrf1) =	vsort.ascd.msk.f32 $0xffff, v60, v60;
	v47 =	vadd.f32 $-1.000000000e+00, v28;
	v28 =	vsub.f32 v25, v16;
	v16 =	vcvt.s32.f32 v20;
	v25, _, _ =	vpop (xrf2)  }
0x120: {  	v22 =	vmul.f32 $1.100000000e+01, v22;
	v21 =	vadd.s32 v62, v21;
	v50 =	vadd.f32 $0.0e+00, v25  }
0x121: {  	v14 =	vsub.f32 v14, v19;
	v29 =	vcvt.s32.f32 v21;
	v48, _, _ =	vpop (xrf1);
	(erf) = vpow2.f32 v30  }
0x122: {  	v33 =	vperm.xlane v48, v5;
	v19 =	vsub.f32 v24, v19;
	v24 =	vpop (erf);
	v25 =	vperm.xlane v50, v4  }
0x123: {  	v49 =	vmax.f32 v29, $1.000000000e+00;
	v29 =	vmax.f32 v16, $1.000000000e+00;
	v16, _, _ =	vpop (xrf1)  }
0x124: {  	v22 =	vmul.f32 $1.442695020e+00, v22;
	v35 =	vadd.f32 $-1.000000000e+00, v61;
	v38 =	vadd.f32 $0.0e+00, v34;
	(xrf2) =	vadd.scan.msk.f32 $0xffff, v33;
	v30, _, _ =	vpop (xrf1)  }
0x125: {  	v15 =	vmin.f32 v58, v15;
	vm2 =	vgt.s32 v21, $0x0;
	(xrf1) =	vsort.ascd.msk.f32 $0xffff, v27, v27;
	(erf) = vpow2.f32 v26;
	v26, _, _ =	vpop (xrf2)  }
0x126: {  	vm1 =	vgt.s32 v20, $0x0;
	(xrf1) =	vsort.ascd.msk.f32 $0xffff, v15, v15;
	v21 =	vperm.xlane v16, v5;
	v51 =	vadd.f32 v25, v26;
	v25 =	vpop (erf)  }
0x127: {  	v35 =	vadd.f32 v47, v35;
	v20 =	vperm.xlane v30, v5;
	(erf) = vpow2.f32 v53;
	v52, _, _ =	vpop (xrf1)  }
0x128: {  	v24 =	vadd.f32 $-1.000000000e+00, v24;
	v30 =	vperm.xlane v46, v4;
	v54, _, _ =	vpop (xrf2);
	(xrf2) =	vadd.scan.msk.f32 $0xffff, v21;
	(erf) = vpow2.f32 v22  }
0x129: {  	v53 =	vperm.xlane v51, v4;
	v26 =	vadd.f32 $-1.000000000e+00, v25;
	v25 =	vperm.xlane v52, v5  }
0x12a: {  	v16 =	vperm.xlane v16, v4;
	v57 =	vsub.f32 v50, v30;
	v36 =	vsub.f32 v51, v30;
	v27, _, _ =	vpop (xrf1)  }
0x12b: {  	v22 =	vadd.f32 $0.0e+00, v21;
	v15 =	vperm.xlane v52, v4;
	v60 =	vpop (erf);
	v55 =	vadd.f32 v53, v54;
	(xrf2) =	vadd.scan.msk.f32 $0xffff, v25  }
0x12c: {  	s14 =	smov.u32 s31;
	s31 =	simm.s32 $0x0;
	v27 =	vperm.xlane v27, v5;
	v56, _, _ =	vpop (xrf1);
	v61 =	vmul.f32 v57, v7;
	v24 =	vadd.f32 v26, v24  }
0x12d: {  	[tilespmem:s31+$0x7020] =	vst v23;
	v46 =	vadd.f32 $-1.000000000e+00, v60;
	(erf) = vrcp.f32 v49;
	v58, _, _ =	vpop (xrf1);
	v59 =	vperm.xlane v55, v4  }
0x12e: {  	v26 =	vadd.f32 $0.0e+00, v25;
	v23 =	vperm.xlane v58, v5;
	v62, _, _ =	vpop (xrf2);
	(xrf2) =	vadd.scan.msk.f32 $0xffff, v20;
	v45 =	vadd.f32 v24, v35  }
0x12f: {  	v63 =	vpop (erf);
	v35 =	vmul.f32 v36, v8;
	v36 =	vsub.f32 v55, v30;
	v37 =	vadd.f32 v59, v62  }
0x130: {  	s5 =	simm.s32 $0x180;
	s2 =	simm.s32 $0x3;
	vm0 =	vgt.f32 v34, v61;
	v24 =	vperm.xlane v56, v5;
	v47 =	vadd.f32 $-1.000000000e+00, v63;
	v34 =	vpop (erf)  }
.LBB2_3:
0x131: {  	s0 =	sadd.s32 $0x40, s5;
	s1 =	sadd.s32 $0x80, s5;
	vm3 =	vgt.f32 v31, v35;
	v35 =	vmul.f32 v36, v9;
	v36 =	vsub.f32 v37, v30;
	s29 =	sadd.s32 $0x18, s29;
	v48 =	vpop (erf);
	(xrf2) =	vadd.scan.msk.f32 $0xffff, v27  }
0x132: {  	v49 =	vadd.f32 $-1.000000000e+00, v34;
	s7 =	sadd.s32 $0xFFFFFFF0, s29;
	s1 =	sand.u32 $0x1C00, s1;
	s8 =	sand.u32 $0x78, s29;
	v34 =	vnsel vm0, $0x0, v38;
	v31 =	vnsel vm3, $0x0, v31;
	v50, _, _ =	vpop (xrf2)  }
0x133: {  	s2 =	sadd.s32 $0x3, s2;
	s10 =	sadd.s32 $0xFFFFFFF8, s29;
	s1 =	sor.u32 s8, s1;
	v31 =	vadd.f32 v31, v34;
	vm4 =	vgt.f32 v32, v35;
	v34 =	vmul.f32 v36, v10;
	v51, _, _ =	vpop (xrf1)  }
0x134: {  	s0 =	sand.u32 $0x1C00, s0;
	p1 =	slt.u32 s2, $0x3C;
	s7 =	sand.u32 $0x78, s7;
	v39 =	vor.u32 s1, v1;
	v37 =	vor.u32 s1, v2;
	v32 =	vnsel vm4, $0x0, v32;
	(xrf2) =	vadd.scan.msk.f32 $0xffff, v24;
	v52, _, _ =	vpop (xrf1)  }
0x135: {  	s8 =	sand.u32 $0xC00, s5;
	s10 =	sand.u32 $0x78, s10;
	v38 =	vor.u32 s1, v3;
	v31 =	vadd.f32 v32, v31;
	vm5 =	vgt.f32 v33, v34;
	v53, _, _ =	vpop (xrf2)  }
0x136: {  	s7 =	sor.u32 s7, s8;
	s0 =	sor.u32 s10, s0;
	v32 =	vmpcnt.ones.xlane vm0;
	v34 =	vmpcnt.ones.xlane vm3;
	v33 =	vnsel vm5, $0x0, v33  }
0x137: {  	v44 =	vor.u32 s1, v0;
	v35 =	vmpcnt.ones.xlane vm4;
	v31 =	vadd.f32 v33, v31;
	v54 =	vpop (erf)  }
0x138: {  	v36 =	vor.u32 s7, v3;
	v33 =	vadd.s32 v32, v34;
	v34 =	vmpcnt.ones.xlane vm5;
	v55, _, _ =	vpop (xrf2)  }
0x139: {  	v42 =	vor.u32 s7, v1;
	v32 =	vor.u32 s0, v3;
	v33 =	vadd.s32 v35, v33;
	v56 =	vld.idx.msk [tilespmem:v39+s4+$0x0], $0xffff;
	(xrf2) =	vadd.scan.msk.f32 $0xffff, v31  }
0x13a: {  	v41 =	vor.u32 s7, v2;
	v35 =	vor.u32 s0, v1;
	v58 =	vadd.s32 v34, v33;
	v57 =	vld.idx.msk [tilespmem:v38+s4+$0x0], $0xffff  }
0x13b: {  	v43 =	vor.u32 s7, v0;
	v34 =	vor.u32 s0, v2;
	v60 =	vcvt.s32.f32 v58;
	v59 =	vld.idx.msk [tilespmem:v37+s4+$0x0], $0xffff;
	v61, _, _ =	vpop (xrf2)  }
0x13c: {  	v48 =	vadd.f32 $-1.000000000e+00, v48;
	v63 =	vadd.f32 v47, v46;
	v40 =	vor.u32 s0, v0;
	v62 =	vld.idx.msk [tilespmem:v44+s4+$0x0], $0xffff;
	(xrf2) =	vadd.scan.msk.f32 $0xffff, v23  }
0x13d: {  	v33 =	vperm.xlane v51, v5;
	v31 =	vperm.xlane v52, v5;
	v47 =	vmax.f32 v60, $1.000000000e+00;
	v6 =	vld.idx.msk [tilespmem:v36+s4+$0x0], $0xffff  }
0x13e: {  	v46 =	vadd.f32 $0.0e+00, v50;
	v48 =	vadd.f32 v48, v49;
	v51 =	vld.idx.msk [tilespmem:v32+s4+$0x0], $0xffff;
	v49, _, _ =	vpop (xrf2);
	(erf) = vrcp.f32 v47  }
0x13f: {  	v28 =	vmul.f32 v54, v28;
	v47 =	vadd.f32 $0.0e+00, v53;
	v50 =	vld.idx.msk [tilespmem:v42+s4+$0x0], $0xffff;
	(xrf2) =	vadd.scan.msk.f32 $0xffff, v45;
	(erf) = vrcp.f32 v29  }
0x140: {  	v48 =	vadd.f32 v48, v63;
	v52 =	vperm.xlane v46, v4;
	v45 =	vmul.f32 $1.100000000e+01, v57;
	v29 =	vld.idx.msk [tilespmem:v41+s4+$0x0], $0xffff  }
0x141: {  	v17 =	vsel vm2, v28, v17;
	v54 =	vmul.f32 $1.100000000e+01, v56;
	v59 =	vmul.f32 $1.100000000e+01, v59;
	v53 =	vld.idx.msk [tilespmem:v35+s4+$0x0], $0xffff  }
0x142: {  	v52 =	vadd.f32 v52, v55;
	v57 =	vmul.f32 $1.100000000e+01, v62;
	v45 =	vmul.f32 $1.442695020e+00, v45;
	v28 =	vld.idx.msk [tilespmem:v34+s4+$0x0], $0xffff;
	(xrf2) =	vadd.scan.msk.f32 $0xffff, v48  }
0x143: {  	vm0 =	vmmov vm1;
	v60 =	vmul.f32 $1.442695020e+00, v54;
	v55 =	vmul.f32 $1.442695020e+00, v59;
	v48 =	vld.idx.msk [tilespmem:v43+s4+$0x0], $0xffff;
	v56, _, _ =	vpop (xrf2);
	[tilespmem:s31+$0x7000] =	vst v17  }
0x144: {  	v17 =	vld.idx.msk [tilespmem:v40+s4+$0x0], $0xffff;
	(erf) = vpow2.f32 v45;
	v45 =	vperm.xlane v56, v4  }
0x145: {  	v56 =	vmul.f32 $1.442695020e+00, v57;
	(erf) = vpow2.f32 v60  }
0x146: {  	v18 =	vperm.xlane v18, v4;
	(erf) = vpow2.f32 v55;
	v45 =	vsub.f32 v45, v30;
	(xrf2) =	vadd.scan.msk.f32 $0xffff, v33;
	v54, _, _ =	vpop (xrf2)  }
0x147: {  	v6 =	vmul.f32 $1.100000000e+01, v6;
	v51 =	vmul.f32 $1.100000000e+01, v51;
	v55 =	vpop (erf)  }
0x148: {  	v18 =	vsub.f32 v18, v30;
	(erf) = vpow2.f32 v56;
	v45 =	vmul.f32 v55, v45;
	v30 =	vpop (erf)  }
0x149: {  	vm1 =	vgt.s32 v58, $0x0;
	v51 =	vmul.f32 $1.442695020e+00, v51;
	v56 =	vmul.f32 $1.442695020e+00, v6;
	v55, _, _ =	vpop (xrf2);
	(xrf2) =	vadd.scan.msk.f32 $0xffff, v31  }
0x14a: {  	s7 =	sshra.s32 s28, $0x2;
	s28 =	smov.u32 s5;
	v57 =	vmul.f32 $1.100000000e+01, v50;
	v29 =	vmul.f32 $1.100000000e+01, v29;
	v18 =	vsel vm1, v45, v18  }
0x14b: {  	v28 =	vmul.f32 $1.100000000e+01, v28;
	v45 =	vmul.f32 $1.100000000e+01, v53;
	[tilespmem:s7+$0x7020] =	vst v18  }
0x14c: {  	v18 =	vmul.f32 $1.442695020e+00, v57;
	(erf) = vpow2.f32 v56;
	v6, _, _ =	vpop (xrf2)  }
0x14d: {  	v29 =	vmul.f32 $1.442695020e+00, v29;
	(erf) = vpow2.f32 v51;
	v50 =	vpop (erf)  }
0x14e: {  	v28 =	vmul.f32 $1.442695020e+00, v28;
	v45 =	vmul.f32 $1.442695020e+00, v45;
	v50 =	vadd.f32 $-1.000000000e+00, v50;
	v51 =	vpop (erf)  }
0x14f: {  	v48 =	vmul.f32 $1.100000000e+01, v48;
	v17 =	vmul.f32 $1.100000000e+01, v17;
	v51 =	vadd.f32 $-1.000000000e+00, v51;
	v53 =	vpop (erf)  }
0x150: {  	v53 =	vadd.f32 $-1.000000000e+00, v53;
	(erf) = vpow2.f32 v18;
	(xrf1) =	vsort.ascd.msk.f32 $0xffff, v50, v50;
	v18 =	vperm.xlane v47, v4;
	v56, _, _ =	vpop (xrf2)  }
0x151: {  	v48 =	vmul.f32 $1.442695020e+00, v48;
	(erf) = vpow2.f32 v29;
	v29 =	vpop (erf);
	(xrf1) =	vsort.ascd.msk.f32 $0xffff, v51, v51  }
0x152: {  	v17 =	vmul.f32 $1.442695020e+00, v17;
	v57 =	vadd.f32 $-1.000000000e+00, v29;
	(erf) = vpow2.f32 v45;
	(xrf1) =	vsort.ascd.msk.f32 $0xffff, v53, v53  }
0x153: {  	v29 =	vperm.xlane v52, v4;
	v18 =	vadd.f32 v18, v61;
	(erf) = vpow2.f32 v28;
	v45, _, _ =	vpop (xrf2)  }
0x154: {  	v28 =	vperm.xlane v55, v4;
	(erf) = vpow2.f32 v48;
	(xrf1) =	vsort.ascd.msk.f32 $0xffff, v57, v57  }
0x155: {  	v49 =	vadd.f32 v29, v49;
	v29 =	vperm.xlane v6, v4;
	v6 =	vperm.xlane v18, v4;
	v48 =	vpop (erf)  }
0x156: {  	v30 =	vmul.f32 v30, v19;
	v52 =	vsub.f32 v52, v28;
	v48 =	vadd.f32 $-1.000000000e+00, v48;
	v55 =	vpop (erf)  }
0x157: {  	v19 =	vperm.xlane v49, v4;
	v6 =	vadd.f32 v6, v54;
	v55 =	vadd.f32 $-1.000000000e+00, v55  }
0x158: {  	v18 =	vsub.f32 v18, v29;
	(xrf1) =	vsort.ascd.msk.f32 $0xffff, v48, v48;
	(erf) = vpow2.f32 v17;
	v17 =	vsub.f32 v46, v28  }
0x159: {  	v47 =	vsub.f32 v47, v29;
	v54 =	vperm.xlane v6, v4;
	v46 =	vpop (erf);
	(xrf1) =	vsort.ascd.msk.f32 $0xffff, v55, v55  }
0x15a: {  	v52 =	vmul.f32 v52, v8;
	v19 =	vadd.f32 v19, v56;
	v46 =	vadd.f32 $-1.000000000e+00, v46;
	v58 =	vpop (erf)  }
0x15b: {  	v18 =	vmul.f32 v18, v8;
	v45 =	vadd.f32 v54, v45;
	v56 =	vadd.f32 $-1.000000000e+00, v58;
	v58 =	vpop (erf)  }
0x15c: {  	v49 =	vsub.f32 v49, v28;
	v17 =	vmul.f32 v17, v7;
	v54 =	vadd.f32 $-1.000000000e+00, v58;
	(xrf1) =	vsort.ascd.msk.f32 $0xffff, v46, v46;
	v58 =	vpop (erf)  }
0x15d: {  	v47 =	vmul.f32 v47, v7;
	v6 =	vsub.f32 v6, v29;
	v58 =	vadd.f32 $-1.000000000e+00, v58;
	v59 =	vpop (erf);
	(xrf1) =	vsort.ascd.msk.f32 $0xffff, v56, v56  }
0x15e: {  	v49 =	vmul.f32 v49, v9;
	v60, _, _ =	vpop (xrf1)  }
0x15f: {  	v19 =	vsub.f32 v19, v28;
	v59 =	vadd.f32 $-1.000000000e+00, v59;
	(xrf1) =	vsort.ascd.msk.f32 $0xffff, v54, v54;
	v60 =	vperm.xlane v60, v5  }
0x160: {  	v45 =	vsub.f32 v45, v29;
	(xrf1) =	vsort.ascd.msk.f32 $0xffff, v58, v58;
	v61, _, _ =	vpop (xrf1)  }
0x161: {  	vm4 =	vgt.f32 v20, v52;
	v6 =	vmul.f32 v6, v9;
	(xrf1) =	vsort.ascd.msk.f32 $0xffff, v59, v59;
	v62, _, _ =	vpop (xrf1)  }
0x162: {  	s30 =	sadd.s32 $0xC0, s30;
	vm2 =	vgt.f32 v27, v18;
	v52 =	vperm.xlane v61, v5;
	v61 =	vmin.f32 v62, v60;
	v63 =	vpop (erf)  }
0x163: {  	v18 =	vadd.f32 $-1.000000000e+00, v63;
	[tilespmem:s30+$0x20] =	vst v57;
	v57 =	vmax.f32 v62, v60;
	v60, _, _ =	vpop (xrf1);
	(xrf1) =	vsort.ascd.msk.f32 $0xffff, v61, v61  }
0x164: {  	vm3 =	vgt.f32 v21, v17;
	[tilespmem:s30+$0x30] =	vst v51;
	v51 =	vmin.f32 v60, v52;
	(xrf1) =	vsort.ascd.msk.f32 $0xffff, v57, v57  }
0x165: {  	vm1 =	vgt.f32 v25, v47;
	v17 =	vmax.f32 v60, v52;
	[tilespmem:s30+$0x40] =	vst v53;
	(xrf1) =	vsort.ascd.msk.f32 $0xffff, v51, v51  }
0x166: {  	[tilespmem:s30+$0x50] =	vst v50;
	(xrf1) =	vsort.ascd.msk.f32 $0xffff, v17, v17;
	v17 =	vnsel vm4, $0x0, v20;
	v20 =	vnsel vm2, $0x0, v27  }
0x167: {  	v26 =	vnsel vm1, $0x0, v26;
	v22 =	vnsel vm3, $0x0, v22;
	[tilespmem:s30+$0xFFFFFFA0] =	vst v59;
	v21 =	vld.idx.msk [tilespmem:v44+s11+$0x0], $0xffff;
	v25, _, _ =	vpop (xrf1);
	(xrf1) =	vsort.ascd.msk.f32 $0xffff, v18, v18  }
0x168: {  	v44 =	vmul.f32 v19, v10;
	[tilespmem:s30+$0xFFFFFFB0] =	vst v46;
	v25 =	vperm.xlane v25, v5;
	v27 =	vld.idx.msk [tilespmem:v39+s11+$0x0], $0xffff;
	v39, _, _ =	vpop (xrf1)  }
0x169: {  	v45 =	vmul.f32 v45, v10;
	[tilespmem:s30+$0xFFFFFFC0] =	vst v56;
	v39 =	vperm.xlane v39, v5;
	v37 =	vld.idx.msk [tilespmem:v37+s11+$0x0], $0xffff  }
0x16a: {  	vm5 =	vgt.f32 v24, v49;
	v19 =	vmpcnt.ones.xlane vm4;
	vm4 =	vgt.f32 v23, v6;
	[tilespmem:s30+$0xFFFFFFD0] =	vst v48;
	v38 =	vld.idx.msk [tilespmem:v38+s11+$0x0], $0xffff  }
0x16b: {  	v17 =	vadd.f32 v17, v22;
	v22 =	vnsel vm5, $0x0, v24;
	v20 =	vadd.f32 v20, v26;
	v6 =	vld.idx.msk [tilespmem:v43+s11+$0x0], $0xffff;
	[tilespmem:s30+$0xFFFFFFE0] =	vst v18;
	v18, _, _ =	vpop (xrf1)  }
0x16c: {  	v23 =	vnsel vm4, $0x0, v23;
	vm6 =	vgt.f32 v33, v44;
	v24 =	vld.idx.msk [tilespmem:v42+s11+$0x0], $0xffff;
	v18 =	vperm.xlane v18, v5;
	[tilespmem:s30+$0xFFFFFFF0] =	vst v54;
	v26, _, _ =	vpop (xrf1)  }
0x16d: {  	v21 =	vmul.f32 $1.100000000e+01, v21;
	v41 =	vld.idx.msk [tilespmem:v41+s11+$0x0], $0xffff;
	v43 =	vmin.f32 v26, v25;
	v25 =	vmax.f32 v26, v25;
	[tilespmem:s30+$0x0] =	vst v58;
	v26, _, _ =	vpop (xrf1)  }
0x16e: {  	v27 =	vmul.f32 $1.100000000e+01, v27;
	v36 =	vld.idx.msk [tilespmem:v36+s11+$0x0], $0xffff;
	[tilespmem:s30+$0x10] =	vst v55;
	v26 =	vperm.xlane v26, v5;
	(xrf1) =	vsort.ascd.msk.f32 $0xffff, v43, v43;
	v42, _, _ =	vpop (xrf1)  }
0x16f: {  	v46 =	vmul.f32 $1.442695020e+00, v21;
	v37 =	vmul.f32 $1.100000000e+01, v37;
	v40 =	vld.idx.msk [tilespmem:v40+s11+$0x0], $0xffff;
	v43 =	vmin.f32 v42, v39;
	v44, _, _ =	vpop (xrf1)  }
0x170: {  	v39 =	vmax.f32 v42, v39;
	v47 =	vmul.f32 $1.442695020e+00, v27;
	v48 =	vmul.f32 $1.100000000e+01, v38;
	v35 =	vld.idx.msk [tilespmem:v35+s11+$0x0], $0xffff  }
0x171: {  	v42 =	vmin.f32 v44, v18;
	v49 =	vmul.f32 $1.442695020e+00, v37;
	v34 =	vld.idx.msk [tilespmem:v34+s11+$0x0], $0xffff;
	(xrf1) =	vsort.ascd.msk.f32 $0xffff, v25, v25;
	(erf) = vpow2.f32 v46;
	v21, _, _ =	vpop (xrf1)  }
0x172: {  	v18 =	vmax.f32 v44, v18;
	v25 =	vld.idx.msk [tilespmem:v32+s11+$0x0], $0xffff;
	v32 =	vmul.f32 $1.442695020e+00, v48;
	(xrf1) =	vsort.ascd.msk.f32 $0xffff, v43, v43;
	(erf) = vpow2.f32 v47;
	v27, _, _ =	vpop (xrf1)  }
0x173: {  	v33 =	vnsel vm6, $0x0, v33;
	v21 =	vperm.xlane v21, v5;
	v27 =	vperm.xlane v27, v5;
	(xrf1) =	vsort.ascd.msk.f32 $0xffff, v39, v39;
	v38, _, _ =	vpop (xrf1)  }
0x174: {  	vm7 =	vgt.f32 v31, v45;
	v6 =	vmul.f32 $1.100000000e+01, v6;
	(xrf1) =	vsort.ascd.msk.f32 $0xffff, v42, v42;
	(erf) = vpow2.f32 v49;
	v37, _, _ =	vpop (xrf1)  }
0x175: {  	v39 =	vmax.f32 v38, v27;
	v42 =	vmax.f32 v37, v21;
	(xrf1) =	vsort.ascd.msk.f32 $0xffff, v18, v18;
	v18, _, _ =	vpop (xrf1);
	(erf) = vpow2.f32 v32  }
0x176: {  	v32 =	vmin.f32 v18, v26;
	v18 =	vmax.f32 v18, v26;
	v26 =	vmax.f32 v39, v42  }
0x177: {  	v17 =	vadd.f32 v22, v17;
	v24 =	vmul.f32 $1.100000000e+01, v24;
	v41 =	vmul.f32 $1.100000000e+01, v41;
	(xrf1) =	vsort.ascd.msk.f32 $0xffff, v26, v26  }
0x178: {  	v23 =	vadd.f32 v23, v20;
	v22 =	vmul.f32 $1.100000000e+01, v36;
	v26 =	vmul.f32 $1.100000000e+01, v40;
	(xrf1) =	vsort.ascd.msk.f32 $0xffff, v32, v32  }
0x179: {  	v34 =	vmul.f32 $1.100000000e+01, v34;
	v32 =	vmul.f32 $1.100000000e+01, v35;
	(xrf1) =	vsort.ascd.msk.f32 $0xffff, v18, v18;
	v18 =	vnsel vm7, $0x0, v31  }
0x17a: {  	v6 =	vmul.f32 $1.442695020e+00, v6;
	v20 =	vmin.f32 v39, v42;
	v25 =	vmul.f32 $1.100000000e+01, v25;
	v31 =	vpop (erf)  }
0x17b: {  	v17 =	vadd.f32 v33, v17;
	v24 =	vmul.f32 $1.442695020e+00, v24;
	v35 =	vmul.f32 $1.442695020e+00, v41;
	v36 =	vpop (erf);
	(xrf1) =	vsort.ascd.msk.f32 $0xffff, v20, v20  }
0x17c: {  	v22 =	vmul.f32 $1.442695020e+00, v22;
	v18 =	vadd.f32 v18, v23;
	v20 =	vmul.f32 $1.442695020e+00, v26;
	v26, _, _ =	vpop (xrf1)  }
0x17d: {  	v27 =	vmin.f32 v38, v27;
	v21 =	vmin.f32 v37, v21;
	v26 =	vperm.xlane v26, v5;
	v23 =	vpop (erf)  }
0x17e: {  	v31 =	vadd.f32 $-1.000000000e+00, v31;
	v39 =	vadd.f32 $-1.000000000e+00, v36;
	v36 =	vmax.f32 v27, v21;
	v37 =	vpop (erf);
	(xrf2) =	vadd.scan.msk.f32 $0xffff, v17  }
0x17f: {  	v38 =	vmul.f32 $1.442695020e+00, v32;
	v32 =	vadd.f32 $-1.000000000e+00, v23;
	v37 =	vadd.f32 $-1.000000000e+00, v37;
	v17, _, _ =	vpop (xrf1);
	(xrf1) =	vsort.ascd.msk.f32 $0xffff, v36, v36  }
0x180: {  	v23 =	vmul.f32 $1.442695020e+00, v34;
	v36 =	vperm.xlane v17, v5;
	v34, _, _ =	vpop (xrf1);
	v17 =	vsub.f32 v16, v28  }
0x181: {  	v31 =	vadd.f32 v39, v31;
	v16 =	vperm.xlane v34, v5;
	v32 =	vadd.f32 v37, v32;
	v33, _, _ =	vpop (xrf1);
	(xrf2) =	vadd.scan.msk.f32 $0xffff, v18  }
0x182: {  	v25 =	vmul.f32 $1.442695020e+00, v25;
	v18 =	vmin.f32 v27, v21;
	v33 =	vperm.xlane v33, v5;
	v21, _, _ =	vpop (xrf1)  }
0x183: {  	v27 =	vmax.f32 v21, v36;
	v31 =	vadd.f32 v32, v31;
	(erf) = vpow2.f32 v6;
	v6, _, _ =	vpop (xrf1);
	(xrf1) =	vsort.ascd.msk.f32 $0xffff, v18, v18  }
0x184: {  	v21 =	vmin.f32 v21, v36;
	v32 =	vmin.f32 v6, v26;
	v39 =	vmax.f32 v6, v26  }
0x185: {  	v26 =	vmax.f32 v21, v32;
	v36 =	vmin.f32 v27, v39;
	v37 =	vmax.f32 v27, v39;
	(xrf2) =	vadd.scan.msk.f32 $0xffff, v31;
	v18, _, _ =	vpop (xrf1)  }
0x186: {  	v27 =	vmin.f32 v21, v32;
	v21 =	vmpcnt.ones.xlane vm2;
	v34 =	vperm.xlane v18, v5;
	(xrf1) =	vsort.ascd.msk.f32 $0xffff, v37, v37;
	v6, _, _ =	vpop (xrf1)  }
0x187: {  	v31 =	vmin.f32 v6, v33;
	v6 =	vmax.f32 v6, v33;
	(erf) = vpow2.f32 v24;
	(xrf1) =	vsort.ascd.msk.f32 $0xffff, v36, v36;
	v24, _, _ =	vpop (xrf1)  }
0x188: {  	v40 =	vmpcnt.ones.xlane vm3;
	v32 =	vmin.f32 v24, v16;
	v39 =	vmax.f32 v24, v16;
	(xrf2) =	vadd.scan.msk.f32 $0xffff, v34;
	v33, _, _ =	vpop (xrf2)  }
0x189: {  	v36 =	vmax.f32 v31, v32;
	v37 =	vmin.f32 v6, v39;
	v6 =	vmax.f32 v6, v39;
	v16, _, _ =	vpop (xrf1)  }
0x18a: {  	v39 =	vmin.f32 v31, v32;
	v31 =	vperm.xlane v16, v5;
	(erf) = vpow2.f32 v35;
	(xrf1) =	vsort.ascd.msk.f32 $0xffff, v6, v6  }
0x18b: {  	v6 =	vadd.s32 v40, v19;
	v16 =	vmpcnt.ones.xlane vm5;
	v19 =	vmpcnt.ones.xlane vm1;
	(xrf1) =	vsort.ascd.msk.f32 $0xffff, v37, v37;
	v24, _, _ =	vpop (xrf2)  }
0x18c: {  	v15 =	vsub.f32 v15, v29;
	v35 =	vmpcnt.ones.xlane vm6;
	v37 =	vmpcnt.ones.xlane vm4;
	v32 =	vpop (erf);
	(xrf2) =	vadd.scan.msk.f32 $0xffff, v31  }
0x18d: {  	v19 =	vadd.s32 v19, v21;
	v21 =	vmpcnt.ones.xlane vm7;
	v40 =	vadd.f32 $-1.000000000e+00, v32;
	(xrf1) =	vsort.ascd.msk.f32 $0xffff, v26, v26;
	v26, _, _ =	vpop (xrf1)  }
0x18e: {  	v6 =	vadd.s32 v16, v6;
	v32 =	vperm.xlane v26, v5;
	(erf) = vpow2.f32 v22;
	(xrf1) =	vsort.ascd.msk.f32 $0xffff, v36, v36  }
0x18f: {  	v16 =	vperm.xlane v33, v4;
	v6 =	vadd.s32 v35, v6;
	v19 =	vadd.s32 v37, v19;
	v26, _, _ =	vpop (xrf2)  }
0x190: {  	v35 =	vcvt.s32.f32 v6;
	v36 =	vadd.s32 v21, v19;
	v19 =	vperm.xlane v24, v4;
	v22 =	vpop (erf);
	(xrf2) =	vadd.scan.msk.f32 $0xffff, v32  }
0x191: {  	v28 =	vsub.f32 v16, v28;
	v42 =	vcvt.s32.f32 v36;
	v41 =	vadd.f32 $-1.000000000e+00, v22;
	v22, _, _ =	vpop (xrf1)  }
0x192: {  	v35 =	vmax.f32 v35, $1.000000000e+00;
	v19 =	vsub.f32 v19, v29;
	v33 =	vperm.xlane v22, v5;
	v22, _, _ =	vpop (xrf2)  }
0x193: {  	v29 =	vmax.f32 v42, $1.000000000e+00;
	v24 =	vadd.f32 v41, v40;
	v37 =	vadd.f32 $0.0e+00, v22;
	v21 =	vpop (erf)  }
0x194: {  	vm2 =	vgt.s32 v6, $0x0;
	v40 =	vadd.f32 $-1.000000000e+00, v21;
	v16, _, _ =	vpop (xrf1);
	(erf) = vpow2.f32 v20;
	(xrf2) =	vadd.scan.msk.f32 $0xffff, v33  }
0x195: {  	vm1 =	vgt.s32 v36, $0x0;
	v21 =	vperm.xlane v16, v5;
	v6 =	vperm.xlane v37, v4;
	(xrf1) =	vsort.ascd.msk.f32 $0xffff, v27, v27;
	v20, _, _ =	vpop (xrf1)  }
0x196: {  	v14 =	vsel vm0, v30, v14;
	v20 =	vperm.xlane v20, v5;
	(erf) = vpow2.f32 v38;
	(xrf1) =	vsort.ascd.msk.f32 $0xffff, v39, v39;
	v27, _, _ =	vpop (xrf2)  }
0x197: {  	v22 =	vadd.f32 $0.0e+00, v21;
	v6 =	vadd.f32 v6, v27;
	v27 =	vpop (erf);
	(erf) = vpow2.f32 v23;
	[tilespmem:s31+$0x7010] =	vst v14;
	s31 =	smov.u32 s7  }
0x198: {  	v16 =	vperm.xlane v16, v4;
	v23 =	vadd.f32 $-1.000000000e+00, v27;
	(xrf2) =	vadd.scan.msk.f32 $0xffff, v21;
	(erf) = vpow2.f32 v25;
	v36, _, _ =	vpop (xrf1)  }
0x199: {  	v14 =	vmov v15;
	v25 =	vperm.xlane v36, v5;
	v41 =	vperm.xlane v6, v4;
	v27, _, _ =	vpop (xrf1)  }
0x19a: {  	v30 =	vperm.xlane v26, v4;
	v40 =	vadd.f32 v23, v40;
	v27 =	vperm.xlane v27, v5;
	v39, _, _ =	vpop (xrf2)  }
0x19b: {  	v15 =	vperm.xlane v36, v4;
	v26 =	vadd.f32 $0.0e+00, v25;
	v36 =	vadd.f32 v41, v39;
	v38, _, _ =	vpop (xrf1);
	(xrf2) =	vadd.scan.msk.f32 $0xffff, v25  }
.Ltmp0:
0x19c: {  	v45 =	vadd.f32 v40, v24;
	v24 =	vperm.xlane v38, v5;
	v40 =	vsub.f32 v37, v30;
	v23, _, _ =	vpop (xrf1);
	(pc) =	sbr.rel @p1 .LBB2_3-.Ltmp0, $4  }
0x19d: {  	v41 =	vsub.f32 v6, v30;
	v23 =	vperm.xlane v23, v5;
	v38 =	vperm.xlane v36, v4;
	v39 =	vpop (erf)  }
0x19e: {  	v46 =	vadd.f32 $-1.000000000e+00, v39;
	v39 =	vmul.f32 v40, v7;
	(xrf2) =	vadd.scan.msk.f32 $0xffff, v20;
	v37, _, _ =	vpop (xrf2);
	(erf) = vrcp.f32 v35  }
0x19f: {  	v36 =	vsub.f32 v36, v30;
	v35 =	vmul.f32 v41, v8;
	v37 =	vadd.f32 v38, v37;
	v6 =	vpop (erf)  }
0x1a0: {  	s5 =	sadd.s32 $0xC0, s5;
	v38 =	vadd.f32 $0.0e+00, v34;
	v47 =	vadd.f32 $-1.000000000e+00, v6;
	vm0 =	vgt.f32 v34, v39;
	v34 =	vpop (erf)  }
0x1a1: {  	vm3 =	vgt.f32 v31, v35;
	v6 =	vmul.f32 v36, v9;
	v54 =	vsub.f32 v37, v30  }
0x1a2: {  	v55 =	vnsel vm0, $0x0, v38;
	v31 =	vnsel vm3, $0x0, v31  }
0x1a3: {  	v31 =	vadd.f32 v31, v55;
	vm4 =	vgt.f32 v32, v6;
	v6 =	vmul.f32 v54, v10  }
0x1a4: {  	v32 =	vnsel vm4, $0x0, v32  }
0x1a5: {  	v56 =	vpop (erf);
	v31 =	vadd.f32 v32, v31;
	vm5 =	vgt.f32 v33, v6  }
0x1a6: {  	v58 =	vadd.f32 $-1.000000000e+00, v56;
	v57 =	vnsel vm5, $0x0, v33  }
0x1a7: {  	(xrf2) =	vadd.scan.msk.f32 $0xffff, v27;
	v6 =	vadd.f32 $-1.000000000e+00, v34;
	v31 =	vadd.f32 v57, v31  }
0x1a8: {  	(xrf2) =	vadd.scan.msk.f32 $0xffff, v24  }
0x1a9: {  	v59 =	vadd.f32 v47, v46;
	v6 =	vadd.f32 v58, v6;
	(xrf2) =	vadd.scan.msk.f32 $0xffff, v31  }
0x1aa: {  	v60, _, _ =	vpop (xrf1);
	(xrf2) =	vadd.scan.msk.f32 $0xffff, v23  }
0x1ab: {  	v6 =	vadd.f32 v6, v59;
	v31, _, _ =	vpop (xrf2);
	(xrf2) =	vadd.scan.msk.f32 $0xffff, v45  }
0x1ac: {  	v32 =	vperm.xlane v60, v5  }
0x1ad: {  	(xrf2) =	vadd.scan.msk.f32 $0xffff, v6;
	v31 =	vadd.f32 $0.0e+00, v31  }
0x1ae: {  	v61, _, _ =	vpop (xrf2);
	(xrf2) =	vadd.scan.msk.f32 $0xffff, v32  }
0x1af: {  	v62 =	vmpcnt.ones.xlane vm0;
	v6, _, _ =	vpop (xrf1);
	v33 =	vadd.f32 $0.0e+00, v61;
	v45 =	vperm.xlane v31, v4  }
0x1b0: {  	v63 =	vmpcnt.ones.xlane vm3;
	v44, _, _ =	vpop (xrf2);
	v6 =	vperm.xlane v6, v5  }
0x1b1: {  	v39 =	vmpcnt.ones.xlane vm4;
	v46, _, _ =	vpop (xrf2);
	v40 =	vperm.xlane v33, v4;
	v36 =	vadd.f32 v45, v44  }
0x1b2: {  	v34 =	vadd.s32 v62, v63;
	v47 =	vmpcnt.ones.xlane vm5;
	v41, _, _ =	vpop (xrf2);
	(xrf2) =	vadd.scan.msk.f32 $0xffff, v6  }
0x1b3: {  	v34 =	vadd.s32 v39, v34;
	v38 =	vadd.f32 v40, v46;
	v50 =	vperm.xlane v36, v4;
	v48, _, _ =	vpop (xrf2)  }
0x1b4: {  	v34 =	vadd.s32 v47, v34;
	v49, _, _ =	vpop (xrf2)  }
0x1b5: {  	v51 =	vcvt.s32.f32 v34;
	v43 =	vperm.xlane v38, v4;
	v35 =	vadd.f32 v50, v41;
	v42, _, _ =	vpop (xrf2)  }
0x1b6: {  	v42 =	vperm.xlane v42, v4  }
0x1b7: {  	v40 =	vmax.f32 v51, $1.000000000e+00;
	v39 =	vadd.f32 v43, v49;
	v44, _, _ =	vpop (xrf2);
	v53 =	vperm.xlane v35, v4  }
0x1b8: {  	v52 =	vperm.xlane v44, v4;
	v54, _, _ =	vpop (xrf2);
	v36 =	vsub.f32 v36, v42;
	v31 =	vsub.f32 v31, v42  }
0x1b9: {  	(erf) = vrcp.f32 v40;
	v40 =	vadd.f32 v53, v54;
	v35 =	vsub.f32 v35, v42  }
0x1ba: {  	v55 =	vperm.xlane v39, v4;
	v38 =	vsub.f32 v38, v52;
	v33 =	vsub.f32 v33, v52  }
0x1bb: {  	v39 =	vsub.f32 v39, v52;
	v36 =	vmul.f32 v36, v8;
	v31 =	vmul.f32 v31, v7  }
0x1bc: {  	v56, _, _ =	vpop (xrf2);
	v35 =	vmul.f32 v35, v9;
	v40 =	vsub.f32 v40, v42;
	v38 =	vmul.f32 v38, v8  }
0x1bd: {  	v57 =	vadd.f32 v55, v56;
	v33 =	vmul.f32 v33, v7;
	v58 =	vmul.f32 v39, v9  }
0x1be: {  	vm10 =	vgt.f32 v20, v36;
	vm12 =	vgt.f32 v21, v31;
	vm14 =	vgt.f32 v24, v35  }
0x1bf: {  	v43 =	vsub.f32 v57, v52;
	vm11 =	vgt.f32 v27, v38;
	vm13 =	vgt.f32 v25, v33  }
0x1c0: {  	v20 =	vnsel vm10, $0x0, v20;
	v22 =	vnsel vm12, $0x0, v22;
	v25 =	vmul.f32 v40, v10  }
0x1c1: {  	v31 =	vmpcnt.ones.xlane vm10;
	vm6 =	vgt.f32 v23, v58;
	v21 =	vnsel vm11, $0x0, v27  }
0x1c2: {  	v26 =	vnsel vm13, $0x0, v26;
	v20 =	vadd.f32 v20, v22;
	v22 =	vnsel vm14, $0x0, v24  }
0x1c3: {  	v27 =	vmul.f32 v43, v10;
	v21 =	vadd.f32 v21, v26;
	vm7 =	vgt.f32 v32, v25  }
0x1c4: {  	v23 =	vnsel vm6, $0x0, v23;
	v24 =	vnsel vm7, $0x0, v32;
	v20 =	vadd.f32 v22, v20  }
0x1c5: {  	v22 =	vmpcnt.ones.xlane vm11;
	vm15 =	vgt.f32 v6, v27;
	v21 =	vadd.f32 v23, v21  }
0x1c6: {  	v23 =	vmpcnt.ones.xlane vm12;
	v6 =	vnsel vm15, $0x0, v6;
	v20 =	vadd.f32 v24, v20  }
0x1c7: {  	v24 =	vmpcnt.ones.xlane vm13;
	v6 =	vadd.f32 v6, v21;
	v21 =	vmpcnt.ones.xlane vm14  }
0x1c8: {  	v26 =	vmpcnt.ones.xlane vm6;
	v25 =	vmpcnt.ones.xlane vm7;
	v23 =	vadd.s32 v23, v31  }
0x1c9: {  	(xrf2) =	vadd.scan.msk.f32 $0xffff, v20;
	v20 =	vadd.s32 v24, v22;
	v22 =	vmpcnt.ones.xlane vm15;
	v21 =	vadd.s32 v21, v23  }
0x1ca: {  	(xrf2) =	vadd.scan.msk.f32 $0xffff, v6;
	v20 =	vadd.s32 v26, v20;
	v6 =	vadd.s32 v25, v21  }
0x1cb: {  	v20 =	vadd.s32 v22, v20;
	v21 =	vcvt.s32.f32 v6  }
0x1cc: {  	v22 =	vcvt.s32.f32 v20  }
0x1cd: {  	(erf) = vrcp.f32 v29;
	v21 =	vmax.f32 v21, $1.000000000e+00  }
0x1ce: {  	v22 =	vmax.f32 v22, $1.000000000e+00;
	(erf) = vrcp.f32 v21  }
0x1cf: {  	(erf) = vrcp.f32 v22  }
0x1d0: {  	v21 =	vperm.xlane v48, v4  }
0x1d1: {  	v22 =	vpop (erf)  }
0x1d2: {  	v18 =	vperm.xlane v18, v4;
	v21 =	vsub.f32 v21, v30;
	v23 =	vpop (erf)  }
0x1d3: {  	v22 =	vmul.f32 v22, v28;
	v24, _, _ =	vpop (xrf2)  }
0x1d4: {  	v18 =	vsub.f32 v18, v30;
	v21 =	vmul.f32 v23, v21;
	v23, _, _ =	vpop (xrf2);
	v24 =	vperm.xlane v24, v4  }
0x1d5: {  	vm7 =	vgt.s32 v34, $0x0;
	v17 =	vsel vm2, v22, v17;
	v22 =	vperm.xlane v23, v4  }
0x1d6: {  	vm1 =	vmmov vm1;
	v23 =	vpop (erf);
	v18 =	vsel vm7, v21, v18;
	v21 =	vsub.f32 v24, v42  }
0x1d7: {  	v16 =	vsub.f32 v16, v42;
	v19 =	vmul.f32 v23, v19;
	v22 =	vsub.f32 v22, v52;
	v23 =	vpop (erf)  }
0x1d8: {  	s0 =	sshra.s32 s28, $0x2;
	v15 =	vsub.f32 v15, v52;
	vm8 =	vgt.s32 v6, $0x0;
	[tilespmem:s31+$0x7000] =	vst v17;
	v6 =	vmul.f32 v23, v21;
	v17 =	vpop (erf)  }
0x1d9: {  	vm9 =	vgt.s32 v20, $0x0;
	[tilespmem:s0+$0x7020] =	vst v18;
	v14 =	vsel vm1, v19, v14;
	v17 =	vmul.f32 v17, v22  }
0x1da: {  	vm10 =	vmmov vm9;
	[tilespmem:s31+$0x7010] =	vst v14;
	v6 =	vsel vm8, v6, v16  }
0x1db: {  	[tilespmem:s0+$0x7000] =	vst v6;
	v6 =	vsel vm10, v17, v15  }
0x1dc: {  	[tilespmem:s0+$0x7010] =	vst v6  }
0x1dd: {  	v22 =	vld [tilespmem:$0x1FFF0];
	_ =	sdelay $0x6  }
0x1de: {  	s7 =	simm.s32 $0x0  }
0x1df: {  	v6 =	vld.idx.msk [tilespmem:v22+s7+$0x0], $0xffff  }
0x1e0: {  	v14 =	vld.idx.msk [tilespmem:v11+s7+$0x0], $0xffff  }
0x1e1: {  	v15 =	vld.idx.msk [tilespmem:v12+s7+$0x0], $0xffff  }
0x1e2: {  	v16 =	vld.idx.msk [tilespmem:v13+s7+$0x0], $0xffff;
	_ =	sdelay $0x1  }
0x1e3: {  	v6 =	vmul.f32 $1.100000000e+01, v6  }
0x1e4: {  	v14 =	vmul.f32 $1.100000000e+01, v14  }
0x1e5: {  	v15 =	vmul.f32 $1.100000000e+01, v15;
	v6 =	vmul.f32 $1.442695020e+00, v6  }
0x1e6: {  	v16 =	vmul.f32 $1.100000000e+01, v16;
	v14 =	vmul.f32 $1.442695020e+00, v14  }
0x1e7: {  	(erf) = vpow2.f32 v6;
	v6 =	vmul.f32 $1.442695020e+00, v15  }
0x1e8: {  	(erf) = vpow2.f32 v14;
	v14 =	vmul.f32 $1.442695020e+00, v16  }
0x1e9: {  	(erf) = vpow2.f32 v6  }
0x1ea: {  	(erf) = vpow2.f32 v14;
	_ =	sdelay $0x5  }
0x1eb: {  	v6 =	vpop (erf)  }
0x1ec: {  	v6 =	vadd.f32 $-1.000000000e+00, v6;
	v14 =	vpop (erf)  }
0x1ed: {  	v14 =	vadd.f32 $-1.000000000e+00, v14;
	v15 =	vpop (erf)  }
0x1ee: {  	v15 =	vadd.f32 $-1.000000000e+00, v15;
	v16 =	vpop (erf);
	(xrf1) =	vsort.ascd.msk.f32 $0xffff, v6, v6  }
0x1ef: {  	v16 =	vadd.f32 $-1.000000000e+00, v16;
	(xrf1) =	vsort.ascd.msk.f32 $0xffff, v14, v14  }
0x1f0: {  	(xrf1) =	vsort.ascd.msk.f32 $0xffff, v15, v15  }
0x1f1: {  	(xrf1) =	vsort.ascd.msk.f32 $0xffff, v16, v16;
	_ =	sdelay $0xa  }
0x1f2: {  	v17, _, _ =	vpop (xrf1)  }
0x1f3: {  	v18, _, _ =	vpop (xrf1)  }
0x1f4: {  	v19, _, _ =	vpop (xrf1);
	v18 =	vperm.xlane v18, v5  }
0x1f5: {  	v20, _, _ =	vpop (xrf1)  }
0x1f6: {  	v21 =	vmin.f32 v17, v18;
	v20 =	vperm.xlane v20, v5  }
0x1f7: {  	v17 =	vmax.f32 v17, v18;
	(xrf1) =	vsort.ascd.msk.f32 $0xffff, v21, v21  }
0x1f8: {  	(xrf1) =	vsort.ascd.msk.f32 $0xffff, v17, v17;
	v17 =	vmin.f32 v19, v20  }
0x1f9: {  	v18 =	vmax.f32 v19, v20;
	(xrf1) =	vsort.ascd.msk.f32 $0xffff, v17, v17  }
0x1fa: {  	[tilespmem:$0x6FC0] =	vst v6;
	(xrf1) =	vsort.ascd.msk.f32 $0xffff, v18, v18  }
0x1fb: {  	[tilespmem:$0x6FD0] =	vst v14  }
0x1fc: {  	[tilespmem:$0x6FE0] =	vst v15  }
0x1fd: {  	[tilespmem:$0x6FF0] =	vst v16  }
0x1fe: {  	v6 =	vld.idx.msk [tilespmem:v22+s11+$0x0], $0xffff;
	_ =	sdelay $0x2  }
0x1ff: {  	v14 =	vld.idx.msk [tilespmem:v11+s11+$0x0], $0xffff;
	_ =	sdelay $0x1  }
0x200: {  	v16 =	vld.idx.msk [tilespmem:v12+s11+$0x0], $0xffff;
	v6 =	vmul.f32 $1.100000000e+01, v6;
	_ =	sdelay $0x1  }
0x201: {  	v6 =	vmul.f32 $1.442695020e+00, v6;
	v18 =	vld.idx.msk [tilespmem:v13+s11+$0x0], $0xffff;
	v15, _, _ =	vpop (xrf1)  }
0x202: {  	v14 =	vmul.f32 $1.100000000e+01, v14;
	v17, _, _ =	vpop (xrf1)  }
0x203: {  	(erf) = vpow2.f32 v6;
	v19, _, _ =	vpop (xrf1)  }
0x204: {  	v6 =	vmul.f32 $1.442695020e+00, v14;
	v14 =	vmul.f32 $1.100000000e+01, v16;
	v20, _, _ =	vpop (xrf1)  }
0x205: {  	v19 =	vperm.xlane v19, v5;
	v20 =	vperm.xlane v20, v5  }
0x206: {  	v14 =	vmul.f32 $1.442695020e+00, v14;
	v18 =	vmul.f32 $1.100000000e+01, v18  }
0x207: {  	(erf) = vpow2.f32 v6;
	v21 =	vmin.f32 v17, v19;
	v16 =	vmin.f32 v15, v20  }
0x208: {  	v6 =	vmul.f32 $1.442695020e+00, v18;
	v15 =	vmax.f32 v15, v20;
	v20 =	vmin.f32 v16, v21  }
0x209: {  	(erf) = vpow2.f32 v14;
	v17 =	vmax.f32 v17, v19;
	v16 =	vmax.f32 v16, v21;
	(xrf1) =	vsort.ascd.msk.f32 $0xffff, v20, v20  }
0x20a: {  	(erf) = vpow2.f32 v6;
	v18 =	vmin.f32 v15, v17;
	(xrf1) =	vsort.ascd.msk.f32 $0xffff, v16, v16  }
0x20b: {  	v14 =	vmax.f32 v15, v17;
	(xrf1) =	vsort.ascd.msk.f32 $0xffff, v18, v18  }
0x20c: {  	(xrf1) =	vsort.ascd.msk.f32 $0xffff, v14, v14;
	_ =	sdelay $0x3  }
0x20d: {  	v6 =	vpop (erf)  }
0x20e: {  	v14 =	vpop (erf)  }
0x20f: {  	v15 =	vpop (erf)  }
0x210: {  	v6 =	vadd.f32 $-1.000000000e+00, v6;
	v14 =	vadd.f32 $-1.000000000e+00, v14;
	v16 =	vpop (erf)  }
0x211: {  	v15 =	vadd.f32 $-1.000000000e+00, v15;
	v16 =	vadd.f32 $-1.000000000e+00, v16;
	_ =	sdelay $0x1  }
0x212: {  	v6 =	vadd.f32 v14, v6;
	v14 =	vadd.f32 v16, v15  }
0x213: {  	v17, _, _ =	vpop (xrf1)  }
0x214: {  	v18, _, _ =	vpop (xrf1)  }
0x215: {  	v15, _, _ =	vpop (xrf1)  }
0x216: {  	v6 =	vadd.f32 v14, v6;
	v14, _, _ =	vpop (xrf1)  }
0x217: {  	v16 =	vperm.xlane v14, v5  }
0x218: {  	(xrf2) =	vadd.scan.msk.f32 $0xffff, v6  }
0x219: {  	(xrf2) =	vadd.scan.msk.f32 $0xffff, v16;
	_ =	sdelay $0x1  }
0x21a: {  	v6 =	vperm.xlane v15, v5;
	_ =	sdelay $0x1  }
0x21b: {  	(xrf2) =	vadd.scan.msk.f32 $0xffff, v6;
	_ =	sdelay $0x1  }
0x21c: {  	v15 =	vperm.xlane v18, v5;
	_ =	sdelay $0x1  }
0x21d: {  	(xrf2) =	vadd.scan.msk.f32 $0xffff, v15  }
0x21e: {  	v18, _, _ =	vpop (xrf2)  }
0x21f: {  	v17 =	vperm.xlane v17, v5;
	v19, _, _ =	vpop (xrf2)  }
0x220: {  	v19 =	vadd.f32 $0.0e+00, v19  }
0x221: {  	(xrf2) =	vadd.scan.msk.f32 $0xffff, v17  }
0x222: {  	v20 =	vperm.xlane v19, v4  }
0x223: {  	v21, _, _ =	vpop (xrf2)  }
0x224: {  	v20 =	vadd.f32 v20, v21;
	_ =	sdelay $0x1  }
0x225: {  	v21 =	vperm.xlane v20, v4  }
0x226: {  	v18 =	vperm.xlane v18, v4;
	v22, _, _ =	vpop (xrf2)  }
0x227: {  	v21 =	vadd.f32 v21, v22  }
0x228: {  	v19 =	vsub.f32 v19, v18  }
0x229: {  	v20 =	vsub.f32 v20, v18;
	v22 =	vperm.xlane v21, v4  }
0x22a: {  	v23, _, _ =	vpop (xrf2);
	v19 =	vmul.f32 v19, v7  }
0x22b: {  	v20 =	vmul.f32 v20, v8;
	v21 =	vsub.f32 v21, v18;
	v22 =	vadd.f32 v22, v23  }
0x22c: {  	vm11 =	vgt.f32 v16, v19;
	v16 =	vadd.f32 $0.0e+00, v16  }
0x22d: {  	vm12 =	vgt.f32 v6, v20;
	v19 =	vmul.f32 v21, v9;
	v20 =	vsub.f32 v22, v18  }
0x22e: {  	v16 =	vnsel vm11, $0x0, v16;
	v6 =	vnsel vm12, $0x0, v6  }
0x22f: {  	v6 =	vadd.f32 v6, v16;
	vm13 =	vgt.f32 v15, v19;
	v16 =	vmul.f32 v20, v10  }
0x230: {  	v15 =	vnsel vm13, $0x0, v15  }
0x231: {  	v6 =	vadd.f32 v15, v6;
	vm14 =	vgt.f32 v17, v16  }
0x232: {  	v15 =	vmpcnt.ones.xlane vm11;
	v16 =	vmpcnt.ones.xlane vm12;
	v17 =	vnsel vm14, $0x0, v17  }
0x233: {  	v19 =	vmpcnt.ones.xlane vm13;
	v6 =	vadd.f32 v17, v6  }
0x234: {  	v15 =	vadd.s32 v15, v16;
	v16 =	vmpcnt.ones.xlane vm14  }
0x235: {  	v15 =	vadd.s32 v19, v15;
	(xrf2) =	vadd.scan.msk.f32 $0xffff, v6  }
0x236: {  	v6 =	vadd.s32 v16, v15  }
0x237: {  	v15 =	vcvt.s32.f32 v6;
	_ =	sdelay $0x1  }
0x238: {  	v15 =	vmax.f32 v15, $1.000000000e+00  }
0x239: {  	(erf) = vrcp.f32 v15;
	_ =	sdelay $0x4  }
0x23a: {  	v15, _, _ =	vpop (xrf2)  }
0x23b: {  	v15 =	vperm.xlane v15, v4;
	_ =	sdelay $0x1  }
0x23c: {  	v14 =	vperm.xlane v14, v4;
	v15 =	vsub.f32 v15, v18  }
0x23d: {  	v16 =	vpop (erf)  }
0x23e: {  	v14 =	vsub.f32 v14, v18;
	v15 =	vmul.f32 v16, v15  }
0x23f: {  	vm15 =	vgt.s32 v6, $0x0  }
0x240: {  	v6 =	vsel vm15, v15, v14  }
0x241: {  	s2 =	simm.s32 $0x6080;
	[tilespmem:$0x73F0] =	vst v6  }
0x242: {  	s3 =	simm.s32 $0x30;
	v6 =	vld [tilespmem:s2+$0x40]  }
0x243: {  	v21 =	vld [tilespmem:s3+$0x7000];
	_ =	sdelay $0x4  }
0x244: {  	v6 =	vsub.f32 v6, v21;
	_ =	sdelay $0x1  }
0x245: {  	v6 =	vmax.f32 v6, $0.0e+00  }
0x246: {  	v6 =	vadd.f32 $1.000000000e+00, v6  }
0x247: {  	v27 =	vld [tilespmem:s3+$0x6FD0]  }
0x248: {  	v26 =	vld [tilespmem:s3+$0x6FE0];
	v14 =	vand.u32 $0x7FFFFF, v6  }
0x249: {  	v16 =	vld [tilespmem:s2+$0xFFFFFFC0];
	v14 =	vor.u32 $0x3F800000, v14  }
0x24a: {  	v15 =	vld [tilespmem:s2+$0xFFFFFF80];
	v17 =	vadd.f32 $1.000000000e+00, v14  }
0x24b: {  	v25 =	vld [tilespmem:s3+$0x6FF0]  }
0x24c: {  	v18 =	vld [tilespmem:s2+$0x0];
	(erf) = vrcp.f32 v17;
	_ =	sdelay $0x1  }
0x24d: {  	v16 =	vsub.f32 v16, v26  }
0x24e: {  	v15 =	vsub.f32 v15, v27  }
0x24f: {  	v16 =	vmax.f32 v16, $0.0e+00  }
0x250: {  	v15 =	vmax.f32 v15, $0.0e+00;
	v16 =	vadd.f32 $1.000000000e+00, v16;
	v17 =	vsub.f32 v18, v25  }
0x251: {  	v15 =	vadd.f32 $1.000000000e+00, v15  }
0x252: {  	v19 =	vand.u32 $0x7FFFFF, v16;
	v17 =	vmax.f32 v17, $0.0e+00  }
0x253: {  	v14 =	vadd.f32 $-1.000000000e+00, v14;
	v18 =	vand.u32 $0x7FFFFF, v15;
	v17 =	vadd.f32 $1.000000000e+00, v17  }
0x254: {  	v19 =	vor.u32 $0x3F800000, v19;
	v18 =	vor.u32 $0x3F800000, v18;
	v23 =	vpop (erf)  }
0x255: {  	v22 =	vadd.f32 $1.000000000e+00, v18;
	v20 =	vand.u32 $0x7FFFFF, v17;
	v14 =	vmul.f32 v23, v14  }
0x256: {  	v24 =	vadd.f32 $1.000000000e+00, v19;
	v20 =	vor.u32 $0x3F800000, v20  }
0x257: {  	(erf) = vrcp.f32 v22;
	v23 =	vadd.f32 $1.000000000e+00, v20;
	v22 =	vmul.f32 v14, v14  }
0x258: {  	(erf) = vrcp.f32 v24  }
0x259: {  	(erf) = vrcp.f32 v23;
	v23 =	vmul.f32 $1.428571490e-01, v22;
	_ =	sdelay $0x1  }
0x25a: {  	v23 =	vadd.f32 $2.000000030e-01, v23;
	_ =	sdelay $0x1  }
0x25b: {  	v23 =	vmul.f32 v23, v22  }
0x25c: {  	v6 =	vshra.s32 v6, $0x17  }
0x25d: {  	v6 =	vadd.s32 $0xFFFFFF81, v6;
	v18 =	vadd.f32 $-1.000000000e+00, v18;
	v23 =	vadd.f32 $3.333333430e-01, v23  }
0x25e: {  	v19 =	vadd.f32 $-1.000000000e+00, v19;
	v6 =	vcvt.s32.f32 v6;
	v24 =	vpop (erf)  }
0x25f: {  	v18 =	vmul.f32 v24, v18;
	v24 =	vpop (erf);
	v22 =	vmul.f32 v23, v22  }
0x260: {  	s5 =	simm.s32 $0x0;
	s1 =	simm.s32 $0x18;
	v6 =	vmul.f32 $6.931471820e-01, v6;
	v20 =	vadd.f32 $-1.000000000e+00, v20;
	v19 =	vmul.f32 v24, v19  }
0x261: {  	s1 =	sand.u32 $0x78, s1;
	s0 =	sand.u32 $0xC00, s5;
	v14 =	vadd.f32 v14, v14;
	v24 =	vpop (erf);
	v23 =	vmul.f32 v18, v18;
	v22 =	vadd.f32 $1.000000000e+00, v22  }
0x262: {  	s5 =	sor.u32 s0, s1;
	v20 =	vmul.f32 v24, v20;
	v24 =	vmul.f32 v19, v19  }
0x263: {  	v30 =	vor.u32 s5, v0;
	v28 =	vmul.f32 $1.428571490e-01, v23;
	v14 =	vmul.f32 v22, v14  }
0x264: {  	v16 =	vshra.s32 v16, $0x17;
	v29 =	vmul.f32 $1.428571490e-01, v24;
	v22 =	vmul.f32 v20, v20  }
0x265: {  	v15 =	vshra.s32 v15, $0x17;
	v28 =	vadd.f32 $2.000000030e-01, v28;
	v6 =	vadd.f32 v14, v6  }
0x266: {  	v29 =	vadd.f32 $2.000000030e-01, v29;
	v14 =	vadd.s32 $0xFFFFFF81, v15;
	v15 =	vmul.f32 $1.428571490e-01, v22  }
0x267: {  	v16 =	vadd.s32 $0xFFFFFF81, v16;
	v28 =	vmul.f32 v28, v23;
	v6 =	vmul.f32 $9.090909360e-02, v6  }
0x268: {  	s8 =	simm.s32 $0xC0;
	v17 =	vshra.s32 v17, $0x17;
	v29 =	vmul.f32 v29, v24;
	v15 =	vadd.f32 $2.000000030e-01, v15  }
0x269: {  	s6 =	sor.u32 $0x50, s8;
	v16 =	vcvt.s32.f32 v16;
	v17 =	vadd.s32 $0xFFFFFF81, v17;
	v28 =	vadd.f32 $3.333333430e-01, v28;
	[tilespmem:v30+s16+$0x0] =	vst.idx.msk $0xffff, v6  }
0x26a: {  	v6 =	vcvt.s32.f32 v17;
	v15 =	vmul.f32 v15, v22;
	v17 =	vadd.f32 $3.333333430e-01, v29;
	v29 =	vld [tilespmem:s6+$0x6000]  }
0x26b: {  	v18 =	vadd.f32 v18, v18;
	v19 =	vadd.f32 v19, v19;
	v23 =	vmul.f32 v28, v23  }
0x26c: {  	v14 =	vcvt.s32.f32 v14;
	v17 =	vmul.f32 v17, v24;
	v15 =	vadd.f32 $3.333333430e-01, v15  }
0x26d: {  	v16 =	vmul.f32 $6.931471820e-01, v16;
	v20 =	vadd.f32 v20, v20;
	v23 =	vadd.f32 $1.000000000e+00, v23  }
0x26e: {  	s9 =	simm.s32 $0x8;
	s7 =	sand.u32 $0x60, s7;
	v14 =	vmul.f32 $6.931471820e-01, v14;
	v15 =	vmul.f32 v15, v22;
	v17 =	vadd.f32 $1.000000000e+00, v17  }
0x26f: {  	s1 =	sand.u32 $0x68, s9;
	s21 =	sor.u32 s7, s0;
	v6 =	vmul.f32 $6.931471820e-01, v6;
	v18 =	vmul.f32 v23, v18;
	v22 =	vsub.f32 v29, v21  }
0x270: {  	s10 =	simm.s32 $0x10;
	s20 =	sor.u32 s0, s1;
	v23 =	vor.u32 s21, v0;
	v15 =	vadd.f32 $1.000000000e+00, v15;
	v17 =	vmul.f32 v17, v19  }
0x271: {  	s22 =	sand.u32 $0x70, s10;
	v19 =	vor.u32 s20, v0;
	v14 =	vadd.f32 v18, v14;
	v18 =	vmax.f32 v22, $0.0e+00  }
0x272: {  	s10 =	sor.u32 s0, s22;
	v15 =	vmul.f32 v15, v20;
	v16 =	vadd.f32 v17, v16;
	v17 =	vadd.f32 $1.000000000e+00, v18  }
0x273: {  	v14 =	vmul.f32 $9.090909360e-02, v14;
	v18 =	vor.u32 s10, v0  }
0x274: {  	v6 =	vadd.f32 v15, v6;
	v15 =	vmul.f32 $9.090909360e-02, v16;
	v16 =	vand.u32 $0x7FFFFF, v17  }
0x275: {  	[tilespmem:v23+s16+$0x0] =	vst.idx.msk $0xffff, v14;
	v14 =	vor.u32 $0x3F800000, v16  }
0x276: {  	s7 =	simm.s32 $0x40;
	v6 =	vmul.f32 $9.090909360e-02, v6;
	v16 =	vld [tilespmem:s2+$0xFFFFFF90];
	[tilespmem:v19+s16+$0x0] =	vst.idx.msk $0xffff, v15;
	v15 =	vadd.f32 $1.000000000e+00, v14  }
0x277: {  	s1 =	sor.u32 $0x50, s7  }
0x278: {  	v19 =	vld [tilespmem:s1+$0x6000];
	[tilespmem:v18+s16+$0x0] =	vst.idx.msk $0xffff, v6;
	(erf) = vrcp.f32 v15  }
0x279: {  	v6 =	vld [tilespmem:s2+$0x10];
	_ =	sdelay $0x1  }
0x27a: {  	v15 =	vsub.f32 v16, v27;
	_ =	sdelay $0x1  }
0x27b: {  	v16 =	vsub.f32 v19, v26;
	v15 =	vmax.f32 v15, $0.0e+00  }
0x27c: {  	v6 =	vsub.f32 v6, v25;
	v15 =	vadd.f32 $1.000000000e+00, v15  }
0x27d: {  	v14 =	vadd.f32 $-1.000000000e+00, v14;
	v16 =	vmax.f32 v16, $0.0e+00  }
0x27e: {  	v16 =	vadd.f32 $1.000000000e+00, v16;
	v6 =	vmax.f32 v6, $0.0e+00;
	v18 =	vand.u32 $0x7FFFFF, v15  }
0x27f: {  	v6 =	vadd.f32 $1.000000000e+00, v6;
	v18 =	vor.u32 $0x3F800000, v18;
	v20 =	vpop (erf)  }
0x280: {  	v19 =	vand.u32 $0x7FFFFF, v16;
	v22 =	vadd.f32 $1.000000000e+00, v18;
	v14 =	vmul.f32 v20, v14  }
0x281: {  	v19 =	vor.u32 $0x3F800000, v19;
	v20 =	vand.u32 $0x7FFFFF, v6  }
0x282: {  	v23 =	vadd.f32 $1.000000000e+00, v19;
	(erf) = vrcp.f32 v22;
	v22 =	vmul.f32 v14, v14  }
0x283: {  	v20 =	vor.u32 $0x3F800000, v20  }
0x284: {  	v24 =	vadd.f32 $1.000000000e+00, v20;
	(erf) = vrcp.f32 v23;
	v23 =	vmul.f32 $1.428571490e-01, v22;
	_ =	sdelay $0x1  }
0x285: {  	(erf) = vrcp.f32 v24;
	v23 =	vadd.f32 $2.000000030e-01, v23;
	_ =	sdelay $0x1  }
0x286: {  	v23 =	vmul.f32 v23, v22;
	_ =	sdelay $0x1  }
0x287: {  	v17 =	vshra.s32 v17, $0x17;
	v23 =	vadd.f32 $3.333333430e-01, v23  }
0x288: {  	v17 =	vadd.s32 $0xFFFFFF81, v17;
	v18 =	vadd.f32 $-1.000000000e+00, v18  }
0x289: {  	v17 =	vcvt.s32.f32 v17;
	v24 =	vpop (erf);
	v22 =	vmul.f32 v23, v22  }
0x28a: {  	v19 =	vadd.f32 $-1.000000000e+00, v19;
	v20 =	vadd.f32 $-1.000000000e+00, v20;
	v18 =	vmul.f32 v24, v18  }
0x28b: {  	v17 =	vmul.f32 $6.931471820e-01, v17;
	v14 =	vadd.f32 v14, v14;
	v28 =	vpop (erf);
	v22 =	vadd.f32 $1.000000000e+00, v22  }
0x28c: {  	v19 =	vmul.f32 v28, v19;
	v24 =	vmul.f32 v18, v18;
	v23 =	vpop (erf)  }
0x28d: {  	v20 =	vmul.f32 v23, v20;
	v14 =	vmul.f32 v22, v14  }
0x28e: {  	v28 =	vor.u32 s5, v1;
	v23 =	vmul.f32 $1.428571490e-01, v24;
	v22 =	vmul.f32 v19, v19  }
0x28f: {  	v29 =	vmul.f32 v20, v20;
	v14 =	vadd.f32 v14, v17  }
0x290: {  	v15 =	vshra.s32 v15, $0x17;
	v23 =	vadd.f32 $2.000000030e-01, v23;
	v30 =	vmul.f32 $1.428571490e-01, v22  }
0x291: {  	v16 =	vshra.s32 v16, $0x17;
	v31 =	vmul.f32 $1.428571490e-01, v29;
	v14 =	vmul.f32 $9.090909360e-02, v14  }
0x292: {  	v15 =	vadd.s32 $0xFFFFFF81, v15;
	v23 =	vmul.f32 v23, v24;
	v30 =	vadd.f32 $2.000000030e-01, v30  }
0x293: {  	s3 =	sor.u32 $0x60, s8;
	v16 =	vadd.s32 $0xFFFFFF81, v16;
	v6 =	vshra.s32 v6, $0x17;
	v31 =	vadd.f32 $2.000000030e-01, v31;
	[tilespmem:v28+s16+$0x0] =	vst.idx.msk $0xffff, v14  }
0x294: {  	v23 =	vadd.f32 $3.333333430e-01, v23;
	v14 =	vcvt.s32.f32 v15;
	v15 =	vmul.f32 v30, v22;
	v28 =	vld [tilespmem:s3+$0x6000]  }
0x295: {  	v16 =	vcvt.s32.f32 v16;
	v6 =	vadd.s32 $0xFFFFFF81, v6;
	v30 =	vmul.f32 v31, v29  }
0x296: {  	v6 =	vcvt.s32.f32 v6;
	v23 =	vmul.f32 v23, v24;
	v15 =	vadd.f32 $3.333333430e-01, v15  }
0x297: {  	v16 =	vmul.f32 $6.931471820e-01, v16;
	v18 =	vadd.f32 v18, v18;
	v24 =	vadd.f32 $3.333333430e-01, v30  }
0x298: {  	v19 =	vadd.f32 v19, v19;
	v15 =	vmul.f32 v15, v22;
	v22 =	vadd.f32 $1.000000000e+00, v23  }
0x299: {  	v20 =	vadd.f32 v20, v20;
	v23 =	vmul.f32 v24, v29;
	v24 =	vsub.f32 v28, v21  }
0x29a: {  	v14 =	vmul.f32 $6.931471820e-01, v14;
	v15 =	vadd.f32 $1.000000000e+00, v15;
	v18 =	vmul.f32 v22, v18  }
0x29b: {  	v17 =	vor.u32 s21, v1;
	v22 =	vadd.f32 $1.000000000e+00, v23;
	v23 =	vmax.f32 v24, $0.0e+00  }
0x29c: {  	v15 =	vmul.f32 v15, v19;
	v14 =	vadd.f32 v18, v14;
	v18 =	vadd.f32 $1.000000000e+00, v23  }
0x29d: {  	v6 =	vmul.f32 $6.931471820e-01, v6;
	v19 =	vor.u32 s20, v1;
	v20 =	vmul.f32 v22, v20  }
0x29e: {  	v15 =	vadd.f32 v15, v16;
	v14 =	vmul.f32 $9.090909360e-02, v14;
	v16 =	vand.u32 $0x7FFFFF, v18  }
0x29f: {  	v22 =	vor.u32 s10, v1;
	v16 =	vor.u32 $0x3F800000, v16  }
0x2a0: {  	v6 =	vadd.f32 v20, v6;
	v15 =	vmul.f32 $9.090909360e-02, v15;
	[tilespmem:v17+s16+$0x0] =	vst.idx.msk $0xffff, v14;
	v14 =	vadd.f32 $1.000000000e+00, v16  }
0x2a1: {  	v17 =	vld [tilespmem:s2+$0xFFFFFFA0]  }
0x2a2: {  	s6 =	sor.u32 $0x60, s7;
	v6 =	vmul.f32 $9.090909360e-02, v6;
	[tilespmem:v19+s16+$0x0] =	vst.idx.msk $0xffff, v15;
	(erf) = vrcp.f32 v14  }
0x2a3: {  	v14 =	vld [tilespmem:s6+$0x6000]  }
0x2a4: {  	[tilespmem:v22+s16+$0x0] =	vst.idx.msk $0xffff, v6  }
0x2a5: {  	v6 =	vld [tilespmem:s2+$0x20]  }
0x2a6: {  	v15 =	vsub.f32 v17, v27;
	_ =	sdelay $0x1  }
0x2a7: {  	v14 =	vsub.f32 v14, v26;
	v15 =	vmax.f32 v15, $0.0e+00  }
0x2a8: {  	v15 =	vadd.f32 $1.000000000e+00, v15  }
0x2a9: {  	v16 =	vadd.f32 $-1.000000000e+00, v16;
	v6 =	vsub.f32 v6, v25;
	v14 =	vmax.f32 v14, $0.0e+00  }
0x2aa: {  	v14 =	vadd.f32 $1.000000000e+00, v14;
	v17 =	vand.u32 $0x7FFFFF, v15;
	v19 =	vpop (erf)  }
0x2ab: {  	v6 =	vmax.f32 v6, $0.0e+00;
	v17 =	vor.u32 $0x3F800000, v17;
	v16 =	vmul.f32 v19, v16  }
0x2ac: {  	v6 =	vadd.f32 $1.000000000e+00, v6;
	v19 =	vand.u32 $0x7FFFFF, v14;
	v20 =	vadd.f32 $1.000000000e+00, v17  }
0x2ad: {  	v19 =	vor.u32 $0x3F800000, v19;
	v24 =	vmul.f32 v16, v16  }
0x2ae: {  	v22 =	vand.u32 $0x7FFFFF, v6;
	v23 =	vadd.f32 $1.000000000e+00, v19;
	(erf) = vrcp.f32 v20  }
0x2af: {  	v29 =	vor.u32 $0x3F800000, v22;
	v20 =	vmul.f32 $1.428571490e-01, v24  }
0x2b0: {  	v28 =	vadd.f32 $1.000000000e+00, v29;
	(erf) = vrcp.f32 v23  }
0x2b1: {  	v15 =	vshra.s32 v15, $0x17;
	v20 =	vadd.f32 $2.000000030e-01, v20  }
0x2b2: {  	v15 =	vadd.s32 $0xFFFFFF81, v15;
	v14 =	vshra.s32 v14, $0x17;
	(erf) = vrcp.f32 v28  }
0x2b3: {  	v17 =	vadd.f32 $-1.000000000e+00, v17;
	v30 =	vcvt.s32.f32 v15;
	v20 =	vmul.f32 v20, v24  }
0x2b4: {  	v15 =	vshra.s32 v18, $0x17;
	v6 =	vshra.s32 v6, $0x17;
	v14 =	vadd.s32 $0xFFFFFF81, v14  }
0x2b5: {  	v22 =	vor.u32 s20, v2;
	v19 =	vadd.f32 $-1.000000000e+00, v19;
	v20 =	vadd.f32 $3.333333430e-01, v20  }
0x2b6: {  	v6 =	vadd.s32 $0xFFFFFF81, v6;
	v31 =	vcvt.s32.f32 v14;
	v16 =	vadd.f32 v16, v16  }
0x2b7: {  	s28 =	simm.s32 $0x6180;
	v30 =	vmul.f32 $6.931471820e-01, v30;
	v29 =	vadd.f32 $-1.000000000e+00, v29;
	v14 =	vpop (erf);
	v18 =	vmul.f32 v20, v24  }
0x2b8: {  	s9 =	simm.s32 $0x70;
	v59 =	vld [tilespmem:s28+$0x40];
	v24 =	vcvt.s32.f32 v6;
	v6 =	vmul.f32 v14, v17;
	v14 =	vadd.s32 $0xFFFFFF81, v15  }
0x2b9: {  	v23 =	vor.u32 s21, v2;
	v28 =	vor.u32 s10, v2;
	v20 =	vld [tilespmem:s9+$0x7000];
	v15 =	vpop (erf);
	v17 =	vcvt.s32.f32 v14  }
0x2ba: {  	v14 =	vor.u32 s21, v3;
	v18 =	vadd.f32 $1.000000000e+00, v18;
	v33 =	vmul.f32 v15, v19  }
0x2bb: {  	v34 =	vmul.f32 v6, v6;
	v15 =	vpop (erf);
	v6 =	vadd.f32 v6, v6;
	v19 =	vmul.f32 $6.931471820e-01, v17  }
0x2bc: {  	v49 =	vld [tilespmem:s28+$0xFFFFFFC0];
	v35 =	vmul.f32 v15, v29;
	v29 =	vor.u32 s5, v2;
	v16 =	vmul.f32 v18, v16  }
0x2bd: {  	v15 =	vor.u32 s20, v3;
	v36 =	vmul.f32 v33, v33;
	v18 =	vld [tilespmem:s9+$0x6FE0];
	v33 =	vadd.f32 v33, v33  }
0x2be: {  	v50 =	vld [tilespmem:s28+$0x0];
	v60 =	vmul.f32 $1.428571490e-01, v34;
	v32 =	vsub.f32 v59, v20;
	v16 =	vadd.f32 v16, v19  }
0x2bf: {  	v38 =	vmul.f32 v35, v35;
	v35 =	vadd.f32 v35, v35;
	v61 =	vmul.f32 $1.428571490e-01, v36;
	v19 =	vld [tilespmem:s9+$0x6FF0]  }
0x2c0: {  	v62 =	vld [tilespmem:s28+$0xFFFFFF80];
	v37 =	vadd.f32 $2.000000030e-01, v60;
	v63 =	vmul.f32 $9.090909360e-02, v16;
	v16 =	vmax.f32 v32, $0.0e+00  }
0x2c1: {  	v17 =	vld [tilespmem:s9+$0x6FD0];
	v48 =	vmul.f32 $1.428571490e-01, v38;
	v39 =	vadd.f32 $2.000000030e-01, v61;
	v43 =	vadd.f32 $1.000000000e+00, v16  }
0x2c2: {  	v37 =	vmul.f32 v37, v34;
	v16 =	vor.u32 s10, v3;
	s10 =	sor.u32 $0x70, s8;
	v56 =	vsub.f32 v49, v18;
	[tilespmem:v29+s16+$0x0] =	vst.idx.msk $0xffff, v63  }
0x2c3: {  	v29 =	vadd.f32 $2.000000030e-01, v48;
	v51 =	vmul.f32 v39, v36;
	v52 =	vld [tilespmem:s10+$0x6000];
	v53 =	vand.u32 $0x7FFFFF, v43  }
0x2c4: {  	v37 =	vadd.f32 $3.333333430e-01, v37;
	v44 =	vsub.f32 v50, v19;
	v41 =	vor.u32 $0x3F800000, v53  }
0x2c5: {  	v40 =	vmax.f32 v56, $0.0e+00;
	v43 =	vshra.s32 v43, $0x17;
	v55 =	vadd.f32 $1.000000000e+00, v41  }
0x2c6: {  	v54 =	vmul.f32 v29, v38;
	v29 =	vmul.f32 $6.931471820e-01, v31;
	v31 =	vsub.f32 v62, v17  }
0x2c7: {  	v32 =	vadd.f32 $3.333333430e-01, v51;
	v58 =	vadd.f32 $1.000000000e+00, v40;
	(erf) = vrcp.f32 v55  }
0x2c8: {  	v34 =	vmul.f32 v37, v34;
	v31 =	vmax.f32 v31, $0.0e+00;
	v21 =	vsub.f32 v52, v21  }
0x2c9: {  	v43 =	vadd.s32 $0xFFFFFF81, v43;
	v59 =	vmax.f32 v44, $0.0e+00;
	v31 =	vadd.f32 $1.000000000e+00, v31  }
0x2ca: {  	v41 =	vadd.f32 $-1.000000000e+00, v41;
	v43 =	vcvt.s32.f32 v43;
	v21 =	vmax.f32 v21, $0.0e+00  }
0x2cb: {  	v57 =	vadd.f32 $3.333333430e-01, v54;
	v61 =	vand.u32 $0x7FFFFF, v31;
	v21 =	vadd.f32 $1.000000000e+00, v21  }
0x2cc: {  	v60 =	vadd.f32 $1.000000000e+00, v59;
	v62 =	vand.u32 $0x7FFFFF, v58;
	v63 =	vor.u32 $0x3F800000, v61  }
0x2cd: {  	v48 =	vor.u32 $0x3F800000, v62;
	v50 =	vadd.f32 $1.000000000e+00, v63;
	v51 =	vand.u32 $0x7FFFFF, v21  }
0x2ce: {  	v49 =	vand.u32 $0x7FFFFF, v60;
	v52 =	vadd.f32 $1.000000000e+00, v48;
	v46 =	vor.u32 $0x3F800000, v51  }
0x2cf: {  	v44 =	vor.u32 $0x3F800000, v49;
	(erf) = vrcp.f32 v50;
	v53 =	vadd.f32 $1.000000000e+00, v46  }
0x2d0: {  	v32 =	vmul.f32 v32, v36;
	v54 =	vadd.f32 $1.000000000e+00, v44;
	(erf) = vrcp.f32 v52;
	v55 =	vpop (erf)  }
0x2d1: {  	v39 =	vshra.s32 v58, $0x17;
	(erf) = vrcp.f32 v53;
	v41 =	vmul.f32 v55, v41  }
0x2d2: {  	v34 =	vadd.f32 $1.000000000e+00, v34;
	v43 =	vmul.f32 $6.931471820e-01, v43;
	(erf) = vrcp.f32 v54  }
0x2d3: {  	v39 =	vadd.s32 $0xFFFFFF81, v39;
	v38 =	vmul.f32 v57, v38;
	v56 =	vmul.f32 v41, v41  }
0x2d4: {  	v37 =	vshra.s32 v60, $0x17;
	v39 =	vcvt.s32.f32 v39;
	v32 =	vadd.f32 $1.000000000e+00, v32  }
0x2d5: {  	v31 =	vshra.s32 v31, $0x17;
	v37 =	vadd.s32 $0xFFFFFF81, v37;
	v57 =	vmul.f32 $1.428571490e-01, v56  }
0x2d6: {  	v6 =	vmul.f32 v34, v6;
	v31 =	vadd.s32 $0xFFFFFF81, v31;
	v37 =	vcvt.s32.f32 v37  }
0x2d7: {  	v39 =	vmul.f32 $6.931471820e-01, v39;
	v32 =	vmul.f32 v32, v33;
	v45 =	vadd.f32 $2.000000030e-01, v57  }
0x2d8: {  	v6 =	vadd.f32 v6, v30;
	v36 =	vadd.f32 $-1.000000000e+00, v63;
	v31 =	vcvt.s32.f32 v31;
	v58 =	vpop (erf)  }
0x2d9: {  	v40 =	vadd.f32 $-1.000000000e+00, v48;
	v37 =	vmul.f32 $6.931471820e-01, v37;
	v60 =	vpop (erf);
	v45 =	vmul.f32 v45, v56  }
0x2da: {  	v44 =	vadd.f32 $-1.000000000e+00, v44;
	v6 =	vmul.f32 $9.090909360e-02, v6;
	v59 =	vmul.f32 v58, v36;
	v62 =	vpop (erf)  }
0x2db: {  	v31 =	vmul.f32 $6.931471820e-01, v31;
	v61 =	vmul.f32 v60, v40;
	v51 =	vpop (erf);
	v45 =	vadd.f32 $3.333333430e-01, v45  }
0x2dc: {  	v38 =	vadd.f32 $1.000000000e+00, v38;
	v63 =	vmul.f32 v59, v59;
	v44 =	vmul.f32 v51, v44  }
0x2dd: {  	v29 =	vadd.f32 v32, v29;
	v52 =	vmul.f32 v61, v61;
	v42 =	vmul.f32 v45, v56  }
0x2de: {  	s21 =	simm.s32 $0x38;
	v46 =	vadd.f32 $-1.000000000e+00, v46;
	v54 =	vmul.f32 $1.428571490e-01, v63;
	v48 =	vmul.f32 v44, v44  }
0x2df: {  	s1 =	sand.u32 $0x78, s21;
	s20 =	simm.s32 $0x100;
	v41 =	vadd.f32 v41, v41;
	v49 =	vmul.f32 $1.428571490e-01, v52;
	v42 =	vadd.f32 $1.000000000e+00, v42  }
0x2e0: {  	s0 =	sand.u32 $0xC00, s20;
	v21 =	vshra.s32 v21, $0x17;
	v45 =	vadd.f32 $2.000000030e-01, v54;
	v50 =	vmul.f32 $1.428571490e-01, v48  }
0x2e1: {  	s29 =	sor.u32 s0, s1;
	v36 =	vmul.f32 v62, v46;
	v49 =	vadd.f32 $2.000000030e-01, v49;
	v41 =	vmul.f32 v42, v41  }
0x2e2: {  	v56 =	vor.u32 s29, v0;
	v45 =	vmul.f32 v45, v63;
	v50 =	vadd.f32 $2.000000030e-01, v50  }
0x2e3: {  	v53 =	vmul.f32 v36, v36;
	v49 =	vmul.f32 v49, v52;
	v41 =	vadd.f32 v41, v43  }
0x2e4: {  	v21 =	vadd.s32 $0xFFFFFF81, v21;
	v45 =	vadd.f32 $3.333333430e-01, v45;
	v50 =	vmul.f32 v50, v48  }
0x2e5: {  	v55 =	vmul.f32 $1.428571490e-01, v53;
	v49 =	vadd.f32 $3.333333430e-01, v49;
	v41 =	vmul.f32 $9.090909360e-02, v41  }
0x2e6: {  	s30 =	simm.s32 $0x1C0;
	s31 =	simm.s32 $0x20;
	v21 =	vcvt.s32.f32 v21;
	v30 =	vmul.f32 v45, v63;
	v57 =	vadd.f32 $3.333333430e-01, v50  }
0x2e7: {  	s22 =	sor.u32 $0x50, s30;
	s6 =	sand.u32 $0x60, s31;
	v34 =	vadd.f32 v59, v59;
	v42 =	vadd.f32 $2.000000030e-01, v55;
	v58 =	vmul.f32 v49, v52;
	[tilespmem:v56+s16+$0x0] =	vst.idx.msk $0xffff, v41  }
0x2e8: {  	s3 =	simm.s32 $0x28;
	s20 =	sor.u32 s6, s0;
	v33 =	vadd.f32 v61, v61;
	v30 =	vadd.f32 $1.000000000e+00, v30;
	v40 =	vmul.f32 v57, v48;
	v41 =	vld [tilespmem:s22+$0x6000]  }
0x2e9: {  	s1 =	sand.u32 $0x68, s3;
	v62 =	vor.u32 s20, v0;
	v42 =	vmul.f32 v42, v53;
	v59 =	vadd.f32 $1.000000000e+00, v58  }
0x2ea: {  	s9 =	simm.s32 $0x30;
	s1 =	sor.u32 s0, s1;
	v44 =	vadd.f32 v44, v44;
	v30 =	vmul.f32 v30, v34;
	v60 =	vadd.f32 $1.000000000e+00, v40  }
0x2eb: {  	v63 =	vor.u32 s1, v0;
	v42 =	vadd.f32 $3.333333430e-01, v42;
	s22 =	sand.u32 $0x70, s9;
	v33 =	vmul.f32 v59, v33  }
0x2ec: {  	v50 =	vmul.f32 $9.090909360e-02, v29;
	s10 =	sor.u32 s0, s22;
	v30 =	vadd.f32 v30, v31;
	v31 =	vmul.f32 v60, v44  }
0x2ed: {  	[tilespmem:v23+s16+$0x0] =	vst.idx.msk $0xffff, v6;
	v45 =	vor.u32 s10, v0;
	v33 =	vadd.f32 v33, v39;
	v46 =	vsub.f32 v41, v20  }
0x2ee: {  	v42 =	vmul.f32 v42, v53;
	v53 =	vld [tilespmem:s2+$0xFFFFFFB0];
	v30 =	vmul.f32 $9.090909360e-02, v30;
	v31 =	vadd.f32 v31, v37  }
0x2ef: {  	v36 =	vadd.f32 v36, v36;
	s9 =	sor.u32 $0x70, s7;
	[tilespmem:v22+s16+$0x0] =	vst.idx.msk $0xffff, v50;
	v33 =	vmul.f32 $9.090909360e-02, v33;
	v47 =	vmax.f32 v46, $0.0e+00  }
0x2f0: {  	v61 =	vadd.f32 $1.000000000e+00, v42;
	v34 =	vld [tilespmem:s9+$0x6000];
	[tilespmem:v62+s16+$0x0] =	vst.idx.msk $0xffff, v30;
	v30 =	vmul.f32 $9.090909360e-02, v31;
	v37 =	vadd.f32 $1.000000000e+00, v47  }
0x2f1: {  	v24 =	vmul.f32 $6.931471820e-01, v24;
	s3 =	simm.s32 $0x140;
	v38 =	vmul.f32 v38, v35;
	[tilespmem:v63+s16+$0x0] =	vst.idx.msk $0xffff, v33  }
0x2f2: {  	s6 =	sor.u32 $0x50, s3;
	v21 =	vmul.f32 $6.931471820e-01, v21;
	v36 =	vmul.f32 v61, v36;
	v48 =	vld [tilespmem:s28+$0xFFFFFF90];
	[tilespmem:v45+s16+$0x0] =	vst.idx.msk $0xffff, v30;
	v30 =	vand.u32 $0x7FFFFF, v37  }
0x2f3: {  	v23 =	vor.u32 s1, v2;
	v27 =	vsub.f32 v53, v27;
	v49 =	vld [tilespmem:s6+$0x6000];
	v52 =	vor.u32 $0x3F800000, v30  }
0x2f4: {  	v22 =	vor.u32 s20, v2;
	v21 =	vadd.f32 v36, v21;
	v6 =	vadd.f32 $1.000000000e+00, v52  }
0x2f5: {  	v29 =	vor.u32 s10, v1;
	v33 =	vor.u32 s5, v3;
	v26 =	vsub.f32 v34, v26;
	v51 =	vld [tilespmem:s28+$0x10]  }
0x2f6: {  	v27 =	vmax.f32 v27, $0.0e+00;
	v35 =	vmul.f32 $9.090909360e-02, v21;
	(erf) = vrcp.f32 v6  }
0x2f7: {  	v21 =	vadd.f32 v38, v24;
	v24 =	vor.u32 s10, v2;
	v32 =	vsub.f32 v48, v17  }
0x2f8: {  	v27 =	vadd.f32 $1.000000000e+00, v27;
	v26 =	vmax.f32 v26, $0.0e+00;
	v36 =	vsub.f32 v49, v18  }
0x2f9: {  	v31 =	vor.u32 s20, v1;
	v26 =	vadd.f32 $1.000000000e+00, v26;
	v32 =	vmax.f32 v32, $0.0e+00  }
0x2fa: {  	v32 =	vadd.f32 $1.000000000e+00, v32;
	v36 =	vmax.f32 v36, $0.0e+00;
	v39 =	vsub.f32 v51, v19  }
0x2fb: {  	v37 =	vshra.s32 v37, $0x17;
	v30 =	vor.u32 s1, v1;
	v36 =	vadd.f32 $1.000000000e+00, v36  }
0x2fc: {  	v6 =	vmul.f32 $9.090909360e-02, v21;
	v55 =	vand.u32 $0x7FFFFF, v32;
	v54 =	vmax.f32 v39, $0.0e+00  }
0x2fd: {  	v34 =	vor.u32 $0x3F800000, v55;
	v56 =	vand.u32 $0x7FFFFF, v36;
	v38 =	vadd.f32 $1.000000000e+00, v54  }
0x2fe: {  	v40 =	vadd.f32 $-1.000000000e+00, v52;
	v57 =	vadd.f32 $1.000000000e+00, v34;
	v39 =	vor.u32 $0x3F800000, v56  }
0x2ff: {  	[tilespmem:v28+s16+$0x0] =	vst.idx.msk $0xffff, v6;
	v6 =	vshra.s32 v36, $0x17;
	v59 =	vadd.f32 $1.000000000e+00, v39;
	v58 =	vand.u32 $0x7FFFFF, v38;
	v60 =	vpop (erf)  }
0x300: {  	(erf) = vrcp.f32 v57;
	v42 =	vor.u32 $0x3F800000, v58;
	v36 =	vmul.f32 v60, v40  }
0x301: {  	v44 =	vand.u32 $0x7FFFFF, v26;
	(erf) = vrcp.f32 v59;
	v28 =	vadd.f32 $1.000000000e+00, v42  }
0x302: {  	v37 =	vadd.s32 $0xFFFFFF81, v37;
	v26 =	vshra.s32 v26, $0x17;
	v61 =	vld [tilespmem:s2+$0x30];
	v62 =	vmul.f32 v36, v36  }
0x303: {  	v37 =	vcvt.s32.f32 v37;
	v44 =	vor.u32 $0x3F800000, v44;
	(erf) = vrcp.f32 v28  }
0x304: {  	v26 =	vadd.s32 $0xFFFFFF81, v26;
	v21 =	vor.u32 s20, v3;
	v48 =	vmul.f32 $1.428571490e-01, v62  }
0x305: {  	v37 =	vmul.f32 $6.931471820e-01, v37;
	v32 =	vshra.s32 v32, $0x17;
	v6 =	vadd.s32 $0xFFFFFF81, v6  }
0x306: {  	v34 =	vadd.f32 $-1.000000000e+00, v34;
	v6 =	vcvt.s32.f32 v6;
	v49 =	vadd.f32 $2.000000030e-01, v48  }
0x307: {  	v39 =	vadd.f32 $-1.000000000e+00, v39;
	v38 =	vshra.s32 v38, $0x17;
	v25 =	vsub.f32 v61, v25  }
0x308: {  	v6 =	vmul.f32 $6.931471820e-01, v6;
	v38 =	vadd.s32 $0xFFFFFF81, v38;
	v41 =	vmul.f32 v49, v62  }
0x309: {  	v63 =	vadd.f32 $-1.000000000e+00, v42;
	v38 =	vcvt.s32.f32 v38;
	v25 =	vmax.f32 v25, $0.0e+00;
	v50 =	vpop (erf)  }
0x30a: {  	v43 =	vadd.f32 $1.000000000e+00, v25;
	v25 =	vmul.f32 v50, v34;
	v51 =	vpop (erf);
	v52 =	vadd.f32 $3.333333430e-01, v41  }
0x30b: {  	v42 =	vand.u32 $0x7FFFFF, v27;
	v27 =	vshra.s32 v27, $0x17;
	v34 =	vmul.f32 v51, v39  }
0x30c: {  	v28 =	vadd.s32 $0xFFFFFF81, v32;
	v55 =	vmul.f32 v25, v25;
	v53 =	vpop (erf);
	v32 =	vmul.f32 v52, v62  }
0x30d: {  	v42 =	vor.u32 $0x3F800000, v42;
	v56 =	vmul.f32 v34, v34;
	v40 =	vmul.f32 v53, v63  }
0x30e: {  	v36 =	vadd.f32 v36, v36;
	v57 =	vmul.f32 $1.428571490e-01, v55;
	v32 =	vadd.f32 $1.000000000e+00, v32  }
0x30f: {  	v27 =	vadd.s32 $0xFFFFFF81, v27;
	v59 =	vmul.f32 $1.428571490e-01, v56;
	v58 =	vmul.f32 v40, v40  }
0x310: {  	v38 =	vmul.f32 $6.931471820e-01, v38;
	v39 =	vadd.f32 $2.000000030e-01, v57;
	v32 =	vmul.f32 v32, v36  }
0x311: {  	v63 =	vor.u32 s29, v1;
	v61 =	vadd.f32 $2.000000030e-01, v59;
	v60 =	vmul.f32 $1.428571490e-01, v58  }
0x312: {  	v27 =	vcvt.s32.f32 v27;
	v39 =	vmul.f32 v39, v55;
	v32 =	vadd.f32 v32, v37  }
0x313: {  	v28 =	vcvt.s32.f32 v28;
	v36 =	vmul.f32 v61, v56;
	v62 =	vadd.f32 $2.000000030e-01, v60  }
0x314: {  	v54 =	vand.u32 $0x7FFFFF, v43;
	v39 =	vadd.f32 $3.333333430e-01, v39;
	v32 =	vmul.f32 $9.090909360e-02, v32  }
0x315: {  	v28 =	vmul.f32 $6.931471820e-01, v28;
	v36 =	vadd.f32 $3.333333430e-01, v36;
	v51 =	vmul.f32 v62, v58  }
0x316: {  	s21 =	sor.u32 $0x60, s30;
	v45 =	vor.u32 $0x3F800000, v54;
	v52 =	vadd.f32 $1.000000000e+00, v42;
	v39 =	vmul.f32 v39, v55;
	[tilespmem:v63+s16+$0x0] =	vst.idx.msk $0xffff, v32  }
0x317: {  	v25 =	vadd.f32 v25, v25;
	v36 =	vmul.f32 v36, v56;
	v37 =	vadd.f32 $3.333333430e-01, v51;
	v54 =	vld [tilespmem:s21+$0x6000]  }
0x318: {  	v34 =	vadd.f32 v34, v34;
	(erf) = vrcp.f32 v52;
	v39 =	vadd.f32 $1.000000000e+00, v39  }
0x319: {  	v53 =	vadd.f32 $1.000000000e+00, v44;
	v56 =	vadd.f32 $1.000000000e+00, v36;
	v37 =	vmul.f32 v37, v58  }
0x31a: {  	v40 =	vadd.f32 v40, v40;
	v55 =	vadd.f32 $1.000000000e+00, v45;
	v58 =	vmul.f32 v39, v25  }
0x31b: {  	(erf) = vrcp.f32 v53;
	v32 =	vmul.f32 v56, v34;
	v57 =	vadd.f32 $1.000000000e+00, v37  }
0x31c: {  	(erf) = vrcp.f32 v55;
	v28 =	vadd.f32 v58, v28;
	v62 =	vsub.f32 v54, v20  }
0x31d: {  	v41 =	vshra.s32 v43, $0x17;
	v6 =	vadd.f32 v32, v6;
	v60 =	vmul.f32 v57, v40  }
0x31e: {  	v59 =	vadd.f32 $-1.000000000e+00, v44;
	v28 =	vmul.f32 $9.090909360e-02, v28;
	v40 =	vmax.f32 v62, $0.0e+00  }
0x31f: {  	v6 =	vmul.f32 $9.090909360e-02, v6;
	v63 =	vadd.f32 v60, v38;
	v44 =	vadd.f32 $1.000000000e+00, v40  }
0x320: {  	v42 =	vadd.f32 $-1.000000000e+00, v42;
	v61 =	vadd.f32 $-1.000000000e+00, v45;
	v25 =	vor.u32 s1, v3;
	[tilespmem:v31+s16+$0x0] =	vst.idx.msk $0xffff, v28  }
0x321: {  	v28 =	vadd.s32 $0xFFFFFF81, v41;
	v48 =	vld [tilespmem:s28+$0xFFFFFFA0];
	[tilespmem:v30+s16+$0x0] =	vst.idx.msk $0xffff, v6;
	v30 =	vpop (erf);
	v32 =	vmul.f32 $9.090909360e-02, v63;
	v6 =	vand.u32 $0x7FFFFF, v44  }
0x322: {  	s22 =	sor.u32 $0x60, s3;
	v41 =	vcvt.s32.f32 v26;
	v30 =	vmul.f32 v30, v42;
	v6 =	vor.u32 $0x3F800000, v6  }
0x323: {  	v31 =	vmul.f32 $6.931471820e-01, v27;
	v26 =	vor.u32 s10, v3;
	v49 =	vld [tilespmem:s22+$0x6000];
	[tilespmem:v29+s16+$0x0] =	vst.idx.msk $0xffff, v32;
	v50 =	vadd.f32 $1.000000000e+00, v6  }
0x324: {  	v29 =	vcvt.s32.f32 v28;
	v28 =	vpop (erf);
	v43 =	vmul.f32 v30, v30;
	v34 =	vadd.f32 v30, v30;
	v51 =	vld [tilespmem:s28+$0x20]  }
0x325: {  	v44 =	vshra.s32 v44, $0x17;
	v27 =	vmul.f32 v28, v59;
	v28 =	vpop (erf);
	(erf) = vrcp.f32 v50  }
0x326: {  	v44 =	vadd.s32 $0xFFFFFF81, v44;
	v28 =	vmul.f32 v28, v61;
	v30 =	vsub.f32 v48, v17  }
0x327: {  	v52 =	vmul.f32 $1.428571490e-01, v43;
	v6 =	vadd.f32 $-1.000000000e+00, v6;
	v29 =	vmul.f32 $6.931471820e-01, v29  }
0x328: {  	[tilespmem:v33+s16+$0x0] =	vst.idx.msk $0xffff, v35;
	v33 =	vcvt.s32.f32 v44;
	v38 =	vmul.f32 v27, v27;
	v53 =	vsub.f32 v49, v18  }
0x329: {  	v27 =	vadd.f32 v27, v27;
	v30 =	vmax.f32 v30, $0.0e+00;
	v55 =	vsub.f32 v51, v19  }
0x32a: {  	v39 =	vmul.f32 v28, v28;
	v30 =	vadd.f32 $1.000000000e+00, v30;
	v36 =	vmax.f32 v53, $0.0e+00  }
0x32b: {  	v28 =	vadd.f32 v28, v28;
	v36 =	vadd.f32 $1.000000000e+00, v36;
	v40 =	vmax.f32 v55, $0.0e+00  }
0x32c: {  	v54 =	vmul.f32 $1.428571490e-01, v38;
	v56 =	vand.u32 $0x7FFFFF, v30;
	v40 =	vadd.f32 $1.000000000e+00, v40  }
0x32d: {  	v37 =	vor.u32 $0x3F800000, v56;
	v57 =	vshra.s32 v36, $0x17;
	v36 =	vand.u32 $0x7FFFFF, v36  }
0x32e: {  	v36 =	vor.u32 $0x3F800000, v36;
	v59 =	vadd.f32 $1.000000000e+00, v37;
	v58 =	vand.u32 $0x7FFFFF, v40;
	v60 =	vpop (erf)  }
0x32f: {  	v61 =	vadd.f32 $1.000000000e+00, v36;
	v47 =	vor.u32 $0x3F800000, v58;
	v6 =	vmul.f32 v60, v6  }
0x330: {  	v42 =	vmul.f32 $1.428571490e-01, v39;
	(erf) = vrcp.f32 v59;
	v62 =	vadd.f32 $1.000000000e+00, v47  }
0x331: {  	v30 =	vshra.s32 v30, $0x17;
	(erf) = vrcp.f32 v61;
	v63 =	vmul.f32 v6, v6  }
0x332: {  	v45 =	vadd.f32 $2.000000030e-01, v54;
	v30 =	vadd.s32 $0xFFFFFF81, v30;
	(erf) = vrcp.f32 v62  }
0x333: {  	v30 =	vcvt.s32.f32 v30;
	v40 =	vshra.s32 v40, $0x17;
	v54 =	vmul.f32 $1.428571490e-01, v63  }
0x334: {  	v32 =	vadd.f32 $2.000000030e-01, v52;
	v42 =	vadd.f32 $2.000000030e-01, v42;
	v40 =	vadd.s32 $0xFFFFFF81, v40  }
0x335: {  	v56 =	vcvt.s32.f32 v40;
	v40 =	vmul.f32 $6.931471820e-01, v30;
	v30 =	vadd.f32 $2.000000030e-01, v54  }
0x336: {  	v46 =	vadd.s32 $0xFFFFFF81, v57;
	v57 =	vmul.f32 v32, v43;
	v45 =	vmul.f32 v45, v38  }
0x337: {  	v49 =	vadd.f32 $-1.000000000e+00, v37;
	v55 =	vcvt.s32.f32 v46;
	v58 =	vmul.f32 v30, v63  }
0x338: {  	v51 =	vadd.f32 $-1.000000000e+00, v36;
	v42 =	vmul.f32 v42, v39;
	v59 =	vadd.f32 $3.333333430e-01, v57  }
0x339: {  	v37 =	vmul.f32 $6.931471820e-01, v55;
	v32 =	vmul.f32 $6.931471820e-01, v56;
	v61 =	vpop (erf);
	v60 =	vadd.f32 $3.333333430e-01, v58  }
0x33a: {  	v47 =	vadd.f32 $-1.000000000e+00, v47;
	v36 =	vmul.f32 v61, v49;
	v62 =	vpop (erf);
	v30 =	vmul.f32 $6.931471820e-01, v41  }
0x33b: {  	v42 =	vadd.f32 $3.333333430e-01, v42;
	v41 =	vmul.f32 v59, v43;
	v48 =	vmul.f32 v60, v63;
	v63 =	vpop (erf)  }
0x33c: {  	s8 =	simm.s32 $0x6280;
	v43 =	vadd.f32 $3.333333430e-01, v45;
	v45 =	vmul.f32 v62, v51;
	v47 =	vmul.f32 v63, v47  }
0x33d: {  	s7 =	simm.s32 $0x2C0;
	s5 =	simm.s32 $0x4;
	s2 =	sor.u32 $0x70, s3;
	v46 =	vmul.f32 v36, v36;
	v35 =	vadd.f32 $1.000000000e+00, v48;
	v48 =	vadd.f32 v6, v6  }
.LBB2_5:
0x33e: {  	s0 =	sshra.s32 s7, $0x2;
	s1 =	sadd.s32 $0xFFFFFF80, s7;
	v6 =	vld [tilespmem:s8+$0x40];
	v44 =	vadd.f32 v36, v36;
	v49 =	vmul.f32 v45, v45;
	v50 =	vmul.f32 v47, v47  }
0x33f: {  	s5 =	sadd.s32 $0x4, s5;
	v45 =	vadd.f32 v45, v45;
	s21 =	sor.u32 $0x50, s1;
	s10 =	sor.u32 $0x60, s1;
	v51 =	vld [tilespmem:s0+$0x7000];
	v33 =	vmul.f32 $6.931471820e-01, v33;
	v48 =	vmul.f32 v35, v48  }
0x340: {  	v52 =	vmul.f32 $1.428571490e-01, v46;
	v54 =	vor.u32 s29, v2;
	s20 =	sor.u32 $0x70, s1;
	p1 =	slt.u32 s5, $0x3C;
	v35 =	vld [tilespmem:s0+$0x6FD0];
	v53 =	vmul.f32 $1.428571490e-01, v49  }
0x341: {  	v47 =	vadd.f32 v47, v47;
	v55 =	vmul.f32 $1.428571490e-01, v50;
	v36 =	vld [tilespmem:s0+$0x6FE0];
	v48 =	vadd.f32 v48, v33  }
0x342: {  	v38 =	vmul.f32 v43, v38;
	v52 =	vadd.f32 $2.000000030e-01, v52;
	v33 =	vld [tilespmem:s0+$0x6FF0];
	v53 =	vadd.f32 $2.000000030e-01, v53  }
0x343: {  	v39 =	vmul.f32 v42, v39;
	v55 =	vadd.f32 $2.000000030e-01, v55;
	v43 =	vld [tilespmem:s8+$0xFFFFFF80];
	v48 =	vmul.f32 $9.090909360e-02, v48  }
0x344: {  	v52 =	vmul.f32 v52, v46;
	v42 =	vld [tilespmem:s8+$0xFFFFFFC0];
	v6 =	vsub.f32 v6, v51;
	v53 =	vmul.f32 v53, v49  }
0x345: {  	v41 =	vadd.f32 $1.000000000e+00, v41;
	v38 =	vadd.f32 $1.000000000e+00, v38;
	s0 =	sor.u32 $0x70, s30;
	s30 =	smov.u32 s7;
	v55 =	vmul.f32 v55, v50;
	v56 =	vld [tilespmem:s8+$0x0];
	[tilespmem:v54+s16+$0x0] =	vst.idx.msk $0xffff, v48  }
0x346: {  	v48 =	vadd.f32 $3.333333430e-01, v52;
	v6 =	vmax.f32 v6, $0.0e+00;
	v52 =	vadd.f32 $3.333333430e-01, v53;
	v53 =	vld [tilespmem:s0+$0x6000]  }
0x347: {  	v41 =	vmul.f32 v41, v34;
	v54 =	vadd.f32 $3.333333430e-01, v55;
	v6 =	vadd.f32 $1.000000000e+00, v6  }
0x348: {  	v34 =	vsub.f32 v43, v35;
	v43 =	vmul.f32 v48, v46;
	v46 =	vmul.f32 v52, v49  }
0x349: {  	v49 =	vmul.f32 v54, v50;
	v42 =	vsub.f32 v42, v36;
	v48 =	vand.u32 $0x7FFFFF, v6  }
0x34a: {  	v34 =	vmax.f32 v34, $0.0e+00;
	v50 =	vsub.f32 v56, v33;
	v48 =	vor.u32 $0x3F800000, v48  }
0x34b: {  	v42 =	vmax.f32 v42, $0.0e+00;
	v52 =	vadd.f32 $1.000000000e+00, v48;
	v53 =	vsub.f32 v53, v20;
	v20 =	vmovc v51  }
0x34c: {  	v51 =	vadd.f32 $1.000000000e+00, v34;
	v42 =	vadd.f32 $1.000000000e+00, v42;
	v34 =	vmax.f32 v50, $0.0e+00  }
0x34d: {  	v50 =	vadd.f32 $1.000000000e+00, v34;
	(erf) = vrcp.f32 v52;
	v34 =	vmax.f32 v53, $0.0e+00  }
0x34e: {  	v52 =	vand.u32 $0x7FFFFF, v51;
	v53 =	vand.u32 $0x7FFFFF, v42;
	v34 =	vadd.f32 $1.000000000e+00, v34  }
0x34f: {  	v52 =	vor.u32 $0x3F800000, v52;
	v53 =	vor.u32 $0x3F800000, v53;
	v54 =	vand.u32 $0x7FFFFF, v50  }
0x350: {  	v55 =	vadd.f32 $1.000000000e+00, v52;
	v54 =	vor.u32 $0x3F800000, v54;
	v56 =	vand.u32 $0x7FFFFF, v34  }
0x351: {  	v57 =	vadd.f32 $1.000000000e+00, v53;
	v58 =	vadd.f32 $1.000000000e+00, v54;
	v56 =	vor.u32 $0x3F800000, v56  }
0x352: {  	v52 =	vadd.f32 $-1.000000000e+00, v52;
	(erf) = vrcp.f32 v55;
	v55 =	vadd.f32 $1.000000000e+00, v56  }
0x353: {  	v53 =	vadd.f32 $-1.000000000e+00, v53;
	v54 =	vadd.f32 $-1.000000000e+00, v54;
	(erf) = vrcp.f32 v57  }
0x354: {  	v51 =	vshra.s32 v51, $0x17;
	v42 =	vshra.s32 v42, $0x17;
	(erf) = vrcp.f32 v55  }
0x355: {  	v48 =	vadd.f32 $-1.000000000e+00, v48;
	v50 =	vshra.s32 v50, $0x17;
	(erf) = vrcp.f32 v58  }
0x356: {  	v51 =	vadd.s32 $0xFFFFFF81, v51;
	v42 =	vadd.s32 $0xFFFFFF81, v42;
	v50 =	vadd.s32 $0xFFFFFF81, v50;
	v55 =	vpop (erf)  }
0x357: {  	v43 =	vadd.f32 $1.000000000e+00, v43;
	v51 =	vcvt.s32.f32 v51;
	v48 =	vmul.f32 v55, v48  }
0x358: {  	v46 =	vadd.f32 $1.000000000e+00, v46;
	v42 =	vcvt.s32.f32 v42;
	v50 =	vcvt.s32.f32 v50  }
0x359: {  	v49 =	vadd.f32 $1.000000000e+00, v49;
	v51 =	vmul.f32 $6.931471820e-01, v51;
	v55 =	vmul.f32 v48, v48  }
0x35a: {  	v39 =	vadd.f32 $1.000000000e+00, v39;
	v57 =	vmul.f32 $6.931471820e-01, v42;
	v42 =	vmul.f32 $6.931471820e-01, v50  }
0x35b: {  	v41 =	vadd.f32 v41, v31;
	v43 =	vmul.f32 v43, v44;
	v50 =	vmul.f32 $1.428571490e-01, v55;
	v58 =	vpop (erf)  }
0x35c: {  	v45 =	vmul.f32 v46, v45;
	v46 =	vadd.f32 $-1.000000000e+00, v56;
	v31 =	vmul.f32 v58, v52;
	v44 =	vpop (erf)  }
0x35d: {  	v47 =	vmul.f32 v49, v47;
	v44 =	vmul.f32 v44, v53;
	v50 =	vadd.f32 $2.000000030e-01, v50;
	v49 =	vpop (erf)  }
0x35e: {  	v52 =	vmul.f32 v31, v31;
	v31 =	vadd.f32 v31, v31;
	v53 =	vpop (erf);
	v46 =	vmul.f32 v49, v46  }
0x35f: {  	v49 =	vadd.f32 v44, v44;
	v53 =	vmul.f32 v53, v54;
	v50 =	vmul.f32 v50, v55  }
0x360: {  	v40 =	vadd.f32 v43, v40;
	v44 =	vmul.f32 v44, v44;
	v43 =	vmul.f32 v46, v46  }
0x361: {  	v54 =	vmul.f32 $1.428571490e-01, v52;
	v56 =	vmul.f32 v53, v53;
	v50 =	vadd.f32 $3.333333430e-01, v50  }
0x362: {  	v58 =	vmul.f32 $1.428571490e-01, v44;
	v53 =	vadd.f32 v53, v53;
	v59 =	vmul.f32 $1.428571490e-01, v43  }
0x363: {  	v6 =	vshra.s32 v6, $0x17;
	v60 =	vmul.f32 $1.428571490e-01, v56;
	v50 =	vmul.f32 v50, v55  }
0x364: {  	v6 =	vadd.s32 $0xFFFFFF81, v6;
	v54 =	vadd.f32 $2.000000030e-01, v54;
	v55 =	vadd.f32 $2.000000030e-01, v59  }
0x365: {  	s31 =	sadd.s32 $0x20, s31;
	v6 =	vcvt.s32.f32 v6;
	v48 =	vadd.f32 v48, v48;
	v50 =	vadd.f32 $1.000000000e+00, v50  }
0x366: {  	s1 =	sadd.s32 $0x8, s31;
	s22 =	sadd.s32 $0x18, s31;
	s0 =	sadd.s32 $0xFFFFFF40, s7;
	v58 =	vadd.f32 $2.000000030e-01, v58;
	v59 =	vadd.f32 $2.000000030e-01, v60;
	v55 =	vmul.f32 v55, v43  }
0x367: {  	s22 =	sand.u32 $0x78, s22;
	s3 =	sand.u32 $0xC00, s0;
	s0 =	sadd.s32 $0x10, s31;
	v6 =	vmul.f32 $6.931471820e-01, v6;
	v45 =	vadd.f32 v45, v37;
	v48 =	vmul.f32 v50, v48  }
0x368: {  	s1 =	sand.u32 $0x68, s1;
	s0 =	sand.u32 $0x70, s0;
	s6 =	sor.u32 s3, s22;
	v37 =	vmul.f32 v54, v52;
	v50 =	vmul.f32 v58, v44;
	v54 =	vadd.f32 $3.333333430e-01, v55  }
0x369: {  	s9 =	sand.u32 $0x60, s31;
	s22 =	sor.u32 s3, s1;
	s0 =	sor.u32 s3, s0;
	v58 =	vor.u32 s6, v0;
	v55 =	vmul.f32 v59, v56;
	v6 =	vadd.f32 v48, v6  }
0x36a: {  	s1 =	sor.u32 s9, s3;
	v34 =	vshra.s32 v34, $0x17;
	v37 =	vadd.f32 $3.333333430e-01, v37;
	v43 =	vmul.f32 v54, v43  }
0x36b: {  	v34 =	vadd.s32 $0xFFFFFF81, v34;
	v48 =	vadd.f32 $3.333333430e-01, v50;
	v6 =	vmul.f32 $9.090909360e-02, v6  }
0x36c: {  	v34 =	vcvt.s32.f32 v34;
	v46 =	vadd.f32 v46, v46;
	v43 =	vadd.f32 $1.000000000e+00, v43  }
0x36d: {  	v37 =	vmul.f32 v37, v52;
	v44 =	vmul.f32 v48, v44;
	v48 =	vadd.f32 $3.333333430e-01, v55  }
0x36e: {  	s3 =	sor.u32 $0x50, s7;
	v50 =	vor.u32 s1, v0;
	[tilespmem:v58+s16+$0x0] =	vst.idx.msk $0xffff, v6;
	v6 =	vmul.f32 $6.931471820e-01, v34;
	v34 =	vmul.f32 v43, v46  }
0x36f: {  	v37 =	vadd.f32 $1.000000000e+00, v37;
	v43 =	vmul.f32 v48, v56;
	v48 =	vor.u32 s29, v3;
	s29 =	smov.u32 s6;
	v46 =	vld [tilespmem:s3+$0x6000]  }
0x370: {  	v52 =	vor.u32 s22, v0;
	v44 =	vadd.f32 $1.000000000e+00, v44;
	v6 =	vadd.f32 v34, v6  }
0x371: {  	v54 =	vor.u32 s0, v0;
	v31 =	vmul.f32 v37, v31;
	v43 =	vadd.f32 $1.000000000e+00, v43  }
0x372: {  	v37 =	vor.u32 s1, v1;
	v44 =	vmul.f32 v44, v49;
	v6 =	vmul.f32 $9.090909360e-02, v6  }
0x373: {  	v49 =	vadd.f32 v31, v51;
	v34 =	vor.u32 s22, v1;
	v43 =	vmul.f32 v43, v53  }
0x374: {  	v31 =	vor.u32 s0, v1;
	v44 =	vadd.f32 v44, v57;
	v46 =	vsub.f32 v46, v20;
	[tilespmem:v48+s16+$0x0] =	vst.idx.msk $0xffff, v6  }
0x375: {  	v6 =	vmul.f32 $9.090909360e-02, v49;
	v42 =	vadd.f32 v43, v42;
	v43 =	vadd.f32 v47, v32  }
0x376: {  	v40 =	vmul.f32 $9.090909360e-02, v40;
	v44 =	vmul.f32 $9.090909360e-02, v44;
	v32 =	vmax.f32 v46, $0.0e+00  }
0x377: {  	[tilespmem:v50+s16+$0x0] =	vst.idx.msk $0xffff, v6;
	v6 =	vmul.f32 $9.090909360e-02, v42;
	v32 =	vadd.f32 $1.000000000e+00, v32;
	v42 =	vmul.f32 $9.090909360e-02, v45  }
0x378: {  	v46 =	vor.u32 s1, v2;
	v43 =	vmul.f32 $9.090909360e-02, v43;
	v45 =	vld [tilespmem:s8+$0xFFFFFF90];
	[tilespmem:v52+s16+$0x0] =	vst.idx.msk $0xffff, v44;
	v44 =	vor.u32 s22, v2  }
0x379: {  	v27 =	vmul.f32 v38, v27;
	v47 =	vld [tilespmem:s21+$0x6000];
	[tilespmem:v54+s16+$0x0] =	vst.idx.msk $0xffff, v6;
	v6 =	vor.u32 s0, v2;
	v48 =	vand.u32 $0x7FFFFF, v32  }
0x37a: {  	v28 =	vmul.f32 v39, v28;
	v38 =	vld [tilespmem:s8+$0x10];
	v48 =	vor.u32 $0x3F800000, v48;
	[tilespmem:v22+s16+$0x0] =	vst.idx.msk $0xffff, v40;
	v40 =	vmul.f32 $9.090909360e-02, v41;
	v22 =	vmovc v46  }
0x37b: {  	v27 =	vadd.f32 v27, v30;
	v39 =	vor.u32 s1, v3;
	v41 =	vadd.f32 $1.000000000e+00, v48;
	v46 =	vld [tilespmem:s28+$0xFFFFFFB0];
	[tilespmem:v23+s16+$0x0] =	vst.idx.msk $0xffff, v42;
	v23 =	vmovc v44  }
0x37c: {  	v28 =	vadd.f32 v28, v29;
	v30 =	vor.u32 s22, v3;
	v42 =	vor.u32 s0, v3;
	v44 =	vld [tilespmem:s2+$0x6000];
	[tilespmem:v24+s16+$0x0] =	vst.idx.msk $0xffff, v43;
	v24 =	vmovc v6;
	s2 =	smov.u32 s20  }
0x37d: {  	v27 =	vmul.f32 $9.090909360e-02, v27;
	v6 =	vsub.f32 v45, v35;
	(erf) = vrcp.f32 v41;
	v29 =	vld [tilespmem:s28+$0x30];
	[tilespmem:v14+s16+$0x0] =	vst.idx.msk $0xffff, v40;
	v14 =	vmovc v21;
	s28 =	smov.u32 s8  }
0x37e: {  	v28 =	vmul.f32 $9.090909360e-02, v28;
	v21 =	vmov v39;
	v40 =	vsub.f32 v47, v36  }
0x37f: {  	v6 =	vmax.f32 v6, $0.0e+00;
	v38 =	vsub.f32 v38, v33;
	[tilespmem:v15+s16+$0x0] =	vst.idx.msk $0xffff, v27;
	v15 =	vmovc v25;
	v25 =	vmov v30  }
0x380: {  	v6 =	vadd.f32 $1.000000000e+00, v6;
	v27 =	vmax.f32 v40, $0.0e+00;
	v30 =	vsub.f32 v46, v17;
	[tilespmem:v16+s16+$0x0] =	vst.idx.msk $0xffff, v28;
	v17 =	vmovc v35  }
0x381: {  	v16 =	vmovc v26;
	v27 =	vadd.f32 $1.000000000e+00, v27;
	v28 =	vmax.f32 v38, $0.0e+00;
	v35 =	vsub.f32 v44, v18;
	v18 =	vmovc v36  }
0x382: {  	v26 =	vmovc v42;
	v36 =	vshra.s32 v6, $0x17;
	v6 =	vand.u32 $0x7FFFFF, v6;
	v28 =	vadd.f32 $1.000000000e+00, v28  }
0x383: {  	v6 =	vor.u32 $0x3F800000, v6;
	v38 =	vshra.s32 v27, $0x17;
	v27 =	vand.u32 $0x7FFFFF, v27  }
0x384: {  	v44 =	vadd.f32 $1.000000000e+00, v6;
	v27 =	vor.u32 $0x3F800000, v27;
	v40 =	vand.u32 $0x7FFFFF, v28  }
0x385: {  	v42 =	vadd.f32 $-1.000000000e+00, v48;
	v41 =	vadd.f32 $1.000000000e+00, v27;
	v40 =	vor.u32 $0x3F800000, v40  }
0x386: {  	v6 =	vadd.f32 $-1.000000000e+00, v6;
	v43 =	vadd.f32 $1.000000000e+00, v40;
	(erf) = vrcp.f32 v44;
	v39 =	vpop (erf)  }
0x387: {  	v27 =	vadd.f32 $-1.000000000e+00, v27;
	v39 =	vmul.f32 v39, v42;
	(erf) = vrcp.f32 v41  }
0x388: {  	v28 =	vshra.s32 v28, $0x17;
	v40 =	vadd.f32 $-1.000000000e+00, v40;
	(erf) = vrcp.f32 v43  }
0x389: {  	v36 =	vadd.s32 $0xFFFFFF81, v36;
	v38 =	vadd.s32 $0xFFFFFF81, v38;
	v41 =	vmul.f32 v39, v39  }
0x38a: {  	v36 =	vcvt.s32.f32 v36;
	v38 =	vcvt.s32.f32 v38;
	v28 =	vadd.s32 $0xFFFFFF81, v28  }
0x38b: {  	v29 =	vsub.f32 v29, v19;
	v19 =	vmovc v33;
	v28 =	vcvt.s32.f32 v28;
	v42 =	vmul.f32 $1.428571490e-01, v41  }
0x38c: {  	v30 =	vmax.f32 v30, $0.0e+00;
	v33 =	vmul.f32 $6.931471820e-01, v36;
	v36 =	vmul.f32 $6.931471820e-01, v38  }
0x38d: {  	v35 =	vmax.f32 v35, $0.0e+00;
	v28 =	vmul.f32 $6.931471820e-01, v28;
	v38 =	vadd.f32 $2.000000030e-01, v42  }
0x38e: {  	v30 =	vadd.f32 $1.000000000e+00, v30;
	v35 =	vadd.f32 $1.000000000e+00, v35;
	v29 =	vmax.f32 v29, $0.0e+00  }
0x38f: {  	v29 =	vadd.f32 $1.000000000e+00, v29;
	v38 =	vmul.f32 v38, v41;
	v42 =	vpop (erf)  }
0x390: {  	v44 =	vand.u32 $0x7FFFFF, v35;
	v43 =	vand.u32 $0x7FFFFF, v30;
	v6 =	vmul.f32 v42, v6;
	v42 =	vpop (erf)  }
0x391: {  	v45 =	vand.u32 $0x7FFFFF, v29;
	v27 =	vmul.f32 v42, v27;
	v38 =	vadd.f32 $3.333333430e-01, v38;
	v42 =	vpop (erf)  }
0x392: {  	v46 =	vmul.f32 v6, v6;
	v6 =	vadd.f32 v6, v6;
	v40 =	vmul.f32 v42, v40  }
0x393: {  	v32 =	vshra.s32 v32, $0x17;
	v42 =	vmul.f32 v27, v27;
	v38 =	vmul.f32 v38, v41  }
0x394: {  	v32 =	vadd.s32 $0xFFFFFF81, v32;
	v41 =	vmul.f32 $1.428571490e-01, v46;
	v47 =	vmul.f32 v40, v40  }
0x395: {  	v32 =	vcvt.s32.f32 v32;
	v39 =	vadd.f32 v39, v39;
	v38 =	vadd.f32 $1.000000000e+00, v38  }
0x396: {  	v48 =	vmul.f32 $1.428571490e-01, v42;
	v41 =	vadd.f32 $2.000000030e-01, v41;
	v49 =	vmul.f32 $1.428571490e-01, v47  }
0x397: {  	v32 =	vmul.f32 $6.931471820e-01, v32;
	v27 =	vadd.f32 v27, v27;
	v38 =	vmul.f32 v38, v39  }
0x398: {  	v39 =	vadd.f32 $2.000000030e-01, v48;
	v48 =	vadd.f32 $2.000000030e-01, v49;
	v49 =	vor.u32 s29, v1  }
0x399: {  	v40 =	vadd.f32 v40, v40;
	v41 =	vmul.f32 v41, v46;
	v32 =	vadd.f32 v38, v32  }
0x39a: {  	v43 =	vor.u32 $0x3F800000, v43;
	v38 =	vmul.f32 v39, v42;
	v39 =	vmul.f32 v48, v47  }
0x39b: {  	v44 =	vor.u32 $0x3F800000, v44;
	v41 =	vadd.f32 $3.333333430e-01, v41;
	v32 =	vmul.f32 $9.090909360e-02, v32  }
0x39c: {  	v45 =	vor.u32 $0x3F800000, v45;
	v38 =	vadd.f32 $3.333333430e-01, v38;
	v39 =	vadd.f32 $3.333333430e-01, v39  }
0x39d: {  	s0 =	sor.u32 $0x60, s7;
	v41 =	vmul.f32 v41, v46;
	v46 =	vadd.f32 $1.000000000e+00, v44;
	[tilespmem:v49+s16+$0x0] =	vst.idx.msk $0xffff, v32;
	v32 =	vadd.f32 $1.000000000e+00, v43  }
0x39e: {  	v38 =	vmul.f32 v38, v42;
	v39 =	vmul.f32 v39, v47;
	v42 =	vld [tilespmem:s0+$0x6000];
	v47 =	vadd.f32 $1.000000000e+00, v45  }
0x39f: {  	v43 =	vadd.f32 $-1.000000000e+00, v43;
	v41 =	vadd.f32 $1.000000000e+00, v41;
	(erf) = vrcp.f32 v32  }
0x3a0: {  	v32 =	vadd.f32 $1.000000000e+00, v38;
	v38 =	vadd.f32 $1.000000000e+00, v39;
	(erf) = vrcp.f32 v46  }
0x3a1: {  	v6 =	vmul.f32 v41, v6;
	v39 =	vadd.f32 $-1.000000000e+00, v44;
	(erf) = vrcp.f32 v47  }
0x3a2: {  	v27 =	vmul.f32 v32, v27;
	v32 =	vmul.f32 v38, v40;
	v38 =	vadd.f32 $-1.000000000e+00, v45  }
0x3a3: {  	v30 =	vshra.s32 v30, $0x17;
	v6 =	vadd.f32 v6, v33;
	v33 =	vsub.f32 v42, v20  }
0x3a4: {  	v27 =	vadd.f32 v27, v36;
	v28 =	vadd.f32 v32, v28;
	v32 =	vshra.s32 v35, $0x17  }
0x3a5: {  	v29 =	vshra.s32 v29, $0x17;
	v6 =	vmul.f32 $9.090909360e-02, v6;
	v33 =	vmax.f32 v33, $0.0e+00  }
0x3a6: {  	v27 =	vmul.f32 $9.090909360e-02, v27;
	v40 =	vmul.f32 $9.090909360e-02, v28;
	v33 =	vadd.f32 $1.000000000e+00, v33  }
0x3a7: {  	v29 =	vadd.s32 $0xFFFFFF81, v29;
	[tilespmem:v37+s16+$0x0] =	vst.idx.msk $0xffff, v6;
	v6 =	vadd.s32 $0xFFFFFF81, v30;
	v30 =	vadd.s32 $0xFFFFFF81, v32  }
0x3a8: {  	v32 =	vld [tilespmem:s8+$0xFFFFFFA0];
	[tilespmem:v34+s16+$0x0] =	vst.idx.msk $0xffff, v27;
	v27 =	vand.u32 $0x7FFFFF, v33;
	v6 =	vcvt.s32.f32 v6;
	v30 =	vcvt.s32.f32 v30;
	v34 =	vpop (erf)  }
0x3a9: {  	v29 =	vcvt.s32.f32 v29;
	v35 =	vld [tilespmem:s10+$0x6000];
	[tilespmem:v31+s16+$0x0] =	vst.idx.msk $0xffff, v40;
	v36 =	vor.u32 $0x3F800000, v27;
	v27 =	vmul.f32 v34, v43;
	v28 =	vpop (erf)  }
0x3aa: {  	v37 =	vld [tilespmem:s8+$0x20];
	v40 =	vadd.f32 $1.000000000e+00, v36;
	v31 =	vmul.f32 $6.931471820e-01, v6;
	v6 =	vmul.f32 v28, v39;
	v28 =	vpop (erf)  }
0x3ab: {  	v41 =	vmul.f32 v27, v27;
	v34 =	vadd.f32 v27, v27;
	v28 =	vmul.f32 v28, v38  }
0x3ac: {  	(erf) = vrcp.f32 v40;
	v38 =	vmul.f32 v6, v6;
	v27 =	vadd.f32 v6, v6  }
0x3ad: {  	v6 =	vsub.f32 v32, v17;
	v32 =	vmul.f32 $1.428571490e-01, v41;
	v39 =	vmul.f32 v28, v28  }
0x3ae: {  	v28 =	vadd.f32 v28, v28;
	v35 =	vsub.f32 v35, v18;
	v40 =	vmul.f32 $1.428571490e-01, v38  }
0x3af: {  	v6 =	vmax.f32 v6, $0.0e+00;
	v37 =	vsub.f32 v37, v19;
	v42 =	vmul.f32 $1.428571490e-01, v39  }
0x3b0: {  	v32 =	vadd.f32 $2.000000030e-01, v32;
	v6 =	vadd.f32 $1.000000000e+00, v6;
	v35 =	vmax.f32 v35, $0.0e+00  }
0x3b1: {  	v43 =	vadd.f32 $2.000000030e-01, v40;
	v35 =	vadd.f32 $1.000000000e+00, v35;
	v37 =	vmax.f32 v37, $0.0e+00  }
0x3b2: {  	v40 =	vshra.s32 v6, $0x17;
	v6 =	vand.u32 $0x7FFFFF, v6;
	v37 =	vadd.f32 $1.000000000e+00, v37  }
0x3b3: {  	v6 =	vor.u32 $0x3F800000, v6;
	v44 =	vshra.s32 v35, $0x17;
	v35 =	vand.u32 $0x7FFFFF, v35  }
0x3b4: {  	v36 =	vadd.f32 $-1.000000000e+00, v36;
	v35 =	vor.u32 $0x3F800000, v35;
	v45 =	vand.u32 $0x7FFFFF, v37  }
0x3b5: {  	v46 =	vadd.f32 $1.000000000e+00, v6;
	v47 =	vadd.f32 $1.000000000e+00, v35;
	v45 =	vor.u32 $0x3F800000, v45;
	v48 =	vpop (erf)  }
0x3b6: {  	v6 =	vadd.f32 $-1.000000000e+00, v6;
	v49 =	vadd.f32 $1.000000000e+00, v45;
	v48 =	vmul.f32 v48, v36  }
0x3b7: {  	v35 =	vadd.f32 $-1.000000000e+00, v35;
	v50 =	vadd.f32 $-1.000000000e+00, v45;
	(erf) = vrcp.f32 v46  }
0x3b8: {  	v36 =	vshra.s32 v37, $0x17;
	v46 =	vmul.f32 v48, v48;
	(erf) = vrcp.f32 v47  }
0x3b9: {  	v37 =	vadd.s32 $0xFFFFFF81, v40;
	v40 =	vadd.s32 $0xFFFFFF81, v44;
	(erf) = vrcp.f32 v49  }
0x3ba: {  	v37 =	vcvt.s32.f32 v37;
	v36 =	vadd.s32 $0xFFFFFF81, v36;
	v44 =	vmul.f32 $1.428571490e-01, v46  }
0x3bb: {  	v42 =	vadd.f32 $2.000000030e-01, v42;
	v45 =	vcvt.s32.f32 v40;
	v36 =	vcvt.s32.f32 v36  }
0x3bc: {  	v47 =	vmul.f32 v32, v41;
	v40 =	vmul.f32 $6.931471820e-01, v37;
	v44 =	vadd.f32 $2.000000030e-01, v44  }
0x3bd: {  	v37 =	vmul.f32 $6.931471820e-01, v45;
	v32 =	vmul.f32 $6.931471820e-01, v36  }
0x3be: {  	v43 =	vmul.f32 v43, v38;
	v45 =	vmul.f32 v44, v46;
	v44 =	vadd.f32 $3.333333430e-01, v47  }
0x3bf: {  	v30 =	vmul.f32 $6.931471820e-01, v30;
	v42 =	vmul.f32 v42, v39  }
.Ltmp1:
0x3c0: {  	v43 =	vadd.f32 $3.333333430e-01, v43;
	v47 =	vadd.f32 $3.333333430e-01, v45;
	v36 =	vpop (erf);
	v41 =	vmul.f32 v44, v41;
	(pc) =	sbr.rel @p1 .LBB2_5-.Ltmp1, $4  }
0x3c1: {  	v29 =	vmul.f32 $6.931471820e-01, v29;
	v42 =	vadd.f32 $3.333333430e-01, v42;
	v36 =	vmul.f32 v36, v6;
	v6 =	vpop (erf)  }
0x3c2: {  	v45 =	vmul.f32 v6, v35;
	v6 =	vshra.s32 v33, $0x17;
	v35 =	vmul.f32 v47, v46;
	v33 =	vpop (erf)  }
0x3c3: {  	v46 =	vmul.f32 v36, v36;
	v47 =	vmul.f32 v33, v50;
	v6 =	vadd.s32 $0xFFFFFF81, v6  }
0x3c4: {  	s7 =	sadd.s32 $0x100, s7;
	s8 =	sadd.s32 $0x100, s8;
	v48 =	vadd.f32 v48, v48;
	v33 =	vcvt.s32.f32 v6;
	v35 =	vadd.f32 $1.000000000e+00, v35  }
0x3c5: {  	_ = 	snop  }
0x3c6: {  	v6 =	vmul.f32 $6.931471820e-01, v33;
	v61 =	vmul.f32 v35, v48  }
0x3c7: {  	v62 =	vor.u32 s29, v2  }
0x3c8: {  	v6 =	vadd.f32 v61, v6;
	_ =	sdelay $0x1  }
0x3c9: {  	v52 =	vmul.f32 $1.428571490e-01, v46;
	v6 =	vmul.f32 $9.090909360e-02, v6  }
0x3ca: {  	v63 =	vmul.f32 v45, v45  }
0x3cb: {  	s0 =	sor.u32 $0x70, s30;
	v35 =	vadd.f32 $2.000000030e-01, v52;
	[tilespmem:v62+s16+$0x0] =	vst.idx.msk $0xffff, v6  }
0x3cc: {  	v53 =	vmul.f32 $1.428571490e-01, v63;
	v6 =	vmul.f32 v47, v47;
	v44 =	vld [tilespmem:s0+$0x6000]  }
0x3cd: {  	v35 =	vmul.f32 v35, v46  }
0x3ce: {  	v48 =	vadd.f32 $2.000000030e-01, v53;
	v49 =	vmul.f32 $1.428571490e-01, v6  }
0x3cf: {  	v35 =	vadd.f32 $3.333333430e-01, v35  }
0x3d0: {  	v48 =	vmul.f32 v48, v63;
	v49 =	vadd.f32 $2.000000030e-01, v49  }
0x3d1: {  	v35 =	vmul.f32 v35, v46;
	v20 =	vsub.f32 v44, v20  }
0x3d2: {  	v48 =	vadd.f32 $3.333333430e-01, v48;
	v54 =	vmul.f32 v49, v6  }
0x3d3: {  	v36 =	vadd.f32 v36, v36;
	v35 =	vadd.f32 $1.000000000e+00, v35;
	v20 =	vmax.f32 v20, $0.0e+00  }
0x3d4: {  	v33 =	vmul.f32 v48, v63;
	v44 =	vadd.f32 $3.333333430e-01, v54;
	v20 =	vadd.f32 $1.000000000e+00, v20  }
0x3d5: {  	v55 =	vadd.f32 v45, v45;
	v35 =	vmul.f32 v35, v36  }
0x3d6: {  	v33 =	vadd.f32 $1.000000000e+00, v33;
	v6 =	vmul.f32 v44, v6;
	v56 =	vand.u32 $0x7FFFFF, v20  }
0x3d7: {  	v57 =	vadd.f32 v47, v47;
	v35 =	vadd.f32 v35, v40;
	v44 =	vor.u32 $0x3F800000, v56  }
0x3d8: {  	v33 =	vmul.f32 v33, v55;
	v6 =	vadd.f32 $1.000000000e+00, v6;
	v58 =	vadd.f32 $1.000000000e+00, v44  }
0x3d9: {  	v59 =	vmul.f32 $9.090909360e-02, v35  }
0x3da: {  	v33 =	vadd.f32 v33, v37;
	v6 =	vmul.f32 v6, v57;
	(erf) = vrcp.f32 v58;
	_ =	sdelay $0x1  }
0x3db: {  	v33 =	vmul.f32 $9.090909360e-02, v33;
	[tilespmem:v22+s16+$0x0] =	vst.idx.msk $0xffff, v59;
	v6 =	vadd.f32 v6, v32  }
0x3dc: {  	v22 =	vld [tilespmem:s28+$0xFFFFFFB0]  }
0x3dd: {  	[tilespmem:v23+s16+$0x0] =	vst.idx.msk $0xffff, v33;
	v6 =	vmul.f32 $9.090909360e-02, v6  }
0x3de: {  	v23 =	vld [tilespmem:s2+$0x6000]  }
0x3df: {  	[tilespmem:v24+s16+$0x0] =	vst.idx.msk $0xffff, v6  }
0x3e0: {  	v6 =	vld [tilespmem:s28+$0x30]  }
0x3e1: {  	v17 =	vsub.f32 v22, v17;
	v24 =	vadd.f32 $-1.000000000e+00, v44  }
0x3e2: {  	v60 =	vpop (erf)  }
0x3e3: {  	v18 =	vsub.f32 v23, v18;
	v17 =	vmax.f32 v17, $0.0e+00;
	v24 =	vmul.f32 v60, v24  }
0x3e4: {  	v17 =	vadd.f32 $1.000000000e+00, v17  }
0x3e5: {  	v18 =	vmax.f32 v18, $0.0e+00;
	v6 =	vsub.f32 v6, v19;
	v22 =	vmul.f32 v24, v24  }
0x3e6: {  	v18 =	vadd.f32 $1.000000000e+00, v18;
	v23 =	vand.u32 $0x7FFFFF, v17  }
0x3e7: {  	v23 =	vor.u32 $0x3F800000, v23;
	v6 =	vmax.f32 v6, $0.0e+00;
	v19 =	vmul.f32 $1.428571490e-01, v22  }
0x3e8: {  	v63 =	vadd.f32 $1.000000000e+00, v23;
	v6 =	vadd.f32 $1.000000000e+00, v6  }
0x3e9: {  	v61 =	vand.u32 $0x7FFFFF, v18;
	v19 =	vadd.f32 $2.000000030e-01, v19  }
0x3ea: {  	v32 =	vor.u32 $0x3F800000, v61;
	(erf) = vrcp.f32 v63;
	v62 =	vand.u32 $0x7FFFFF, v6  }
0x3eb: {  	v40 =	vadd.f32 $1.000000000e+00, v32;
	v33 =	vor.u32 $0x3F800000, v62;
	v19 =	vmul.f32 v19, v22  }
0x3ec: {  	v44 =	vadd.f32 $1.000000000e+00, v33  }
0x3ed: {  	(erf) = vrcp.f32 v40;
	v19 =	vadd.f32 $3.333333430e-01, v19  }
0x3ee: {  	(erf) = vrcp.f32 v44  }
0x3ef: {  	v20 =	vshra.s32 v20, $0x17;
	v19 =	vmul.f32 v19, v22  }
0x3f0: {  	v20 =	vadd.s32 $0xFFFFFF81, v20  }
0x3f1: {  	v20 =	vcvt.s32.f32 v20;
	v22 =	vadd.f32 v24, v24;
	v19 =	vadd.f32 $1.000000000e+00, v19  }
0x3f2: {  	v23 =	vadd.f32 $-1.000000000e+00, v23  }
0x3f3: {  	v20 =	vmul.f32 $6.931471820e-01, v20;
	v46 =	vpop (erf);
	v19 =	vmul.f32 v19, v22  }
0x3f4: {  	v23 =	vmul.f32 v46, v23;
	v24 =	vadd.f32 $1.000000000e+00, v41  }
0x3f5: {  	v22 =	vmul.f32 v43, v38;
	v19 =	vadd.f32 v19, v20;
	v20 =	vadd.f32 $-1.000000000e+00, v32  }
0x3f6: {  	v45 =	vmul.f32 v42, v39;
	v33 =	vadd.f32 $-1.000000000e+00, v33;
	v47 =	vpop (erf);
	v49 =	vmul.f32 v23, v23  }
0x3f7: {  	v24 =	vmul.f32 v24, v34;
	v22 =	vadd.f32 $1.000000000e+00, v22;
	v48 =	vpop (erf);
	v20 =	vmul.f32 v47, v20  }
0x3f8: {  	v50 =	vmul.f32 $1.428571490e-01, v49;
	v32 =	vmul.f32 v48, v33  }
0x3f9: {  	v17 =	vshra.s32 v17, $0x17;
	v22 =	vmul.f32 v22, v27;
	v27 =	vmul.f32 v20, v20  }
0x3fa: {  	v24 =	vadd.f32 v24, v31;
	v31 =	vadd.f32 $1.000000000e+00, v45;
	v51 =	vmul.f32 v32, v32  }
0x3fb: {  	v17 =	vadd.s32 $0xFFFFFF81, v17;
	v22 =	vadd.f32 v22, v30;
	v30 =	vmul.f32 $1.428571490e-01, v27  }
0x3fc: {  	v28 =	vmul.f32 v31, v28;
	v33 =	vadd.f32 $2.000000030e-01, v50;
	v31 =	vmul.f32 $1.428571490e-01, v51  }
0x3fd: {  	v18 =	vshra.s32 v18, $0x17;
	v17 =	vcvt.s32.f32 v17;
	v30 =	vadd.f32 $2.000000030e-01, v30  }
0x3fe: {  	v18 =	vadd.s32 $0xFFFFFF81, v18;
	v33 =	vmul.f32 v33, v49;
	v31 =	vadd.f32 $2.000000030e-01, v31  }
0x3ff: {  	v18 =	vcvt.s32.f32 v18;
	v6 =	vshra.s32 v6, $0x17;
	v30 =	vmul.f32 v30, v27  }
0x400: {  	v6 =	vadd.s32 $0xFFFFFF81, v6;
	v33 =	vadd.f32 $3.333333430e-01, v33;
	v31 =	vmul.f32 v31, v51  }
0x401: {  	v17 =	vmul.f32 $6.931471820e-01, v17;
	v6 =	vcvt.s32.f32 v6;
	v30 =	vadd.f32 $3.333333430e-01, v30  }
0x402: {  	v18 =	vmul.f32 $6.931471820e-01, v18;
	v33 =	vmul.f32 v33, v49;
	v31 =	vadd.f32 $3.333333430e-01, v31  }
0x403: {  	v52 =	vor.u32 s29, v3;
	v6 =	vmul.f32 $6.931471820e-01, v6;
	v27 =	vmul.f32 v30, v27  }
0x404: {  	v23 =	vadd.f32 v23, v23;
	v30 =	vmul.f32 v31, v51;
	v31 =	vadd.f32 $1.000000000e+00, v33  }
0x405: {  	v19 =	vmul.f32 $9.090909360e-02, v19;
	v20 =	vadd.f32 v20, v20;
	v27 =	vadd.f32 $1.000000000e+00, v27  }
0x406: {  	v32 =	vadd.f32 v32, v32;
	v23 =	vmul.f32 v31, v23;
	v30 =	vadd.f32 $1.000000000e+00, v30  }
0x407: {  	v24 =	vmul.f32 $9.090909360e-02, v24;
	v28 =	vadd.f32 v28, v29;
	v20 =	vmul.f32 v27, v20  }
0x408: {  	[tilespmem:v52+s16+$0x0] =	vst.idx.msk $0xffff, v19;
	v22 =	vmul.f32 $9.090909360e-02, v22;
	v17 =	vadd.f32 v23, v17;
	v19 =	vmul.f32 v30, v32  }
0x409: {  	[tilespmem:v14+s16+$0x0] =	vst.idx.msk $0xffff, v24;
	v14 =	vmul.f32 $9.090909360e-02, v28;
	v18 =	vadd.f32 v20, v18  }
0x40a: {  	[tilespmem:v15+s16+$0x0] =	vst.idx.msk $0xffff, v22;
	v15 =	vmul.f32 $9.090909360e-02, v17;
	v6 =	vadd.f32 v19, v6  }
0x40b: {  	[tilespmem:v16+s16+$0x0] =	vst.idx.msk $0xffff, v14;
	v14 =	vmul.f32 $9.090909360e-02, v18  }
0x40c: {  	[tilespmem:v21+s16+$0x0] =	vst.idx.msk $0xffff, v15;
	v6 =	vmul.f32 $9.090909360e-02, v6  }
0x40d: {  	s2 =	rddreg [dreg:$0x2];
	[tilespmem:v25+s16+$0x0] =	vst.idx.msk $0xffff, v14  }
0x40e: {  	s0 =	sadd.s32 s2, s26;
	[tilespmem:v26+s16+$0x0] =	vst.idx.msk $0xffff, v6  }
0x40f: {  	[hbm4b:s0+s4] =	stream.linear.scatter [tilespmem:s16], [sflag:$0x3], $0x1000, $0x38;
	[tilespmem:$0x7400] =	vst v63  }
0x410: {  	p1 =	seq.s32 s23, $0x1F;
	s0 =	rddreg [dreg:$0x7]  }
0x411: {  	s0 =	sadd.s32 @!p1 s25, s0  }
0x412: {  	s0 =	sshrl.u32 @!p1 s0, $0x3  }
0x413: {  	s2 =	simm.s32 @!p1 $0x0;
	s1 =	sadd.s32 @!p1 s14, s0  }
0x414: {  	[tilespmem:s2], [sflag:$0x1] =	stream.linear.gather @!p1 [hbm4b:s1+s2], $0x1000, $0x38;
	[tilespmem:$0x7400] =	vst v63  }
0x415: {  	s1 =	rddreg [dreg:$0x1]  }
0x416: {  	s0 =	sadd.s32 @!p1 s1, s0;
	s1 =	simm.s32 @!p1 $0x1000  }
0x417: {  	[tilespmem:s1], [sflag:$0x2] =	stream.linear.gather @!p1 [hbm4b:s0+s2], $0x1000, $0x38;
	[tilespmem:$0x7400] =	vst v63  }
0x418: {  	_ =	swait.ge [sflag:s17], $0x1000  }
0x419: {  	s3 =	simm.s32 $0x10;
	s5 =	simm.s32 $0x80;
	[sflag:s17] =	ssyncset.done $0x0  }
0x41a: {  	s1 =	sand.u32 $0x1C00, s5;
	s0 =	sand.u32 $0x78, s3;
	[sflag:s17] =	ssyncadd.s32 $0xFFFFF000  }
0x41b: {  	s0 =	sor.u32 s0, s1;
	_ =	swait.ge [sflag:s18], $0x1000  }
0x41c: {  	v23 =	vor.u32 s0, v3;
	[sflag:s18] =	ssyncset.done $0x0  }
0x41d: {  	s1 =	simm.s32 @!p0 $0x6;
	v6 =	vor.u32 s0, v1;
	[sflag:s18] =	ssyncadd.s32 $0xFFFFF000  }
0x41e: {  	v24 =	vor.u32 s0, v2;
	_ =	swait.ge @!p0 [sflag:s1], $0x1000  }
0x41f: {  	s6 =	simm.s32 $0x0;
	s8 =	simm.s32 $0x0;
	v25 =	vor.u32 s0, v0;
	[sflag:s1] =	ssyncset.done @!p0 $0x0  }
0x420: {  	s2 =	sand.u32 $0x78, s8;
	s0 =	sand.u32 $0xC00, s6;
	[sflag:s1] =	ssyncadd.s32 @!p0 $0xFFFFF000  }
0x421: {  	s0 =	sor.u32 s2, s0;
	v15 =	vld.idx.msk [tilespmem:v23+s12+$0x0], $0xffff  }
0x422: {  	v18 =	vor.u32 s0, v3;
	v17 =	vld.idx.msk [tilespmem:v6+s12+$0x0], $0xffff  }
0x423: {  	s7 =	simm.s32 $0x40;
	s3 =	simm.s32 $0x8;
	v20 =	vld.idx.msk [tilespmem:v24+s12+$0x0], $0xffff  }
0x424: {  	s3 =	sand.u32 $0x78, s3;
	s1 =	sand.u32 $0x1C00, s7;
	v21 =	vld.idx.msk [tilespmem:v25+s12+$0x0], $0xffff  }
0x425: {  	v16 =	vor.u32 s0, v2;
	s1 =	sor.u32 s3, s1  }
0x426: {  	v14 =	vor.u32 s1, v3;
	v22 =	vmul.f32 $1.100000000e+01, v15  }
0x427: {  	v19 =	vor.u32 s0, v1;
	v27 =	vld.idx.msk [tilespmem:v18+s12+$0x0], $0xffff;
	v26 =	vmul.f32 $1.100000000e+01, v17  }
0x428: {  	v20 =	vmul.f32 $1.100000000e+01, v20;
	v17 =	vor.u32 s1, v2;
	v22 =	vmul.f32 $1.442695020e+00, v22  }
0x429: {  	v15 =	vor.u32 s1, v1;
	v28 =	vmul.f32 $1.100000000e+01, v21;
	v21 =	vmul.f32 $1.442695020e+00, v26  }
0x42a: {  	v29 =	vld.idx.msk [tilespmem:v16+s12+$0x0], $0xffff;
	v20 =	vmul.f32 $1.442695020e+00, v20;
	(erf) = vpow2.f32 v22  }
0x42b: {  	v26 =	vld.idx.msk [tilespmem:v14+s12+$0x0], $0xffff;
	v28 =	vmul.f32 $1.442695020e+00, v28;
	(erf) = vpow2.f32 v21  }
0x42c: {  	v27 =	vmul.f32 $1.100000000e+01, v27;
	v22 =	vld.idx.msk [tilespmem:v19+s12+$0x0], $0xffff;
	v21 =	vor.u32 s0, v0;
	(erf) = vpow2.f32 v20  }
0x42d: {  	v30 =	vld.idx.msk [tilespmem:v17+s12+$0x0], $0xffff;
	(erf) = vpow2.f32 v28  }
0x42e: {  	v27 =	vmul.f32 $1.442695020e+00, v27;
	v20 =	vld.idx.msk [tilespmem:v15+s12+$0x0], $0xffff  }
0x42f: {  	v29 =	vmul.f32 $1.100000000e+01, v29  }
0x430: {  	v26 =	vmul.f32 $1.100000000e+01, v26;
	(erf) = vpow2.f32 v27  }
0x431: {  	v27 =	vmul.f32 $1.442695020e+00, v29;
	v22 =	vmul.f32 $1.100000000e+01, v22;
	v28 =	vld.idx.msk [tilespmem:v21+s12+$0x0], $0xffff  }
0x432: {  	v26 =	vmul.f32 $1.442695020e+00, v26;
	v30 =	vmul.f32 $1.100000000e+01, v30  }
0x433: {  	v31 =	vmul.f32 $1.100000000e+01, v20;
	v22 =	vmul.f32 $1.442695020e+00, v22;
	v53 =	vpop (erf)  }
0x434: {  	v20 =	vor.u32 s1, v0;
	(erf) = vpow2.f32 v26;
	v29 =	vadd.f32 $-1.000000000e+00, v53;
	v54 =	vpop (erf)  }
0x435: {  	v26 =	vmul.f32 $1.442695020e+00, v31;
	(erf) = vpow2.f32 v22;
	v31 =	vadd.f32 $-1.000000000e+00, v54;
	v55 =	vpop (erf)  }
0x436: {  	(erf) = vpow2.f32 v27;
	v28 =	vmul.f32 $1.100000000e+01, v28;
	v32 =	vadd.f32 $-1.000000000e+00, v55;
	(xrf1) =	vsort.ascd.msk.f32 $0xffff, v29, v29;
	v27 =	vpop (erf)  }
0x437: {  	v22 =	vmul.f32 $1.442695020e+00, v30;
	(xrf1) =	vsort.ascd.msk.f32 $0xffff, v31, v31;
	v27 =	vadd.f32 $-1.000000000e+00, v27  }
0x438: {  	(erf) = vpow2.f32 v26;
	v28 =	vmul.f32 $1.442695020e+00, v28;
	(xrf1) =	vsort.ascd.msk.f32 $0xffff, v32, v32  }
0x439: {  	v26 =	vld.idx.msk [tilespmem:v20+s12+$0x0], $0xffff;
	(erf) = vpow2.f32 v22;
	(xrf1) =	vsort.ascd.msk.f32 $0xffff, v27, v27  }
0x43a: {  	(erf) = vpow2.f32 v28;
	_ =	sdelay $0x2  }
0x43b: {  	v22 =	vpop (erf)  }
0x43c: {  	v26 =	vmul.f32 $1.100000000e+01, v26;
	v28 =	vpop (erf)  }
0x43d: {  	v56 =	vpop (erf)  }
0x43e: {  	v30 =	vadd.f32 $-1.000000000e+00, v22;
	v22 =	vadd.f32 $-1.000000000e+00, v28;
	v26 =	vmul.f32 $1.442695020e+00, v26;
	v28 =	vpop (erf)  }
0x43f: {  	v57 =	vpop (erf)  }
0x440: {  	(xrf1) =	vsort.ascd.msk.f32 $0xffff, v30, v30;
	v33 =	vadd.f32 $-1.000000000e+00, v56;
	(erf) = vpow2.f32 v26;
	v26 =	vadd.f32 $-1.000000000e+00, v28;
	v28 =	vpop (erf)  }
0x441: {  	(xrf1) =	vsort.ascd.msk.f32 $0xffff, v22, v22;
	v58 =	vpop (erf)  }
0x442: {  	s9 =	simm.s32 $0x6060;
	(xrf1) =	vsort.ascd.msk.f32 $0xffff, v33, v33;
	v34 =	vadd.f32 $-1.000000000e+00, v57;
	v59, _, _ =	vpop (xrf1)  }
0x443: {  	[tilespmem:s9+$0x50] =	vst v29;
	v28 =	vadd.f32 $-1.000000000e+00, v28;
	(xrf1) =	vsort.ascd.msk.f32 $0xffff, v26, v26;
	v60, _, _ =	vpop (xrf1)  }
0x444: {  	v35 =	vadd.f32 $-1.000000000e+00, v58;
	(xrf1) =	vsort.ascd.msk.f32 $0xffff, v34, v34;
	v36 =	vperm.xlane v59, v5;
	v61, _, _ =	vpop (xrf1);
	v37 =	vperm.xlane v60, v5  }
0x445: {  	[tilespmem:s9+$0x30] =	vst v31;
	(xrf1) =	vsort.ascd.msk.f32 $0xffff, v28, v28;
	v63, _, _ =	vpop (xrf1)  }
0x446: {  	[tilespmem:s9+$0x20] =	vst v27;
	(xrf1) =	vsort.ascd.msk.f32 $0xffff, v35, v35;
	v62 =	vmin.f32 v61, v36;
	v27 =	vmin.f32 v63, v37  }
0x447: {  	[tilespmem:s9+$0x40] =	vst v32;
	v36 =	vmax.f32 v61, v36;
	(xrf1) =	vsort.ascd.msk.f32 $0xffff, v62, v62  }
0x448: {  	v25 =	vld.idx.msk [tilespmem:v25+s13+$0x0], $0xffff;
	(xrf1) =	vsort.ascd.msk.f32 $0xffff, v36, v36  }
0x449: {  	v6 =	vld.idx.msk [tilespmem:v6+s13+$0x0], $0xffff;
	v31 =	vmax.f32 v63, v37;
	(xrf1) =	vsort.ascd.msk.f32 $0xffff, v27, v27;
	v27 =	vpop (erf)  }
0x44a: {  	v24 =	vld.idx.msk [tilespmem:v24+s13+$0x0], $0xffff;
	(xrf1) =	vsort.ascd.msk.f32 $0xffff, v31, v31;
	v27 =	vadd.f32 $-1.000000000e+00, v27  }
0x44b: {  	v23 =	vld.idx.msk [tilespmem:v23+s13+$0x0], $0xffff  }
0x44c: {  	(xrf1) =	vsort.ascd.msk.f32 $0xffff, v27, v27;
	_ =	sdelay $0x1  }
0x44d: {  	v25 =	vmul.f32 $1.100000000e+01, v25;
	v29, _, _ =	vpop (xrf1)  }
0x44e: {  	v6 =	vmul.f32 $1.100000000e+01, v6;
	v24 =	vmul.f32 $1.100000000e+01, v24;
	v31, _, _ =	vpop (xrf1)  }
0x44f: {  	v23 =	vmul.f32 $1.100000000e+01, v23;
	v25 =	vmul.f32 $1.442695020e+00, v25;
	v40, _, _ =	vpop (xrf1)  }
0x450: {  	v6 =	vmul.f32 $1.442695020e+00, v6;
	v24 =	vmul.f32 $1.442695020e+00, v24;
	v41, _, _ =	vpop (xrf1)  }
0x451: {  	v23 =	vmul.f32 $1.442695020e+00, v23;
	v29 =	vperm.xlane v29, v5;
	v43, _, _ =	vpop (xrf1)  }
0x452: {  	(erf) = vpow2.f32 v25;
	v31 =	vperm.xlane v31, v5;
	v44, _, _ =	vpop (xrf1)  }
0x453: {  	(erf) = vpow2.f32 v6;
	v42 =	vmin.f32 v41, v29;
	v29 =	vmax.f32 v41, v29;
	v45, _, _ =	vpop (xrf1)  }
0x454: {  	(erf) = vpow2.f32 v24;
	(xrf1) =	vsort.ascd.msk.f32 $0xffff, v42, v42;
	v46 =	vmin.f32 v44, v31;
	v31 =	vmax.f32 v44, v31;
	v25, _, _ =	vpop (xrf1)  }
0x455: {  	v32 =	vperm.xlane v40, v5;
	v49 =	vperm.xlane v43, v5;
	(xrf1) =	vsort.ascd.msk.f32 $0xffff, v29, v29;
	v6, _, _ =	vpop (xrf1)  }
0x456: {  	(xrf1) =	vsort.ascd.msk.f32 $0xffff, v46, v46;
	v25 =	vperm.xlane v25, v5;
	v6 =	vperm.xlane v6, v5;
	v29, _, _ =	vpop (xrf1)  }
0x457: {  	(erf) = vpow2.f32 v23;
	v47 =	vmin.f32 v45, v32;
	v32 =	vmax.f32 v45, v32;
	(xrf1) =	vsort.ascd.msk.f32 $0xffff, v31, v31;
	v31, _, _ =	vpop (xrf1)  }
0x458: {  	(xrf1) =	vsort.ascd.msk.f32 $0xffff, v47, v47;
	v24 =	vmax.f32 v29, v6;
	v48 =	vmax.f32 v31, v25  }
0x459: {  	(xrf1) =	vsort.ascd.msk.f32 $0xffff, v32, v32;
	v23 =	vmax.f32 v24, v48;
	v50, _, _ =	vpop (xrf1)  }
0x45a: {  	(xrf1) =	vsort.ascd.msk.f32 $0xffff, v23, v23;
	v23 =	vmin.f32 v50, v49  }
0x45b: {  	(xrf1) =	vsort.ascd.msk.f32 $0xffff, v23, v23;
	v23 =	vmin.f32 v24, v48  }
0x45c: {  	v32 =	vmax.f32 v50, v49  }
0x45d: {  	[tilespmem:s9+$0xFFFFFFD0] =	vst v30;
	v6 =	vmin.f32 v29, v6;
	v25 =	vmin.f32 v31, v25;
	v24 =	vpop (erf);
	(xrf1) =	vsort.ascd.msk.f32 $0xffff, v32, v32  }
0x45e: {  	[tilespmem:s9+$0xFFFFFFB0] =	vst v33;
	v31 =	vmax.f32 v6, v25;
	(xrf1) =	vsort.ascd.msk.f32 $0xffff, v23, v23;
	v23 =	vpop (erf)  }
0x45f: {  	[tilespmem:s9+$0xFFFFFFC0] =	vst v26;
	(xrf1) =	vsort.ascd.msk.f32 $0xffff, v31, v31;
	v29 =	vpop (erf)  }
0x460: {  	[tilespmem:s9+$0xFFFFFFA0] =	vst v35;
	v24 =	vadd.f32 $-1.000000000e+00, v24;
	v23 =	vadd.f32 $-1.000000000e+00, v23;
	v52 =	vpop (erf)  }
0x461: {  	v21 =	vld.idx.msk [tilespmem:v21+s13+$0x0], $0xffff;
	v26 =	vadd.f32 $-1.000000000e+00, v29;
	v29 =	vadd.f32 $-1.000000000e+00, v52  }
0x462: {  	v51, _, _ =	vpop (xrf1)  }
0x463: {  	s10 =	simm.s32 $0x140;
	s26 =	simm.s32 $0x28;
	v19 =	vld.idx.msk [tilespmem:v19+s13+$0x0], $0xffff;
	v31, _, _ =	vpop (xrf1);
	v23 =	vadd.f32 v23, v24;
	v24 =	vadd.f32 v29, v26  }
0x464: {  	s31 =	smov.u32 s14;
	s14 =	sand.u32 $0x78, s26;
	s0 =	sand.u32 $0x1C00, s10;
	v6 =	vmin.f32 v6, v25;
	v30, _, _ =	vpop (xrf1)  }
0x465: {  	s0 =	sor.u32 s14, s0;
	(xrf1) =	vsort.ascd.msk.f32 $0xffff, v6, v6;
	v6 =	vld.idx.msk [tilespmem:v16+s13+$0x0], $0xffff;
	v26, _, _ =	vpop (xrf1)  }
0x466: {  	[tilespmem:s9+$0x10] =	vst v22;
	v35 =	vor.u32 s0, v0;
	v21 =	vmul.f32 $1.100000000e+01, v21;
	v25, _, _ =	vpop (xrf1)  }
0x467: {  	[tilespmem:s9+$0xFFFFFFE0] =	vst v27;
	v27 =	vperm.xlane v51, v5;
	v29 =	vperm.xlane v31, v5;
	v23 =	vadd.f32 v24, v23;
	v24, _, _ =	vpop (xrf1)  }
0x468: {  	[tilespmem:s9+$0xFFFFFFF0] =	vst v34;
	v19 =	vmul.f32 $1.100000000e+01, v19;
	v21 =	vmul.f32 $1.442695020e+00, v21;
	v16, _, _ =	vpop (xrf1)  }
0x469: {  	v22 =	vmax.f32 v25, v29;
	(xrf2) =	vadd.scan.msk.f32 $0xffff, v23;
	v32 =	vmax.f32 v24, v27;
	v23 =	vperm.xlane v16, v5  }
0x46a: {  	[tilespmem:s9+$0x0] =	vst v28;
	v18 =	vld.idx.msk [tilespmem:v18+s13+$0x0], $0xffff;
	(erf) = vpow2.f32 v21;
	v6 =	vmul.f32 $1.100000000e+01, v6;
	v31, _, _ =	vpop (xrf1);
	v21 =	vmin.f32 v22, v32  }
0x46b: {  	v19 =	vmul.f32 $1.442695020e+00, v19;
	v20 =	vld.idx.msk [tilespmem:v20+s13+$0x0], $0xffff;
	v54 =	vmax.f32 v22, v32;
	v28, _, _ =	vpop (xrf1);
	(xrf2) =	vadd.scan.msk.f32 $0xffff, v23  }
0x46c: {  	v63 =	vld.idx.msk [tilespmem:v35+s12+$0x0], $0xffff;
	v26 =	vperm.xlane v26, v5;
	v6 =	vmul.f32 $1.442695020e+00, v6;
	(xrf1) =	vsort.ascd.msk.f32 $0xffff, v54, v54;
	v53, _, _ =	vpop (xrf1)  }
0x46d: {  	v15 =	vld.idx.msk [tilespmem:v15+s13+$0x0], $0xffff;
	v22 =	vperm.xlane v30, v5;
	(xrf1) =	vsort.ascd.msk.f32 $0xffff, v21, v21;
	v33 =	vperm.xlane v53, v5;
	v21, _, _ =	vpop (xrf1)  }
0x46e: {  	v17 =	vld.idx.msk [tilespmem:v17+s13+$0x0], $0xffff;
	(erf) = vpow2.f32 v19;
	v30 =	vperm.xlane v21, v5  }
0x46f: {  	v14 =	vld.idx.msk [tilespmem:v14+s13+$0x0], $0xffff;
	v19 =	vmax.f32 v31, v26;
	(erf) = vpow2.f32 v6;
	v21 =	vmax.f32 v28, v22;
	(xrf2) =	vadd.scan.msk.f32 $0xffff, v33  }
0x470: {  	s21 =	simm.s32 $0x18;
	s25 =	simm.s32 $0xC0;
	v6 =	vmul.f32 $1.100000000e+01, v18;
	v18 =	vmul.f32 $1.100000000e+01, v20;
	v20 =	vmax.f32 v19, v21;
	(xrf2) =	vadd.scan.msk.f32 $0xffff, v30  }
0x471: {  	s30 =	sand.u32 $0xC00, s25;
	s1 =	sand.u32 $0x78, s21;
	(xrf1) =	vsort.ascd.msk.f32 $0xffff, v20, v20  }
0x472: {  	s1 =	sor.u32 s1, s30;
	v15 =	vmul.f32 $1.100000000e+01, v15  }
0x473: {  	v37 =	vor.u32 s1, v0;
	v17 =	vmul.f32 $1.100000000e+01, v17;
	v6 =	vmul.f32 $1.442695020e+00, v6;
	v55, _, _ =	vpop (xrf2)  }
0x474: {  	v14 =	vmul.f32 $1.100000000e+01, v14;
	v45 =	vmul.f32 $1.100000000e+01, v63;
	v19 =	vmin.f32 v19, v21;
	v20, _, _ =	vpop (xrf1)  }
0x475: {  	v25 =	vmin.f32 v25, v29;
	v24 =	vmin.f32 v24, v27;
	(erf) = vpow2.f32 v6;
	(xrf1) =	vsort.ascd.msk.f32 $0xffff, v19, v19;
	v21, _, _ =	vpop (xrf2)  }
0x476: {  	v19 =	vmax.f32 v25, v24;
	v20 =	vperm.xlane v20, v5;
	v21 =	vadd.f32 $0.0e+00, v21  }
0x477: {  	v36 =	vor.u32 s1, v1;
	v15 =	vmul.f32 $1.442695020e+00, v15;
	v6 =	vmul.f32 $1.442695020e+00, v18;
	v18 =	vpop (erf);
	(xrf1) =	vsort.ascd.msk.f32 $0xffff, v19, v19  }
0x478: {  	v27 =	vmul.f32 $1.442695020e+00, v17;
	v22 =	vmin.f32 v28, v22;
	v28 =	vpop (erf);
	(xrf2) =	vadd.scan.msk.f32 $0xffff, v20;
	v19 =	vperm.xlane v21, v4  }
0x479: {  	v26 =	vmin.f32 v31, v26;
	v31 =	vadd.f32 $-1.000000000e+00, v18;
	v28 =	vadd.f32 $-1.000000000e+00, v28;
	v17, _, _ =	vpop (xrf2)  }
0x47a: {  	v14 =	vmul.f32 $1.442695020e+00, v14;
	v16 =	vperm.xlane v16, v4;
	v34, _, _ =	vpop (xrf1);
	v29 =	vadd.f32 v19, v17  }
0x47b: {  	v24 =	vmin.f32 v25, v24;
	(erf) = vpow2.f32 v6;
	v28 =	vadd.f32 v28, v31;
	v25, _, _ =	vpop (xrf2)  }
0x47c: {  	v17 =	vmax.f32 v26, v22;
	v22 =	vmin.f32 v26, v22;
	v19 =	vpop (erf);
	v18 =	vperm.xlane v29, v4  }
0x47d: {  	v6, _, _ =	vpop (xrf1);
	(xrf1) =	vsort.ascd.msk.f32 $0xffff, v17, v17;
	(erf) = vpow2.f32 v15;
	v56 =	vadd.f32 $-1.000000000e+00, v19;
	v19 =	vperm.xlane v55, v4  }
0x47e: {  	v17 =	vperm.xlane v34, v5;
	v15 =	vpop (erf);
	(erf) = vpow2.f32 v27;
	v25 =	vadd.f32 v18, v25  }
0x47f: {  	v57, _, _ =	vpop (xrf1);
	v18 =	vperm.xlane v6, v5;
	v15 =	vadd.f32 $-1.000000000e+00, v15;
	v6 =	vsub.f32 v21, v19  }
0x480: {  	(xrf1) =	vsort.ascd.msk.f32 $0xffff, v24, v24;
	(erf) = vpow2.f32 v14;
	v24 =	vperm.xlane v57, v5;
	v21 =	vsub.f32 v29, v19  }
0x481: {  	(xrf1) =	vsort.ascd.msk.f32 $0xffff, v22, v22;
	v29 =	vor.u32 s0, v2;
	v26 =	vperm.xlane v25, v4;
	v6 =	vmul.f32 v6, v7  }
0x482: {  	v14, _, _ =	vpop (xrf2);
	(xrf2) =	vadd.scan.msk.f32 $0xffff, v17;
	v25 =	vsub.f32 v25, v19;
	v31 =	vadd.f32 v15, v56;
	v21 =	vmul.f32 v21, v8  }
0x483: {  	v22, _, _ =	vpop (xrf1);
	(xrf2) =	vadd.scan.msk.f32 $0xffff, v24;
	v14 =	vadd.f32 v26, v14;
	vm0 =	vgt.f32 v23, v6;
	v6 =	vadd.f32 $0.0e+00, v23  }
0x484: {  	v26 =	vperm.xlane v22, v5;
	vm1 =	vgt.f32 v33, v21;
	v21 =	vmul.f32 v25, v9  }
0x485: {  	v14 =	vsub.f32 v14, v19;
	v22 =	vnsel vm1, $0x0, v33;
	v6 =	vnsel vm0, $0x0, v6  }
0x486: {  	v25 =	vor.u32 s0, v3;
	vm2 =	vgt.f32 v30, v21;
	v6 =	vadd.f32 v22, v6  }
0x487: {  	v27 =	vor.u32 s0, v1;
	v14 =	vmul.f32 v14, v10;
	v22 =	vnsel vm2, $0x0, v30  }
0x488: {  	v15 =	vperm.xlane v34, v4;
	v40 =	vadd.f32 v31, v28;
	v61 =	vld.idx.msk [tilespmem:v29+s12+$0x0], $0xffff;
	v6 =	vadd.f32 v22, v6  }
0x489: {  	v23, _, _ =	vpop (xrf1);
	vm3 =	vgt.f32 v20, v14;
	v14 =	vmpcnt.ones.xlane vm0;
	v22 =	vmpcnt.ones.xlane vm1  }
0x48a: {  	(xrf2) =	vadd.scan.msk.f32 $0xffff, v18;
	v21 =	vperm.xlane v23, v5;
	v30 =	vmpcnt.ones.xlane vm2;
	v20 =	vnsel vm3, $0x0, v20  }
0x48b: {  	s20 =	simm.s32 $0x100;
	s22 =	simm.s32 $0x20;
	(xrf2) =	vadd.scan.msk.f32 $0xffff, v26;
	v58 =	vld.idx.msk [tilespmem:v25+s12+$0x0], $0xffff;
	v23, _, _ =	vpop (xrf1);
	v6 =	vadd.f32 v20, v6;
	v14 =	vadd.s32 v14, v22;
	v22 =	vmpcnt.ones.xlane vm3  }
0x48c: {  	s2 =	sand.u32 $0x78, s22;
	v34 =	vor.u32 s1, v2;
	s0 =	sand.u32 $0x1C00, s20;
	(xrf2) =	vadd.scan.msk.f32 $0xffff, v21;
	v38, _, _ =	vpop (xrf2);
	v33 =	vperm.xlane v23, v5;
	v23 =	vld.idx.msk [tilespmem:v27+s12+$0x0], $0xffff;
	v30 =	vadd.s32 v30, v14  }
0x48d: {  	s0 =	sor.u32 s2, s0;
	v43 =	vmul.f32 $1.100000000e+01, v61;
	v47, _, _ =	vpop (xrf2);
	(xrf2) =	vadd.scan.msk.f32 $0xffff, v6;
	v39 =	vadd.s32 v22, v30;
	v30 =	vor.u32 s1, v3  }
0x48e: {  	v31 =	vor.u32 s0, v1;
	v61 =	vmul.f32 $1.442695020e+00, v45;
	v20 =	vpop (erf);
	v28 =	vcvt.s32.f32 v39  }
0x48f: {  	v32 =	vor.u32 s0, v2;
	v14 =	vperm.xlane v57, v4;
	v57 =	vmul.f32 $1.442695020e+00, v43;
	v6 =	vpop (erf)  }
0x490: {  	v59 =	vadd.f32 $-1.000000000e+00, v20;
	v56 =	vmul.f32 $1.100000000e+01, v58;
	v22 =	vpop (erf);
	v28 =	vmax.f32 v28, $1.000000000e+00  }
0x491: {  	v20, _, _ =	vpop (xrf1);
	v23 =	vmul.f32 $1.100000000e+01, v23;
	v62 =	vadd.f32 $-1.000000000e+00, v22;
	v22 =	vor.u32 s0, v3  }
0x492: {  	v6 =	vadd.f32 $-1.000000000e+00, v6;
	v48 =	vmul.f32 $1.442695020e+00, v56;
	v60 =	vpop (erf);
	(erf) = vrcp.f32 v28;
	v50 =	vld.idx.msk [tilespmem:v30+s12+$0x0], $0xffff  }
0x493: {  	v55, _, _ =	vpop (xrf1);
	v28 =	vperm.xlane v20, v5;
	v42 =	vadd.f32 $-1.000000000e+00, v60;
	v23 =	vmul.f32 $1.442695020e+00, v23;
	v60 =	vld.idx.msk [tilespmem:v34+s12+$0x0], $0xffff  }
0x494: {  	v53 =	vld.idx.msk [tilespmem:v36+s12+$0x0], $0xffff;
	v49, _, _ =	vpop (xrf2);
	v20 =	vperm.xlane v55, v5;
	(erf) = vpow2.f32 v48;
	v48 =	vadd.f32 $0.0e+00, v38  }
0x495: {  	v46, _, _ =	vpop (xrf2);
	v6 =	vadd.f32 v6, v59;
	(erf) = vpow2.f32 v23;
	v23 =	vadd.f32 v42, v62;
	v62 =	vld.idx.msk [tilespmem:v31+s12+$0x0], $0xffff  }
0x496: {  	v52, _, _ =	vpop (xrf2);
	v41 =	vperm.xlane v48, v4;
	(erf) = vpow2.f32 v57;
	v51 =	vld.idx.msk [tilespmem:v22+s12+$0x0], $0xffff  }
0x497: {  	(xrf2) =	vadd.scan.msk.f32 $0xffff, v33;
	v57 =	vld.idx.msk [tilespmem:v37+s12+$0x0], $0xffff;
	v6 =	vadd.f32 v23, v6;
	(erf) = vpow2.f32 v61;
	v58, _, _ =	vpop (xrf2);
	v63 =	vmul.f32 $1.100000000e+01, v50  }
0x498: {  	(xrf2) =	vadd.scan.msk.f32 $0xffff, v40;
	v42 =	vmul.f32 $1.100000000e+01, v60;
	v59 =	vperm.xlane v58, v4  }
0x499: {  	v23 =	vld.idx.msk [tilespmem:v32+s12+$0x0], $0xffff;
	(xrf2) =	vadd.scan.msk.f32 $0xffff, v6;
	v58 =	vmul.f32 $1.100000000e+01, v53;
	v6 =	vmul.f32 $1.442695020e+00, v63  }
0x49a: {  	v44 =	vmul.f32 $1.100000000e+01, v62;
	v42 =	vmul.f32 $1.442695020e+00, v42  }
0x49b: {  	(xrf2) =	vadd.scan.msk.f32 $0xffff, v28;
	v38 =	vsub.f32 v59, v19;
	v60 =	vmul.f32 $1.442695020e+00, v58;
	v54 =	vmul.f32 $1.100000000e+01, v51  }
0x49c: {  	v16 =	vsub.f32 v16, v19;
	v55 =	vpop (erf);
	v45 =	vmul.f32 $1.100000000e+01, v57;
	(erf) = vpow2.f32 v6  }
0x49d: {  	(xrf2) =	vadd.scan.msk.f32 $0xffff, v20;
	v40 =	vmul.f32 v55, v38;
	v38 =	vor.u32 s0, v0;
	v59 =	vpop (erf);
	v56 =	vmul.f32 $1.442695020e+00, v54  }
0x49e: {  	v6 =	vadd.f32 $0.0e+00, v47;
	v23 =	vmul.f32 $1.100000000e+01, v23;
	v43 =	vadd.f32 $-1.000000000e+00, v59;
	v61 =	vpop (erf)  }
0x49f: {  	v44 =	vmul.f32 $1.442695020e+00, v44;
	v50 =	vadd.f32 $-1.000000000e+00, v61;
	v62 =	vpop (erf);
	(erf) = vpow2.f32 v56  }
0x4a0: {  	v23 =	vmul.f32 $1.442695020e+00, v23;
	v51 =	vadd.f32 $-1.000000000e+00, v62;
	(xrf1) =	vsort.ascd.msk.f32 $0xffff, v43, v43;
	(erf) = vpow2.f32 v60  }
0x4a1: {  	v41 =	vadd.f32 v41, v49;
	v54 =	vperm.xlane v6, v4;
	v55 =	vpop (erf);
	(xrf1) =	vsort.ascd.msk.f32 $0xffff, v50, v50;
	(erf) = vpow2.f32 v42  }
0x4a2: {  	v49, _, _ =	vpop (xrf2);
	v45 =	vmul.f32 $1.442695020e+00, v45;
	v63 =	vld.idx.msk [tilespmem:v38+s12+$0x0], $0xffff;
	v42 =	vadd.f32 $-1.000000000e+00, v55;
	(xrf1) =	vsort.ascd.msk.f32 $0xffff, v51, v51;
	(erf) = vpow2.f32 v44  }
0x4a3: {  	v57 =	vperm.xlane v41, v4;
	v19, _, _ =	vpop (xrf2);
	v46 =	vadd.f32 v54, v46;
	(erf) = vpow2.f32 v23  }
0x4a4: {  	v56, _, _ =	vpop (xrf2);
	(xrf1) =	vsort.ascd.msk.f32 $0xffff, v42, v42;
	(erf) = vpow2.f32 v45  }
0x4a5: {  	vm0 =	vgt.s32 v39, $0x0;
	v59 =	vperm.xlane v46, v4;
	v44 =	vadd.f32 v57, v52;
	v61, _, _ =	vpop (xrf2)  }
0x4a6: {  	s28 =	simm.s32 $0x6120;
	v23 =	vsel vm0, v40, v16;
	v16 =	vperm.xlane v19, v4;
	v19 =	vpop (erf)  }
0x4a7: {  	[tilespmem:s28+$0x50] =	vst v43;
	v54 =	vperm.xlane v44, v4;
	v45 =	vadd.f32 v59, v49;
	v58 =	vmul.f32 $1.100000000e+01, v63;
	v63, _, _ =	vpop (xrf2)  }
0x4a8: {  	[tilespmem:s28+$0x30] =	vst v50;
	v47 =	vadd.f32 $-1.000000000e+00, v19;
	v19 =	vperm.xlane v56, v4;
	v62 =	vsub.f32 v41, v16;
	v60 =	vpop (erf)  }
0x4a9: {  	[tilespmem:s28+$0x40] =	vst v51;
	v48 =	vsub.f32 v48, v16;
	v44 =	vsub.f32 v44, v16;
	v40 =	vmul.f32 $1.442695020e+00, v58;
	v59 =	vpop (erf)  }
0x4aa: {  	[tilespmem:s28+$0x20] =	vst v42;
	v55 =	vperm.xlane v45, v4;
	v53 =	vadd.f32 v54, v61;
	v41 =	vadd.f32 $-1.000000000e+00, v60;
	v60 =	vpop (erf)  }
0x4ab: {  	(xrf1) =	vsort.ascd.msk.f32 $0xffff, v47, v47;
	v46 =	vsub.f32 v46, v19;
	(erf) = vpow2.f32 v40;
	v40 =	vadd.f32 $-1.000000000e+00, v59;
	v56 =	vpop (erf)  }
0x4ac: {  	v6 =	vsub.f32 v6, v19;
	v39 =	vmul.f32 v62, v8;
	(xrf1) =	vsort.ascd.msk.f32 $0xffff, v41, v41;
	v49 =	vadd.f32 $-1.000000000e+00, v60;
	v61 =	vpop (erf)  }
0x4ad: {  	v48 =	vmul.f32 v48, v7;
	v45 =	vsub.f32 v45, v19;
	v54 =	vadd.f32 $-1.000000000e+00, v56;
	(xrf1) =	vsort.ascd.msk.f32 $0xffff, v40, v40;
	v62 =	vpop (erf)  }
0x4ae: {  	v44 =	vmul.f32 v44, v9;
	v52 =	vadd.f32 v55, v63;
	(xrf1) =	vsort.ascd.msk.f32 $0xffff, v49, v49;
	v56 =	vadd.f32 $-1.000000000e+00, v61;
	v57, _, _ =	vpop (xrf1)  }
0x4af: {  	v53 =	vsub.f32 v53, v16;
	(xrf1) =	vsort.ascd.msk.f32 $0xffff, v54, v54;
	v55 =	vadd.f32 $-1.000000000e+00, v62;
	v57 =	vperm.xlane v57, v5;
	v58, _, _ =	vpop (xrf1)  }
0x4b0: {  	v27 =	vld.idx.msk [tilespmem:v27+s13+$0x0], $0xffff;
	v46 =	vmul.f32 v46, v8;
	v6 =	vmul.f32 v6, v7;
	(xrf1) =	vsort.ascd.msk.f32 $0xffff, v56, v56;
	v60, _, _ =	vpop (xrf1)  }
0x4b1: {  	v29 =	vld.idx.msk [tilespmem:v29+s13+$0x0], $0xffff;
	v58 =	vperm.xlane v58, v5;
	(xrf1) =	vsort.ascd.msk.f32 $0xffff, v55, v55;
	v61 =	vmin.f32 v60, v57  }
0x4b2: {  	v25 =	vld.idx.msk [tilespmem:v25+s13+$0x0], $0xffff;
	vm3 =	vgt.f32 v18, v39;
	v57 =	vmax.f32 v60, v57;
	v60, _, _ =	vpop (xrf1);
	(xrf1) =	vsort.ascd.msk.f32 $0xffff, v61, v61  }
0x4b3: {  	vm2 =	vgt.f32 v26, v46;
	v63 =	vmin.f32 v60, v58;
	(xrf1) =	vsort.ascd.msk.f32 $0xffff, v57, v57  }
0x4b4: {  	v42 =	vadd.f32 $0.0e+00, v24;
	vm0 =	vgt.f32 v24, v6;
	v62 =	vmax.f32 v60, v58;
	v61 =	vpop (erf);
	(xrf1) =	vsort.ascd.msk.f32 $0xffff, v63, v63  }
0x4b5: {  	v6 =	vnsel vm3, $0x0, v18;
	v18 =	vnsel vm2, $0x0, v26;
	v26 =	vld.idx.msk [tilespmem:v35+s13+$0x0], $0xffff;
	v63 =	vadd.f32 $-1.000000000e+00, v61;
	(xrf1) =	vsort.ascd.msk.f32 $0xffff, v62, v62  }
0x4b6: {  	v45 =	vmul.f32 v45, v9;
	vm1 =	vgt.f32 v17, v48;
	v27 =	vmul.f32 $1.100000000e+01, v27  }
0x4b7: {  	vm4 =	vgt.f32 v21, v44;
	v29 =	vmul.f32 $1.100000000e+01, v29;
	v25 =	vmul.f32 $1.100000000e+01, v25;
	(xrf1) =	vsort.ascd.msk.f32 $0xffff, v63, v63  }
0x4b8: {  	v59 =	vadd.f32 $0.0e+00, v17;
	v52 =	vsub.f32 v52, v19;
	v50 =	vmul.f32 v53, v10  }
0x4b9: {  	[tilespmem:s28+$0xFFFFFFD0] =	vst v47;
	v21 =	vnsel vm4, $0x0, v21;
	v27 =	vmul.f32 $1.442695020e+00, v27;
	v29 =	vmul.f32 $1.442695020e+00, v29;
	v17, _, _ =	vpop (xrf1)  }
0x4ba: {  	[tilespmem:s28+$0x10] =	vst v41;
	v25 =	vmul.f32 $1.442695020e+00, v25;
	v48 =	vnsel vm1, $0x0, v59;
	v26 =	vmul.f32 $1.100000000e+01, v26;
	v24, _, _ =	vpop (xrf1)  }
0x4bb: {  	v42 =	vnsel vm0, $0x0, v42;
	v53 =	vmul.f32 v52, v10;
	[tilespmem:s28+$0xFFFFFFA0] =	vst v55;
	v17 =	vperm.xlane v17, v5;
	v55, _, _ =	vpop (xrf1)  }
0x4bc: {  	[tilespmem:s28+$0xFFFFFFB0] =	vst v40;
	vm5 =	vgt.f32 v28, v50;
	v6 =	vadd.f32 v6, v48;
	v26 =	vmul.f32 $1.442695020e+00, v26;
	v58, _, _ =	vpop (xrf1)  }
0x4bd: {  	[tilespmem:s28+$0xFFFFFFC0] =	vst v49;
	v51 =	vperm.xlane v24, v5;
	v59 =	vmin.f32 v58, v17;
	v60, _, _ =	vpop (xrf1);
	v17 =	vmax.f32 v58, v17  }
0x4be: {  	v18 =	vadd.f32 v18, v42;
	(erf) = vpow2.f32 v26;
	[tilespmem:s28+$0xFFFFFFE0] =	vst v63;
	(xrf1) =	vsort.ascd.msk.f32 $0xffff, v59, v59;
	v61, _, _ =	vpop (xrf1)  }
0x4bf: {  	(erf) = vpow2.f32 v27;
	v57 =	vperm.xlane v55, v5;
	v62 =	vmin.f32 v61, v51;
	v63, _, _ =	vpop (xrf1);
	(xrf1) =	vsort.ascd.msk.f32 $0xffff, v17, v17  }
0x4c0: {  	[tilespmem:s28+$0xFFFFFFF0] =	vst v54;
	v36 =	vld.idx.msk [tilespmem:v36+s13+$0x0], $0xffff;
	(erf) = vpow2.f32 v29;
	v39 =	vmax.f32 v61, v51;
	v17, _, _ =	vpop (xrf1);
	(xrf1) =	vsort.ascd.msk.f32 $0xffff, v62, v62  }
0x4c1: {  	(erf) = vpow2.f32 v25;
	v43 =	vmin.f32 v63, v57;
	v35 =	vmax.f32 v63, v57;
	v27, _, _ =	vpop (xrf1);
	(xrf1) =	vsort.ascd.msk.f32 $0xffff, v39, v39  }
0x4c2: {  	v34 =	vld.idx.msk [tilespmem:v34+s13+$0x0], $0xffff;
	v17 =	vperm.xlane v17, v5;
	v27 =	vperm.xlane v27, v5;
	v44, _, _ =	vpop (xrf1);
	(xrf1) =	vsort.ascd.msk.f32 $0xffff, v43, v43  }
0x4c3: {  	[tilespmem:s28+$0x0] =	vst v56;
	v30 =	vld.idx.msk [tilespmem:v30+s13+$0x0], $0xffff;
	v24 =	vmpcnt.ones.xlane vm3;
	vm3 =	vgt.f32 v33, v45;
	v29, _, _ =	vpop (xrf1);
	(xrf1) =	vsort.ascd.msk.f32 $0xffff, v35, v35  }
0x4c4: {  	v37 =	vld.idx.msk [tilespmem:v37+s13+$0x0], $0xffff;
	v42 =	vperm.xlane v60, v5;
	v45 =	vmax.f32 v44, v27;
	v47 =	vmax.f32 v29, v17  }
0x4c5: {  	v28 =	vnsel vm5, $0x0, v28;
	vm6 =	vgt.f32 v20, v53;
	v31 =	vld.idx.msk [tilespmem:v31+s13+$0x0], $0xffff;
	v48, _, _ =	vpop (xrf1);
	v49 =	vmax.f32 v45, v47  }
0x4c6: {  	v6 =	vadd.f32 v21, v6;
	v32 =	vld.idx.msk [tilespmem:v32+s13+$0x0], $0xffff;
	v50 =	vmin.f32 v48, v42;
	(xrf1) =	vsort.ascd.msk.f32 $0xffff, v49, v49  }
0x4c7: {  	v20 =	vnsel vm6, $0x0, v20;
	v36 =	vmul.f32 $1.100000000e+01, v36;
	v35 =	vmax.f32 v48, v42;
	(xrf1) =	vsort.ascd.msk.f32 $0xffff, v50, v50  }
0x4c8: {  	v6 =	vadd.f32 v28, v6;
	v34 =	vmul.f32 $1.100000000e+01, v34;
	v21 =	vmul.f32 $1.100000000e+01, v30;
	v52 =	vpop (erf);
	(xrf1) =	vsort.ascd.msk.f32 $0xffff, v35, v35  }
0x4c9: {  	v25 =	vmul.f32 $1.100000000e+01, v37;
	v53 =	vmul.f32 $1.442695020e+00, v36;
	v33 =	vnsel vm3, $0x0, v33;
	v54 =	vpop (erf)  }
0x4ca: {  	v18 =	vadd.f32 v33, v18;
	v29 =	vmin.f32 v29, v17;
	v51 =	vmin.f32 v45, v47;
	v17 =	vpop (erf)  }
0x4cb: {  	v30 =	vmul.f32 $1.100000000e+01, v31;
	v31 =	vmul.f32 $1.100000000e+01, v32;
	v27 =	vmin.f32 v44, v27;
	v58 =	vpop (erf);
	(xrf1) =	vsort.ascd.msk.f32 $0xffff, v51, v51  }
0x4cc: {  	v33 =	vadd.f32 $-1.000000000e+00, v52;
	v56 =	vadd.f32 $-1.000000000e+00, v54;
	v57 =	vmax.f32 v27, v29;
	v28, _, _ =	vpop (xrf1)  }
0x4cd: {  	v25 =	vmul.f32 $1.442695020e+00, v25;
	v17 =	vadd.f32 $-1.000000000e+00, v17;
	v37 =	vadd.f32 $-1.000000000e+00, v58;
	v59, _, _ =	vpop (xrf1);
	(xrf1) =	vsort.ascd.msk.f32 $0xffff, v57, v57  }
0x4ce: {  	(xrf2) =	vadd.scan.msk.f32 $0xffff, v6;
	v18 =	vadd.f32 v20, v18;
	v20 =	vmul.f32 $1.442695020e+00, v30;
	v6 =	vmul.f32 $1.442695020e+00, v31;
	v60, _, _ =	vpop (xrf1)  }
0x4cf: {  	v26 =	vld.idx.msk [tilespmem:v38+s13+$0x0], $0xffff;
	v31 =	vadd.f32 v56, v33;
	v61 =	vadd.f32 v37, v17;
	v30 =	vperm.xlane v59, v5;
	v62, _, _ =	vpop (xrf1)  }
0x4d0: {  	v21 =	vmul.f32 $1.442695020e+00, v21;
	v27 =	vmin.f32 v27, v29;
	v28 =	vperm.xlane v28, v5;
	v29, _, _ =	vpop (xrf1)  }
0x4d1: {  	(erf) = vpow2.f32 v25;
	v31 =	vadd.f32 v61, v31;
	v63 =	vmax.f32 v29, v30;
	v25, _, _ =	vpop (xrf1);
	(xrf1) =	vsort.ascd.msk.f32 $0xffff, v27, v27  }
0x4d2: {  	v27 =	vmin.f32 v29, v30;
	v29 =	vmin.f32 v25, v28;
	v25 =	vmax.f32 v25, v28  }
0x4d3: {  	v55 =	vmul.f32 $1.442695020e+00, v34;
	(xrf2) =	vadd.scan.msk.f32 $0xffff, v18;
	v39 =	vmax.f32 v63, v25;
	v25 =	vmin.f32 v63, v25  }
0x4d4: {  	v26 =	vmul.f32 $1.100000000e+01, v26;
	(erf) = vpow2.f32 v53;
	v17 =	vsub.f32 v15, v16;
	(xrf2) =	vadd.scan.msk.f32 $0xffff, v31;
	v18, _, _ =	vpop (xrf1)  }
0x4d5: {  	v15 =	vperm.xlane v60, v5;
	v28 =	vperm.xlane v62, v5;
	(xrf1) =	vsort.ascd.msk.f32 $0xffff, v39, v39;
	v31, _, _ =	vpop (xrf1)  }
0x4d6: {  	(erf) = vpow2.f32 v55;
	v34 =	vperm.xlane v18, v5;
	(xrf1) =	vsort.ascd.msk.f32 $0xffff, v25, v25;
	v25, _, _ =	vpop (xrf1)  }
0x4d7: {  	v40 =	vmin.f32 v31, v28;
	v28 =	vmax.f32 v31, v28;
	v31 =	vmax.f32 v25, v15  }
0x4d8: {  	v22 =	vld.idx.msk [tilespmem:v22+s13+$0x0], $0xffff;
	v47 =	vmpcnt.ones.xlane vm3;
	v30 =	vmax.f32 v27, v29;
	(xrf2) =	vadd.scan.msk.f32 $0xffff, v34;
	v41 =	vmax.f32 v28, v31  }
0x4d9: {  	v15 =	vmin.f32 v25, v15;
	v25 =	vmpcnt.ones.xlane vm1;
	v42, _, _ =	vpop (xrf1);
	v28 =	vmin.f32 v28, v31;
	(xrf1) =	vsort.ascd.msk.f32 $0xffff, v41, v41  }
0x4da: {  	v27 =	vmin.f32 v27, v29;
	v29 =	vmpcnt.ones.xlane vm2;
	v31 =	vperm.xlane v42, v5;
	(xrf1) =	vsort.ascd.msk.f32 $0xffff, v28, v28  }
0x4db: {  	v24 =	vadd.s32 v25, v24;
	v25 =	vmpcnt.ones.xlane vm0;
	v28 =	vmpcnt.ones.xlane vm4;
	(xrf1) =	vsort.ascd.msk.f32 $0xffff, v30, v30;
	v30, _, _ =	vpop (xrf1)  }
0x4dc: {  	v43, _, _ =	vpop (xrf2);
	(erf) = vpow2.f32 v21;
	(xrf2) =	vadd.scan.msk.f32 $0xffff, v31;
	v32 =	vperm.xlane v30, v5  }
0x4dd: {  	v45 =	vpop (erf);
	v21 =	vadd.s32 v28, v24;
	v24 =	vadd.s32 v25, v29;
	v25 =	vmpcnt.ones.xlane vm6  }
0x4de: {  	v22 =	vmul.f32 $1.100000000e+01, v22;
	v49, _, _ =	vpop (xrf2);
	v28 =	vperm.xlane v43, v4;
	v24 =	vadd.s32 v47, v24  }
0x4df: {  	v44 =	vmax.f32 v40, v15;
	v30, _, _ =	vpop (xrf2);
	(xrf2) =	vadd.scan.msk.f32 $0xffff, v32;
	v24 =	vadd.s32 v25, v24;
	v25 =	vperm.xlane v49, v4  }
0x4e0: {  	v26 =	vmul.f32 $1.442695020e+00, v26;
	(xrf1) =	vsort.ascd.msk.f32 $0xffff, v44, v44;
	v29 =	vpop (erf);
	v28 =	vsub.f32 v28, v16;
	v16 =	vcvt.s32.f32 v24  }
0x4e1: {  	v14 =	vsub.f32 v14, v19;
	v46 =	vmpcnt.ones.xlane vm5;
	v22 =	vmul.f32 $1.442695020e+00, v22;
	v51, _, _ =	vpop (xrf1)  }
0x4e2: {  	v48 =	vadd.f32 $-1.000000000e+00, v45;
	(erf) = vpow2.f32 v26;
	v29 =	vadd.f32 $-1.000000000e+00, v29;
	v52, _, _ =	vpop (xrf2)  }
0x4e3: {  	v33 =	vperm.xlane v51, v5;
	v19 =	vsub.f32 v25, v19;
	v36 =	vadd.f32 $0.0e+00, v52;
	v25 =	vpop (erf)  }
0x4e4: {  	v15 =	vmin.f32 v40, v15;
	v53 =	vadd.f32 v29, v48;
	v29 =	vmax.f32 v16, $1.000000000e+00;
	v16, _, _ =	vpop (xrf1)  }
0x4e5: {  	v21 =	vadd.s32 v46, v21;
	(xrf2) =	vadd.scan.msk.f32 $0xffff, v33;
	v26 =	vadd.f32 $-1.000000000e+00, v25;
	v25 =	vperm.xlane v36, v4;
	v54, _, _ =	vpop (xrf1)  }
0x4e6: {  	v50 =	vcvt.s32.f32 v21;
	vm2 =	vgt.s32 v21, $0x0;
	vm1 =	vgt.s32 v24, $0x0;
	(xrf1) =	vsort.ascd.msk.f32 $0xffff, v27, v27;
	v24, _, _ =	vpop (xrf2)  }
0x4e7: {  	(erf) = vpow2.f32 v20;
	(xrf1) =	vsort.ascd.msk.f32 $0xffff, v15, v15;
	v21 =	vperm.xlane v16, v5;
	v55 =	vadd.f32 v25, v24;
	v24 =	vpop (erf)  }
0x4e8: {  	v30 =	vperm.xlane v30, v4;
	(erf) = vpow2.f32 v6;
	v6 =	vadd.f32 $-1.000000000e+00, v24;
	v24, _, _ =	vpop (xrf1)  }
0x4e9: {  	v38 =	vadd.f32 $0.0e+00, v34;
	v16 =	vperm.xlane v16, v4;
	(erf) = vpow2.f32 v22;
	v57, _, _ =	vpop (xrf2);
	(xrf2) =	vadd.scan.msk.f32 $0xffff, v21  }
0x4ea: {  	v35 =	vmax.f32 v50, $1.000000000e+00;
	v25 =	vperm.xlane v24, v5;
	v56 =	vperm.xlane v55, v4  }
0x4eb: {  	v20 =	vperm.xlane v54, v5;
	v22 =	vadd.f32 $0.0e+00, v21;
	v61 =	vpop (erf);
	v6 =	vadd.f32 v6, v26  }
0x4ec: {  	v27, _, _ =	vpop (xrf1);
	v15 =	vperm.xlane v24, v4;
	v59 =	vsub.f32 v55, v30;
	v39 =	vadd.f32 v56, v57;
	(xrf2) =	vadd.scan.msk.f32 $0xffff, v25  }
0x4ed: {  	(erf) = vrcp.f32 v35;
	v24, _, _ =	vpop (xrf1);
	v45 =	vadd.f32 v6, v53;
	v6 =	vsub.f32 v36, v30  }
0x4ee: {  	v46 =	vadd.f32 $-1.000000000e+00, v61;
	v27 =	vperm.xlane v27, v5;
	v58, _, _ =	vpop (xrf1);
	v60 =	vperm.xlane v39, v4  }
0x4ef: {  	v26 =	vadd.f32 $0.0e+00, v25;
	v24 =	vperm.xlane v24, v5;
	(xrf2) =	vadd.scan.msk.f32 $0xffff, v20;
	v62, _, _ =	vpop (xrf2);
	v6 =	vmul.f32 v6, v7  }
0x4f0: {  	s29 =	simm.s32 $0x0;
	v35 =	vmul.f32 v59, v8;
	v63 =	vpop (erf);
	v36 =	vsub.f32 v39, v30;
	v37 =	vadd.f32 v60, v62  }
0x4f1: {  	s5 =	simm.s32 $0x180;
	s2 =	simm.s32 $0x3;
	[tilespmem:s29+$0x7020] =	vst v23;
	v23 =	vperm.xlane v58, v5;
	v47 =	vadd.f32 $-1.000000000e+00, v63;
	vm0 =	vgt.f32 v34, v6;
	v34 =	vpop (erf)  }
.LBB2_7:
0x4f2: {  	s0 =	sadd.s32 $0x40, s5;
	s1 =	sadd.s32 $0x80, s5;
	vm3 =	vgt.f32 v31, v35;
	v6 =	vmul.f32 v36, v9;
	v35 =	vsub.f32 v37, v30;
	s26 =	sadd.s32 $0x18, s26;
	v48 =	vpop (erf);
	(xrf2) =	vadd.scan.msk.f32 $0xffff, v27  }
0x4f3: {  	v49 =	vadd.f32 $-1.000000000e+00, v34;
	s3 =	sadd.s32 $0xFFFFFFF0, s26;
	s1 =	sand.u32 $0x1C00, s1;
	s6 =	sand.u32 $0x78, s26;
	v34 =	vnsel vm0, $0x0, v38;
	v31 =	vnsel vm3, $0x0, v31;
	v50, _, _ =	vpop (xrf2)  }
0x4f4: {  	s2 =	sadd.s32 $0x3, s2;
	s7 =	sadd.s32 $0xFFFFFFF8, s26;
	s1 =	sor.u32 s6, s1;
	v31 =	vadd.f32 v31, v34;
	vm4 =	vgt.f32 v32, v6;
	v34 =	vmul.f32 v35, v10;
	v51, _, _ =	vpop (xrf1)  }
0x4f5: {  	s0 =	sand.u32 $0x1C00, s0;
	p0 =	slt.u32 s2, $0x3C;
	s3 =	sand.u32 $0x78, s3;
	v39 =	vor.u32 s1, v1;
	v37 =	vor.u32 s1, v2;
	v32 =	vnsel vm4, $0x0, v32;
	(xrf2) =	vadd.scan.msk.f32 $0xffff, v24;
	v52, _, _ =	vpop (xrf1)  }
0x4f6: {  	s6 =	sand.u32 $0xC00, s5;
	s7 =	sand.u32 $0x78, s7;
	v38 =	vor.u32 s1, v3;
	v31 =	vadd.f32 v32, v31;
	vm5 =	vgt.f32 v33, v34;
	v6, _, _ =	vpop (xrf2)  }
0x4f7: {  	s3 =	sor.u32 s3, s6;
	s0 =	sor.u32 s7, s0;
	v32 =	vmpcnt.ones.xlane vm0;
	v34 =	vmpcnt.ones.xlane vm3;
	v33 =	vnsel vm5, $0x0, v33  }
0x4f8: {  	v44 =	vor.u32 s1, v0;
	v35 =	vmpcnt.ones.xlane vm4;
	v31 =	vadd.f32 v33, v31;
	v53 =	vpop (erf)  }
0x4f9: {  	v36 =	vor.u32 s3, v3;
	v33 =	vadd.s32 v32, v34;
	v34 =	vmpcnt.ones.xlane vm5;
	v54, _, _ =	vpop (xrf2)  }
0x4fa: {  	v42 =	vor.u32 s3, v1;
	v32 =	vor.u32 s0, v3;
	v33 =	vadd.s32 v35, v33;
	v55 =	vld.idx.msk [tilespmem:v39+s12+$0x0], $0xffff;
	(xrf2) =	vadd.scan.msk.f32 $0xffff, v31  }
0x4fb: {  	v41 =	vor.u32 s3, v2;
	v35 =	vor.u32 s0, v1;
	v57 =	vadd.s32 v34, v33;
	v56 =	vld.idx.msk [tilespmem:v38+s12+$0x0], $0xffff  }
0x4fc: {  	v43 =	vor.u32 s3, v0;
	v34 =	vor.u32 s0, v2;
	v59 =	vcvt.s32.f32 v57;
	v58 =	vld.idx.msk [tilespmem:v37+s12+$0x0], $0xffff;
	v60, _, _ =	vpop (xrf2)  }
0x4fd: {  	v48 =	vadd.f32 $-1.000000000e+00, v48;
	v62 =	vadd.f32 v47, v46;
	v40 =	vor.u32 s0, v0;
	v61 =	vld.idx.msk [tilespmem:v44+s12+$0x0], $0xffff;
	(xrf2) =	vadd.scan.msk.f32 $0xffff, v23  }
0x4fe: {  	v33 =	vperm.xlane v51, v5;
	v31 =	vperm.xlane v52, v5;
	v47 =	vmax.f32 v59, $1.000000000e+00;
	v63 =	vld.idx.msk [tilespmem:v36+s12+$0x0], $0xffff  }
0x4ff: {  	v46 =	vadd.f32 $0.0e+00, v50;
	v48 =	vadd.f32 v48, v49;
	v51 =	vld.idx.msk [tilespmem:v32+s12+$0x0], $0xffff;
	v49, _, _ =	vpop (xrf2);
	(erf) = vrcp.f32 v47  }
0x500: {  	v47 =	vadd.f32 $0.0e+00, v6;
	v6 =	vmul.f32 v53, v28;
	v50 =	vld.idx.msk [tilespmem:v42+s12+$0x0], $0xffff;
	(xrf2) =	vadd.scan.msk.f32 $0xffff, v45;
	(erf) = vrcp.f32 v29  }
0x501: {  	v48 =	vadd.f32 v48, v62;
	v29 =	vmul.f32 $1.100000000e+01, v56;
	v45 =	vperm.xlane v46, v4;
	v28 =	vld.idx.msk [tilespmem:v41+s12+$0x0], $0xffff  }
0x502: {  	v53 =	vmul.f32 $1.100000000e+01, v55;
	v58 =	vmul.f32 $1.100000000e+01, v58;
	v6 =	vsel vm2, v6, v17;
	v52 =	vld.idx.msk [tilespmem:v35+s12+$0x0], $0xffff  }
0x503: {  	v56 =	vmul.f32 $1.100000000e+01, v61;
	v29 =	vmul.f32 $1.442695020e+00, v29;
	v45 =	vadd.f32 v45, v54;
	v17 =	vld.idx.msk [tilespmem:v34+s12+$0x0], $0xffff;
	(xrf2) =	vadd.scan.msk.f32 $0xffff, v48  }
0x504: {  	vm0 =	vmmov vm1;
	v59 =	vmul.f32 $1.442695020e+00, v53;
	v54 =	vmul.f32 $1.442695020e+00, v58;
	v48 =	vld.idx.msk [tilespmem:v43+s12+$0x0], $0xffff;
	v55, _, _ =	vpop (xrf2);
	[tilespmem:s29+$0x7000] =	vst v6  }
0x505: {  	v6 =	vld.idx.msk [tilespmem:v40+s12+$0x0], $0xffff;
	(erf) = vpow2.f32 v29;
	v29 =	vperm.xlane v55, v4  }
0x506: {  	v55 =	vmul.f32 $1.442695020e+00, v56;
	(erf) = vpow2.f32 v59  }
0x507: {  	v18 =	vperm.xlane v18, v4;
	(erf) = vpow2.f32 v54;
	v29 =	vsub.f32 v29, v30;
	(xrf2) =	vadd.scan.msk.f32 $0xffff, v33;
	v53, _, _ =	vpop (xrf2)  }
0x508: {  	v51 =	vmul.f32 $1.100000000e+01, v51;
	v54 =	vmul.f32 $1.100000000e+01, v63;
	v56 =	vpop (erf)  }
0x509: {  	v18 =	vsub.f32 v18, v30;
	(erf) = vpow2.f32 v55;
	v29 =	vmul.f32 v56, v29;
	v30 =	vpop (erf)  }
0x50a: {  	vm1 =	vgt.s32 v57, $0x0;
	v51 =	vmul.f32 $1.442695020e+00, v51;
	v54 =	vmul.f32 $1.442695020e+00, v54;
	v55, _, _ =	vpop (xrf2);
	(xrf2) =	vadd.scan.msk.f32 $0xffff, v31  }
0x50b: {  	s7 =	sshra.s32 s25, $0x2;
	s25 =	smov.u32 s5;
	v28 =	vmul.f32 $1.100000000e+01, v28;
	v56 =	vmul.f32 $1.100000000e+01, v50;
	v18 =	vsel vm1, v29, v18  }
0x50c: {  	v17 =	vmul.f32 $1.100000000e+01, v17;
	v29 =	vmul.f32 $1.100000000e+01, v52;
	[tilespmem:s7+$0x7020] =	vst v18  }
0x50d: {  	v18 =	vmul.f32 $1.442695020e+00, v56;
	(erf) = vpow2.f32 v54;
	v50, _, _ =	vpop (xrf2)  }
0x50e: {  	v28 =	vmul.f32 $1.442695020e+00, v28;
	(erf) = vpow2.f32 v51;
	v51 =	vpop (erf)  }
0x50f: {  	v17 =	vmul.f32 $1.442695020e+00, v17;
	v29 =	vmul.f32 $1.442695020e+00, v29;
	v51 =	vadd.f32 $-1.000000000e+00, v51;
	v52 =	vpop (erf)  }
0x510: {  	v48 =	vmul.f32 $1.100000000e+01, v48;
	v6 =	vmul.f32 $1.100000000e+01, v6;
	v52 =	vadd.f32 $-1.000000000e+00, v52;
	v54 =	vpop (erf)  }
0x511: {  	v54 =	vadd.f32 $-1.000000000e+00, v54;
	(erf) = vpow2.f32 v18;
	(xrf1) =	vsort.ascd.msk.f32 $0xffff, v51, v51;
	v18 =	vperm.xlane v47, v4;
	v56, _, _ =	vpop (xrf2)  }
0x512: {  	v48 =	vmul.f32 $1.442695020e+00, v48;
	(erf) = vpow2.f32 v28;
	v28 =	vpop (erf);
	(xrf1) =	vsort.ascd.msk.f32 $0xffff, v52, v52  }
0x513: {  	v6 =	vmul.f32 $1.442695020e+00, v6;
	v57 =	vadd.f32 $-1.000000000e+00, v28;
	(erf) = vpow2.f32 v29;
	(xrf1) =	vsort.ascd.msk.f32 $0xffff, v54, v54  }
0x514: {  	v18 =	vadd.f32 v18, v60;
	(erf) = vpow2.f32 v17;
	v17 =	vperm.xlane v45, v4;
	v58, _, _ =	vpop (xrf2)  }
0x515: {  	v28 =	vperm.xlane v55, v4;
	(erf) = vpow2.f32 v48;
	(xrf1) =	vsort.ascd.msk.f32 $0xffff, v57, v57  }
0x516: {  	v29 =	vperm.xlane v50, v4;
	v48 =	vpop (erf);
	v17 =	vadd.f32 v17, v49;
	v49 =	vperm.xlane v18, v4  }
0x517: {  	v30 =	vmul.f32 v30, v19;
	v45 =	vsub.f32 v45, v28;
	v48 =	vadd.f32 $-1.000000000e+00, v48;
	v50 =	vpop (erf)  }
0x518: {  	v50 =	vadd.f32 $-1.000000000e+00, v50;
	v19 =	vperm.xlane v17, v4;
	v49 =	vadd.f32 v49, v53  }
0x519: {  	v18 =	vsub.f32 v18, v29;
	(xrf1) =	vsort.ascd.msk.f32 $0xffff, v48, v48;
	(erf) = vpow2.f32 v6;
	v6 =	vsub.f32 v46, v28  }
0x51a: {  	v47 =	vsub.f32 v47, v29;
	v46 =	vpop (erf);
	(xrf1) =	vsort.ascd.msk.f32 $0xffff, v50, v50;
	v53 =	vperm.xlane v49, v4  }
0x51b: {  	v45 =	vmul.f32 v45, v8;
	v19 =	vadd.f32 v19, v56;
	v46 =	vadd.f32 $-1.000000000e+00, v46;
	v55 =	vpop (erf)  }
0x51c: {  	v18 =	vmul.f32 v18, v8;
	v55 =	vadd.f32 $-1.000000000e+00, v55;
	v56 =	vpop (erf);
	v53 =	vadd.f32 v53, v58  }
0x51d: {  	v17 =	vsub.f32 v17, v28;
	v6 =	vmul.f32 v6, v7;
	v56 =	vadd.f32 $-1.000000000e+00, v56;
	(xrf1) =	vsort.ascd.msk.f32 $0xffff, v46, v46;
	v58 =	vpop (erf)  }
0x51e: {  	v47 =	vmul.f32 v47, v7;
	v49 =	vsub.f32 v49, v29;
	v58 =	vadd.f32 $-1.000000000e+00, v58;
	v59 =	vpop (erf);
	(xrf1) =	vsort.ascd.msk.f32 $0xffff, v55, v55  }
0x51f: {  	v17 =	vmul.f32 v17, v9;
	v60, _, _ =	vpop (xrf1)  }
0x520: {  	v19 =	vsub.f32 v19, v28;
	v59 =	vadd.f32 $-1.000000000e+00, v59;
	(xrf1) =	vsort.ascd.msk.f32 $0xffff, v56, v56;
	v60 =	vperm.xlane v60, v5  }
0x521: {  	v53 =	vsub.f32 v53, v29;
	(xrf1) =	vsort.ascd.msk.f32 $0xffff, v58, v58;
	v61, _, _ =	vpop (xrf1)  }
0x522: {  	vm4 =	vgt.f32 v20, v45;
	v45 =	vmul.f32 v49, v9;
	(xrf1) =	vsort.ascd.msk.f32 $0xffff, v59, v59;
	v62, _, _ =	vpop (xrf1)  }
0x523: {  	s28 =	sadd.s32 $0xC0, s28;
	vm2 =	vgt.f32 v27, v18;
	v49 =	vperm.xlane v61, v5;
	v61 =	vmin.f32 v62, v60;
	v63 =	vpop (erf)  }
0x524: {  	v18 =	vadd.f32 $-1.000000000e+00, v63;
	[tilespmem:s28+$0x20] =	vst v57;
	v57 =	vmax.f32 v62, v60;
	v60, _, _ =	vpop (xrf1);
	(xrf1) =	vsort.ascd.msk.f32 $0xffff, v61, v61  }
0x525: {  	vm3 =	vgt.f32 v21, v6;
	[tilespmem:s28+$0x30] =	vst v52;
	v52 =	vmin.f32 v60, v49;
	(xrf1) =	vsort.ascd.msk.f32 $0xffff, v57, v57  }
0x526: {  	vm1 =	vgt.f32 v25, v47;
	v6 =	vmax.f32 v60, v49;
	[tilespmem:s28+$0x40] =	vst v54;
	(xrf1) =	vsort.ascd.msk.f32 $0xffff, v52, v52  }
0x527: {  	[tilespmem:s28+$0x50] =	vst v51;
	(xrf1) =	vsort.ascd.msk.f32 $0xffff, v6, v6;
	v6 =	vnsel vm4, $0x0, v20;
	v20 =	vnsel vm2, $0x0, v27  }
0x528: {  	v26 =	vnsel vm1, $0x0, v26;
	v22 =	vnsel vm3, $0x0, v22;
	[tilespmem:s28+$0xFFFFFFA0] =	vst v59;
	v21 =	vld.idx.msk [tilespmem:v44+s13+$0x0], $0xffff;
	v25, _, _ =	vpop (xrf1);
	(xrf1) =	vsort.ascd.msk.f32 $0xffff, v18, v18  }
0x529: {  	v44 =	vmul.f32 v19, v10;
	[tilespmem:s28+$0xFFFFFFB0] =	vst v46;
	v25 =	vperm.xlane v25, v5;
	v27 =	vld.idx.msk [tilespmem:v39+s13+$0x0], $0xffff;
	v39, _, _ =	vpop (xrf1)  }
0x52a: {  	v46 =	vmul.f32 v53, v10;
	[tilespmem:s28+$0xFFFFFFC0] =	vst v55;
	v39 =	vperm.xlane v39, v5;
	v37 =	vld.idx.msk [tilespmem:v37+s13+$0x0], $0xffff  }
0x52b: {  	vm5 =	vgt.f32 v24, v17;
	v19 =	vmpcnt.ones.xlane vm4;
	vm4 =	vgt.f32 v23, v45;
	[tilespmem:s28+$0xFFFFFFD0] =	vst v48;
	v38 =	vld.idx.msk [tilespmem:v38+s13+$0x0], $0xffff  }
0x52c: {  	v6 =	vadd.f32 v6, v22;
	v22 =	vnsel vm5, $0x0, v24;
	v20 =	vadd.f32 v20, v26;
	v17 =	vld.idx.msk [tilespmem:v43+s13+$0x0], $0xffff;
	[tilespmem:s28+$0xFFFFFFE0] =	vst v18;
	v18, _, _ =	vpop (xrf1)  }
0x52d: {  	v23 =	vnsel vm4, $0x0, v23;
	vm6 =	vgt.f32 v33, v44;
	v24 =	vld.idx.msk [tilespmem:v42+s13+$0x0], $0xffff;
	v18 =	vperm.xlane v18, v5;
	[tilespmem:s28+$0xFFFFFFF0] =	vst v56;
	v26, _, _ =	vpop (xrf1)  }
0x52e: {  	v21 =	vmul.f32 $1.100000000e+01, v21;
	v41 =	vld.idx.msk [tilespmem:v41+s13+$0x0], $0xffff;
	v43 =	vmin.f32 v26, v25;
	v25 =	vmax.f32 v26, v25;
	[tilespmem:s28+$0x0] =	vst v58;
	v26, _, _ =	vpop (xrf1)  }
0x52f: {  	v27 =	vmul.f32 $1.100000000e+01, v27;
	v36 =	vld.idx.msk [tilespmem:v36+s13+$0x0], $0xffff;
	[tilespmem:s28+$0x10] =	vst v50;
	v26 =	vperm.xlane v26, v5;
	(xrf1) =	vsort.ascd.msk.f32 $0xffff, v43, v43;
	v42, _, _ =	vpop (xrf1)  }
0x530: {  	v45 =	vmul.f32 $1.442695020e+00, v21;
	v37 =	vmul.f32 $1.100000000e+01, v37;
	v40 =	vld.idx.msk [tilespmem:v40+s13+$0x0], $0xffff;
	v43 =	vmin.f32 v42, v39;
	v44, _, _ =	vpop (xrf1)  }
0x531: {  	v39 =	vmax.f32 v42, v39;
	v47 =	vmul.f32 $1.442695020e+00, v27;
	v48 =	vmul.f32 $1.100000000e+01, v38;
	v35 =	vld.idx.msk [tilespmem:v35+s13+$0x0], $0xffff  }
0x532: {  	v42 =	vmin.f32 v44, v18;
	v49 =	vmul.f32 $1.442695020e+00, v37;
	v34 =	vld.idx.msk [tilespmem:v34+s13+$0x0], $0xffff;
	(xrf1) =	vsort.ascd.msk.f32 $0xffff, v25, v25;
	(erf) = vpow2.f32 v45;
	v21, _, _ =	vpop (xrf1)  }
0x533: {  	v18 =	vmax.f32 v44, v18;
	v25 =	vld.idx.msk [tilespmem:v32+s13+$0x0], $0xffff;
	v32 =	vmul.f32 $1.442695020e+00, v48;
	(xrf1) =	vsort.ascd.msk.f32 $0xffff, v43, v43;
	(erf) = vpow2.f32 v47;
	v27, _, _ =	vpop (xrf1)  }
0x534: {  	v33 =	vnsel vm6, $0x0, v33;
	v21 =	vperm.xlane v21, v5;
	v27 =	vperm.xlane v27, v5;
	(xrf1) =	vsort.ascd.msk.f32 $0xffff, v39, v39;
	v38, _, _ =	vpop (xrf1)  }
0x535: {  	vm7 =	vgt.f32 v31, v46;
	v17 =	vmul.f32 $1.100000000e+01, v17;
	(xrf1) =	vsort.ascd.msk.f32 $0xffff, v42, v42;
	(erf) = vpow2.f32 v49;
	v37, _, _ =	vpop (xrf1)  }
0x536: {  	v39 =	vmax.f32 v38, v27;
	v42 =	vmax.f32 v37, v21;
	(xrf1) =	vsort.ascd.msk.f32 $0xffff, v18, v18;
	v18, _, _ =	vpop (xrf1);
	(erf) = vpow2.f32 v32  }
0x537: {  	v32 =	vmin.f32 v18, v26;
	v18 =	vmax.f32 v18, v26;
	v26 =	vmax.f32 v39, v42  }
0x538: {  	v6 =	vadd.f32 v22, v6;
	v24 =	vmul.f32 $1.100000000e+01, v24;
	v41 =	vmul.f32 $1.100000000e+01, v41;
	(xrf1) =	vsort.ascd.msk.f32 $0xffff, v26, v26  }
0x539: {  	v23 =	vadd.f32 v23, v20;
	v22 =	vmul.f32 $1.100000000e+01, v36;
	v26 =	vmul.f32 $1.100000000e+01, v40;
	(xrf1) =	vsort.ascd.msk.f32 $0xffff, v32, v32  }
0x53a: {  	v34 =	vmul.f32 $1.100000000e+01, v34;
	v32 =	vmul.f32 $1.100000000e+01, v35;
	(xrf1) =	vsort.ascd.msk.f32 $0xffff, v18, v18;
	v18 =	vnsel vm7, $0x0, v31  }
0x53b: {  	v25 =	vmul.f32 $1.100000000e+01, v25;
	v40 =	vmin.f32 v39, v42;
	v31 =	vmul.f32 $1.442695020e+00, v17;
	v35 =	vpop (erf)  }
0x53c: {  	v6 =	vadd.f32 v33, v6;
	v24 =	vmul.f32 $1.442695020e+00, v24;
	v36 =	vmul.f32 $1.442695020e+00, v41;
	v39 =	vpop (erf);
	(xrf1) =	vsort.ascd.msk.f32 $0xffff, v40, v40  }
0x53d: {  	v22 =	vmul.f32 $1.442695020e+00, v22;
	v20 =	vmul.f32 $1.442695020e+00, v26;
	v18 =	vadd.f32 v18, v23;
	v17, _, _ =	vpop (xrf1)  }
0x53e: {  	v27 =	vmin.f32 v38, v27;
	v21 =	vmin.f32 v37, v21;
	v26 =	vperm.xlane v17, v5;
	v17 =	vpop (erf)  }
0x53f: {  	v23 =	vmax.f32 v27, v21;
	v33 =	vadd.f32 $-1.000000000e+00, v35;
	v35 =	vadd.f32 $-1.000000000e+00, v39;
	v37 =	vpop (erf);
	(xrf2) =	vadd.scan.msk.f32 $0xffff, v6  }
0x540: {  	v6 =	vmul.f32 $1.442695020e+00, v32;
	v32 =	vadd.f32 $-1.000000000e+00, v17;
	v37 =	vadd.f32 $-1.000000000e+00, v37;
	v17, _, _ =	vpop (xrf1);
	(xrf1) =	vsort.ascd.msk.f32 $0xffff, v23, v23  }
0x541: {  	v23 =	vmul.f32 $1.442695020e+00, v34;
	v38 =	vperm.xlane v17, v5;
	v34, _, _ =	vpop (xrf1);
	v17 =	vsub.f32 v16, v28  }
0x542: {  	v33 =	vadd.f32 v35, v33;
	v16 =	vperm.xlane v34, v5;
	v32 =	vadd.f32 v37, v32;
	v34, _, _ =	vpop (xrf1);
	(xrf2) =	vadd.scan.msk.f32 $0xffff, v18  }
0x543: {  	v25 =	vmul.f32 $1.442695020e+00, v25;
	v18 =	vmin.f32 v27, v21;
	v35 =	vperm.xlane v34, v5;
	v21, _, _ =	vpop (xrf1)  }
0x544: {  	v27 =	vmax.f32 v21, v38;
	v32 =	vadd.f32 v32, v33;
	(erf) = vpow2.f32 v31;
	v31, _, _ =	vpop (xrf1);
	(xrf1) =	vsort.ascd.msk.f32 $0xffff, v18, v18  }
0x545: {  	v38 =	vmin.f32 v21, v38;
	v33 =	vmin.f32 v31, v26;
	v34 =	vmax.f32 v31, v26  }
0x546: {  	v26 =	vmax.f32 v38, v33;
	v31 =	vmin.f32 v27, v34;
	v27 =	vmax.f32 v27, v34;
	(xrf2) =	vadd.scan.msk.f32 $0xffff, v32;
	v18, _, _ =	vpop (xrf1)  }
0x547: {  	v37 =	vmin.f32 v38, v33;
	v34 =	vperm.xlane v18, v5;
	(xrf1) =	vsort.ascd.msk.f32 $0xffff, v27, v27;
	v21, _, _ =	vpop (xrf1);
	v27 =	vmpcnt.ones.xlane vm2  }
0x548: {  	v32 =	vmin.f32 v21, v35;
	v39 =	vmax.f32 v21, v35;
	(erf) = vpow2.f32 v24;
	(xrf1) =	vsort.ascd.msk.f32 $0xffff, v31, v31;
	v24, _, _ =	vpop (xrf1)  }
0x549: {  	v40 =	vmpcnt.ones.xlane vm3;
	v31 =	vmin.f32 v24, v16;
	v16 =	vmax.f32 v24, v16;
	(xrf2) =	vadd.scan.msk.f32 $0xffff, v34;
	v33, _, _ =	vpop (xrf2)  }
0x54a: {  	v35 =	vmax.f32 v32, v31;
	v38 =	vmin.f32 v39, v16;
	v16 =	vmax.f32 v39, v16;
	v21, _, _ =	vpop (xrf1)  }
0x54b: {  	v39 =	vmin.f32 v32, v31;
	v31 =	vperm.xlane v21, v5;
	(erf) = vpow2.f32 v36;
	(xrf1) =	vsort.ascd.msk.f32 $0xffff, v16, v16  }
0x54c: {  	v16 =	vadd.s32 v40, v19;
	v19 =	vmpcnt.ones.xlane vm5;
	v21 =	vmpcnt.ones.xlane vm1;
	(xrf1) =	vsort.ascd.msk.f32 $0xffff, v38, v38;
	v24, _, _ =	vpop (xrf2)  }
0x54d: {  	v15 =	vsub.f32 v15, v29;
	v36 =	vmpcnt.ones.xlane vm6;
	v38 =	vmpcnt.ones.xlane vm4;
	v32 =	vpop (erf);
	(xrf2) =	vadd.scan.msk.f32 $0xffff, v31  }
0x54e: {  	v21 =	vadd.s32 v21, v27;
	v27 =	vmpcnt.ones.xlane vm7;
	v40 =	vadd.f32 $-1.000000000e+00, v32;
	(xrf1) =	vsort.ascd.msk.f32 $0xffff, v26, v26;
	v26, _, _ =	vpop (xrf1)  }
0x54f: {  	v16 =	vadd.s32 v19, v16;
	v32 =	vperm.xlane v26, v5;
	(erf) = vpow2.f32 v22;
	(xrf1) =	vsort.ascd.msk.f32 $0xffff, v35, v35  }
0x550: {  	v19 =	vperm.xlane v33, v4;
	v16 =	vadd.s32 v36, v16;
	v21 =	vadd.s32 v38, v21;
	v26, _, _ =	vpop (xrf2)  }
0x551: {  	v41 =	vperm.xlane v24, v4;
	v35 =	vcvt.s32.f32 v16;
	v27 =	vadd.s32 v27, v21;
	v22 =	vpop (erf);
	(xrf2) =	vadd.scan.msk.f32 $0xffff, v32  }
0x552: {  	v28 =	vsub.f32 v19, v28;
	v42 =	vcvt.s32.f32 v27;
	v22 =	vadd.f32 $-1.000000000e+00, v22;
	v24, _, _ =	vpop (xrf1)  }
0x553: {  	v19 =	vsub.f32 v41, v29;
	v35 =	vmax.f32 v35, $1.000000000e+00;
	v33 =	vperm.xlane v24, v5;
	v24, _, _ =	vpop (xrf2)  }
0x554: {  	v29 =	vmax.f32 v42, $1.000000000e+00;
	v38 =	vadd.f32 v22, v40;
	v40 =	vadd.f32 $0.0e+00, v24;
	v21 =	vpop (erf)  }
0x555: {  	vm2 =	vgt.s32 v16, $0x0;
	v24 =	vadd.f32 $-1.000000000e+00, v21;
	v36, _, _ =	vpop (xrf1);
	(erf) = vpow2.f32 v20;
	(xrf2) =	vadd.scan.msk.f32 $0xffff, v33  }
0x556: {  	vm1 =	vgt.s32 v27, $0x0;
	v21 =	vperm.xlane v36, v5;
	v41 =	vperm.xlane v40, v4;
	(xrf1) =	vsort.ascd.msk.f32 $0xffff, v37, v37;
	v20, _, _ =	vpop (xrf1)  }
0x557: {  	v14 =	vsel vm0, v30, v14;
	v20 =	vperm.xlane v20, v5;
	(erf) = vpow2.f32 v6;
	(xrf1) =	vsort.ascd.msk.f32 $0xffff, v39, v39;
	v6, _, _ =	vpop (xrf2)  }
0x558: {  	v22 =	vadd.f32 $0.0e+00, v21;
	v6 =	vadd.f32 v41, v6;
	v16 =	vpop (erf);
	(erf) = vpow2.f32 v23;
	[tilespmem:s29+$0x7010] =	vst v14;
	s29 =	smov.u32 s7  }
0x559: {  	v23 =	vadd.f32 $-1.000000000e+00, v16;
	v16 =	vperm.xlane v36, v4;
	(xrf2) =	vadd.scan.msk.f32 $0xffff, v21;
	(erf) = vpow2.f32 v25;
	v36, _, _ =	vpop (xrf1)  }
0x55a: {  	v14 =	vmov v15;
	v25 =	vperm.xlane v36, v5;
	v37 =	vperm.xlane v6, v4;
	v27, _, _ =	vpop (xrf1)  }
0x55b: {  	v30 =	vperm.xlane v26, v4;
	v42 =	vadd.f32 v23, v24;
	v27 =	vperm.xlane v27, v5;
	v24, _, _ =	vpop (xrf2)  }
0x55c: {  	v15 =	vperm.xlane v36, v4;
	v26 =	vadd.f32 $0.0e+00, v25;
	v36 =	vadd.f32 v37, v24;
	v24, _, _ =	vpop (xrf1);
	(xrf2) =	vadd.scan.msk.f32 $0xffff, v25  }
.Ltmp2:
0x55d: {  	v40 =	vsub.f32 v40, v30;
	v45 =	vadd.f32 v42, v38;
	v24 =	vperm.xlane v24, v5;
	v23, _, _ =	vpop (xrf1);
	(pc) =	sbr.rel @p0 .LBB2_7-.Ltmp2, $4  }
0x55e: {  	v41 =	vsub.f32 v6, v30;
	v23 =	vperm.xlane v23, v5;
	v38 =	vperm.xlane v36, v4;
	v39 =	vpop (erf)  }
0x55f: {  	v46 =	vadd.f32 $-1.000000000e+00, v39;
	v39 =	vmul.f32 v40, v7;
	(xrf2) =	vadd.scan.msk.f32 $0xffff, v20;
	v37, _, _ =	vpop (xrf2);
	(erf) = vrcp.f32 v35  }
0x560: {  	v36 =	vsub.f32 v36, v30;
	v35 =	vmul.f32 v41, v8;
	v37 =	vadd.f32 v38, v37;
	v6 =	vpop (erf)  }
0x561: {  	s5 =	sadd.s32 $0xC0, s5;
	v38 =	vadd.f32 $0.0e+00, v34;
	v47 =	vadd.f32 $-1.000000000e+00, v6;
	vm0 =	vgt.f32 v34, v39;
	v34 =	vpop (erf)  }
0x562: {  	vm3 =	vgt.f32 v31, v35;
	v6 =	vmul.f32 v36, v9;
	v54 =	vsub.f32 v37, v30  }
0x563: {  	v55 =	vnsel vm0, $0x0, v38;
	v31 =	vnsel vm3, $0x0, v31  }
0x564: {  	v31 =	vadd.f32 v31, v55;
	vm4 =	vgt.f32 v32, v6;
	v6 =	vmul.f32 v54, v10  }
0x565: {  	v32 =	vnsel vm4, $0x0, v32  }
0x566: {  	v56 =	vpop (erf);
	v31 =	vadd.f32 v32, v31;
	vm5 =	vgt.f32 v33, v6  }
0x567: {  	v58 =	vadd.f32 $-1.000000000e+00, v56;
	v57 =	vnsel vm5, $0x0, v33  }
0x568: {  	(xrf2) =	vadd.scan.msk.f32 $0xffff, v27;
	v6 =	vadd.f32 $-1.000000000e+00, v34;
	v31 =	vadd.f32 v57, v31  }
0x569: {  	(xrf2) =	vadd.scan.msk.f32 $0xffff, v24  }
0x56a: {  	v59 =	vadd.f32 v47, v46;
	v6 =	vadd.f32 v58, v6;
	(xrf2) =	vadd.scan.msk.f32 $0xffff, v31  }
0x56b: {  	v60, _, _ =	vpop (xrf1);
	(xrf2) =	vadd.scan.msk.f32 $0xffff, v23  }
0x56c: {  	v6 =	vadd.f32 v6, v59;
	v31, _, _ =	vpop (xrf2);
	(xrf2) =	vadd.scan.msk.f32 $0xffff, v45  }
0x56d: {  	v32 =	vperm.xlane v60, v5  }
0x56e: {  	(xrf2) =	vadd.scan.msk.f32 $0xffff, v6;
	v31 =	vadd.f32 $0.0e+00, v31  }
0x56f: {  	v61, _, _ =	vpop (xrf2);
	(xrf2) =	vadd.scan.msk.f32 $0xffff, v32  }
0x570: {  	v62 =	vmpcnt.ones.xlane vm0;
	v6, _, _ =	vpop (xrf1);
	v33 =	vadd.f32 $0.0e+00, v61;
	v45 =	vperm.xlane v31, v4  }
0x571: {  	v63 =	vmpcnt.ones.xlane vm3;
	v44, _, _ =	vpop (xrf2);
	v6 =	vperm.xlane v6, v5  }
0x572: {  	v39 =	vmpcnt.ones.xlane vm4;
	v46, _, _ =	vpop (xrf2);
	v40 =	vperm.xlane v33, v4;
	v36 =	vadd.f32 v45, v44  }
0x573: {  	v34 =	vadd.s32 v62, v63;
	v47 =	vmpcnt.ones.xlane vm5;
	v41, _, _ =	vpop (xrf2);
	(xrf2) =	vadd.scan.msk.f32 $0xffff, v6  }
0x574: {  	v34 =	vadd.s32 v39, v34;
	v38 =	vadd.f32 v40, v46;
	v50 =	vperm.xlane v36, v4;
	v48, _, _ =	vpop (xrf2)  }
0x575: {  	v34 =	vadd.s32 v47, v34;
	v49, _, _ =	vpop (xrf2)  }
0x576: {  	v51 =	vcvt.s32.f32 v34;
	v43 =	vperm.xlane v38, v4;
	v35 =	vadd.f32 v50, v41;
	v42, _, _ =	vpop (xrf2)  }
0x577: {  	v42 =	vperm.xlane v42, v4  }
0x578: {  	v40 =	vmax.f32 v51, $1.000000000e+00;
	v39 =	vadd.f32 v43, v49;
	v44, _, _ =	vpop (xrf2);
	v53 =	vperm.xlane v35, v4  }
0x579: {  	v52 =	vperm.xlane v44, v4;
	v54, _, _ =	vpop (xrf2);
	v36 =	vsub.f32 v36, v42;
	v31 =	vsub.f32 v31, v42  }
0x57a: {  	(erf) = vrcp.f32 v40;
	v40 =	vadd.f32 v53, v54;
	v35 =	vsub.f32 v35, v42  }
0x57b: {  	v55 =	vperm.xlane v39, v4;
	v38 =	vsub.f32 v38, v52;
	v33 =	vsub.f32 v33, v52  }
0x57c: {  	v39 =	vsub.f32 v39, v52;
	v36 =	vmul.f32 v36, v8;
	v31 =	vmul.f32 v31, v7  }
0x57d: {  	v56, _, _ =	vpop (xrf2);
	v35 =	vmul.f32 v35, v9;
	v40 =	vsub.f32 v40, v42;
	v38 =	vmul.f32 v38, v8  }
0x57e: {  	v57 =	vadd.f32 v55, v56;
	v33 =	vmul.f32 v33, v7;
	v58 =	vmul.f32 v39, v9  }
0x57f: {  	vm10 =	vgt.f32 v20, v36;
	vm12 =	vgt.f32 v21, v31;
	vm14 =	vgt.f32 v24, v35  }
0x580: {  	v43 =	vsub.f32 v57, v52;
	vm11 =	vgt.f32 v27, v38;
	vm13 =	vgt.f32 v25, v33  }
0x581: {  	v20 =	vnsel vm10, $0x0, v20;
	v22 =	vnsel vm12, $0x0, v22;
	v25 =	vmul.f32 v40, v10  }
0x582: {  	v31 =	vmpcnt.ones.xlane vm10;
	vm6 =	vgt.f32 v23, v58;
	v21 =	vnsel vm11, $0x0, v27  }
0x583: {  	v26 =	vnsel vm13, $0x0, v26;
	v20 =	vadd.f32 v20, v22;
	v22 =	vnsel vm14, $0x0, v24  }
0x584: {  	v27 =	vmul.f32 v43, v10;
	v21 =	vadd.f32 v21, v26;
	vm7 =	vgt.f32 v32, v25  }
0x585: {  	v23 =	vnsel vm6, $0x0, v23;
	v24 =	vnsel vm7, $0x0, v32;
	v20 =	vadd.f32 v22, v20  }
0x586: {  	v22 =	vmpcnt.ones.xlane vm11;
	vm15 =	vgt.f32 v6, v27;
	v21 =	vadd.f32 v23, v21  }
0x587: {  	v23 =	vmpcnt.ones.xlane vm12;
	v6 =	vnsel vm15, $0x0, v6;
	v20 =	vadd.f32 v24, v20  }
0x588: {  	v24 =	vmpcnt.ones.xlane vm13;
	v6 =	vadd.f32 v6, v21;
	v21 =	vmpcnt.ones.xlane vm14  }
0x589: {  	v26 =	vmpcnt.ones.xlane vm6;
	v25 =	vmpcnt.ones.xlane vm7;
	v23 =	vadd.s32 v23, v31  }
0x58a: {  	(xrf2) =	vadd.scan.msk.f32 $0xffff, v20;
	v20 =	vadd.s32 v24, v22;
	v22 =	vmpcnt.ones.xlane vm15;
	v21 =	vadd.s32 v21, v23  }
0x58b: {  	(xrf2) =	vadd.scan.msk.f32 $0xffff, v6;
	v20 =	vadd.s32 v26, v20;
	v6 =	vadd.s32 v25, v21  }
0x58c: {  	v20 =	vadd.s32 v22, v20;
	v21 =	vcvt.s32.f32 v6  }
0x58d: {  	v22 =	vcvt.s32.f32 v20  }
0x58e: {  	(erf) = vrcp.f32 v29;
	v21 =	vmax.f32 v21, $1.000000000e+00  }
0x58f: {  	v22 =	vmax.f32 v22, $1.000000000e+00;
	(erf) = vrcp.f32 v21  }
0x590: {  	(erf) = vrcp.f32 v22  }
0x591: {  	v21 =	vperm.xlane v48, v4  }
0x592: {  	v22 =	vpop (erf)  }
0x593: {  	v18 =	vperm.xlane v18, v4;
	v21 =	vsub.f32 v21, v30;
	v23 =	vpop (erf)  }
0x594: {  	v22 =	vmul.f32 v22, v28;
	v24, _, _ =	vpop (xrf2)  }
0x595: {  	v18 =	vsub.f32 v18, v30;
	v21 =	vmul.f32 v23, v21;
	v23, _, _ =	vpop (xrf2);
	v24 =	vperm.xlane v24, v4  }
0x596: {  	vm7 =	vgt.s32 v34, $0x0;
	v17 =	vsel vm2, v22, v17;
	v22 =	vperm.xlane v23, v4  }
0x597: {  	vm1 =	vmmov vm1;
	v23 =	vpop (erf);
	v18 =	vsel vm7, v21, v18;
	v21 =	vsub.f32 v24, v42  }
0x598: {  	v16 =	vsub.f32 v16, v42;
	v19 =	vmul.f32 v23, v19;
	v22 =	vsub.f32 v22, v52;
	v23 =	vpop (erf)  }
0x599: {  	s0 =	sshra.s32 s25, $0x2;
	v15 =	vsub.f32 v15, v52;
	vm8 =	vgt.s32 v6, $0x0;
	[tilespmem:s29+$0x7000] =	vst v17;
	v6 =	vmul.f32 v23, v21;
	v17 =	vpop (erf)  }
0x59a: {  	vm9 =	vgt.s32 v20, $0x0;
	[tilespmem:s0+$0x7020] =	vst v18;
	v14 =	vsel vm1, v19, v14;
	v17 =	vmul.f32 v17, v22  }
0x59b: {  	vm10 =	vmmov vm9;
	[tilespmem:s29+$0x7010] =	vst v14;
	v6 =	vsel vm8, v6, v16  }
0x59c: {  	[tilespmem:s0+$0x7000] =	vst v6;
	v6 =	vsel vm10, v17, v15  }
0x59d: {  	[tilespmem:s0+$0x7010] =	vst v6  }
0x59e: {  	v22 =	vld [tilespmem:$0x1FFF0];
	_ =	sdelay $0x7  }
0x59f: {  	v6 =	vld.idx.msk [tilespmem:v22+s12+$0x0], $0xffff  }
0x5a0: {  	v14 =	vld.idx.msk [tilespmem:v11+s12+$0x0], $0xffff  }
0x5a1: {  	v15 =	vld.idx.msk [tilespmem:v12+s12+$0x0], $0xffff  }
0x5a2: {  	v16 =	vld.idx.msk [tilespmem:v13+s12+$0x0], $0xffff;
	_ =	sdelay $0x1  }
0x5a3: {  	v6 =	vmul.f32 $1.100000000e+01, v6  }
0x5a4: {  	v14 =	vmul.f32 $1.100000000e+01, v14  }
0x5a5: {  	v15 =	vmul.f32 $1.100000000e+01, v15;
	v6 =	vmul.f32 $1.442695020e+00, v6  }
0x5a6: {  	v16 =	vmul.f32 $1.100000000e+01, v16;
	v14 =	vmul.f32 $1.442695020e+00, v14  }
0x5a7: {  	(erf) = vpow2.f32 v6;
	v6 =	vmul.f32 $1.442695020e+00, v15  }
0x5a8: {  	(erf) = vpow2.f32 v14;
	v14 =	vmul.f32 $1.442695020e+00, v16  }
0x5a9: {  	(erf) = vpow2.f32 v6  }
0x5aa: {  	(erf) = vpow2.f32 v14;
	_ =	sdelay $0x5  }
0x5ab: {  	v6 =	vpop (erf)  }
0x5ac: {  	v6 =	vadd.f32 $-1.000000000e+00, v6;
	v14 =	vpop (erf)  }
0x5ad: {  	v14 =	vadd.f32 $-1.000000000e+00, v14;
	v15 =	vpop (erf)  }
0x5ae: {  	v15 =	vadd.f32 $-1.000000000e+00, v15;
	v16 =	vpop (erf);
	(xrf1) =	vsort.ascd.msk.f32 $0xffff, v6, v6  }
0x5af: {  	v16 =	vadd.f32 $-1.000000000e+00, v16;
	(xrf1) =	vsort.ascd.msk.f32 $0xffff, v14, v14  }
0x5b0: {  	(xrf1) =	vsort.ascd.msk.f32 $0xffff, v15, v15  }
0x5b1: {  	(xrf1) =	vsort.ascd.msk.f32 $0xffff, v16, v16;
	_ =	sdelay $0xa  }
0x5b2: {  	v17, _, _ =	vpop (xrf1)  }
0x5b3: {  	v18, _, _ =	vpop (xrf1)  }
0x5b4: {  	v19, _, _ =	vpop (xrf1);
	v18 =	vperm.xlane v18, v5  }
0x5b5: {  	v20, _, _ =	vpop (xrf1)  }
0x5b6: {  	v21 =	vmin.f32 v17, v18;
	v20 =	vperm.xlane v20, v5  }
0x5b7: {  	v17 =	vmax.f32 v17, v18;
	(xrf1) =	vsort.ascd.msk.f32 $0xffff, v21, v21  }
0x5b8: {  	(xrf1) =	vsort.ascd.msk.f32 $0xffff, v17, v17;
	v17 =	vmin.f32 v19, v20  }
0x5b9: {  	v18 =	vmax.f32 v19, v20;
	(xrf1) =	vsort.ascd.msk.f32 $0xffff, v17, v17  }
0x5ba: {  	[tilespmem:$0x6FC0] =	vst v6;
	(xrf1) =	vsort.ascd.msk.f32 $0xffff, v18, v18  }
0x5bb: {  	[tilespmem:$0x6FD0] =	vst v14  }
0x5bc: {  	[tilespmem:$0x6FE0] =	vst v15  }
0x5bd: {  	[tilespmem:$0x6FF0] =	vst v16  }
0x5be: {  	v6 =	vld.idx.msk [tilespmem:v22+s13+$0x0], $0xffff;
	_ =	sdelay $0x2  }
0x5bf: {  	v14 =	vld.idx.msk [tilespmem:v11+s13+$0x0], $0xffff;
	_ =	sdelay $0x1  }
0x5c0: {  	v16 =	vld.idx.msk [tilespmem:v12+s13+$0x0], $0xffff;
	v6 =	vmul.f32 $1.100000000e+01, v6;
	_ =	sdelay $0x1  }
0x5c1: {  	v6 =	vmul.f32 $1.442695020e+00, v6;
	v18 =	vld.idx.msk [tilespmem:v13+s13+$0x0], $0xffff;
	v15, _, _ =	vpop (xrf1)  }
0x5c2: {  	v14 =	vmul.f32 $1.100000000e+01, v14;
	v17, _, _ =	vpop (xrf1)  }
0x5c3: {  	(erf) = vpow2.f32 v6;
	v19, _, _ =	vpop (xrf1)  }
0x5c4: {  	v6 =	vmul.f32 $1.442695020e+00, v14;
	v14 =	vmul.f32 $1.100000000e+01, v16;
	v20, _, _ =	vpop (xrf1)  }
0x5c5: {  	v19 =	vperm.xlane v19, v5;
	v20 =	vperm.xlane v20, v5  }
0x5c6: {  	v14 =	vmul.f32 $1.442695020e+00, v14;
	v18 =	vmul.f32 $1.100000000e+01, v18  }
0x5c7: {  	(erf) = vpow2.f32 v6;
	v21 =	vmin.f32 v17, v19;
	v16 =	vmin.f32 v15, v20  }
0x5c8: {  	v6 =	vmul.f32 $1.442695020e+00, v18;
	v15 =	vmax.f32 v15, v20;
	v20 =	vmin.f32 v16, v21  }
0x5c9: {  	(erf) = vpow2.f32 v14;
	v17 =	vmax.f32 v17, v19;
	v16 =	vmax.f32 v16, v21;
	(xrf1) =	vsort.ascd.msk.f32 $0xffff, v20, v20  }
0x5ca: {  	(erf) = vpow2.f32 v6;
	v18 =	vmin.f32 v15, v17;
	(xrf1) =	vsort.ascd.msk.f32 $0xffff, v16, v16  }
0x5cb: {  	v14 =	vmax.f32 v15, v17;
	(xrf1) =	vsort.ascd.msk.f32 $0xffff, v18, v18  }
0x5cc: {  	(xrf1) =	vsort.ascd.msk.f32 $0xffff, v14, v14;
	_ =	sdelay $0x3  }
0x5cd: {  	v6 =	vpop (erf)  }
0x5ce: {  	v14 =	vpop (erf)  }
0x5cf: {  	v15 =	vpop (erf)  }
0x5d0: {  	v6 =	vadd.f32 $-1.000000000e+00, v6;
	v14 =	vadd.f32 $-1.000000000e+00, v14;
	v16 =	vpop (erf)  }
0x5d1: {  	v15 =	vadd.f32 $-1.000000000e+00, v15;
	v16 =	vadd.f32 $-1.000000000e+00, v16;
	_ =	sdelay $0x1  }
0x5d2: {  	v6 =	vadd.f32 v14, v6;
	v14 =	vadd.f32 v16, v15  }
0x5d3: {  	v17, _, _ =	vpop (xrf1)  }
0x5d4: {  	v18, _, _ =	vpop (xrf1)  }
0x5d5: {  	v15, _, _ =	vpop (xrf1)  }
0x5d6: {  	v6 =	vadd.f32 v14, v6;
	v14, _, _ =	vpop (xrf1)  }
0x5d7: {  	v16 =	vperm.xlane v14, v5  }
0x5d8: {  	(xrf2) =	vadd.scan.msk.f32 $0xffff, v6  }
0x5d9: {  	(xrf2) =	vadd.scan.msk.f32 $0xffff, v16;
	_ =	sdelay $0x1  }
0x5da: {  	v6 =	vperm.xlane v15, v5;
	_ =	sdelay $0x1  }
0x5db: {  	(xrf2) =	vadd.scan.msk.f32 $0xffff, v6;
	_ =	sdelay $0x1  }
0x5dc: {  	v15 =	vperm.xlane v18, v5;
	_ =	sdelay $0x1  }
0x5dd: {  	(xrf2) =	vadd.scan.msk.f32 $0xffff, v15  }
0x5de: {  	v18, _, _ =	vpop (xrf2)  }
0x5df: {  	v17 =	vperm.xlane v17, v5;
	v19, _, _ =	vpop (xrf2)  }
0x5e0: {  	v19 =	vadd.f32 $0.0e+00, v19  }
0x5e1: {  	(xrf2) =	vadd.scan.msk.f32 $0xffff, v17  }
0x5e2: {  	v20 =	vperm.xlane v19, v4  }
0x5e3: {  	v21, _, _ =	vpop (xrf2)  }
0x5e4: {  	v20 =	vadd.f32 v20, v21;
	_ =	sdelay $0x1  }
0x5e5: {  	v21 =	vperm.xlane v20, v4  }
0x5e6: {  	v18 =	vperm.xlane v18, v4;
	v22, _, _ =	vpop (xrf2)  }
0x5e7: {  	v21 =	vadd.f32 v21, v22  }
0x5e8: {  	v19 =	vsub.f32 v19, v18  }
0x5e9: {  	v20 =	vsub.f32 v20, v18;
	v22 =	vperm.xlane v21, v4  }
0x5ea: {  	v23, _, _ =	vpop (xrf2);
	v19 =	vmul.f32 v19, v7  }
0x5eb: {  	v20 =	vmul.f32 v20, v8;
	v21 =	vsub.f32 v21, v18;
	v22 =	vadd.f32 v22, v23  }
0x5ec: {  	vm11 =	vgt.f32 v16, v19;
	v16 =	vadd.f32 $0.0e+00, v16  }
0x5ed: {  	vm12 =	vgt.f32 v6, v20;
	v19 =	vmul.f32 v21, v9;
	v20 =	vsub.f32 v22, v18  }
0x5ee: {  	v16 =	vnsel vm11, $0x0, v16;
	v6 =	vnsel vm12, $0x0, v6  }
0x5ef: {  	v6 =	vadd.f32 v6, v16;
	vm13 =	vgt.f32 v15, v19;
	v16 =	vmul.f32 v20, v10  }
0x5f0: {  	v15 =	vnsel vm13, $0x0, v15  }
0x5f1: {  	v6 =	vadd.f32 v15, v6;
	vm14 =	vgt.f32 v17, v16  }
0x5f2: {  	v15 =	vmpcnt.ones.xlane vm11;
	v16 =	vmpcnt.ones.xlane vm12;
	v17 =	vnsel vm14, $0x0, v17  }
0x5f3: {  	v19 =	vmpcnt.ones.xlane vm13;
	v6 =	vadd.f32 v17, v6  }
0x5f4: {  	v15 =	vadd.s32 v15, v16;
	v16 =	vmpcnt.ones.xlane vm14  }
0x5f5: {  	v15 =	vadd.s32 v19, v15;
	(xrf2) =	vadd.scan.msk.f32 $0xffff, v6  }
0x5f6: {  	v6 =	vadd.s32 v16, v15  }
0x5f7: {  	v15 =	vcvt.s32.f32 v6;
	_ =	sdelay $0x1  }
0x5f8: {  	v15 =	vmax.f32 v15, $1.000000000e+00  }
0x5f9: {  	(erf) = vrcp.f32 v15;
	_ =	sdelay $0x4  }
0x5fa: {  	v15, _, _ =	vpop (xrf2)  }
0x5fb: {  	v15 =	vperm.xlane v15, v4;
	_ =	sdelay $0x1  }
0x5fc: {  	v14 =	vperm.xlane v14, v4;
	v15 =	vsub.f32 v15, v18  }
0x5fd: {  	v16 =	vpop (erf)  }
0x5fe: {  	v14 =	vsub.f32 v14, v18;
	v15 =	vmul.f32 v16, v15  }
0x5ff: {  	vm15 =	vgt.s32 v6, $0x0  }
0x600: {  	v6 =	vsel vm15, v15, v14  }
0x601: {  	s2 =	simm.s32 $0x6080;
	[tilespmem:$0x73F0] =	vst v6  }
0x602: {  	s21 =	simm.s32 $0x30;
	v6 =	vld [tilespmem:s2+$0x40]  }
0x603: {  	v21 =	vld [tilespmem:s21+$0x7000];
	_ =	sdelay $0x4  }
0x604: {  	v6 =	vsub.f32 v6, v21;
	_ =	sdelay $0x1  }
0x605: {  	v6 =	vmax.f32 v6, $0.0e+00  }
0x606: {  	v6 =	vadd.f32 $1.000000000e+00, v6  }
0x607: {  	v27 =	vld [tilespmem:s21+$0x6FD0]  }
0x608: {  	v26 =	vld [tilespmem:s21+$0x6FE0];
	v14 =	vand.u32 $0x7FFFFF, v6  }
0x609: {  	v16 =	vld [tilespmem:s2+$0xFFFFFFC0];
	v14 =	vor.u32 $0x3F800000, v14  }
0x60a: {  	v15 =	vld [tilespmem:s2+$0xFFFFFF80];
	v17 =	vadd.f32 $1.000000000e+00, v14  }
0x60b: {  	v25 =	vld [tilespmem:s21+$0x6FF0]  }
0x60c: {  	v18 =	vld [tilespmem:s2+$0x0];
	(erf) = vrcp.f32 v17;
	_ =	sdelay $0x1  }
0x60d: {  	v16 =	vsub.f32 v16, v26  }
0x60e: {  	v15 =	vsub.f32 v15, v27  }
0x60f: {  	v16 =	vmax.f32 v16, $0.0e+00  }
0x610: {  	v15 =	vmax.f32 v15, $0.0e+00;
	v16 =	vadd.f32 $1.000000000e+00, v16;
	v17 =	vsub.f32 v18, v25  }
0x611: {  	v15 =	vadd.f32 $1.000000000e+00, v15  }
0x612: {  	v19 =	vand.u32 $0x7FFFFF, v16;
	v17 =	vmax.f32 v17, $0.0e+00  }
0x613: {  	v14 =	vadd.f32 $-1.000000000e+00, v14;
	v18 =	vand.u32 $0x7FFFFF, v15;
	v17 =	vadd.f32 $1.000000000e+00, v17  }
0x614: {  	v19 =	vor.u32 $0x3F800000, v19;
	v18 =	vor.u32 $0x3F800000, v18;
	v23 =	vpop (erf)  }
0x615: {  	v22 =	vadd.f32 $1.000000000e+00, v18;
	v20 =	vand.u32 $0x7FFFFF, v17;
	v14 =	vmul.f32 v23, v14  }
0x616: {  	v24 =	vadd.f32 $1.000000000e+00, v19;
	v20 =	vor.u32 $0x3F800000, v20  }
0x617: {  	(erf) = vrcp.f32 v22;
	v23 =	vadd.f32 $1.000000000e+00, v20;
	v22 =	vmul.f32 v14, v14  }
0x618: {  	(erf) = vrcp.f32 v24  }
0x619: {  	(erf) = vrcp.f32 v23;
	v23 =	vmul.f32 $1.428571490e-01, v22;
	_ =	sdelay $0x1  }
0x61a: {  	v23 =	vadd.f32 $2.000000030e-01, v23;
	_ =	sdelay $0x1  }
0x61b: {  	v23 =	vmul.f32 v23, v22  }
0x61c: {  	v6 =	vshra.s32 v6, $0x17  }
0x61d: {  	v6 =	vadd.s32 $0xFFFFFF81, v6;
	v18 =	vadd.f32 $-1.000000000e+00, v18;
	v23 =	vadd.f32 $3.333333430e-01, v23  }
0x61e: {  	v19 =	vadd.f32 $-1.000000000e+00, v19;
	v6 =	vcvt.s32.f32 v6;
	v24 =	vpop (erf)  }
0x61f: {  	v18 =	vmul.f32 v24, v18;
	v24 =	vpop (erf);
	v22 =	vmul.f32 v23, v22  }
0x620: {  	s22 =	simm.s32 $0x0;
	s1 =	simm.s32 $0x18;
	v6 =	vmul.f32 $6.931471820e-01, v6;
	v20 =	vadd.f32 $-1.000000000e+00, v20;
	v19 =	vmul.f32 v24, v19  }
0x621: {  	s1 =	sand.u32 $0x78, s1;
	s0 =	sand.u32 $0xC00, s22;
	v14 =	vadd.f32 v14, v14;
	v24 =	vpop (erf);
	v23 =	vmul.f32 v18, v18;
	v22 =	vadd.f32 $1.000000000e+00, v22  }
0x622: {  	s5 =	sor.u32 s0, s1;
	v20 =	vmul.f32 v24, v20;
	v24 =	vmul.f32 v19, v19  }
0x623: {  	v30 =	vor.u32 s5, v0;
	v28 =	vmul.f32 $1.428571490e-01, v23;
	v14 =	vmul.f32 v22, v14  }
0x624: {  	v16 =	vshra.s32 v16, $0x17;
	v29 =	vmul.f32 $1.428571490e-01, v24;
	v22 =	vmul.f32 v20, v20  }
0x625: {  	v15 =	vshra.s32 v15, $0x17;
	v28 =	vadd.f32 $2.000000030e-01, v28;
	v6 =	vadd.f32 v14, v6  }
0x626: {  	v29 =	vadd.f32 $2.000000030e-01, v29;
	v14 =	vadd.s32 $0xFFFFFF81, v15;
	v15 =	vmul.f32 $1.428571490e-01, v22  }
0x627: {  	v16 =	vadd.s32 $0xFFFFFF81, v16;
	v28 =	vmul.f32 v28, v23;
	v6 =	vmul.f32 $9.090909360e-02, v6  }
0x628: {  	s8 =	simm.s32 $0xC0;
	v17 =	vshra.s32 v17, $0x17;
	v29 =	vmul.f32 v29, v24;
	v15 =	vadd.f32 $2.000000030e-01, v15  }
0x629: {  	s25 =	sor.u32 $0x50, s8;
	v16 =	vcvt.s32.f32 v16;
	v17 =	vadd.s32 $0xFFFFFF81, v17;
	v28 =	vadd.f32 $3.333333430e-01, v28;
	[tilespmem:v30+s19+$0x0] =	vst.idx.msk $0xffff, v6  }
0x62a: {  	v6 =	vcvt.s32.f32 v17;
	v15 =	vmul.f32 v15, v22;
	v17 =	vadd.f32 $3.333333430e-01, v29;
	v29 =	vld [tilespmem:s25+$0x6000]  }
0x62b: {  	v18 =	vadd.f32 v18, v18;
	v19 =	vadd.f32 v19, v19;
	v23 =	vmul.f32 v28, v23  }
0x62c: {  	v14 =	vcvt.s32.f32 v14;
	v17 =	vmul.f32 v17, v24;
	v15 =	vadd.f32 $3.333333430e-01, v15  }
0x62d: {  	s26 =	simm.s32 $0x0;
	v16 =	vmul.f32 $6.931471820e-01, v16;
	v20 =	vadd.f32 v20, v20;
	v23 =	vadd.f32 $1.000000000e+00, v23  }
0x62e: {  	s3 =	simm.s32 $0x8;
	s1 =	sand.u32 $0x60, s26;
	v14 =	vmul.f32 $6.931471820e-01, v14;
	v15 =	vmul.f32 v15, v22;
	v17 =	vadd.f32 $1.000000000e+00, v17  }
0x62f: {  	s3 =	sand.u32 $0x68, s3;
	s21 =	sor.u32 s1, s0;
	v6 =	vmul.f32 $6.931471820e-01, v6;
	v18 =	vmul.f32 v23, v18;
	v22 =	vsub.f32 v29, v21  }
0x630: {  	s30 =	simm.s32 $0x10;
	s20 =	sor.u32 s0, s3;
	v23 =	vor.u32 s21, v0;
	v15 =	vadd.f32 $1.000000000e+00, v15;
	v17 =	vmul.f32 v17, v19  }
0x631: {  	s1 =	sand.u32 $0x70, s30;
	v19 =	vor.u32 s20, v0;
	v14 =	vadd.f32 v18, v14;
	v18 =	vmax.f32 v22, $0.0e+00  }
0x632: {  	s10 =	sor.u32 s0, s1;
	v15 =	vmul.f32 v15, v20;
	v16 =	vadd.f32 v17, v16;
	v17 =	vadd.f32 $1.000000000e+00, v18  }
0x633: {  	v14 =	vmul.f32 $9.090909360e-02, v14;
	v18 =	vor.u32 s10, v0  }
0x634: {  	v6 =	vadd.f32 v15, v6;
	v15 =	vmul.f32 $9.090909360e-02, v16;
	v16 =	vand.u32 $0x7FFFFF, v17  }
0x635: {  	[tilespmem:v23+s19+$0x0] =	vst.idx.msk $0xffff, v14;
	v14 =	vor.u32 $0x3F800000, v16  }
0x636: {  	s7 =	simm.s32 $0x40;
	v6 =	vmul.f32 $9.090909360e-02, v6;
	v16 =	vld [tilespmem:s2+$0xFFFFFF90];
	[tilespmem:v19+s19+$0x0] =	vst.idx.msk $0xffff, v15;
	v15 =	vadd.f32 $1.000000000e+00, v14  }
0x637: {  	s1 =	sor.u32 $0x50, s7  }
0x638: {  	v19 =	vld [tilespmem:s1+$0x6000];
	[tilespmem:v18+s19+$0x0] =	vst.idx.msk $0xffff, v6;
	(erf) = vrcp.f32 v15  }
0x639: {  	v6 =	vld [tilespmem:s2+$0x10];
	_ =	sdelay $0x1  }
0x63a: {  	v15 =	vsub.f32 v16, v27;
	_ =	sdelay $0x1  }
0x63b: {  	v16 =	vsub.f32 v19, v26;
	v15 =	vmax.f32 v15, $0.0e+00  }
0x63c: {  	v6 =	vsub.f32 v6, v25;
	v15 =	vadd.f32 $1.000000000e+00, v15  }
0x63d: {  	v14 =	vadd.f32 $-1.000000000e+00, v14;
	v16 =	vmax.f32 v16, $0.0e+00  }
0x63e: {  	v16 =	vadd.f32 $1.000000000e+00, v16;
	v6 =	vmax.f32 v6, $0.0e+00;
	v18 =	vand.u32 $0x7FFFFF, v15  }
0x63f: {  	v6 =	vadd.f32 $1.000000000e+00, v6;
	v18 =	vor.u32 $0x3F800000, v18;
	v20 =	vpop (erf)  }
0x640: {  	v19 =	vand.u32 $0x7FFFFF, v16;
	v22 =	vadd.f32 $1.000000000e+00, v18;
	v14 =	vmul.f32 v20, v14  }
0x641: {  	v19 =	vor.u32 $0x3F800000, v19;
	v20 =	vand.u32 $0x7FFFFF, v6  }
0x642: {  	v23 =	vadd.f32 $1.000000000e+00, v19;
	(erf) = vrcp.f32 v22;
	v22 =	vmul.f32 v14, v14  }
0x643: {  	v20 =	vor.u32 $0x3F800000, v20  }
0x644: {  	v24 =	vadd.f32 $1.000000000e+00, v20;
	(erf) = vrcp.f32 v23;
	v23 =	vmul.f32 $1.428571490e-01, v22;
	_ =	sdelay $0x1  }
0x645: {  	(erf) = vrcp.f32 v24;
	v23 =	vadd.f32 $2.000000030e-01, v23;
	_ =	sdelay $0x1  }
0x646: {  	v23 =	vmul.f32 v23, v22;
	_ =	sdelay $0x1  }
0x647: {  	v17 =	vshra.s32 v17, $0x17;
	v23 =	vadd.f32 $3.333333430e-01, v23  }
0x648: {  	v17 =	vadd.s32 $0xFFFFFF81, v17;
	v18 =	vadd.f32 $-1.000000000e+00, v18  }
0x649: {  	v17 =	vcvt.s32.f32 v17;
	v24 =	vpop (erf);
	v22 =	vmul.f32 v23, v22  }
0x64a: {  	v19 =	vadd.f32 $-1.000000000e+00, v19;
	v20 =	vadd.f32 $-1.000000000e+00, v20;
	v18 =	vmul.f32 v24, v18  }
0x64b: {  	v17 =	vmul.f32 $6.931471820e-01, v17;
	v14 =	vadd.f32 v14, v14;
	v28 =	vpop (erf);
	v22 =	vadd.f32 $1.000000000e+00, v22  }
0x64c: {  	v19 =	vmul.f32 v28, v19;
	v24 =	vmul.f32 v18, v18;
	v23 =	vpop (erf)  }
0x64d: {  	v20 =	vmul.f32 v23, v20;
	v14 =	vmul.f32 v22, v14  }
0x64e: {  	v28 =	vor.u32 s5, v1;
	v23 =	vmul.f32 $1.428571490e-01, v24;
	v22 =	vmul.f32 v19, v19  }
0x64f: {  	v29 =	vmul.f32 v20, v20;
	v14 =	vadd.f32 v14, v17  }
0x650: {  	v15 =	vshra.s32 v15, $0x17;
	v23 =	vadd.f32 $2.000000030e-01, v23;
	v30 =	vmul.f32 $1.428571490e-01, v22  }
0x651: {  	v16 =	vshra.s32 v16, $0x17;
	v31 =	vmul.f32 $1.428571490e-01, v29;
	v14 =	vmul.f32 $9.090909360e-02, v14  }
0x652: {  	v15 =	vadd.s32 $0xFFFFFF81, v15;
	v23 =	vmul.f32 v23, v24;
	v30 =	vadd.f32 $2.000000030e-01, v30  }
0x653: {  	s3 =	sor.u32 $0x60, s8;
	v16 =	vadd.s32 $0xFFFFFF81, v16;
	v6 =	vshra.s32 v6, $0x17;
	v31 =	vadd.f32 $2.000000030e-01, v31;
	[tilespmem:v28+s19+$0x0] =	vst.idx.msk $0xffff, v14  }
0x654: {  	v23 =	vadd.f32 $3.333333430e-01, v23;
	v14 =	vcvt.s32.f32 v15;
	v15 =	vmul.f32 v30, v22;
	v28 =	vld [tilespmem:s3+$0x6000]  }
0x655: {  	v16 =	vcvt.s32.f32 v16;
	v6 =	vadd.s32 $0xFFFFFF81, v6;
	v30 =	vmul.f32 v31, v29  }
0x656: {  	v6 =	vcvt.s32.f32 v6;
	v23 =	vmul.f32 v23, v24;
	v15 =	vadd.f32 $3.333333430e-01, v15  }
0x657: {  	v16 =	vmul.f32 $6.931471820e-01, v16;
	v18 =	vadd.f32 v18, v18;
	v24 =	vadd.f32 $3.333333430e-01, v30  }
0x658: {  	v19 =	vadd.f32 v19, v19;
	v15 =	vmul.f32 v15, v22;
	v22 =	vadd.f32 $1.000000000e+00, v23  }
0x659: {  	v20 =	vadd.f32 v20, v20;
	v23 =	vmul.f32 v24, v29;
	v24 =	vsub.f32 v28, v21  }
0x65a: {  	v14 =	vmul.f32 $6.931471820e-01, v14;
	v15 =	vadd.f32 $1.000000000e+00, v15;
	v18 =	vmul.f32 v22, v18  }
0x65b: {  	v17 =	vor.u32 s21, v1;
	v22 =	vadd.f32 $1.000000000e+00, v23;
	v23 =	vmax.f32 v24, $0.0e+00  }
0x65c: {  	v15 =	vmul.f32 v15, v19;
	v14 =	vadd.f32 v18, v14;
	v18 =	vadd.f32 $1.000000000e+00, v23  }
0x65d: {  	v6 =	vmul.f32 $6.931471820e-01, v6;
	v19 =	vor.u32 s20, v1;
	v20 =	vmul.f32 v22, v20  }
0x65e: {  	v15 =	vadd.f32 v15, v16;
	v14 =	vmul.f32 $9.090909360e-02, v14;
	v16 =	vand.u32 $0x7FFFFF, v18  }
0x65f: {  	v22 =	vor.u32 s10, v1;
	v16 =	vor.u32 $0x3F800000, v16  }
0x660: {  	v6 =	vadd.f32 v20, v6;
	v15 =	vmul.f32 $9.090909360e-02, v15;
	[tilespmem:v17+s19+$0x0] =	vst.idx.msk $0xffff, v14;
	v14 =	vadd.f32 $1.000000000e+00, v16  }
0x661: {  	v17 =	vld [tilespmem:s2+$0xFFFFFFA0]  }
0x662: {  	s6 =	sor.u32 $0x60, s7;
	v6 =	vmul.f32 $9.090909360e-02, v6;
	[tilespmem:v19+s19+$0x0] =	vst.idx.msk $0xffff, v15;
	(erf) = vrcp.f32 v14  }
0x663: {  	v14 =	vld [tilespmem:s6+$0x6000]  }
0x664: {  	[tilespmem:v22+s19+$0x0] =	vst.idx.msk $0xffff, v6  }
0x665: {  	v6 =	vld [tilespmem:s2+$0x20]  }
0x666: {  	v15 =	vsub.f32 v17, v27;
	_ =	sdelay $0x1  }
0x667: {  	v14 =	vsub.f32 v14, v26;
	v15 =	vmax.f32 v15, $0.0e+00  }
0x668: {  	v15 =	vadd.f32 $1.000000000e+00, v15  }
0x669: {  	v16 =	vadd.f32 $-1.000000000e+00, v16;
	v6 =	vsub.f32 v6, v25;
	v14 =	vmax.f32 v14, $0.0e+00  }
0x66a: {  	v14 =	vadd.f32 $1.000000000e+00, v14;
	v17 =	vand.u32 $0x7FFFFF, v15;
	v19 =	vpop (erf)  }
0x66b: {  	v6 =	vmax.f32 v6, $0.0e+00;
	v17 =	vor.u32 $0x3F800000, v17;
	v16 =	vmul.f32 v19, v16  }
0x66c: {  	v6 =	vadd.f32 $1.000000000e+00, v6;
	v19 =	vand.u32 $0x7FFFFF, v14;
	v20 =	vadd.f32 $1.000000000e+00, v17  }
0x66d: {  	v19 =	vor.u32 $0x3F800000, v19;
	v24 =	vmul.f32 v16, v16  }
0x66e: {  	v22 =	vand.u32 $0x7FFFFF, v6;
	v23 =	vadd.f32 $1.000000000e+00, v19;
	(erf) = vrcp.f32 v20  }
0x66f: {  	v29 =	vor.u32 $0x3F800000, v22;
	v20 =	vmul.f32 $1.428571490e-01, v24  }
0x670: {  	v28 =	vadd.f32 $1.000000000e+00, v29;
	(erf) = vrcp.f32 v23  }
0x671: {  	v15 =	vshra.s32 v15, $0x17;
	v20 =	vadd.f32 $2.000000030e-01, v20  }
0x672: {  	v15 =	vadd.s32 $0xFFFFFF81, v15;
	v14 =	vshra.s32 v14, $0x17;
	(erf) = vrcp.f32 v28  }
0x673: {  	v17 =	vadd.f32 $-1.000000000e+00, v17;
	v30 =	vcvt.s32.f32 v15;
	v20 =	vmul.f32 v20, v24  }
0x674: {  	v15 =	vshra.s32 v18, $0x17;
	v6 =	vshra.s32 v6, $0x17;
	v14 =	vadd.s32 $0xFFFFFF81, v14  }
0x675: {  	v22 =	vor.u32 s20, v2;
	v19 =	vadd.f32 $-1.000000000e+00, v19;
	v20 =	vadd.f32 $3.333333430e-01, v20  }
0x676: {  	v6 =	vadd.s32 $0xFFFFFF81, v6;
	v31 =	vcvt.s32.f32 v14;
	v16 =	vadd.f32 v16, v16  }
0x677: {  	s25 =	simm.s32 $0x6180;
	v30 =	vmul.f32 $6.931471820e-01, v30;
	v29 =	vadd.f32 $-1.000000000e+00, v29;
	v14 =	vpop (erf);
	v18 =	vmul.f32 v20, v24  }
0x678: {  	s9 =	simm.s32 $0x70;
	v59 =	vld [tilespmem:s25+$0x40];
	v24 =	vcvt.s32.f32 v6;
	v6 =	vmul.f32 v14, v17;
	v14 =	vadd.s32 $0xFFFFFF81, v15  }
0x679: {  	v23 =	vor.u32 s21, v2;
	v28 =	vor.u32 s10, v2;
	v20 =	vld [tilespmem:s9+$0x7000];
	v15 =	vpop (erf);
	v17 =	vcvt.s32.f32 v14  }
0x67a: {  	v14 =	vor.u32 s21, v3;
	v18 =	vadd.f32 $1.000000000e+00, v18;
	v33 =	vmul.f32 v15, v19  }
0x67b: {  	v34 =	vmul.f32 v6, v6;
	v15 =	vpop (erf);
	v6 =	vadd.f32 v6, v6;
	v19 =	vmul.f32 $6.931471820e-01, v17  }
0x67c: {  	v49 =	vld [tilespmem:s25+$0xFFFFFFC0];
	v35 =	vmul.f32 v15, v29;
	v29 =	vor.u32 s5, v2;
	v16 =	vmul.f32 v18, v16  }
0x67d: {  	v15 =	vor.u32 s20, v3;
	v36 =	vmul.f32 v33, v33;
	v18 =	vld [tilespmem:s9+$0x6FE0];
	v33 =	vadd.f32 v33, v33  }
0x67e: {  	v50 =	vld [tilespmem:s25+$0x0];
	v60 =	vmul.f32 $1.428571490e-01, v34;
	v32 =	vsub.f32 v59, v20;
	v16 =	vadd.f32 v16, v19  }
0x67f: {  	v38 =	vmul.f32 v35, v35;
	v35 =	vadd.f32 v35, v35;
	v61 =	vmul.f32 $1.428571490e-01, v36;
	v19 =	vld [tilespmem:s9+$0x6FF0]  }
0x680: {  	v62 =	vld [tilespmem:s25+$0xFFFFFF80];
	v37 =	vadd.f32 $2.000000030e-01, v60;
	v63 =	vmul.f32 $9.090909360e-02, v16;
	v16 =	vmax.f32 v32, $0.0e+00  }
0x681: {  	v17 =	vld [tilespmem:s9+$0x6FD0];
	v48 =	vmul.f32 $1.428571490e-01, v38;
	v39 =	vadd.f32 $2.000000030e-01, v61;
	v43 =	vadd.f32 $1.000000000e+00, v16  }
0x682: {  	v37 =	vmul.f32 v37, v34;
	v16 =	vor.u32 s10, v3;
	s10 =	sor.u32 $0x70, s8;
	v56 =	vsub.f32 v49, v18;
	[tilespmem:v29+s19+$0x0] =	vst.idx.msk $0xffff, v63  }
0x683: {  	v29 =	vadd.f32 $2.000000030e-01, v48;
	v51 =	vmul.f32 v39, v36;
	v52 =	vld [tilespmem:s10+$0x6000];
	v53 =	vand.u32 $0x7FFFFF, v43  }
0x684: {  	v37 =	vadd.f32 $3.333333430e-01, v37;
	v44 =	vsub.f32 v50, v19;
	v41 =	vor.u32 $0x3F800000, v53  }
0x685: {  	v40 =	vmax.f32 v56, $0.0e+00;
	v43 =	vshra.s32 v43, $0x17;
	v55 =	vadd.f32 $1.000000000e+00, v41  }
0x686: {  	v54 =	vmul.f32 v29, v38;
	v29 =	vmul.f32 $6.931471820e-01, v31;
	v31 =	vsub.f32 v62, v17  }
0x687: {  	v32 =	vadd.f32 $3.333333430e-01, v51;
	v58 =	vadd.f32 $1.000000000e+00, v40;
	(erf) = vrcp.f32 v55  }
0x688: {  	v34 =	vmul.f32 v37, v34;
	v31 =	vmax.f32 v31, $0.0e+00;
	v21 =	vsub.f32 v52, v21  }
0x689: {  	v43 =	vadd.s32 $0xFFFFFF81, v43;
	v59 =	vmax.f32 v44, $0.0e+00;
	v31 =	vadd.f32 $1.000000000e+00, v31  }
0x68a: {  	v41 =	vadd.f32 $-1.000000000e+00, v41;
	v43 =	vcvt.s32.f32 v43;
	v21 =	vmax.f32 v21, $0.0e+00  }
0x68b: {  	v57 =	vadd.f32 $3.333333430e-01, v54;
	v61 =	vand.u32 $0x7FFFFF, v31;
	v21 =	vadd.f32 $1.000000000e+00, v21  }
0x68c: {  	v60 =	vadd.f32 $1.000000000e+00, v59;
	v62 =	vand.u32 $0x7FFFFF, v58;
	v63 =	vor.u32 $0x3F800000, v61  }
0x68d: {  	v48 =	vor.u32 $0x3F800000, v62;
	v50 =	vadd.f32 $1.000000000e+00, v63;
	v51 =	vand.u32 $0x7FFFFF, v21  }
0x68e: {  	v49 =	vand.u32 $0x7FFFFF, v60;
	v52 =	vadd.f32 $1.000000000e+00, v48;
	v46 =	vor.u32 $0x3F800000, v51  }
0x68f: {  	v44 =	vor.u32 $0x3F800000, v49;
	(erf) = vrcp.f32 v50;
	v53 =	vadd.f32 $1.000000000e+00, v46  }
0x690: {  	v32 =	vmul.f32 v32, v36;
	v54 =	vadd.f32 $1.000000000e+00, v44;
	(erf) = vrcp.f32 v52;
	v55 =	vpop (erf)  }
0x691: {  	v39 =	vshra.s32 v58, $0x17;
	(erf) = vrcp.f32 v53;
	v41 =	vmul.f32 v55, v41  }
0x692: {  	v34 =	vadd.f32 $1.000000000e+00, v34;
	v43 =	vmul.f32 $6.931471820e-01, v43;
	(erf) = vrcp.f32 v54  }
0x693: {  	v39 =	vadd.s32 $0xFFFFFF81, v39;
	v38 =	vmul.f32 v57, v38;
	v56 =	vmul.f32 v41, v41  }
0x694: {  	v37 =	vshra.s32 v60, $0x17;
	v39 =	vcvt.s32.f32 v39;
	v32 =	vadd.f32 $1.000000000e+00, v32  }
0x695: {  	v31 =	vshra.s32 v31, $0x17;
	v37 =	vadd.s32 $0xFFFFFF81, v37;
	v57 =	vmul.f32 $1.428571490e-01, v56  }
0x696: {  	v6 =	vmul.f32 v34, v6;
	v31 =	vadd.s32 $0xFFFFFF81, v31;
	v37 =	vcvt.s32.f32 v37  }
0x697: {  	v39 =	vmul.f32 $6.931471820e-01, v39;
	v32 =	vmul.f32 v32, v33;
	v45 =	vadd.f32 $2.000000030e-01, v57  }
0x698: {  	v6 =	vadd.f32 v6, v30;
	v36 =	vadd.f32 $-1.000000000e+00, v63;
	v31 =	vcvt.s32.f32 v31;
	v58 =	vpop (erf)  }
0x699: {  	v40 =	vadd.f32 $-1.000000000e+00, v48;
	v37 =	vmul.f32 $6.931471820e-01, v37;
	v60 =	vpop (erf);
	v45 =	vmul.f32 v45, v56  }
0x69a: {  	v44 =	vadd.f32 $-1.000000000e+00, v44;
	v6 =	vmul.f32 $9.090909360e-02, v6;
	v59 =	vmul.f32 v58, v36;
	v62 =	vpop (erf)  }
0x69b: {  	v31 =	vmul.f32 $6.931471820e-01, v31;
	v61 =	vmul.f32 v60, v40;
	v51 =	vpop (erf);
	v45 =	vadd.f32 $3.333333430e-01, v45  }
0x69c: {  	v38 =	vadd.f32 $1.000000000e+00, v38;
	v63 =	vmul.f32 v59, v59;
	v44 =	vmul.f32 v51, v44  }
0x69d: {  	v29 =	vadd.f32 v32, v29;
	v52 =	vmul.f32 v61, v61;
	v42 =	vmul.f32 v45, v56  }
0x69e: {  	s14 =	simm.s32 $0x100;
	v46 =	vadd.f32 $-1.000000000e+00, v46;
	v54 =	vmul.f32 $1.428571490e-01, v63;
	v48 =	vmul.f32 v44, v44  }
0x69f: {  	s0 =	sand.u32 $0xC00, s14;
	s20 =	simm.s32 $0x38;
	v41 =	vadd.f32 v41, v41;
	v49 =	vmul.f32 $1.428571490e-01, v52;
	v42 =	vadd.f32 $1.000000000e+00, v42  }
0x6a0: {  	s1 =	sand.u32 $0x78, s20;
	v21 =	vshra.s32 v21, $0x17;
	v45 =	vadd.f32 $2.000000030e-01, v54;
	v50 =	vmul.f32 $1.428571490e-01, v48  }
0x6a1: {  	s26 =	sor.u32 s0, s1;
	v36 =	vmul.f32 v62, v46;
	v49 =	vadd.f32 $2.000000030e-01, v49;
	v41 =	vmul.f32 v42, v41  }
0x6a2: {  	v56 =	vor.u32 s26, v0;
	v45 =	vmul.f32 v45, v63;
	v50 =	vadd.f32 $2.000000030e-01, v50  }
0x6a3: {  	v21 =	vadd.s32 $0xFFFFFF81, v21;
	v49 =	vmul.f32 v49, v52;
	v41 =	vadd.f32 v41, v43  }
0x6a4: {  	v53 =	vmul.f32 v36, v36;
	v45 =	vadd.f32 $3.333333430e-01, v45;
	v50 =	vmul.f32 v50, v48  }
0x6a5: {  	v34 =	vadd.f32 v59, v59;
	v49 =	vadd.f32 $3.333333430e-01, v49;
	v41 =	vmul.f32 $9.090909360e-02, v41  }
0x6a6: {  	s28 =	simm.s32 $0x1C0;
	s29 =	simm.s32 $0x20;
	v55 =	vmul.f32 $1.428571490e-01, v53;
	v30 =	vmul.f32 v45, v63;
	v57 =	vadd.f32 $3.333333430e-01, v50  }
0x6a7: {  	s30 =	sand.u32 $0x60, s29;
	s21 =	sor.u32 $0x50, s28;
	v21 =	vcvt.s32.f32 v21;
	v33 =	vadd.f32 v61, v61;
	v58 =	vmul.f32 v49, v52;
	[tilespmem:v56+s19+$0x0] =	vst.idx.msk $0xffff, v41  }
0x6a8: {  	s22 =	simm.s32 $0x28;
	s3 =	sor.u32 s30, s0;
	s6 =	simm.s32 $0x30;
	v42 =	vadd.f32 $2.000000030e-01, v55;
	v30 =	vadd.f32 $1.000000000e+00, v30;
	v40 =	vmul.f32 v57, v48;
	v41 =	vld [tilespmem:s21+$0x6000]  }
0x6a9: {  	s6 =	sand.u32 $0x70, s6;
	s1 =	sand.u32 $0x68, s22;
	v62 =	vor.u32 s3, v0;
	v44 =	vadd.f32 v44, v44;
	v59 =	vadd.f32 $1.000000000e+00, v58  }
0x6aa: {  	s1 =	sor.u32 s0, s1;
	s8 =	sor.u32 s0, s6;
	v42 =	vmul.f32 v42, v53;
	v30 =	vmul.f32 v30, v34;
	v60 =	vadd.f32 $1.000000000e+00, v40  }
0x6ab: {  	v63 =	vor.u32 s1, v0;
	v45 =	vor.u32 s8, v0;
	v33 =	vmul.f32 v59, v33  }
0x6ac: {  	v42 =	vadd.f32 $3.333333430e-01, v42;
	v30 =	vadd.f32 v30, v31;
	v31 =	vmul.f32 v60, v44  }
0x6ad: {  	[tilespmem:v23+s19+$0x0] =	vst.idx.msk $0xffff, v6;
	v50 =	vmul.f32 $9.090909360e-02, v29;
	v33 =	vadd.f32 v33, v39;
	v46 =	vsub.f32 v41, v20  }
0x6ae: {  	v42 =	vmul.f32 v42, v53;
	v53 =	vld [tilespmem:s2+$0xFFFFFFB0];
	v30 =	vmul.f32 $9.090909360e-02, v30;
	v31 =	vadd.f32 v31, v37  }
0x6af: {  	v36 =	vadd.f32 v36, v36;
	s21 =	sor.u32 $0x70, s7;
	[tilespmem:v22+s19+$0x0] =	vst.idx.msk $0xffff, v50;
	v33 =	vmul.f32 $9.090909360e-02, v33;
	v47 =	vmax.f32 v46, $0.0e+00  }
0x6b0: {  	v61 =	vadd.f32 $1.000000000e+00, v42;
	v34 =	vld [tilespmem:s21+$0x6000];
	[tilespmem:v62+s19+$0x0] =	vst.idx.msk $0xffff, v30;
	v30 =	vmul.f32 $9.090909360e-02, v31;
	v37 =	vadd.f32 $1.000000000e+00, v47  }
0x6b1: {  	v24 =	vmul.f32 $6.931471820e-01, v24;
	s9 =	simm.s32 $0x140;
	v38 =	vmul.f32 v38, v35;
	[tilespmem:v63+s19+$0x0] =	vst.idx.msk $0xffff, v33  }
0x6b2: {  	s14 =	sor.u32 $0x50, s9;
	v21 =	vmul.f32 $6.931471820e-01, v21;
	v36 =	vmul.f32 v61, v36;
	v48 =	vld [tilespmem:s25+$0xFFFFFF90];
	[tilespmem:v45+s19+$0x0] =	vst.idx.msk $0xffff, v30;
	v30 =	vand.u32 $0x7FFFFF, v37  }
0x6b3: {  	v23 =	vor.u32 s1, v2;
	v27 =	vsub.f32 v53, v27;
	v49 =	vld [tilespmem:s14+$0x6000];
	v52 =	vor.u32 $0x3F800000, v30  }
0x6b4: {  	v29 =	vor.u32 s8, v1;
	v21 =	vadd.f32 v36, v21;
	v6 =	vadd.f32 $1.000000000e+00, v52  }
0x6b5: {  	v22 =	vor.u32 s3, v2;
	v33 =	vor.u32 s5, v3;
	v26 =	vsub.f32 v34, v26;
	v51 =	vld [tilespmem:s25+$0x10]  }
0x6b6: {  	v27 =	vmax.f32 v27, $0.0e+00;
	v35 =	vmul.f32 $9.090909360e-02, v21;
	(erf) = vrcp.f32 v6  }
0x6b7: {  	v21 =	vadd.f32 v38, v24;
	v24 =	vor.u32 s8, v2;
	v32 =	vsub.f32 v48, v17  }
0x6b8: {  	v27 =	vadd.f32 $1.000000000e+00, v27;
	v26 =	vmax.f32 v26, $0.0e+00;
	v36 =	vsub.f32 v49, v18  }
0x6b9: {  	v31 =	vor.u32 s3, v1;
	v26 =	vadd.f32 $1.000000000e+00, v26;
	v32 =	vmax.f32 v32, $0.0e+00  }
0x6ba: {  	v32 =	vadd.f32 $1.000000000e+00, v32;
	v36 =	vmax.f32 v36, $0.0e+00;
	v39 =	vsub.f32 v51, v19  }
0x6bb: {  	v37 =	vshra.s32 v37, $0x17;
	v30 =	vor.u32 s1, v1;
	v36 =	vadd.f32 $1.000000000e+00, v36  }
0x6bc: {  	v6 =	vmul.f32 $9.090909360e-02, v21;
	v55 =	vand.u32 $0x7FFFFF, v32;
	v54 =	vmax.f32 v39, $0.0e+00  }
0x6bd: {  	v34 =	vor.u32 $0x3F800000, v55;
	v56 =	vand.u32 $0x7FFFFF, v36;
	v38 =	vadd.f32 $1.000000000e+00, v54  }
0x6be: {  	v40 =	vadd.f32 $-1.000000000e+00, v52;
	v57 =	vadd.f32 $1.000000000e+00, v34;
	v39 =	vor.u32 $0x3F800000, v56  }
0x6bf: {  	[tilespmem:v28+s19+$0x0] =	vst.idx.msk $0xffff, v6;
	v6 =	vshra.s32 v36, $0x17;
	v59 =	vadd.f32 $1.000000000e+00, v39;
	v58 =	vand.u32 $0x7FFFFF, v38;
	v60 =	vpop (erf)  }
0x6c0: {  	(erf) = vrcp.f32 v57;
	v42 =	vor.u32 $0x3F800000, v58;
	v36 =	vmul.f32 v60, v40  }
0x6c1: {  	v44 =	vand.u32 $0x7FFFFF, v26;
	(erf) = vrcp.f32 v59;
	v28 =	vadd.f32 $1.000000000e+00, v42  }
0x6c2: {  	v37 =	vadd.s32 $0xFFFFFF81, v37;
	v26 =	vshra.s32 v26, $0x17;
	v61 =	vld [tilespmem:s2+$0x30];
	v62 =	vmul.f32 v36, v36  }
0x6c3: {  	v37 =	vcvt.s32.f32 v37;
	v44 =	vor.u32 $0x3F800000, v44;
	(erf) = vrcp.f32 v28  }
0x6c4: {  	v26 =	vadd.s32 $0xFFFFFF81, v26;
	v21 =	vor.u32 s3, v3;
	v48 =	vmul.f32 $1.428571490e-01, v62  }
0x6c5: {  	v37 =	vmul.f32 $6.931471820e-01, v37;
	v32 =	vshra.s32 v32, $0x17;
	v6 =	vadd.s32 $0xFFFFFF81, v6  }
0x6c6: {  	v34 =	vadd.f32 $-1.000000000e+00, v34;
	v6 =	vcvt.s32.f32 v6;
	v49 =	vadd.f32 $2.000000030e-01, v48  }
0x6c7: {  	v39 =	vadd.f32 $-1.000000000e+00, v39;
	v38 =	vshra.s32 v38, $0x17;
	v25 =	vsub.f32 v61, v25  }
0x6c8: {  	v6 =	vmul.f32 $6.931471820e-01, v6;
	v38 =	vadd.s32 $0xFFFFFF81, v38;
	v41 =	vmul.f32 v49, v62  }
0x6c9: {  	v63 =	vadd.f32 $-1.000000000e+00, v42;
	v38 =	vcvt.s32.f32 v38;
	v25 =	vmax.f32 v25, $0.0e+00;
	v50 =	vpop (erf)  }
0x6ca: {  	v43 =	vadd.f32 $1.000000000e+00, v25;
	v25 =	vmul.f32 v50, v34;
	v51 =	vpop (erf);
	v52 =	vadd.f32 $3.333333430e-01, v41  }
0x6cb: {  	v42 =	vand.u32 $0x7FFFFF, v27;
	v27 =	vshra.s32 v27, $0x17;
	v34 =	vmul.f32 v51, v39  }
0x6cc: {  	v28 =	vadd.s32 $0xFFFFFF81, v32;
	v55 =	vmul.f32 v25, v25;
	v53 =	vpop (erf);
	v32 =	vmul.f32 v52, v62  }
0x6cd: {  	v42 =	vor.u32 $0x3F800000, v42;
	v56 =	vmul.f32 v34, v34;
	v40 =	vmul.f32 v53, v63  }
0x6ce: {  	v36 =	vadd.f32 v36, v36;
	v57 =	vmul.f32 $1.428571490e-01, v55;
	v32 =	vadd.f32 $1.000000000e+00, v32  }
0x6cf: {  	v27 =	vadd.s32 $0xFFFFFF81, v27;
	v59 =	vmul.f32 $1.428571490e-01, v56;
	v58 =	vmul.f32 v40, v40  }
0x6d0: {  	v38 =	vmul.f32 $6.931471820e-01, v38;
	v39 =	vadd.f32 $2.000000030e-01, v57;
	v32 =	vmul.f32 v32, v36  }
0x6d1: {  	v63 =	vor.u32 s26, v1;
	v61 =	vadd.f32 $2.000000030e-01, v59;
	v60 =	vmul.f32 $1.428571490e-01, v58  }
0x6d2: {  	v27 =	vcvt.s32.f32 v27;
	v39 =	vmul.f32 v39, v55;
	v32 =	vadd.f32 v32, v37  }
0x6d3: {  	v28 =	vcvt.s32.f32 v28;
	v36 =	vmul.f32 v61, v56;
	v62 =	vadd.f32 $2.000000030e-01, v60  }
0x6d4: {  	v54 =	vand.u32 $0x7FFFFF, v43;
	v39 =	vadd.f32 $3.333333430e-01, v39;
	v32 =	vmul.f32 $9.090909360e-02, v32  }
0x6d5: {  	v28 =	vmul.f32 $6.931471820e-01, v28;
	v36 =	vadd.f32 $3.333333430e-01, v36;
	v51 =	vmul.f32 v62, v58  }
0x6d6: {  	s22 =	sor.u32 $0x60, s28;
	v45 =	vor.u32 $0x3F800000, v54;
	v52 =	vadd.f32 $1.000000000e+00, v42;
	v39 =	vmul.f32 v39, v55;
	[tilespmem:v63+s19+$0x0] =	vst.idx.msk $0xffff, v32  }
0x6d7: {  	v25 =	vadd.f32 v25, v25;
	v36 =	vmul.f32 v36, v56;
	v37 =	vadd.f32 $3.333333430e-01, v51;
	v54 =	vld [tilespmem:s22+$0x6000]  }
0x6d8: {  	v34 =	vadd.f32 v34, v34;
	(erf) = vrcp.f32 v52;
	v39 =	vadd.f32 $1.000000000e+00, v39  }
0x6d9: {  	v53 =	vadd.f32 $1.000000000e+00, v44;
	v56 =	vadd.f32 $1.000000000e+00, v36;
	v37 =	vmul.f32 v37, v58  }
0x6da: {  	v40 =	vadd.f32 v40, v40;
	v55 =	vadd.f32 $1.000000000e+00, v45;
	v58 =	vmul.f32 v39, v25  }
0x6db: {  	(erf) = vrcp.f32 v53;
	v32 =	vmul.f32 v56, v34;
	v57 =	vadd.f32 $1.000000000e+00, v37  }
0x6dc: {  	(erf) = vrcp.f32 v55;
	v28 =	vadd.f32 v58, v28;
	v62 =	vsub.f32 v54, v20  }
0x6dd: {  	v41 =	vshra.s32 v43, $0x17;
	v6 =	vadd.f32 v32, v6;
	v60 =	vmul.f32 v57, v40  }
0x6de: {  	v59 =	vadd.f32 $-1.000000000e+00, v44;
	v28 =	vmul.f32 $9.090909360e-02, v28;
	v40 =	vmax.f32 v62, $0.0e+00  }
0x6df: {  	v6 =	vmul.f32 $9.090909360e-02, v6;
	v63 =	vadd.f32 v60, v38;
	v44 =	vadd.f32 $1.000000000e+00, v40  }
0x6e0: {  	v42 =	vadd.f32 $-1.000000000e+00, v42;
	v61 =	vadd.f32 $-1.000000000e+00, v45;
	v25 =	vor.u32 s1, v3;
	[tilespmem:v31+s19+$0x0] =	vst.idx.msk $0xffff, v28  }
0x6e1: {  	v28 =	vadd.s32 $0xFFFFFF81, v41;
	v48 =	vld [tilespmem:s25+$0xFFFFFFA0];
	[tilespmem:v30+s19+$0x0] =	vst.idx.msk $0xffff, v6;
	v30 =	vpop (erf);
	v32 =	vmul.f32 $9.090909360e-02, v63;
	v6 =	vand.u32 $0x7FFFFF, v44  }
0x6e2: {  	s30 =	sor.u32 $0x60, s9;
	v41 =	vcvt.s32.f32 v26;
	v30 =	vmul.f32 v30, v42;
	v6 =	vor.u32 $0x3F800000, v6  }
0x6e3: {  	v31 =	vmul.f32 $6.931471820e-01, v27;
	v26 =	vor.u32 s8, v3;
	v49 =	vld [tilespmem:s30+$0x6000];
	[tilespmem:v29+s19+$0x0] =	vst.idx.msk $0xffff, v32;
	v50 =	vadd.f32 $1.000000000e+00, v6  }
0x6e4: {  	v29 =	vcvt.s32.f32 v28;
	v28 =	vpop (erf);
	v43 =	vmul.f32 v30, v30;
	v34 =	vadd.f32 v30, v30;
	v51 =	vld [tilespmem:s25+$0x20]  }
0x6e5: {  	v44 =	vshra.s32 v44, $0x17;
	v27 =	vmul.f32 v28, v59;
	v28 =	vpop (erf);
	(erf) = vrcp.f32 v50  }
0x6e6: {  	v44 =	vadd.s32 $0xFFFFFF81, v44;
	v28 =	vmul.f32 v28, v61;
	v30 =	vsub.f32 v48, v17  }
0x6e7: {  	v52 =	vmul.f32 $1.428571490e-01, v43;
	v6 =	vadd.f32 $-1.000000000e+00, v6;
	v29 =	vmul.f32 $6.931471820e-01, v29  }
0x6e8: {  	[tilespmem:v33+s19+$0x0] =	vst.idx.msk $0xffff, v35;
	v33 =	vcvt.s32.f32 v44;
	v38 =	vmul.f32 v27, v27;
	v53 =	vsub.f32 v49, v18  }
0x6e9: {  	v27 =	vadd.f32 v27, v27;
	v30 =	vmax.f32 v30, $0.0e+00;
	v55 =	vsub.f32 v51, v19  }
0x6ea: {  	v39 =	vmul.f32 v28, v28;
	v30 =	vadd.f32 $1.000000000e+00, v30;
	v36 =	vmax.f32 v53, $0.0e+00  }
0x6eb: {  	v28 =	vadd.f32 v28, v28;
	v36 =	vadd.f32 $1.000000000e+00, v36;
	v40 =	vmax.f32 v55, $0.0e+00  }
0x6ec: {  	v54 =	vmul.f32 $1.428571490e-01, v38;
	v56 =	vand.u32 $0x7FFFFF, v30;
	v40 =	vadd.f32 $1.000000000e+00, v40  }
0x6ed: {  	v37 =	vor.u32 $0x3F800000, v56;
	v57 =	vshra.s32 v36, $0x17;
	v36 =	vand.u32 $0x7FFFFF, v36  }
0x6ee: {  	v36 =	vor.u32 $0x3F800000, v36;
	v59 =	vadd.f32 $1.000000000e+00, v37;
	v58 =	vand.u32 $0x7FFFFF, v40;
	v60 =	vpop (erf)  }
0x6ef: {  	v61 =	vadd.f32 $1.000000000e+00, v36;
	v47 =	vor.u32 $0x3F800000, v58;
	v6 =	vmul.f32 v60, v6  }
0x6f0: {  	v42 =	vmul.f32 $1.428571490e-01, v39;
	(erf) = vrcp.f32 v59;
	v62 =	vadd.f32 $1.000000000e+00, v47  }
0x6f1: {  	v30 =	vshra.s32 v30, $0x17;
	(erf) = vrcp.f32 v61;
	v63 =	vmul.f32 v6, v6  }
0x6f2: {  	v45 =	vadd.f32 $2.000000030e-01, v54;
	v30 =	vadd.s32 $0xFFFFFF81, v30;
	(erf) = vrcp.f32 v62  }
0x6f3: {  	v30 =	vcvt.s32.f32 v30;
	v40 =	vshra.s32 v40, $0x17;
	v54 =	vmul.f32 $1.428571490e-01, v63  }
0x6f4: {  	v32 =	vadd.f32 $2.000000030e-01, v52;
	v42 =	vadd.f32 $2.000000030e-01, v42;
	v40 =	vadd.s32 $0xFFFFFF81, v40  }
0x6f5: {  	v56 =	vcvt.s32.f32 v40;
	v40 =	vmul.f32 $6.931471820e-01, v30;
	v30 =	vadd.f32 $2.000000030e-01, v54  }
0x6f6: {  	v46 =	vadd.s32 $0xFFFFFF81, v57;
	v57 =	vmul.f32 v32, v43;
	v45 =	vmul.f32 v45, v38  }
0x6f7: {  	v49 =	vadd.f32 $-1.000000000e+00, v37;
	v55 =	vcvt.s32.f32 v46;
	v58 =	vmul.f32 v30, v63  }
0x6f8: {  	v51 =	vadd.f32 $-1.000000000e+00, v36;
	v42 =	vmul.f32 v42, v39;
	v59 =	vadd.f32 $3.333333430e-01, v57  }
0x6f9: {  	v37 =	vmul.f32 $6.931471820e-01, v55;
	v32 =	vmul.f32 $6.931471820e-01, v56;
	v61 =	vpop (erf);
	v60 =	vadd.f32 $3.333333430e-01, v58  }
0x6fa: {  	v47 =	vadd.f32 $-1.000000000e+00, v47;
	v36 =	vmul.f32 v61, v49;
	v62 =	vpop (erf);
	v30 =	vmul.f32 $6.931471820e-01, v41  }
0x6fb: {  	v42 =	vadd.f32 $3.333333430e-01, v42;
	v41 =	vmul.f32 v59, v43;
	v48 =	vmul.f32 v60, v63;
	v63 =	vpop (erf)  }
0x6fc: {  	s7 =	simm.s32 $0x2C0;
	v43 =	vadd.f32 $3.333333430e-01, v45;
	v45 =	vmul.f32 v62, v51;
	v47 =	vmul.f32 v63, v47  }
0x6fd: {  	s5 =	simm.s32 $0x4;
	s2 =	sor.u32 $0x70, s9;
	s8 =	simm.s32 $0x6280;
	v46 =	vmul.f32 v36, v36;
	v35 =	vadd.f32 $1.000000000e+00, v48;
	v48 =	vadd.f32 v6, v6  }
.LBB2_9:
0x6fe: {  	s0 =	sshra.s32 s7, $0x2;
	s1 =	sadd.s32 $0xFFFFFF80, s7;
	v6 =	vld [tilespmem:s8+$0x40];
	v44 =	vadd.f32 v36, v36;
	v49 =	vmul.f32 v45, v45;
	v50 =	vmul.f32 v47, v47  }
0x6ff: {  	s5 =	sadd.s32 $0x4, s5;
	v45 =	vadd.f32 v45, v45;
	s21 =	sor.u32 $0x50, s1;
	s10 =	sor.u32 $0x60, s1;
	v51 =	vld [tilespmem:s0+$0x7000];
	v33 =	vmul.f32 $6.931471820e-01, v33;
	v48 =	vmul.f32 v35, v48  }
0x700: {  	v52 =	vmul.f32 $1.428571490e-01, v46;
	v54 =	vor.u32 s26, v2;
	s20 =	sor.u32 $0x70, s1;
	p0 =	slt.u32 s5, $0x3C;
	v35 =	vld [tilespmem:s0+$0x6FD0];
	v53 =	vmul.f32 $1.428571490e-01, v49  }
0x701: {  	v47 =	vadd.f32 v47, v47;
	v55 =	vmul.f32 $1.428571490e-01, v50;
	v36 =	vld [tilespmem:s0+$0x6FE0];
	v48 =	vadd.f32 v48, v33  }
0x702: {  	v38 =	vmul.f32 v43, v38;
	v52 =	vadd.f32 $2.000000030e-01, v52;
	v33 =	vld [tilespmem:s0+$0x6FF0];
	v53 =	vadd.f32 $2.000000030e-01, v53  }
0x703: {  	v39 =	vmul.f32 v42, v39;
	v55 =	vadd.f32 $2.000000030e-01, v55;
	v43 =	vld [tilespmem:s8+$0xFFFFFF80];
	v48 =	vmul.f32 $9.090909360e-02, v48  }
0x704: {  	v52 =	vmul.f32 v52, v46;
	v42 =	vld [tilespmem:s8+$0xFFFFFFC0];
	v6 =	vsub.f32 v6, v51;
	v53 =	vmul.f32 v53, v49  }
0x705: {  	v41 =	vadd.f32 $1.000000000e+00, v41;
	v38 =	vadd.f32 $1.000000000e+00, v38;
	s0 =	sor.u32 $0x70, s28;
	s28 =	smov.u32 s7;
	v55 =	vmul.f32 v55, v50;
	v56 =	vld [tilespmem:s8+$0x0];
	[tilespmem:v54+s19+$0x0] =	vst.idx.msk $0xffff, v48  }
0x706: {  	v48 =	vadd.f32 $3.333333430e-01, v52;
	v6 =	vmax.f32 v6, $0.0e+00;
	v52 =	vadd.f32 $3.333333430e-01, v53;
	v53 =	vld [tilespmem:s0+$0x6000]  }
0x707: {  	v41 =	vmul.f32 v41, v34;
	v54 =	vadd.f32 $3.333333430e-01, v55;
	v6 =	vadd.f32 $1.000000000e+00, v6  }
0x708: {  	v34 =	vsub.f32 v43, v35;
	v43 =	vmul.f32 v48, v46;
	v46 =	vmul.f32 v52, v49  }
0x709: {  	v49 =	vmul.f32 v54, v50;
	v42 =	vsub.f32 v42, v36;
	v48 =	vand.u32 $0x7FFFFF, v6  }
0x70a: {  	v34 =	vmax.f32 v34, $0.0e+00;
	v50 =	vsub.f32 v56, v33;
	v48 =	vor.u32 $0x3F800000, v48  }
0x70b: {  	v42 =	vmax.f32 v42, $0.0e+00;
	v52 =	vadd.f32 $1.000000000e+00, v48;
	v53 =	vsub.f32 v53, v20;
	v20 =	vmovc v51  }
0x70c: {  	v51 =	vadd.f32 $1.000000000e+00, v34;
	v42 =	vadd.f32 $1.000000000e+00, v42;
	v34 =	vmax.f32 v50, $0.0e+00  }
0x70d: {  	v50 =	vadd.f32 $1.000000000e+00, v34;
	(erf) = vrcp.f32 v52;
	v34 =	vmax.f32 v53, $0.0e+00  }
0x70e: {  	v52 =	vand.u32 $0x7FFFFF, v51;
	v53 =	vand.u32 $0x7FFFFF, v42;
	v34 =	vadd.f32 $1.000000000e+00, v34  }
0x70f: {  	v52 =	vor.u32 $0x3F800000, v52;
	v53 =	vor.u32 $0x3F800000, v53;
	v54 =	vand.u32 $0x7FFFFF, v50  }
0x710: {  	v55 =	vadd.f32 $1.000000000e+00, v52;
	v54 =	vor.u32 $0x3F800000, v54;
	v56 =	vand.u32 $0x7FFFFF, v34  }
0x711: {  	v57 =	vadd.f32 $1.000000000e+00, v53;
	v58 =	vadd.f32 $1.000000000e+00, v54;
	v56 =	vor.u32 $0x3F800000, v56  }
0x712: {  	v52 =	vadd.f32 $-1.000000000e+00, v52;
	(erf) = vrcp.f32 v55;
	v55 =	vadd.f32 $1.000000000e+00, v56  }
0x713: {  	v53 =	vadd.f32 $-1.000000000e+00, v53;
	v54 =	vadd.f32 $-1.000000000e+00, v54;
	(erf) = vrcp.f32 v57  }
0x714: {  	v51 =	vshra.s32 v51, $0x17;
	v42 =	vshra.s32 v42, $0x17;
	(erf) = vrcp.f32 v55  }
0x715: {  	v48 =	vadd.f32 $-1.000000000e+00, v48;
	v50 =	vshra.s32 v50, $0x17;
	(erf) = vrcp.f32 v58  }
0x716: {  	v51 =	vadd.s32 $0xFFFFFF81, v51;
	v42 =	vadd.s32 $0xFFFFFF81, v42;
	v50 =	vadd.s32 $0xFFFFFF81, v50;
	v55 =	vpop (erf)  }
0x717: {  	v43 =	vadd.f32 $1.000000000e+00, v43;
	v51 =	vcvt.s32.f32 v51;
	v48 =	vmul.f32 v55, v48  }
0x718: {  	v46 =	vadd.f32 $1.000000000e+00, v46;
	v42 =	vcvt.s32.f32 v42;
	v50 =	vcvt.s32.f32 v50  }
0x719: {  	v49 =	vadd.f32 $1.000000000e+00, v49;
	v51 =	vmul.f32 $6.931471820e-01, v51;
	v55 =	vmul.f32 v48, v48  }
0x71a: {  	v39 =	vadd.f32 $1.000000000e+00, v39;
	v57 =	vmul.f32 $6.931471820e-01, v42;
	v42 =	vmul.f32 $6.931471820e-01, v50  }
0x71b: {  	v41 =	vadd.f32 v41, v31;
	v43 =	vmul.f32 v43, v44;
	v50 =	vmul.f32 $1.428571490e-01, v55;
	v58 =	vpop (erf)  }
0x71c: {  	v45 =	vmul.f32 v46, v45;
	v46 =	vadd.f32 $-1.000000000e+00, v56;
	v31 =	vmul.f32 v58, v52;
	v44 =	vpop (erf)  }
0x71d: {  	v47 =	vmul.f32 v49, v47;
	v44 =	vmul.f32 v44, v53;
	v50 =	vadd.f32 $2.000000030e-01, v50;
	v49 =	vpop (erf)  }
0x71e: {  	v52 =	vmul.f32 v31, v31;
	v31 =	vadd.f32 v31, v31;
	v53 =	vpop (erf);
	v46 =	vmul.f32 v49, v46  }
0x71f: {  	v49 =	vadd.f32 v44, v44;
	v53 =	vmul.f32 v53, v54;
	v50 =	vmul.f32 v50, v55  }
0x720: {  	v40 =	vadd.f32 v43, v40;
	v44 =	vmul.f32 v44, v44;
	v43 =	vmul.f32 v46, v46  }
0x721: {  	v54 =	vmul.f32 $1.428571490e-01, v52;
	v56 =	vmul.f32 v53, v53;
	v50 =	vadd.f32 $3.333333430e-01, v50  }
0x722: {  	v58 =	vmul.f32 $1.428571490e-01, v44;
	v53 =	vadd.f32 v53, v53;
	v59 =	vmul.f32 $1.428571490e-01, v43  }
0x723: {  	v6 =	vshra.s32 v6, $0x17;
	v60 =	vmul.f32 $1.428571490e-01, v56;
	v50 =	vmul.f32 v50, v55  }
0x724: {  	v6 =	vadd.s32 $0xFFFFFF81, v6;
	v54 =	vadd.f32 $2.000000030e-01, v54;
	v55 =	vadd.f32 $2.000000030e-01, v59  }
0x725: {  	s29 =	sadd.s32 $0x20, s29;
	v6 =	vcvt.s32.f32 v6;
	v48 =	vadd.f32 v48, v48;
	v50 =	vadd.f32 $1.000000000e+00, v50  }
0x726: {  	s1 =	sadd.s32 $0x8, s29;
	s3 =	sadd.s32 $0x18, s29;
	s0 =	sadd.s32 $0xFFFFFF40, s7;
	v58 =	vadd.f32 $2.000000030e-01, v58;
	v59 =	vadd.f32 $2.000000030e-01, v60;
	v55 =	vmul.f32 v55, v43  }
0x727: {  	s3 =	sand.u32 $0x78, s3;
	s6 =	sand.u32 $0xC00, s0;
	s0 =	sadd.s32 $0x10, s29;
	v6 =	vmul.f32 $6.931471820e-01, v6;
	v45 =	vadd.f32 v45, v37;
	v48 =	vmul.f32 v50, v48  }
0x728: {  	s1 =	sand.u32 $0x68, s1;
	s9 =	sand.u32 $0x70, s0;
	s3 =	sor.u32 s6, s3;
	v37 =	vmul.f32 v54, v52;
	v50 =	vmul.f32 v58, v44;
	v54 =	vadd.f32 $3.333333430e-01, v55  }
0x729: {  	s30 =	sand.u32 $0x60, s29;
	s0 =	sor.u32 s6, s1;
	s22 =	sor.u32 s6, s9;
	v58 =	vor.u32 s3, v0;
	v55 =	vmul.f32 v59, v56;
	v6 =	vadd.f32 v48, v6  }
0x72a: {  	s1 =	sor.u32 s30, s6;
	v34 =	vshra.s32 v34, $0x17;
	v37 =	vadd.f32 $3.333333430e-01, v37;
	v43 =	vmul.f32 v54, v43  }
0x72b: {  	v34 =	vadd.s32 $0xFFFFFF81, v34;
	v48 =	vadd.f32 $3.333333430e-01, v50;
	v6 =	vmul.f32 $9.090909360e-02, v6  }
0x72c: {  	v34 =	vcvt.s32.f32 v34;
	v46 =	vadd.f32 v46, v46;
	v43 =	vadd.f32 $1.000000000e+00, v43  }
0x72d: {  	v37 =	vmul.f32 v37, v52;
	v44 =	vmul.f32 v48, v44;
	v48 =	vadd.f32 $3.333333430e-01, v55  }
0x72e: {  	s6 =	sor.u32 $0x50, s7;
	v50 =	vor.u32 s1, v0;
	[tilespmem:v58+s19+$0x0] =	vst.idx.msk $0xffff, v6;
	v6 =	vmul.f32 $6.931471820e-01, v34;
	v34 =	vmul.f32 v43, v46  }
0x72f: {  	v37 =	vadd.f32 $1.000000000e+00, v37;
	v43 =	vmul.f32 v48, v56;
	v48 =	vor.u32 s26, v3;
	s26 =	smov.u32 s3;
	v46 =	vld [tilespmem:s6+$0x6000]  }
0x730: {  	v52 =	vor.u32 s0, v0;
	v44 =	vadd.f32 $1.000000000e+00, v44;
	v6 =	vadd.f32 v34, v6  }
0x731: {  	v54 =	vor.u32 s22, v0;
	v31 =	vmul.f32 v37, v31;
	v43 =	vadd.f32 $1.000000000e+00, v43  }
0x732: {  	v37 =	vor.u32 s1, v1;
	v44 =	vmul.f32 v44, v49;
	v6 =	vmul.f32 $9.090909360e-02, v6  }
0x733: {  	v49 =	vadd.f32 v31, v51;
	v34 =	vor.u32 s0, v1;
	v43 =	vmul.f32 v43, v53  }
0x734: {  	v31 =	vor.u32 s22, v1;
	v44 =	vadd.f32 v44, v57;
	v46 =	vsub.f32 v46, v20;
	[tilespmem:v48+s19+$0x0] =	vst.idx.msk $0xffff, v6  }
0x735: {  	v6 =	vmul.f32 $9.090909360e-02, v49;
	v42 =	vadd.f32 v43, v42;
	v43 =	vadd.f32 v47, v32  }
0x736: {  	v40 =	vmul.f32 $9.090909360e-02, v40;
	v44 =	vmul.f32 $9.090909360e-02, v44;
	v32 =	vmax.f32 v46, $0.0e+00  }
0x737: {  	[tilespmem:v50+s19+$0x0] =	vst.idx.msk $0xffff, v6;
	v6 =	vmul.f32 $9.090909360e-02, v42;
	v32 =	vadd.f32 $1.000000000e+00, v32;
	v42 =	vmul.f32 $9.090909360e-02, v45  }
0x738: {  	v46 =	vor.u32 s1, v2;
	v43 =	vmul.f32 $9.090909360e-02, v43;
	v45 =	vld [tilespmem:s8+$0xFFFFFF90];
	[tilespmem:v52+s19+$0x0] =	vst.idx.msk $0xffff, v44;
	v44 =	vor.u32 s0, v2  }
0x739: {  	v27 =	vmul.f32 v38, v27;
	v47 =	vld [tilespmem:s21+$0x6000];
	[tilespmem:v54+s19+$0x0] =	vst.idx.msk $0xffff, v6;
	v6 =	vor.u32 s22, v2;
	v48 =	vand.u32 $0x7FFFFF, v32  }
0x73a: {  	v28 =	vmul.f32 v39, v28;
	v38 =	vld [tilespmem:s8+$0x10];
	v48 =	vor.u32 $0x3F800000, v48;
	[tilespmem:v22+s19+$0x0] =	vst.idx.msk $0xffff, v40;
	v40 =	vmul.f32 $9.090909360e-02, v41;
	v22 =	vmovc v46  }
0x73b: {  	v27 =	vadd.f32 v27, v30;
	v39 =	vor.u32 s1, v3;
	v41 =	vadd.f32 $1.000000000e+00, v48;
	v46 =	vld [tilespmem:s25+$0xFFFFFFB0];
	[tilespmem:v23+s19+$0x0] =	vst.idx.msk $0xffff, v42;
	v23 =	vmovc v44  }
0x73c: {  	v28 =	vadd.f32 v28, v29;
	v30 =	vor.u32 s0, v3;
	v42 =	vor.u32 s22, v3;
	v44 =	vld [tilespmem:s2+$0x6000];
	[tilespmem:v24+s19+$0x0] =	vst.idx.msk $0xffff, v43;
	v24 =	vmovc v6;
	s2 =	smov.u32 s20  }
0x73d: {  	v27 =	vmul.f32 $9.090909360e-02, v27;
	v6 =	vsub.f32 v45, v35;
	(erf) = vrcp.f32 v41;
	v29 =	vld [tilespmem:s25+$0x30];
	[tilespmem:v14+s19+$0x0] =	vst.idx.msk $0xffff, v40;
	v14 =	vmovc v21;
	s25 =	smov.u32 s8  }
0x73e: {  	v28 =	vmul.f32 $9.090909360e-02, v28;
	v21 =	vmov v39;
	v40 =	vsub.f32 v47, v36  }
0x73f: {  	v6 =	vmax.f32 v6, $0.0e+00;
	v38 =	vsub.f32 v38, v33;
	[tilespmem:v15+s19+$0x0] =	vst.idx.msk $0xffff, v27;
	v15 =	vmovc v25;
	v25 =	vmov v30  }
0x740: {  	v6 =	vadd.f32 $1.000000000e+00, v6;
	v27 =	vmax.f32 v40, $0.0e+00;
	v30 =	vsub.f32 v46, v17;
	[tilespmem:v16+s19+$0x0] =	vst.idx.msk $0xffff, v28;
	v17 =	vmovc v35  }
0x741: {  	v16 =	vmovc v26;
	v27 =	vadd.f32 $1.000000000e+00, v27;
	v28 =	vmax.f32 v38, $0.0e+00;
	v35 =	vsub.f32 v44, v18;
	v18 =	vmovc v36  }
0x742: {  	v26 =	vmovc v42;
	v36 =	vshra.s32 v6, $0x17;
	v6 =	vand.u32 $0x7FFFFF, v6;
	v28 =	vadd.f32 $1.000000000e+00, v28  }
0x743: {  	v6 =	vor.u32 $0x3F800000, v6;
	v38 =	vshra.s32 v27, $0x17;
	v27 =	vand.u32 $0x7FFFFF, v27  }
0x744: {  	v44 =	vadd.f32 $1.000000000e+00, v6;
	v27 =	vor.u32 $0x3F800000, v27;
	v40 =	vand.u32 $0x7FFFFF, v28  }
0x745: {  	v42 =	vadd.f32 $-1.000000000e+00, v48;
	v41 =	vadd.f32 $1.000000000e+00, v27;
	v40 =	vor.u32 $0x3F800000, v40  }
0x746: {  	v6 =	vadd.f32 $-1.000000000e+00, v6;
	v43 =	vadd.f32 $1.000000000e+00, v40;
	(erf) = vrcp.f32 v44;
	v39 =	vpop (erf)  }
0x747: {  	v27 =	vadd.f32 $-1.000000000e+00, v27;
	v39 =	vmul.f32 v39, v42;
	(erf) = vrcp.f32 v41  }
0x748: {  	v28 =	vshra.s32 v28, $0x17;
	v40 =	vadd.f32 $-1.000000000e+00, v40;
	(erf) = vrcp.f32 v43  }
0x749: {  	v36 =	vadd.s32 $0xFFFFFF81, v36;
	v38 =	vadd.s32 $0xFFFFFF81, v38;
	v41 =	vmul.f32 v39, v39  }
0x74a: {  	v36 =	vcvt.s32.f32 v36;
	v38 =	vcvt.s32.f32 v38;
	v28 =	vadd.s32 $0xFFFFFF81, v28  }
0x74b: {  	v29 =	vsub.f32 v29, v19;
	v19 =	vmovc v33;
	v28 =	vcvt.s32.f32 v28;
	v42 =	vmul.f32 $1.428571490e-01, v41  }
0x74c: {  	v30 =	vmax.f32 v30, $0.0e+00;
	v33 =	vmul.f32 $6.931471820e-01, v36;
	v36 =	vmul.f32 $6.931471820e-01, v38  }
0x74d: {  	v35 =	vmax.f32 v35, $0.0e+00;
	v28 =	vmul.f32 $6.931471820e-01, v28;
	v38 =	vadd.f32 $2.000000030e-01, v42  }
0x74e: {  	v30 =	vadd.f32 $1.000000000e+00, v30;
	v35 =	vadd.f32 $1.000000000e+00, v35;
	v29 =	vmax.f32 v29, $0.0e+00  }
0x74f: {  	v29 =	vadd.f32 $1.000000000e+00, v29;
	v38 =	vmul.f32 v38, v41;
	v42 =	vpop (erf)  }
0x750: {  	v44 =	vand.u32 $0x7FFFFF, v35;
	v43 =	vand.u32 $0x7FFFFF, v30;
	v6 =	vmul.f32 v42, v6;
	v42 =	vpop (erf)  }
0x751: {  	v45 =	vand.u32 $0x7FFFFF, v29;
	v27 =	vmul.f32 v42, v27;
	v38 =	vadd.f32 $3.333333430e-01, v38;
	v42 =	vpop (erf)  }
0x752: {  	v46 =	vmul.f32 v6, v6;
	v6 =	vadd.f32 v6, v6;
	v40 =	vmul.f32 v42, v40  }
0x753: {  	v32 =	vshra.s32 v32, $0x17;
	v42 =	vmul.f32 v27, v27;
	v38 =	vmul.f32 v38, v41  }
0x754: {  	v32 =	vadd.s32 $0xFFFFFF81, v32;
	v41 =	vmul.f32 $1.428571490e-01, v46;
	v47 =	vmul.f32 v40, v40  }
0x755: {  	v32 =	vcvt.s32.f32 v32;
	v39 =	vadd.f32 v39, v39;
	v38 =	vadd.f32 $1.000000000e+00, v38  }
0x756: {  	v48 =	vmul.f32 $1.428571490e-01, v42;
	v41 =	vadd.f32 $2.000000030e-01, v41;
	v49 =	vmul.f32 $1.428571490e-01, v47  }
0x757: {  	v32 =	vmul.f32 $6.931471820e-01, v32;
	v27 =	vadd.f32 v27, v27;
	v38 =	vmul.f32 v38, v39  }
0x758: {  	v39 =	vadd.f32 $2.000000030e-01, v48;
	v48 =	vadd.f32 $2.000000030e-01, v49;
	v49 =	vor.u32 s26, v1  }
0x759: {  	v40 =	vadd.f32 v40, v40;
	v41 =	vmul.f32 v41, v46;
	v32 =	vadd.f32 v38, v32  }
0x75a: {  	v43 =	vor.u32 $0x3F800000, v43;
	v38 =	vmul.f32 v39, v42;
	v39 =	vmul.f32 v48, v47  }
0x75b: {  	v44 =	vor.u32 $0x3F800000, v44;
	v41 =	vadd.f32 $3.333333430e-01, v41;
	v32 =	vmul.f32 $9.090909360e-02, v32  }
0x75c: {  	v45 =	vor.u32 $0x3F800000, v45;
	v38 =	vadd.f32 $3.333333430e-01, v38;
	v39 =	vadd.f32 $3.333333430e-01, v39  }
0x75d: {  	s0 =	sor.u32 $0x60, s7;
	v41 =	vmul.f32 v41, v46;
	v46 =	vadd.f32 $1.000000000e+00, v44;
	[tilespmem:v49+s19+$0x0] =	vst.idx.msk $0xffff, v32;
	v32 =	vadd.f32 $1.000000000e+00, v43  }
0x75e: {  	v38 =	vmul.f32 v38, v42;
	v39 =	vmul.f32 v39, v47;
	v42 =	vld [tilespmem:s0+$0x6000];
	v47 =	vadd.f32 $1.000000000e+00, v45  }
0x75f: {  	v43 =	vadd.f32 $-1.000000000e+00, v43;
	v41 =	vadd.f32 $1.000000000e+00, v41;
	(erf) = vrcp.f32 v32  }
0x760: {  	v32 =	vadd.f32 $1.000000000e+00, v38;
	v38 =	vadd.f32 $1.000000000e+00, v39;
	(erf) = vrcp.f32 v46  }
0x761: {  	v6 =	vmul.f32 v41, v6;
	v39 =	vadd.f32 $-1.000000000e+00, v44;
	(erf) = vrcp.f32 v47  }
0x762: {  	v27 =	vmul.f32 v32, v27;
	v32 =	vmul.f32 v38, v40;
	v38 =	vadd.f32 $-1.000000000e+00, v45  }
0x763: {  	v30 =	vshra.s32 v30, $0x17;
	v6 =	vadd.f32 v6, v33;
	v33 =	vsub.f32 v42, v20  }
0x764: {  	v27 =	vadd.f32 v27, v36;
	v28 =	vadd.f32 v32, v28;
	v32 =	vshra.s32 v35, $0x17  }
0x765: {  	v29 =	vshra.s32 v29, $0x17;
	v6 =	vmul.f32 $9.090909360e-02, v6;
	v33 =	vmax.f32 v33, $0.0e+00  }
0x766: {  	v27 =	vmul.f32 $9.090909360e-02, v27;
	v40 =	vmul.f32 $9.090909360e-02, v28;
	v33 =	vadd.f32 $1.000000000e+00, v33  }
0x767: {  	v29 =	vadd.s32 $0xFFFFFF81, v29;
	[tilespmem:v37+s19+$0x0] =	vst.idx.msk $0xffff, v6;
	v6 =	vadd.s32 $0xFFFFFF81, v30;
	v30 =	vadd.s32 $0xFFFFFF81, v32  }
0x768: {  	v32 =	vld [tilespmem:s8+$0xFFFFFFA0];
	[tilespmem:v34+s19+$0x0] =	vst.idx.msk $0xffff, v27;
	v27 =	vand.u32 $0x7FFFFF, v33;
	v6 =	vcvt.s32.f32 v6;
	v30 =	vcvt.s32.f32 v30;
	v34 =	vpop (erf)  }
0x769: {  	v29 =	vcvt.s32.f32 v29;
	v35 =	vld [tilespmem:s10+$0x6000];
	[tilespmem:v31+s19+$0x0] =	vst.idx.msk $0xffff, v40;
	v36 =	vor.u32 $0x3F800000, v27;
	v27 =	vmul.f32 v34, v43;
	v28 =	vpop (erf)  }
0x76a: {  	v37 =	vld [tilespmem:s8+$0x20];
	v40 =	vadd.f32 $1.000000000e+00, v36;
	v31 =	vmul.f32 $6.931471820e-01, v6;
	v6 =	vmul.f32 v28, v39;
	v28 =	vpop (erf)  }
0x76b: {  	v41 =	vmul.f32 v27, v27;
	v34 =	vadd.f32 v27, v27;
	v28 =	vmul.f32 v28, v38  }
0x76c: {  	(erf) = vrcp.f32 v40;
	v38 =	vmul.f32 v6, v6;
	v27 =	vadd.f32 v6, v6  }
0x76d: {  	v6 =	vsub.f32 v32, v17;
	v32 =	vmul.f32 $1.428571490e-01, v41;
	v39 =	vmul.f32 v28, v28  }
0x76e: {  	v28 =	vadd.f32 v28, v28;
	v35 =	vsub.f32 v35, v18;
	v40 =	vmul.f32 $1.428571490e-01, v38  }
0x76f: {  	v6 =	vmax.f32 v6, $0.0e+00;
	v37 =	vsub.f32 v37, v19;
	v42 =	vmul.f32 $1.428571490e-01, v39  }
0x770: {  	v32 =	vadd.f32 $2.000000030e-01, v32;
	v6 =	vadd.f32 $1.000000000e+00, v6;
	v35 =	vmax.f32 v35, $0.0e+00  }
0x771: {  	v43 =	vadd.f32 $2.000000030e-01, v40;
	v35 =	vadd.f32 $1.000000000e+00, v35;
	v37 =	vmax.f32 v37, $0.0e+00  }
0x772: {  	v40 =	vshra.s32 v6, $0x17;
	v6 =	vand.u32 $0x7FFFFF, v6;
	v37 =	vadd.f32 $1.000000000e+00, v37  }
0x773: {  	v6 =	vor.u32 $0x3F800000, v6;
	v44 =	vshra.s32 v35, $0x17;
	v35 =	vand.u32 $0x7FFFFF, v35  }
0x774: {  	v36 =	vadd.f32 $-1.000000000e+00, v36;
	v35 =	vor.u32 $0x3F800000, v35;
	v45 =	vand.u32 $0x7FFFFF, v37  }
0x775: {  	v46 =	vadd.f32 $1.000000000e+00, v6;
	v47 =	vadd.f32 $1.000000000e+00, v35;
	v45 =	vor.u32 $0x3F800000, v45;
	v48 =	vpop (erf)  }
0x776: {  	v6 =	vadd.f32 $-1.000000000e+00, v6;
	v49 =	vadd.f32 $1.000000000e+00, v45;
	v48 =	vmul.f32 v48, v36  }
0x777: {  	v35 =	vadd.f32 $-1.000000000e+00, v35;
	v50 =	vadd.f32 $-1.000000000e+00, v45;
	(erf) = vrcp.f32 v46  }
0x778: {  	v36 =	vshra.s32 v37, $0x17;
	v46 =	vmul.f32 v48, v48;
	(erf) = vrcp.f32 v47  }
0x779: {  	v37 =	vadd.s32 $0xFFFFFF81, v40;
	v40 =	vadd.s32 $0xFFFFFF81, v44;
	(erf) = vrcp.f32 v49  }
0x77a: {  	v37 =	vcvt.s32.f32 v37;
	v36 =	vadd.s32 $0xFFFFFF81, v36;
	v44 =	vmul.f32 $1.428571490e-01, v46  }
0x77b: {  	v42 =	vadd.f32 $2.000000030e-01, v42;
	v45 =	vcvt.s32.f32 v40;
	v36 =	vcvt.s32.f32 v36  }
0x77c: {  	v47 =	vmul.f32 v32, v41;
	v40 =	vmul.f32 $6.931471820e-01, v37;
	v44 =	vadd.f32 $2.000000030e-01, v44  }
0x77d: {  	v37 =	vmul.f32 $6.931471820e-01, v45;
	v32 =	vmul.f32 $6.931471820e-01, v36  }
0x77e: {  	v43 =	vmul.f32 v43, v38;
	v45 =	vmul.f32 v44, v46;
	v44 =	vadd.f32 $3.333333430e-01, v47  }
0x77f: {  	v30 =	vmul.f32 $6.931471820e-01, v30;
	v42 =	vmul.f32 v42, v39  }
.Ltmp3:
0x780: {  	v43 =	vadd.f32 $3.333333430e-01, v43;
	v47 =	vadd.f32 $3.333333430e-01, v45;
	v36 =	vpop (erf);
	v41 =	vmul.f32 v44, v41;
	(pc) =	sbr.rel @p0 .LBB2_9-.Ltmp3, $4  }
0x781: {  	v29 =	vmul.f32 $6.931471820e-01, v29;
	v42 =	vadd.f32 $3.333333430e-01, v42;
	v36 =	vmul.f32 v36, v6;
	v6 =	vpop (erf)  }
0x782: {  	v45 =	vmul.f32 v6, v35;
	v6 =	vshra.s32 v33, $0x17;
	v35 =	vmul.f32 v47, v46;
	v33 =	vpop (erf)  }
0x783: {  	v46 =	vmul.f32 v36, v36;
	v47 =	vmul.f32 v33, v50;
	v6 =	vadd.s32 $0xFFFFFF81, v6  }
0x784: {  	s7 =	sadd.s32 $0x100, s7;
	s8 =	sadd.s32 $0x100, s8;
	v48 =	vadd.f32 v48, v48;
	v33 =	vcvt.s32.f32 v6;
	v35 =	vadd.f32 $1.000000000e+00, v35  }
0x785: {  	_ = 	snop  }
0x786: {  	v6 =	vmul.f32 $6.931471820e-01, v33;
	v58 =	vmul.f32 v35, v48  }
0x787: {  	v59 =	vor.u32 s26, v2  }
0x788: {  	v6 =	vadd.f32 v58, v6;
	_ =	sdelay $0x1  }
0x789: {  	v6 =	vmul.f32 $9.090909360e-02, v6  }
0x78a: {  	v60 =	vmul.f32 v45, v45  }
0x78b: {  	v61 =	vmul.f32 $1.428571490e-01, v46;
	[tilespmem:v59+s19+$0x0] =	vst.idx.msk $0xffff, v6;
	v6 =	vmul.f32 v47, v47  }
0x78c: {  	s0 =	sor.u32 $0x70, s28;
	v62 =	vmul.f32 $1.428571490e-01, v60  }
0x78d: {  	v35 =	vadd.f32 $2.000000030e-01, v61;
	v44 =	vld [tilespmem:s0+$0x6000];
	v49 =	vmul.f32 $1.428571490e-01, v6  }
0x78e: {  	v48 =	vadd.f32 $2.000000030e-01, v62  }
0x78f: {  	v35 =	vmul.f32 v35, v46;
	v49 =	vadd.f32 $2.000000030e-01, v49  }
0x790: {  	v48 =	vmul.f32 v48, v60  }
0x791: {  	v35 =	vadd.f32 $3.333333430e-01, v35;
	v63 =	vmul.f32 v49, v6  }
0x792: {  	v48 =	vadd.f32 $3.333333430e-01, v48;
	v20 =	vsub.f32 v44, v20  }
0x793: {  	v36 =	vadd.f32 v36, v36;
	v35 =	vmul.f32 v35, v46;
	v44 =	vadd.f32 $3.333333430e-01, v63  }
0x794: {  	v51 =	vadd.f32 v45, v45;
	v33 =	vmul.f32 v48, v60;
	v20 =	vmax.f32 v20, $0.0e+00  }
0x795: {  	v35 =	vadd.f32 $1.000000000e+00, v35;
	v20 =	vadd.f32 $1.000000000e+00, v20;
	v6 =	vmul.f32 v44, v6  }
0x796: {  	v53 =	vadd.f32 v47, v47;
	v33 =	vadd.f32 $1.000000000e+00, v33  }
0x797: {  	v35 =	vmul.f32 v35, v36;
	v52 =	vand.u32 $0x7FFFFF, v20;
	v6 =	vadd.f32 $1.000000000e+00, v6  }
0x798: {  	v33 =	vmul.f32 v33, v51;
	v44 =	vor.u32 $0x3F800000, v52  }
0x799: {  	v35 =	vadd.f32 v35, v40;
	v54 =	vadd.f32 $1.000000000e+00, v44;
	v6 =	vmul.f32 v6, v53  }
0x79a: {  	v33 =	vadd.f32 v33, v37  }
0x79b: {  	v55 =	vmul.f32 $9.090909360e-02, v35;
	(erf) = vrcp.f32 v54;
	v6 =	vadd.f32 v6, v32  }
0x79c: {  	v33 =	vmul.f32 $9.090909360e-02, v33  }
0x79d: {  	[tilespmem:v22+s19+$0x0] =	vst.idx.msk $0xffff, v55;
	v6 =	vmul.f32 $9.090909360e-02, v6  }
0x79e: {  	v22 =	vld [tilespmem:s25+$0xFFFFFFB0];
	[tilespmem:v23+s19+$0x0] =	vst.idx.msk $0xffff, v33  }
0x79f: {  	v23 =	vld [tilespmem:s2+$0x6000];
	[tilespmem:v24+s19+$0x0] =	vst.idx.msk $0xffff, v6  }
0x7a0: {  	v6 =	vld [tilespmem:s25+$0x30];
	_ =	sdelay $0x2  }
0x7a1: {  	v56 =	vadd.f32 $-1.000000000e+00, v44;
	v17 =	vsub.f32 v22, v17  }
0x7a2: {  	v18 =	vsub.f32 v23, v18;
	v57 =	vpop (erf)  }
0x7a3: {  	v17 =	vmax.f32 v17, $0.0e+00;
	v24 =	vmul.f32 v57, v56;
	v6 =	vsub.f32 v6, v19  }
0x7a4: {  	v17 =	vadd.f32 $1.000000000e+00, v17;
	v18 =	vmax.f32 v18, $0.0e+00  }
0x7a5: {  	v18 =	vadd.f32 $1.000000000e+00, v18;
	v58 =	vmul.f32 v24, v24;
	v6 =	vmax.f32 v6, $0.0e+00  }
0x7a6: {  	v60 =	vand.u32 $0x7FFFFF, v17;
	v6 =	vadd.f32 $1.000000000e+00, v6  }
0x7a7: {  	v23 =	vor.u32 $0x3F800000, v60;
	v61 =	vand.u32 $0x7FFFFF, v18;
	v59 =	vmul.f32 $1.428571490e-01, v58  }
0x7a8: {  	v63 =	vadd.f32 $1.000000000e+00, v23;
	v32 =	vor.u32 $0x3F800000, v61;
	v62 =	vand.u32 $0x7FFFFF, v6  }
0x7a9: {  	v40 =	vadd.f32 $1.000000000e+00, v32;
	v19 =	vadd.f32 $2.000000030e-01, v59;
	v33 =	vor.u32 $0x3F800000, v62  }
0x7aa: {  	(erf) = vrcp.f32 v63;
	v44 =	vadd.f32 $1.000000000e+00, v33  }
0x7ab: {  	(erf) = vrcp.f32 v40;
	v19 =	vmul.f32 v19, v58  }
0x7ac: {  	(erf) = vrcp.f32 v44  }
0x7ad: {  	v19 =	vadd.f32 $3.333333430e-01, v19  }
0x7ae: {  	v46 =	vmul.f32 v43, v38;
	v20 =	vshra.s32 v20, $0x17  }
0x7af: {  	v20 =	vadd.s32 $0xFFFFFF81, v20;
	v19 =	vmul.f32 v19, v58  }
0x7b0: {  	v48 =	vmul.f32 v42, v39;
	v20 =	vcvt.s32.f32 v20;
	v22 =	vadd.f32 $1.000000000e+00, v46  }
0x7b1: {  	v45 =	vadd.f32 v24, v24;
	v19 =	vadd.f32 $1.000000000e+00, v19  }
0x7b2: {  	v55 =	vadd.f32 $1.000000000e+00, v48;
	v20 =	vmul.f32 $6.931471820e-01, v20;
	v23 =	vadd.f32 $-1.000000000e+00, v23  }
0x7b3: {  	v22 =	vmul.f32 v22, v27;
	v49 =	vadd.f32 $-1.000000000e+00, v32;
	v50 =	vpop (erf);
	v19 =	vmul.f32 v19, v45  }
0x7b4: {  	v28 =	vmul.f32 v55, v28;
	v33 =	vadd.f32 $-1.000000000e+00, v33;
	v23 =	vmul.f32 v50, v23;
	v51 =	vpop (erf)  }
0x7b5: {  	v22 =	vadd.f32 v22, v30;
	v19 =	vadd.f32 v19, v20;
	v20 =	vmul.f32 v51, v49;
	v52 =	vpop (erf)  }
0x7b6: {  	v53 =	vmul.f32 v23, v23;
	v32 =	vmul.f32 v52, v33  }
0x7b7: {  	v47 =	vadd.f32 $1.000000000e+00, v41;
	v22 =	vmul.f32 $9.090909360e-02, v22;
	v54 =	vmul.f32 v20, v20  }
0x7b8: {  	v17 =	vshra.s32 v17, $0x17;
	v56 =	vmul.f32 $1.428571490e-01, v53;
	v57 =	vmul.f32 v32, v32  }
0x7b9: {  	v17 =	vadd.s32 $0xFFFFFF81, v17;
	v18 =	vshra.s32 v18, $0x17;
	v58 =	vmul.f32 $1.428571490e-01, v54  }
0x7ba: {  	v24 =	vmul.f32 v47, v34;
	v33 =	vadd.f32 $2.000000030e-01, v56;
	v59 =	vmul.f32 $1.428571490e-01, v57  }
0x7bb: {  	v17 =	vcvt.s32.f32 v17;
	v18 =	vadd.s32 $0xFFFFFF81, v18;
	v30 =	vadd.f32 $2.000000030e-01, v58  }
0x7bc: {  	v24 =	vadd.f32 v24, v31;
	v33 =	vmul.f32 v33, v53;
	v31 =	vadd.f32 $2.000000030e-01, v59  }
0x7bd: {  	v28 =	vadd.f32 v28, v29;
	v18 =	vcvt.s32.f32 v18;
	v30 =	vmul.f32 v30, v54  }
0x7be: {  	v60 =	vor.u32 s26, v3;
	v33 =	vadd.f32 $3.333333430e-01, v33;
	v31 =	vmul.f32 v31, v57  }
0x7bf: {  	v17 =	vmul.f32 $6.931471820e-01, v17;
	v18 =	vmul.f32 $6.931471820e-01, v18;
	v30 =	vadd.f32 $3.333333430e-01, v30  }
0x7c0: {  	v6 =	vshra.s32 v6, $0x17;
	v33 =	vmul.f32 v33, v53;
	v31 =	vadd.f32 $3.333333430e-01, v31  }
0x7c1: {  	v24 =	vmul.f32 $9.090909360e-02, v24;
	v6 =	vadd.s32 $0xFFFFFF81, v6;
	v27 =	vmul.f32 v30, v54  }
0x7c2: {  	v23 =	vadd.f32 v23, v23;
	v62 =	vadd.f32 $1.000000000e+00, v33;
	v61 =	vmul.f32 v31, v57  }
0x7c3: {  	v6 =	vcvt.s32.f32 v6;
	v20 =	vadd.f32 v20, v20;
	v27 =	vadd.f32 $1.000000000e+00, v27  }
0x7c4: {  	v32 =	vadd.f32 v32, v32;
	v23 =	vmul.f32 v62, v23;
	v30 =	vadd.f32 $1.000000000e+00, v61  }
0x7c5: {  	[tilespmem:v14+s19+$0x0] =	vst.idx.msk $0xffff, v24;
	v14 =	vmul.f32 $9.090909360e-02, v28;
	v20 =	vmul.f32 v27, v20  }
0x7c6: {  	v6 =	vmul.f32 $6.931471820e-01, v6;
	v17 =	vadd.f32 v23, v17;
	v63 =	vmul.f32 v30, v32  }
0x7c7: {  	s23 =	sadd.s32 $0x1, s23;
	[tilespmem:v15+s19+$0x0] =	vst.idx.msk $0xffff, v22;
	v19 =	vmul.f32 $9.090909360e-02, v19;
	v18 =	vadd.f32 v20, v18  }
0x7c8: {  	p0 =	sne.s32 s23, $0x20;
	[tilespmem:v16+s19+$0x0] =	vst.idx.msk $0xffff, v14;
	v15 =	vmul.f32 $9.090909360e-02, v17;
	v6 =	vadd.f32 v63, v6  }
.Ltmp4:
0x7c9: {  	[tilespmem:v60+s19+$0x0] =	vst.idx.msk $0xffff, v19;
	v14 =	vmul.f32 $9.090909360e-02, v18;
	(pc) =	sbr.rel @p0 .LBB2_2-.Ltmp4, $4  }
0x7ca: {  	[tilespmem:v21+s19+$0x0] =	vst.idx.msk $0xffff, v15;
	v6 =	vmul.f32 $9.090909360e-02, v6  }
0x7cb: {  	s30 =	rddreg [dreg:$0x2];
	[tilespmem:v25+s19+$0x0] =	vst.idx.msk $0xffff, v14  }
0x7cc: {  	s0 =	sadd.s32 s30, s24;
	[tilespmem:v26+s19+$0x0] =	vst.idx.msk $0xffff, v6  }
0x7cd: {  	[hbm4b:s0+s4] =	stream.linear.scatter [tilespmem:s19], [sflag:$0x6], $0x1000, $0x38;
	[tilespmem:$0x7400] =	vst v63  }
0x7ce: {  	s0 =	simm.s32 $0x3  }
0x7cf: {  	_ =	swait.ge [sflag:s0], $0x1000  }
0x7d0: {  	[sflag:s0] =	ssyncset.done $0x0  }
0x7d1: {  	s1 =	simm.s32 $0x6;
	[sflag:s0] =	ssyncadd.s32 $0xFFFFF000  }
0x7d2: {  	_ =	swait.ge [sflag:s1], $0x1000  }
0x7d3: {  	s2 =	rddreg [dreg:$0x9]  }
0x7d4: {  	s30 =	rddreg [dreg:$0x8];
	s2 =	sadd.s32 $0x1, s2  }
0x7d5: {  	p0 =	sne.s32 s2, s30  }
.Ltmp5:
0x7d6: {  	_ = 	snop;
	(pc) =	sbr.rel @p0 .LBB2_1-.Ltmp5, $3  }
0x7d7: {  	_ =	sdelay $0x1  }
0x7d8: {  	[sflag:s1] =	ssyncset.done $0x0  }
0x7d9: {  	[sflag:s1] =	ssyncadd.s32 $0xFFFFF000  }
0x7da: {  	_ =	sfence.sel $0x180000  }
0x7db: {  	[bflag:$0x0] =	sbarrier.arrive $0xFFFF  }
0x7dc: {  	_ =	strace $0x90000047  }
0x7dd: {  	s0 =	stileid.u32;
	[bflag:$0x2] =	sbarrier.arrive $0xFFFF  }
0x7de: {  	p0 =	sne.s32 s0, $0x0;
	s0 =	rddreg [dreg:$0x3]  }
0x7df: {  	s0 =	sadd.s32 @!p0 $0x100000, s0  }
0x7e0: {  	[sflag:s0] =	ssyncadd.tile.s32 @!p0 $0x1;
	_ =	shalt  }
.Lfunc_end2:
_tile_overlayer_lowered:
.L_overlay_start_2:
0x7e1: {  	(tag) =	ssettag $0x2  }
0x7e2: {  	s0 =	rddreg [dreg:$0x0];
	s2 =	stileid.u32  }
0x7e3: {  	s1 =	rddreg [dreg:$0x1];
	p0 =	sne.s32 s2, $0x0  }
0x7e4: {  	s3 =	rddreg [dreg:$0x2];
	[bflag:$0x3] =	sbarrier.arrive $0xFFFF;
	s2 =	simm.s32 @!p0 $0x1C07  }
0x7e5: {  	[timem:s3], [sflag:s2] =	dma.local @!p0 [hbm:s0], s1  }
0x7e6: {  	s0 =	simm.s32 @!p0 $0x7  }
0x7e7: {  	_ =	swait.ge @!p0 [sflag:s0], s1  }
0x7e8: {  	s1 =	ssub.s32 @!p0 $0x0, s1;
	[sflag:s0] =	ssyncset.done @!p0 $0x0  }
0x7e9: {  	[sflag:s0] =	ssyncadd.s32 @!p0 s1  }
0x7ea: {  	[bflag:$0x3] =	sbarrier.arrive $0xFFFF  }
0x7eb: {  	_ =	shalt  }

</sc_bundles>
